<compile_context>
chip_gen: v7x
topology: tpu7x:2x2x1
jax: 0.10.2.dev20260603
libtpu: 0.0.44.dev20260713+nightly
codegen_flags: <defaults>
</compile_context>

<pallas_src>
import functools
import jax
import jax.numpy as jnp
from jax import lax
from jax.experimental import pallas as pl
from jax.experimental.pallas import tpu as pltpu
from jax.experimental.pallas import tpu_sc as plsc

N = 128
C = 4
CP = 4
P = 1500
PP = 1536
PR = 12
GD = 124
NV = GD * GD * GD
NVP = 1906688
ZCHUNK = NVP // 16
GCH = 24
SROWS = (8 * PP) // 128
SROWS_PAD = 128
GROWS = (64 * PP) // 128
SPT = SROWS_PAD // 16
GPT = GROWS // 16

_IJK = [(i, j, k) for i in range(2) for j in range(2) for k in range(2)]
_UVW = [(u, v, w) for u in range(4) for v in range(4) for w in range(4)]


def _prep_body(cells_ref, corners_ref, data_ref, feat_ref, mask_ref,
               sidx_ref, svals_ref, gidx_ref, d8_ref):
    xc = cells_ref[0]
    yc = cells_ref[1]
    zc = cells_ref[2]
    dx = data_ref[0]
    dy = data_ref[1]
    dz = data_ref[2]
    m = mask_ref[0]
    dlist = []
    for t, (i, j, k) in enumerate(_IJK):
        ax = corners_ref[i]
        ay = corners_ref[2 + j]
        az = corners_ref[4 + k]
        d = jnp.sqrt((dx - ax) ** 2 + (dy - ay) ** 2 + (dz - az) ** 2)
        dlist.append(d)
        sidx_ref[t] = jnp.clip(
            ((xc + (i - 3)) * GD + (yc + (j - 3))) * GD + (zc + (k - 3)),
            0, NV - 1)
    for ch in range(CP):
        f = feat_ref[ch] * m
        for t in range(8):
            svals_ref[ch, t] = f / dlist[t]
    for t, (i, j, k) in enumerate(_IJK):
        d8_ref[t] = dlist[4 * i + 2 * j * k] * m
    for t2, (u, v, w) in enumerate(_UVW):
        gidx_ref[t2] = jnp.clip(
            ((xc + (u - 3)) * GD + (yc + (v - 3))) * GD + (zc + (w - 3)),
            0, NV - 1)


def _final_body(g_ref, w_ref, d_ref, b_ref, o_ref):
    y = lax.dot_general(w_ref[...], g_ref[...], (((0,), (0,)), ((), ())),
                        preferred_element_type=jnp.float32)
    y = y + b_ref[...]
    d8 = d_ref[...]
    rows = [jnp.sum(y[c * 8:(c + 1) * 8, :] * d8, axis=0, keepdims=True)
            for c in range(C)]
    o_ref[...] = jnp.concatenate(rows, axis=0) * 0.125


def _sc_body(sidx_hbm, svals_hbm, gidx_hbm, zeros_hbm, out_hbm,
             grid_sh, ib, vb, gib, gvb, sem):
    cid = lax.axis_index("c")
    sid = lax.axis_index("s")
    zbase = pl.multiple_of(sid * ZCHUNK, 8)
    sbase = pl.multiple_of(sid * SPT, 8)
    for r in range(2):
        ch = cid * 2 + r
        zcp = pltpu.async_copy(zeros_hbm, grid_sh.at[pl.ds(zbase, ZCHUNK)],
                               sem)
        pltpu.sync_copy(sidx_hbm.at[pl.ds(sbase, SPT)], ib)
        pltpu.sync_copy(svals_hbm.at[ch, pl.ds(sbase, SPT)], vb)
        zcp.wait()
        plsc.subcore_barrier()
        for j in range(SPT):
            pltpu.sync_copy(vb.at[j], grid_sh.at[ib.at[j]], add=True)
        plsc.subcore_barrier()

        def _gather(g, carry):
            gbase = pl.multiple_of(sid * GPT + g * GCH, 8)
            pltpu.sync_copy(gidx_hbm.at[pl.ds(gbase, GCH)], gib)
            cps = [pltpu.async_copy(grid_sh.at[gib.at[j]], gvb.at[j], sem)
                   for j in range(GCH)]
            for cp in cps:
                cp.wait()
            pltpu.sync_copy(gvb, out_hbm.at[ch, pl.ds(gbase, GCH)])
            return carry

        lax.fori_loop(0, GPT // GCH, _gather, 0)
        plsc.subcore_barrier()


@functools.lru_cache(maxsize=1)
def _sc_splat_gather():
    return functools.partial(
        pl.kernel,
        mesh=plsc.VectorSubcoreMesh(core_axis_name="c", subcore_axis_name="s"),
        out_type=jax.ShapeDtypeStruct((C, GROWS, 128), jnp.float32),
        scratch_types=[
            pltpu.VMEM_SHARED((NVP,), jnp.float32),
            pltpu.VMEM((SPT, 128), jnp.int32),
            pltpu.VMEM((SPT, 128), jnp.float32),
            pltpu.VMEM((GCH, 128), jnp.int32),
            pltpu.VMEM((GCH, 128), jnp.float32),
            pltpu.SemaphoreType.DMA,
        ],
    )(_sc_body)


def _pad_points(a):
    return jnp.concatenate([a, jnp.broadcast_to(a[0], (PP - P,) + a.shape[1:])])


def kernel(data, prev_features, conv_w, conv_b):
    feat = prev_features.reshape(CP, P)
    maxd = jnp.ceil(jnp.max(data, axis=0))
    mind = jnp.floor(jnp.min(data, axis=0))
    s = (maxd - mind) / (N - 9)
    xs = jnp.linspace(mind[0] - s[0] * 4, maxd[0] + s[0] * 4, N)
    ys = jnp.linspace(mind[1] - s[1] * 4, maxd[1] + s[1] * 4, N)
    zs = jnp.linspace(mind[2] - s[2] * 4, maxd[2] + s[2] * 4, N)
    xc = lax.stop_gradient(jnp.floor((data[:, 0] - xs[0]) / s[0])).astype(jnp.int32)
    yc = lax.stop_gradient(jnp.floor((data[:, 1] - ys[0]) / s[1])).astype(jnp.int32)
    zc = lax.stop_gradient(jnp.floor((data[:, 2] - zs[2 - 2]) / s[2])).astype(jnp.int32)
    corners = jnp.stack([
        xs[xc], xs[xc + 1], ys[yc], ys[yc + 1], zs[zc], zs[zc + 1]
    ]).astype(jnp.int32).astype(jnp.float32)

    cells = jnp.stack([xc, yc, zc])
    mask = (jnp.arange(PP) < P).astype(jnp.float32).reshape(1, PR, 128)
    cells_p = _pad_points(cells.T).T.reshape(3, PR, 128)
    corners_p = _pad_points(corners.T).T.reshape(6, PR, 128)
    data_p = _pad_points(data).T.reshape(3, PR, 128)
    feat_p = _pad_points(feat.T).T.reshape(CP, PR, 128)

    sidx, svals, gidx, d8 = pl.pallas_call(
        _prep_body,
        out_shape=[
            jax.ShapeDtypeStruct((8, PR, 128), jnp.int32),
            jax.ShapeDtypeStruct((CP, 8, PR, 128), jnp.float32),
            jax.ShapeDtypeStruct((64, PR, 128), jnp.int32),
            jax.ShapeDtypeStruct((8, PR, 128), jnp.float32),
        ],
    )(cells_p, corners_p, data_p, feat_p, mask)

    pad_rows = SROWS_PAD - SROWS
    G = _sc_splat_gather()(
        jnp.concatenate([sidx.reshape(SROWS, 128),
                         jnp.zeros((pad_rows, 128), jnp.int32)]),
        jnp.concatenate([svals.reshape(CP, SROWS, 128),
                         jnp.zeros((CP, pad_rows, 128), jnp.float32)], axis=1),
        gidx.reshape(GROWS, 128),
        jnp.zeros((ZCHUNK,), jnp.float32),
    )
    Gm = G.reshape(CP * 64, PP)

    wp = jnp.pad(conv_w, ((0, 0), (0, 0), (1, 1), (1, 1), (1, 1)))
    blocks = [wp[:, :, 1 - i:5 - i, 1 - j:5 - j, 1 - k:5 - k]
              for (i, j, k) in _IJK]
    Wm = jnp.stack(blocks, 1).reshape(C, 8, CP, 64)
    Wm = Wm.transpose(2, 3, 0, 1).reshape(CP * 64, C * 8)
    bcol = jnp.repeat(conv_b, 8).reshape(C * 8, 1)
    D8m = d8.reshape(8, PP)

    out = pl.pallas_call(
        _final_body,
        out_shape=jax.ShapeDtypeStruct((C, PP), jnp.float32),
    )(Gm, Wm, D8m, bcol)
    return out[:, :P].reshape(1, C, P, 1, 1)

# --- scband reference (transcript-rebuilt; emitter-appended) ---
"""Pipeline reference for scband-bcl-12352325943483 (READ-ONLY COPY).

The authoritative reference and input builder live on the scoring server;
editing this copy changes nothing except your own understanding.
"""

import jax, jax.numpy as jnp
import numpy as np
from jax import lax

N = 128
C = 4
Cp = 4
P = 1500  # num_points hard-coded in the torch module


def setup_inputs(seed: int = 0) -> dict:
    key = jax.random.key(seed)
    k1, k2, k3, k4 = jax.random.split(key, 4)
    data = jax.random.uniform(k1, (P, 3), dtype=jnp.float32)
    prev_features = jax.random.normal(k2, (1, Cp, P), dtype=jnp.float32)
    conv_w = jax.random.normal(k3, (C, Cp, 3, 3, 3), dtype=jnp.float32) * 0.05
    conv_b = jax.random.normal(k4, (C,), dtype=jnp.float32) * 0.05
    return {"data": data, "prev_features": prev_features, "conv_w": conv_w, "conv_b": conv_b}


def _bcl_forward(data, prev_features, conv_w, conv_b):
    epsilon = 1e-4
    num_channels = prev_features.shape[1]
    max_dimensions = jnp.ceil(jnp.max(data, axis=0))
    min_dimensions = jnp.floor(jnp.min(data, axis=0))
    bounding_box = max_dimensions - min_dimensions
    grid_spacing = bounding_box / (N - 9)
    x = jnp.linspace(min_dimensions[0] - grid_spacing[0] * 4, max_dimensions[0] + grid_spacing[0] * 4, N)
    y = jnp.linspace(min_dimensions[1] - grid_spacing[1] * 4, max_dimensions[1] + grid_spacing[1] * 4, N)
    z = jnp.linspace(min_dimensions[2] - grid_spacing[2] * 4, max_dimensions[2] + grid_spacing[2] * 4, N)
    # torch.floor(...).to(long): zero-gradient path -> stop_gradient for safety
    xc = lax.stop_gradient(jnp.floor((data[:, 0] - x[0]) / grid_spacing[0])).astype(jnp.int32)
    yc = lax.stop_gradient(jnp.floor((data[:, 1] - y[0]) / grid_spacing[1])).astype(jnp.int32)
    zc = lax.stop_gradient(jnp.floor((data[:, 2] - z[0]) / grid_spacing[2])).astype(jnp.int32)
    # torch casts grid coords to long (truncation toward zero), then back to float
    xt = lax.stop_gradient(jnp.stack([x[xc], x[xc + 1]], axis=1)).astype(jnp.int32)
    yt = lax.stop_gradient(jnp.stack([y[yc], y[yc + 1]], axis=1)).astype(jnp.int32)
    zt = lax.stop_gradient(jnp.stack([z[zc], z[zc + 1]], axis=1)).astype(jnp.int32)

    dist_cols = [None] * 8
    trilinear_count = jnp.zeros((N, N, N), dtype=jnp.float32) + epsilon
    for i in range(2):
        for j in range(2):
            for k in range(2):
                a000 = jnp.stack([xt[:, i], yt[:, j], zt[:, k]], axis=1).astype(jnp.float32)
                dist_cols[4 * i + 2 * j + k] = jnp.linalg.norm(data - a000, axis=1)
                trilinear_count = trilinear_count.at[xc + k, yc + j, zc + i].add(1.0)
    dist = jnp.stack(dist_cols, axis=1)

    feat = prev_features.reshape(num_channels, P)
    temp = jnp.zeros((num_channels, N, N, N), dtype=jnp.float32)
    for i in range(2):
        for j in range(2):
            for k in range(2):
                temp = temp.at[:, xc + i, yc + j, zc + k].add(feat / dist[:, 4 * i + 2 * j + k])
    trilinear = temp.reshape(1, num_channels, N, N, N)

    conv_out = lax.conv_general_dilated(
        trilinear, conv_w, window_strides=(1, 1, 1), padding='VALID',
        dimension_numbers=('NCDHW', 'OIDHW', 'NCDHW'))
    conv_out = conv_out + conv_b.reshape(1, -1, 1, 1, 1)

    sl = jnp.zeros((1, conv_out.shape[1], P), dtype=jnp.float32)
    for i in range(2):
        for j in range(2):
            for k in range(2):
                # NOTE: original torch code uses dist[:, 4*i + 2*j*k] here (bug preserved)
                sl = sl + conv_out[:, :, xc + i, yc + j, zc + k] * dist[:, 4 * i + 2 * j * k]
    slice_out = (sl / 8.0).reshape(1, conv_out.shape[1], P, 1, 1)
    return slice_out


def reference(data, prev_features, conv_w, conv_b):
    return _bcl_forward(data, prev_features, conv_w, conv_b)

if __name__ == "__main__":
    import jax
    _d = setup_inputs()
    print(jax.jit(kernel)(*tuple(_d.values())))

</pallas_src>

<mosaic_0001>
#map = affine_map<(d0, d1) -> (0, 0)>
#map1 = affine_map<(d0, d1) -> (0, 0, 0)>
#map2 = affine_map<(d0, d1) -> (0)>
module attributes {stable_mosaic.version = 14 : i64} {
  func.func @_sc_body(%arg0: i32, %arg1: i32, %arg2: memref<128x128xi32, #tpu.memory_space<hbm>>, %arg3: memref<4x128x128xf32, #tpu.memory_space<hbm>>, %arg4: memref<768x128xi32, #tpu.memory_space<hbm>>, %arg5: memref<119168xf32, #tpu.memory_space<hbm>>, %arg6: memref<4x768x128xf32, #tpu.memory_space<hbm>>, %arg7: memref<1906688xf32, #tpu.memory_space<vmem_shared>>, %arg8: memref<8x128xi32, #tpu.memory_space<vmem>>, %arg9: memref<8x128xf32, #tpu.memory_space<vmem>>, %arg10: memref<24x128xi32, #tpu.memory_space<vmem>>, %arg11: memref<24x128xf32, #tpu.memory_space<vmem>>, %arg12: memref<!tpu.dma_semaphore, #tpu.memory_space<semaphore_mem>>) attributes {dimension_semantics = [#tpu.dimension_semantics<core_parallel>, #tpu.dimension_semantics<subcore_parallel>], iteration_bounds = array<i64: 2, 16>, scalar_prefetch = 0 : i64, scratch_operands = 6 : i64, tpu.core_type = #tpu.core_type<sc_vector_subcore>, window_params = [{transform_indices = #map}, {transform_indices = #map1}, {transform_indices = #map}, {transform_indices = #map2}, {transform_indices = #map1}]} {
    %mul3A = arith.constant 119168 : i32
    %mul3A_0 = arith.muli %arg1, %mul3A : i32
    %multiple_of3A = tpu.assume_multiple %mul3A_0, 8 : i32
    %mul3A_1 = arith.constant 8 : i32
    %mul3A_2 = arith.muli %arg1, %mul3A_1 : i32
    %multiple_of3A_3 = tpu.assume_multiple %mul3A_2, 8 : i32
    %mul3A_4 = arith.constant 2 : i32
    %mul3A_5 = arith.muli %arg0, %mul3A_4 : i32
    %add3A = arith.constant 0 : i32
    %add3A_6 = arith.addi %mul3A_5, %add3A : i32
    %dma_start3A = tpu.memref_slice %arg7[%multiple_of3A] : memref<1906688xf32, #tpu.memory_space<vmem_shared>> -> memref<119168xf32, #tpu.memory_space<vmem_shared>>
    tpu.enqueue_dma source(%arg5 : memref<119168xf32, #tpu.memory_space<hbm>>) target(%dma_start3A : memref<119168xf32, #tpu.memory_space<vmem_shared>>) target_semaphore(%arg12 : memref<!tpu.dma_semaphore, #tpu.memory_space<semaphore_mem>>)
    "tpu.region"() ({
      %run_scoped3A_60 = tpu.sem_alloc : memref<!tpu.dma_semaphore, #tpu.memory_space<semaphore_mem>>
      %dma_start3A_61 = arith.constant 0 : i32
      %dma_start3A_62 = tpu.memref_slice %arg2[%multiple_of3A_3, %dma_start3A_61] : memref<128x128xi32, #tpu.memory_space<hbm>> -> memref<8x128xi32, #tpu.memory_space<hbm>>
      %dma_start3A_63 = arith.constant 0 : i32
      %dma_start3A_64 = tpu.memref_slice %arg2[%multiple_of3A_3, %dma_start3A_63] : memref<128x128xi32, #tpu.memory_space<hbm>> -> memref<8x128xi32, #tpu.memory_space<hbm>>
      tpu.enqueue_dma source(%dma_start3A_64 : memref<8x128xi32, #tpu.memory_space<hbm>>) target(%arg8 : memref<8x128xi32, #tpu.memory_space<vmem>>) target_semaphore(%run_scoped3A_60 : memref<!tpu.dma_semaphore, #tpu.memory_space<semaphore_mem>>)
      %dma_wait3A_65 = arith.constant 0 : i32
      %dma_wait3A_66 = tpu.memref_slice %arg2[%multiple_of3A_3, %dma_wait3A_65] : memref<128x128xi32, #tpu.memory_space<hbm>> -> memref<8x128xi32, #tpu.memory_space<hbm>>
      %dma_wait3A_67 = arith.constant 0 : i32
      %dma_wait3A_68 = tpu.memref_slice %arg2[%multiple_of3A_3, %dma_wait3A_67] : memref<128x128xi32, #tpu.memory_space<hbm>> -> memref<8x128xi32, #tpu.memory_space<hbm>>
      tpu.wait_dma2 semaphore(%run_scoped3A_60 : memref<!tpu.dma_semaphore, #tpu.memory_space<semaphore_mem>>) src(%dma_wait3A_68 : memref<8x128xi32, #tpu.memory_space<hbm>>) dst(%arg8 : memref<8x128xi32, #tpu.memory_space<vmem>>)
      tpu.yield
    }) : () -> ()
    "tpu.region"() ({
      %run_scoped3A_60 = tpu.sem_alloc : memref<!tpu.dma_semaphore, #tpu.memory_space<semaphore_mem>>
      %dma_start3A_61 = arith.constant 0 : i32
      %dma_start3A_62 = tpu.memref_slice %arg3[%add3A_6, %multiple_of3A_3, %dma_start3A_61] : memref<4x128x128xf32, #tpu.memory_space<hbm>> -> memref<1x8x128xf32, #tpu.memory_space<hbm>>
      %dma_start3A_63 = tpu.memref_squeeze %dma_start3A_62 : memref<1x8x128xf32, #tpu.memory_space<hbm>> -> memref<8x128xf32, #tpu.memory_space<hbm>>
      %dma_start3A_64 = arith.constant 0 : i32
      %dma_start3A_65 = tpu.memref_slice %arg3[%add3A_6, %multiple_of3A_3, %dma_start3A_64] : memref<4x128x128xf32, #tpu.memory_space<hbm>> -> memref<1x8x128xf32, #tpu.memory_space<hbm>>
      %dma_start3A_66 = tpu.memref_squeeze %dma_start3A_65 : memref<1x8x128xf32, #tpu.memory_space<hbm>> -> memref<8x128xf32, #tpu.memory_space<hbm>>
      tpu.enqueue_dma source(%dma_start3A_66 : memref<8x128xf32, #tpu.memory_space<hbm>>) target(%arg9 : memref<8x128xf32, #tpu.memory_space<vmem>>) target_semaphore(%run_scoped3A_60 : memref<!tpu.dma_semaphore, #tpu.memory_space<semaphore_mem>>)
      %dma_wait3A_67 = arith.constant 0 : i32
      %dma_wait3A_68 = tpu.memref_slice %arg3[%add3A_6, %multiple_of3A_3, %dma_wait3A_67] : memref<4x128x128xf32, #tpu.memory_space<hbm>> -> memref<1x8x128xf32, #tpu.memory_space<hbm>>
      %dma_wait3A_69 = tpu.memref_squeeze %dma_wait3A_68 : memref<1x8x128xf32, #tpu.memory_space<hbm>> -> memref<8x128xf32, #tpu.memory_space<hbm>>
      %dma_wait3A_70 = arith.constant 0 : i32
      %dma_wait3A_71 = tpu.memref_slice %arg3[%add3A_6, %multiple_of3A_3, %dma_wait3A_70] : memref<4x128x128xf32, #tpu.memory_space<hbm>> -> memref<1x8x128xf32, #tpu.memory_space<hbm>>
      %dma_wait3A_72 = tpu.memref_squeeze %dma_wait3A_71 : memref<1x8x128xf32, #tpu.memory_space<hbm>> -> memref<8x128xf32, #tpu.memory_space<hbm>>
      tpu.wait_dma2 semaphore(%run_scoped3A_60 : memref<!tpu.dma_semaphore, #tpu.memory_space<semaphore_mem>>) src(%dma_wait3A_72 : memref<8x128xf32, #tpu.memory_space<hbm>>) dst(%arg9 : memref<8x128xf32, #tpu.memory_space<vmem>>)
      tpu.yield
    }) : () -> ()
    %dma_wait3A = tpu.memref_slice %arg7[%multiple_of3A] : memref<1906688xf32, #tpu.memory_space<vmem_shared>> -> memref<119168xf32, #tpu.memory_space<vmem_shared>>
    tpu.wait_dma2 semaphore(%arg12 : memref<!tpu.dma_semaphore, #tpu.memory_space<semaphore_mem>>) src(%arg5 : memref<119168xf32, #tpu.memory_space<hbm>>) dst(%dma_wait3A : memref<119168xf32, #tpu.memory_space<vmem_shared>>)
    %barrier3A = arith.constant 0 : index
    tpu.barrier barrier_id(%barrier3A)
    %run_scoped3A = arith.constant 0 : i32
    %run_scoped3A_7 = arith.constant 0 : i32
    "tpu.region"() ({
      %run_scoped3A_60 = tpu.sem_alloc : memref<!tpu.dma_semaphore, #tpu.memory_space<semaphore_mem>>
      %dma_start3A_61 = arith.constant 0 : i32
      %dma_start3A_62 = tpu.memref_slice %arg9[%run_scoped3A, %dma_start3A_61] : memref<8x128xf32, #tpu.memory_space<vmem>> -> memref<1x128xf32, #tpu.memory_space<vmem>>
      %dma_start3A_63 = tpu.memref_squeeze %dma_start3A_62 : memref<1x128xf32, #tpu.memory_space<vmem>> -> memref<128xf32, #tpu.memory_space<vmem>>
      %dma_start3A_64 = arith.constant 0 : i32
      %dma_start3A_65 = tpu.memref_slice %arg8[%run_scoped3A_7, %dma_start3A_64] : memref<8x128xi32, #tpu.memory_space<vmem>> -> memref<1x128xi32, #tpu.memory_space<vmem>>
      %dma_start3A_66 = tpu.memref_squeeze %dma_start3A_65 : memref<1x128xi32, #tpu.memory_space<vmem>> -> memref<128xi32, #tpu.memory_space<vmem>>
      %dma_start3A_67 = arith.constant 0 : i32
      %dma_start3A_68 = tpu.memref_slice %arg7[%dma_start3A_67] : memref<1906688xf32, #tpu.memory_space<vmem_shared>> -> memref<1906688xf32, #tpu.memory_space<vmem_shared>>
      tpu.enqueue_indirect_dma source(%dma_start3A_63 : memref<128xf32, #tpu.memory_space<vmem>>) target(%dma_start3A_68 : memref<1906688xf32, #tpu.memory_space<vmem_shared>>) offsets(%dma_start3A_66 : memref<128xi32, #tpu.memory_space<vmem>>) semaphore(%run_scoped3A_60 : memref<!tpu.dma_semaphore, #tpu.memory_space<semaphore_mem>>) {add = true}
      %dma_wait3A_69 = arith.constant 0 : i32
      %dma_wait3A_70 = tpu.memref_slice %arg9[%run_scoped3A, %dma_wait3A_69] : memref<8x128xf32, #tpu.memory_space<vmem>> -> memref<1x128xf32, #tpu.memory_space<vmem>>
      %dma_wait3A_71 = tpu.memref_squeeze %dma_wait3A_70 : memref<1x128xf32, #tpu.memory_space<vmem>> -> memref<128xf32, #tpu.memory_space<vmem>>
      %dma_wait3A_72 = arith.constant 0 : i32
      %dma_wait3A_73 = tpu.memref_slice %arg8[%run_scoped3A_7, %dma_wait3A_72] : memref<8x128xi32, #tpu.memory_space<vmem>> -> memref<1x128xi32, #tpu.memory_space<vmem>>
      %dma_wait3A_74 = tpu.memref_squeeze %dma_wait3A_73 : memref<1x128xi32, #tpu.memory_space<vmem>> -> memref<128xi32, #tpu.memory_space<vmem>>
      %dma_wait3A_75 = arith.constant 0 : i32
      %dma_wait3A_76 = tpu.memref_slice %arg7[%dma_wait3A_75] : memref<1906688xf32, #tpu.memory_space<vmem_shared>> -> memref<1906688xf32, #tpu.memory_space<vmem_shared>>
      tpu.wait_indirect_dma semaphore(%run_scoped3A_60 : memref<!tpu.dma_semaphore, #tpu.memory_space<semaphore_mem>>) src(%dma_wait3A_71 : memref<128xf32, #tpu.memory_space<vmem>>) dst(%dma_wait3A_76 : memref<1906688xf32, #tpu.memory_space<vmem_shared>>)
      tpu.yield
    }) : () -> ()
    %run_scoped3A_8 = arith.constant 1 : i32
    %run_scoped3A_9 = arith.constant 1 : i32
    "tpu.region"() ({
      %run_scoped3A_60 = tpu.sem_alloc : memref<!tpu.dma_semaphore, #tpu.memory_space<semaphore_mem>>
      %dma_start3A_61 = arith.constant 0 : i32
      %dma_start3A_62 = tpu.memref_slice %arg9[%run_scoped3A_8, %dma_start3A_61] : memref<8x128xf32, #tpu.memory_space<vmem>> -> memref<1x128xf32, #tpu.memory_space<vmem>>
      %dma_start3A_63 = tpu.memref_squeeze %dma_start3A_62 : memref<1x128xf32, #tpu.memory_space<vmem>> -> memref<128xf32, #tpu.memory_space<vmem>>
      %dma_start3A_64 = arith.constant 0 : i32
      %dma_start3A_65 = tpu.memref_slice %arg8[%run_scoped3A_9, %dma_start3A_64] : memref<8x128xi32, #tpu.memory_space<vmem>> -> memref<1x128xi32, #tpu.memory_space<vmem>>
      %dma_start3A_66 = tpu.memref_squeeze %dma_start3A_65 : memref<1x128xi32, #tpu.memory_space<vmem>> -> memref<128xi32, #tpu.memory_space<vmem>>
      %dma_start3A_67 = arith.constant 0 : i32
      %dma_start3A_68 = tpu.memref_slice %arg7[%dma_start3A_67] : memref<1906688xf32, #tpu.memory_space<vmem_shared>> -> memref<1906688xf32, #tpu.memory_space<vmem_shared>>
      tpu.enqueue_indirect_dma source(%dma_start3A_63 : memref<128xf32, #tpu.memory_space<vmem>>) target(%dma_start3A_68 : memref<1906688xf32, #tpu.memory_space<vmem_shared>>) offsets(%dma_start3A_66 : memref<128xi32, #tpu.memory_space<vmem>>) semaphore(%run_scoped3A_60 : memref<!tpu.dma_semaphore, #tpu.memory_space<semaphore_mem>>) {add = true}
      %dma_wait3A_69 = arith.constant 0 : i32
      %dma_wait3A_70 = tpu.memref_slice %arg9[%run_scoped3A_8, %dma_wait3A_69] : memref<8x128xf32, #tpu.memory_space<vmem>> -> memref<1x128xf32, #tpu.memory_space<vmem>>
      %dma_wait3A_71 = tpu.memref_squeeze %dma_wait3A_70 : memref<1x128xf32, #tpu.memory_space<vmem>> -> memref<128xf32, #tpu.memory_space<vmem>>
      %dma_wait3A_72 = arith.constant 0 : i32
      %dma_wait3A_73 = tpu.memref_slice %arg8[%run_scoped3A_9, %dma_wait3A_72] : memref<8x128xi32, #tpu.memory_space<vmem>> -> memref<1x128xi32, #tpu.memory_space<vmem>>
      %dma_wait3A_74 = tpu.memref_squeeze %dma_wait3A_73 : memref<1x128xi32, #tpu.memory_space<vmem>> -> memref<128xi32, #tpu.memory_space<vmem>>
      %dma_wait3A_75 = arith.constant 0 : i32
      %dma_wait3A_76 = tpu.memref_slice %arg7[%dma_wait3A_75] : memref<1906688xf32, #tpu.memory_space<vmem_shared>> -> memref<1906688xf32, #tpu.memory_space<vmem_shared>>
      tpu.wait_indirect_dma semaphore(%run_scoped3A_60 : memref<!tpu.dma_semaphore, #tpu.memory_space<semaphore_mem>>) src(%dma_wait3A_71 : memref<128xf32, #tpu.memory_space<vmem>>) dst(%dma_wait3A_76 : memref<1906688xf32, #tpu.memory_space<vmem_shared>>)
      tpu.yield
    }) : () -> ()
    %run_scoped3A_10 = arith.constant 2 : i32
    %run_scoped3A_11 = arith.constant 2 : i32
    "tpu.region"() ({
      %run_scoped3A_60 = tpu.sem_alloc : memref<!tpu.dma_semaphore, #tpu.memory_space<semaphore_mem>>
      %dma_start3A_61 = arith.constant 0 : i32
      %dma_start3A_62 = tpu.memref_slice %arg9[%run_scoped3A_10, %dma_start3A_61] : memref<8x128xf32, #tpu.memory_space<vmem>> -> memref<1x128xf32, #tpu.memory_space<vmem>>
      %dma_start3A_63 = tpu.memref_squeeze %dma_start3A_62 : memref<1x128xf32, #tpu.memory_space<vmem>> -> memref<128xf32, #tpu.memory_space<vmem>>
      %dma_start3A_64 = arith.constant 0 : i32
      %dma_start3A_65 = tpu.memref_slice %arg8[%run_scoped3A_11, %dma_start3A_64] : memref<8x128xi32, #tpu.memory_space<vmem>> -> memref<1x128xi32, #tpu.memory_space<vmem>>
      %dma_start3A_66 = tpu.memref_squeeze %dma_start3A_65 : memref<1x128xi32, #tpu.memory_space<vmem>> -> memref<128xi32, #tpu.memory_space<vmem>>
      %dma_start3A_67 = arith.constant 0 : i32
      %dma_start3A_68 = tpu.memref_slice %arg7[%dma_start3A_67] : memref<1906688xf32, #tpu.memory_space<vmem_shared>> -> memref<1906688xf32, #tpu.memory_space<vmem_shared>>
      tpu.enqueue_indirect_dma source(%dma_start3A_63 : memref<128xf32, #tpu.memory_space<vmem>>) target(%dma_start3A_68 : memref<1906688xf32, #tpu.memory_space<vmem_shared>>) offsets(%dma_start3A_66 : memref<128xi32, #tpu.memory_space<vmem>>) semaphore(%run_scoped3A_60 : memref<!tpu.dma_semaphore, #tpu.memory_space<semaphore_mem>>) {add = true}
      %dma_wait3A_69 = arith.constant 0 : i32
      %dma_wait3A_70 = tpu.memref_slice %arg9[%run_scoped3A_10, %dma_wait3A_69] : memref<8x128xf32, #tpu.memory_space<vmem>> -> memref<1x128xf32, #tpu.memory_space<vmem>>
      %dma_wait3A_71 = tpu.memref_squeeze %dma_wait3A_70 : memref<1x128xf32, #tpu.memory_space<vmem>> -> memref<128xf32, #tpu.memory_space<vmem>>
      %dma_wait3A_72 = arith.constant 0 : i32
      %dma_wait3A_73 = tpu.memref_slice %arg8[%run_scoped3A_11, %dma_wait3A_72] : memref<8x128xi32, #tpu.memory_space<vmem>> -> memref<1x128xi32, #tpu.memory_space<vmem>>
      %dma_wait3A_74 = tpu.memref_squeeze %dma_wait3A_73 : memref<1x128xi32, #tpu.memory_space<vmem>> -> memref<128xi32, #tpu.memory_space<vmem>>
      %dma_wait3A_75 = arith.constant 0 : i32
      %dma_wait3A_76 = tpu.memref_slice %arg7[%dma_wait3A_75] : memref<1906688xf32, #tpu.memory_space<vmem_shared>> -> memref<1906688xf32, #tpu.memory_space<vmem_shared>>
      tpu.wait_indirect_dma semaphore(%run_scoped3A_60 : memref<!tpu.dma_semaphore, #tpu.memory_space<semaphore_mem>>) src(%dma_wait3A_71 : memref<128xf32, #tpu.memory_space<vmem>>) dst(%dma_wait3A_76 : memref<1906688xf32, #tpu.memory_space<vmem_shared>>)
      tpu.yield
    }) : () -> ()
    %run_scoped3A_12 = arith.constant 3 : i32
    %run_scoped3A_13 = arith.constant 3 : i32
    "tpu.region"() ({
      %run_scoped3A_60 = tpu.sem_alloc : memref<!tpu.dma_semaphore, #tpu.memory_space<semaphore_mem>>
      %dma_start3A_61 = arith.constant 0 : i32
      %dma_start3A_62 = tpu.memref_slice %arg9[%run_scoped3A_12, %dma_start3A_61] : memref<8x128xf32, #tpu.memory_space<vmem>> -> memref<1x128xf32, #tpu.memory_space<vmem>>
      %dma_start3A_63 = tpu.memref_squeeze %dma_start3A_62 : memref<1x128xf32, #tpu.memory_space<vmem>> -> memref<128xf32, #tpu.memory_space<vmem>>
      %dma_start3A_64 = arith.constant 0 : i32
      %dma_start3A_65 = tpu.memref_slice %arg8[%run_scoped3A_13, %dma_start3A_64] : memref<8x128xi32, #tpu.memory_space<vmem>> -> memref<1x128xi32, #tpu.memory_space<vmem>>
      %dma_start3A_66 = tpu.memref_squeeze %dma_start3A_65 : memref<1x128xi32, #tpu.memory_space<vmem>> -> memref<128xi32, #tpu.memory_space<vmem>>
      %dma_start3A_67 = arith.constant 0 : i32
      %dma_start3A_68 = tpu.memref_slice %arg7[%dma_start3A_67] : memref<1906688xf32, #tpu.memory_space<vmem_shared>> -> memref<1906688xf32, #tpu.memory_space<vmem_shared>>
      tpu.enqueue_indirect_dma source(%dma_start3A_63 : memref<128xf32, #tpu.memory_space<vmem>>) target(%dma_start3A_68 : memref<1906688xf32, #tpu.memory_space<vmem_shared>>) offsets(%dma_start3A_66 : memref<128xi32, #tpu.memory_space<vmem>>) semaphore(%run_scoped3A_60 : memref<!tpu.dma_semaphore, #tpu.memory_space<semaphore_mem>>) {add = true}
      %dma_wait3A_69 = arith.constant 0 : i32
      %dma_wait3A_70 = tpu.memref_slice %arg9[%run_scoped3A_12, %dma_wait3A_69] : memref<8x128xf32, #tpu.memory_space<vmem>> -> memref<1x128xf32, #tpu.memory_space<vmem>>
      %dma_wait3A_71 = tpu.memref_squeeze %dma_wait3A_70 : memref<1x128xf32, #tpu.memory_space<vmem>> -> memref<128xf32, #tpu.memory_space<vmem>>
      %dma_wait3A_72 = arith.constant 0 : i32
      %dma_wait3A_73 = tpu.memref_slice %arg8[%run_scoped3A_13, %dma_wait3A_72] : memref<8x128xi32, #tpu.memory_space<vmem>> -> memref<1x128xi32, #tpu.memory_space<vmem>>
      %dma_wait3A_74 = tpu.memref_squeeze %dma_wait3A_73 : memref<1x128xi32, #tpu.memory_space<vmem>> -> memref<128xi32, #tpu.memory_space<vmem>>
      %dma_wait3A_75 = arith.constant 0 : i32
      %dma_wait3A_76 = tpu.memref_slice %arg7[%dma_wait3A_75] : memref<1906688xf32, #tpu.memory_space<vmem_shared>> -> memref<1906688xf32, #tpu.memory_space<vmem_shared>>
      tpu.wait_indirect_dma semaphore(%run_scoped3A_60 : memref<!tpu.dma_semaphore, #tpu.memory_space<semaphore_mem>>) src(%dma_wait3A_71 : memref<128xf32, #tpu.memory_space<vmem>>) dst(%dma_wait3A_76 : memref<1906688xf32, #tpu.memory_space<vmem_shared>>)
      tpu.yield
    }) : () -> ()
    %run_scoped3A_14 = arith.constant 4 : i32
    %run_scoped3A_15 = arith.constant 4 : i32
    "tpu.region"() ({
      %run_scoped3A_60 = tpu.sem_alloc : memref<!tpu.dma_semaphore, #tpu.memory_space<semaphore_mem>>
      %dma_start3A_61 = arith.constant 0 : i32
      %dma_start3A_62 = tpu.memref_slice %arg9[%run_scoped3A_14, %dma_start3A_61] : memref<8x128xf32, #tpu.memory_space<vmem>> -> memref<1x128xf32, #tpu.memory_space<vmem>>
      %dma_start3A_63 = tpu.memref_squeeze %dma_start3A_62 : memref<1x128xf32, #tpu.memory_space<vmem>> -> memref<128xf32, #tpu.memory_space<vmem>>
      %dma_start3A_64 = arith.constant 0 : i32
      %dma_start3A_65 = tpu.memref_slice %arg8[%run_scoped3A_15, %dma_start3A_64] : memref<8x128xi32, #tpu.memory_space<vmem>> -> memref<1x128xi32, #tpu.memory_space<vmem>>
      %dma_start3A_66 = tpu.memref_squeeze %dma_start3A_65 : memref<1x128xi32, #tpu.memory_space<vmem>> -> memref<128xi32, #tpu.memory_space<vmem>>
      %dma_start3A_67 = arith.constant 0 : i32
      %dma_start3A_68 = tpu.memref_slice %arg7[%dma_start3A_67] : memref<1906688xf32, #tpu.memory_space<vmem_shared>> -> memref<1906688xf32, #tpu.memory_space<vmem_shared>>
      tpu.enqueue_indirect_dma source(%dma_start3A_63 : memref<128xf32, #tpu.memory_space<vmem>>) target(%dma_start3A_68 : memref<1906688xf32, #tpu.memory_space<vmem_shared>>) offsets(%dma_start3A_66 : memref<128xi32, #tpu.memory_space<vmem>>) semaphore(%run_scoped3A_60 : memref<!tpu.dma_semaphore, #tpu.memory_space<semaphore_mem>>) {add = true}
      %dma_wait3A_69 = arith.constant 0 : i32
      %dma_wait3A_70 = tpu.memref_slice %arg9[%run_scoped3A_14, %dma_wait3A_69] : memref<8x128xf32, #tpu.memory_space<vmem>> -> memref<1x128xf32, #tpu.memory_space<vmem>>
      %dma_wait3A_71 = tpu.memref_squeeze %dma_wait3A_70 : memref<1x128xf32, #tpu.memory_space<vmem>> -> memref<128xf32, #tpu.memory_space<vmem>>
      %dma_wait3A_72 = arith.constant 0 : i32
      %dma_wait3A_73 = tpu.memref_slice %arg8[%run_scoped3A_15, %dma_wait3A_72] : memref<8x128xi32, #tpu.memory_space<vmem>> -> memref<1x128xi32, #tpu.memory_space<vmem>>
      %dma_wait3A_74 = tpu.memref_squeeze %dma_wait3A_73 : memref<1x128xi32, #tpu.memory_space<vmem>> -> memref<128xi32, #tpu.memory_space<vmem>>
      %dma_wait3A_75 = arith.constant 0 : i32
      %dma_wait3A_76 = tpu.memref_slice %arg7[%dma_wait3A_75] : memref<1906688xf32, #tpu.memory_space<vmem_shared>> -> memref<1906688xf32, #tpu.memory_space<vmem_shared>>
      tpu.wait_indirect_dma semaphore(%run_scoped3A_60 : memref<!tpu.dma_semaphore, #tpu.memory_space<semaphore_mem>>) src(%dma_wait3A_71 : memref<128xf32, #tpu.memory_space<vmem>>) dst(%dma_wait3A_76 : memref<1906688xf32, #tpu.memory_space<vmem_shared>>)
      tpu.yield
    }) : () -> ()
    %run_scoped3A_16 = arith.constant 5 : i32
    %run_scoped3A_17 = arith.constant 5 : i32
    "tpu.region"() ({
      %run_scoped3A_60 = tpu.sem_alloc : memref<!tpu.dma_semaphore, #tpu.memory_space<semaphore_mem>>
      %dma_start3A_61 = arith.constant 0 : i32
      %dma_start3A_62 = tpu.memref_slice %arg9[%run_scoped3A_16, %dma_start3A_61] : memref<8x128xf32, #tpu.memory_space<vmem>> -> memref<1x128xf32, #tpu.memory_space<vmem>>
      %dma_start3A_63 = tpu.memref_squeeze %dma_start3A_62 : memref<1x128xf32, #tpu.memory_space<vmem>> -> memref<128xf32, #tpu.memory_space<vmem>>
      %dma_start3A_64 = arith.constant 0 : i32
      %dma_start3A_65 = tpu.memref_slice %arg8[%run_scoped3A_17, %dma_start3A_64] : memref<8x128xi32, #tpu.memory_space<vmem>> -> memref<1x128xi32, #tpu.memory_space<vmem>>
      %dma_start3A_66 = tpu.memref_squeeze %dma_start3A_65 : memref<1x128xi32, #tpu.memory_space<vmem>> -> memref<128xi32, #tpu.memory_space<vmem>>
      %dma_start3A_67 = arith.constant 0 : i32
      %dma_start3A_68 = tpu.memref_slice %arg7[%dma_start3A_67] : memref<1906688xf32, #tpu.memory_space<vmem_shared>> -> memref<1906688xf32, #tpu.memory_space<vmem_shared>>
      tpu.enqueue_indirect_dma source(%dma_start3A_63 : memref<128xf32, #tpu.memory_space<vmem>>) target(%dma_start3A_68 : memref<1906688xf32, #tpu.memory_space<vmem_shared>>) offsets(%dma_start3A_66 : memref<128xi32, #tpu.memory_space<vmem>>) semaphore(%run_scoped3A_60 : memref<!tpu.dma_semaphore, #tpu.memory_space<semaphore_mem>>) {add = true}
      %dma_wait3A_69 = arith.constant 0 : i32
      %dma_wait3A_70 = tpu.memref_slice %arg9[%run_scoped3A_16, %dma_wait3A_69] : memref<8x128xf32, #tpu.memory_space<vmem>> -> memref<1x128xf32, #tpu.memory_space<vmem>>
      %dma_wait3A_71 = tpu.memref_squeeze %dma_wait3A_70 : memref<1x128xf32, #tpu.memory_space<vmem>> -> memref<128xf32, #tpu.memory_space<vmem>>
      %dma_wait3A_72 = arith.constant 0 : i32
      %dma_wait3A_73 = tpu.memref_slice %arg8[%run_scoped3A_17, %dma_wait3A_72] : memref<8x128xi32, #tpu.memory_space<vmem>> -> memref<1x128xi32, #tpu.memory_space<vmem>>
      %dma_wait3A_74 = tpu.memref_squeeze %dma_wait3A_73 : memref<1x128xi32, #tpu.memory_space<vmem>> -> memref<128xi32, #tpu.memory_space<vmem>>
      %dma_wait3A_75 = arith.constant 0 : i32
      %dma_wait3A_76 = tpu.memref_slice %arg7[%dma_wait3A_75] : memref<1906688xf32, #tpu.memory_space<vmem_shared>> -> memref<1906688xf32, #tpu.memory_space<vmem_shared>>
      tpu.wait_indirect_dma semaphore(%run_scoped3A_60 : memref<!tpu.dma_semaphore, #tpu.memory_space<semaphore_mem>>) src(%dma_wait3A_71 : memref<128xf32, #tpu.memory_space<vmem>>) dst(%dma_wait3A_76 : memref<1906688xf32, #tpu.memory_space<vmem_shared>>)
      tpu.yield
    }) : () -> ()
    %run_scoped3A_18 = arith.constant 6 : i32
    %run_scoped3A_19 = arith.constant 6 : i32
    "tpu.region"() ({
      %run_scoped3A_60 = tpu.sem_alloc : memref<!tpu.dma_semaphore, #tpu.memory_space<semaphore_mem>>
      %dma_start3A_61 = arith.constant 0 : i32
      %dma_start3A_62 = tpu.memref_slice %arg9[%run_scoped3A_18, %dma_start3A_61] : memref<8x128xf32, #tpu.memory_space<vmem>> -> memref<1x128xf32, #tpu.memory_space<vmem>>
      %dma_start3A_63 = tpu.memref_squeeze %dma_start3A_62 : memref<1x128xf32, #tpu.memory_space<vmem>> -> memref<128xf32, #tpu.memory_space<vmem>>
      %dma_start3A_64 = arith.constant 0 : i32
      %dma_start3A_65 = tpu.memref_slice %arg8[%run_scoped3A_19, %dma_start3A_64] : memref<8x128xi32, #tpu.memory_space<vmem>> -> memref<1x128xi32, #tpu.memory_space<vmem>>
      %dma_start3A_66 = tpu.memref_squeeze %dma_start3A_65 : memref<1x128xi32, #tpu.memory_space<vmem>> -> memref<128xi32, #tpu.memory_space<vmem>>
      %dma_start3A_67 = arith.constant 0 : i32
      %dma_start3A_68 = tpu.memref_slice %arg7[%dma_start3A_67] : memref<1906688xf32, #tpu.memory_space<vmem_shared>> -> memref<1906688xf32, #tpu.memory_space<vmem_shared>>
      tpu.enqueue_indirect_dma source(%dma_start3A_63 : memref<128xf32, #tpu.memory_space<vmem>>) target(%dma_start3A_68 : memref<1906688xf32, #tpu.memory_space<vmem_shared>>) offsets(%dma_start3A_66 : memref<128xi32, #tpu.memory_space<vmem>>) semaphore(%run_scoped3A_60 : memref<!tpu.dma_semaphore, #tpu.memory_space<semaphore_mem>>) {add = true}
      %dma_wait3A_69 = arith.constant 0 : i32
      %dma_wait3A_70 = tpu.memref_slice %arg9[%run_scoped3A_18, %dma_wait3A_69] : memref<8x128xf32, #tpu.memory_space<vmem>> -> memref<1x128xf32, #tpu.memory_space<vmem>>
      %dma_wait3A_71 = tpu.memref_squeeze %dma_wait3A_70 : memref<1x128xf32, #tpu.memory_space<vmem>> -> memref<128xf32, #tpu.memory_space<vmem>>
      %dma_wait3A_72 = arith.constant 0 : i32
      %dma_wait3A_73 = tpu.memref_slice %arg8[%run_scoped3A_19, %dma_wait3A_72] : memref<8x128xi32, #tpu.memory_space<vmem>> -> memref<1x128xi32, #tpu.memory_space<vmem>>
      %dma_wait3A_74 = tpu.memref_squeeze %dma_wait3A_73 : memref<1x128xi32, #tpu.memory_space<vmem>> -> memref<128xi32, #tpu.memory_space<vmem>>
      %dma_wait3A_75 = arith.constant 0 : i32
      %dma_wait3A_76 = tpu.memref_slice %arg7[%dma_wait3A_75] : memref<1906688xf32, #tpu.memory_space<vmem_shared>> -> memref<1906688xf32, #tpu.memory_space<vmem_shared>>
      tpu.wait_indirect_dma semaphore(%run_scoped3A_60 : memref<!tpu.dma_semaphore, #tpu.memory_space<semaphore_mem>>) src(%dma_wait3A_71 : memref<128xf32, #tpu.memory_space<vmem>>) dst(%dma_wait3A_76 : memref<1906688xf32, #tpu.memory_space<vmem_shared>>)
      tpu.yield
    }) : () -> ()
    %run_scoped3A_20 = arith.constant 7 : i32
    %run_scoped3A_21 = arith.constant 7 : i32
    "tpu.region"() ({
      %run_scoped3A_60 = tpu.sem_alloc : memref<!tpu.dma_semaphore, #tpu.memory_space<semaphore_mem>>
      %dma_start3A_61 = arith.constant 0 : i32
      %dma_start3A_62 = tpu.memref_slice %arg9[%run_scoped3A_20, %dma_start3A_61] : memref<8x128xf32, #tpu.memory_space<vmem>> -> memref<1x128xf32, #tpu.memory_space<vmem>>
      %dma_start3A_63 = tpu.memref_squeeze %dma_start3A_62 : memref<1x128xf32, #tpu.memory_space<vmem>> -> memref<128xf32, #tpu.memory_space<vmem>>
      %dma_start3A_64 = arith.constant 0 : i32
      %dma_start3A_65 = tpu.memref_slice %arg8[%run_scoped3A_21, %dma_start3A_64] : memref<8x128xi32, #tpu.memory_space<vmem>> -> memref<1x128xi32, #tpu.memory_space<vmem>>
      %dma_start3A_66 = tpu.memref_squeeze %dma_start3A_65 : memref<1x128xi32, #tpu.memory_space<vmem>> -> memref<128xi32, #tpu.memory_space<vmem>>
      %dma_start3A_67 = arith.constant 0 : i32
      %dma_start3A_68 = tpu.memref_slice %arg7[%dma_start3A_67] : memref<1906688xf32, #tpu.memory_space<vmem_shared>> -> memref<1906688xf32, #tpu.memory_space<vmem_shared>>
      tpu.enqueue_indirect_dma source(%dma_start3A_63 : memref<128xf32, #tpu.memory_space<vmem>>) target(%dma_start3A_68 : memref<1906688xf32, #tpu.memory_space<vmem_shared>>) offsets(%dma_start3A_66 : memref<128xi32, #tpu.memory_space<vmem>>) semaphore(%run_scoped3A_60 : memref<!tpu.dma_semaphore, #tpu.memory_space<semaphore_mem>>) {add = true}
      %dma_wait3A_69 = arith.constant 0 : i32
      %dma_wait3A_70 = tpu.memref_slice %arg9[%run_scoped3A_20, %dma_wait3A_69] : memref<8x128xf32, #tpu.memory_space<vmem>> -> memref<1x128xf32, #tpu.memory_space<vmem>>
      %dma_wait3A_71 = tpu.memref_squeeze %dma_wait3A_70 : memref<1x128xf32, #tpu.memory_space<vmem>> -> memref<128xf32, #tpu.memory_space<vmem>>
      %dma_wait3A_72 = arith.constant 0 : i32
      %dma_wait3A_73 = tpu.memref_slice %arg8[%run_scoped3A_21, %dma_wait3A_72] : memref<8x128xi32, #tpu.memory_space<vmem>> -> memref<1x128xi32, #tpu.memory_space<vmem>>
      %dma_wait3A_74 = tpu.memref_squeeze %dma_wait3A_73 : memref<1x128xi32, #tpu.memory_space<vmem>> -> memref<128xi32, #tpu.memory_space<vmem>>
      %dma_wait3A_75 = arith.constant 0 : i32
      %dma_wait3A_76 = tpu.memref_slice %arg7[%dma_wait3A_75] : memref<1906688xf32, #tpu.memory_space<vmem_shared>> -> memref<1906688xf32, #tpu.memory_space<vmem_shared>>
      tpu.wait_indirect_dma semaphore(%run_scoped3A_60 : memref<!tpu.dma_semaphore, #tpu.memory_space<semaphore_mem>>) src(%dma_wait3A_71 : memref<128xf32, #tpu.memory_space<vmem>>) dst(%dma_wait3A_76 : memref<1906688xf32, #tpu.memory_space<vmem_shared>>)
      tpu.yield
    }) : () -> ()
    %barrier3A_22 = arith.constant 0 : index
    tpu.barrier barrier_id(%barrier3A_22)
    %scan3A = arith.constant 0 : i32
    %scan3A_23 = arith.constant 0 : i32
    %scan3A_24 = arith.constant 2 : i32
    %scan3A_25 = arith.addi %scan3A_23, %scan3A_24 : i32
    %scan3A_26 = arith.constant 1 : i32
    scf.for %scan3A_60 = %scan3A_23 to %scan3A_25 step %scan3A_26  : i32 {
      %mul3A_61 = arith.constant 48 : i32
      %mul3A_62 = arith.muli %arg1, %mul3A_61 : i32
      %mul3A_63 = arith.constant 24 : i32
      %mul3A_64 = arith.muli %scan3A_60, %mul3A_63 : i32
      %add3A_65 = arith.addi %mul3A_62, %mul3A_64 : i32
      %multiple_of3A_66 = tpu.assume_multiple %add3A_65, 8 : i32
      "tpu.region"() ({
        %run_scoped3A_547 = tpu.sem_alloc : memref<!tpu.dma_semaphore, #tpu.memory_space<semaphore_mem>>
        %dma_start3A_548 = arith.constant 0 : i32
        %dma_start3A_549 = tpu.memref_slice %arg4[%multiple_of3A_66, %dma_start3A_548] : memref<768x128xi32, #tpu.memory_space<hbm>> -> memref<24x128xi32, #tpu.memory_space<hbm>>
        %dma_start3A_550 = arith.constant 0 : i32
        %dma_start3A_551 = tpu.memref_slice %arg4[%multiple_of3A_66, %dma_start3A_550] : memref<768x128xi32, #tpu.memory_space<hbm>> -> memref<24x128xi32, #tpu.memory_space<hbm>>
        tpu.enqueue_dma source(%dma_start3A_551 : memref<24x128xi32, #tpu.memory_space<hbm>>) target(%arg10 : memref<24x128xi32, #tpu.memory_space<vmem>>) target_semaphore(%run_scoped3A_547 : memref<!tpu.dma_semaphore, #tpu.memory_space<semaphore_mem>>)
        %dma_wait3A_552 = arith.constant 0 : i32
        %dma_wait3A_553 = tpu.memref_slice %arg4[%multiple_of3A_66, %dma_wait3A_552] : memref<768x128xi32, #tpu.memory_space<hbm>> -> memref<24x128xi32, #tpu.memory_space<hbm>>
        %dma_wait3A_554 = arith.constant 0 : i32
        %dma_wait3A_555 = tpu.memref_slice %arg4[%multiple_of3A_66, %dma_wait3A_554] : memref<768x128xi32, #tpu.memory_space<hbm>> -> memref<24x128xi32, #tpu.memory_space<hbm>>
        tpu.wait_dma2 semaphore(%run_scoped3A_547 : memref<!tpu.dma_semaphore, #tpu.memory_space<semaphore_mem>>) src(%dma_wait3A_555 : memref<24x128xi32, #tpu.memory_space<hbm>>) dst(%arg10 : memref<24x128xi32, #tpu.memory_space<vmem>>)
        tpu.yield
      }) : () -> ()
      %dma_start3A_67 = arith.constant 0 : i32
      %dma_start3A_68 = arith.constant 0 : i32
      %dma_start3A_69 = arith.constant 0 : i32
      %dma_start3A_70 = tpu.memref_slice %arg11[%dma_start3A_68, %dma_start3A_69] : memref<24x128xf32, #tpu.memory_space<vmem>> -> memref<1x128xf32, #tpu.memory_space<vmem>>
      %dma_start3A_71 = tpu.memref_squeeze %dma_start3A_70 : memref<1x128xf32, #tpu.memory_space<vmem>> -> memref<128xf32, #tpu.memory_space<vmem>>
      %dma_start3A_72 = arith.constant 0 : i32
      %dma_start3A_73 = tpu.memref_slice %arg10[%dma_start3A_67, %dma_start3A_72] : memref<24x128xi32, #tpu.memory_space<vmem>> -> memref<1x128xi32, #tpu.memory_space<vmem>>
      %dma_start3A_74 = tpu.memref_squeeze %dma_start3A_73 : memref<1x128xi32, #tpu.memory_space<vmem>> -> memref<128xi32, #tpu.memory_space<vmem>>
      %dma_start3A_75 = arith.constant 0 : i32
      %dma_start3A_76 = tpu.memref_slice %arg7[%dma_start3A_75] : memref<1906688xf32, #tpu.memory_space<vmem_shared>> -> memref<1906688xf32, #tpu.memory_space<vmem_shared>>
      tpu.enqueue_indirect_dma source(%dma_start3A_76 : memref<1906688xf32, #tpu.memory_space<vmem_shared>>) target(%dma_start3A_71 : memref<128xf32, #tpu.memory_space<vmem>>) offsets(%dma_start3A_74 : memref<128xi32, #tpu.memory_space<vmem>>) semaphore(%arg12 : memref<!tpu.dma_semaphore, #tpu.memory_space<semaphore_mem>>)
      %dma_start3A_77 = arith.constant 1 : i32
      %dma_start3A_78 = arith.constant 1 : i32
      %dma_start3A_79 = arith.constant 0 : i32
      %dma_start3A_80 = tpu.memref_slice %arg11[%dma_start3A_78, %dma_start3A_79] : memref<24x128xf32, #tpu.memory_space<vmem>> -> memref<1x128xf32, #tpu.memory_space<vmem>>
      %dma_start3A_81 = tpu.memref_squeeze %dma_start3A_80 : memref<1x128xf32, #tpu.memory_space<vmem>> -> memref<128xf32, #tpu.memory_space<vmem>>
      %dma_start3A_82 = arith.constant 0 : i32
      %dma_start3A_83 = tpu.memref_slice %arg10[%dma_start3A_77, %dma_start3A_82] : memref<24x128xi32, #tpu.memory_space<vmem>> -> memref<1x128xi32, #tpu.memory_space<vmem>>
      %dma_start3A_84 = tpu.memref_squeeze %dma_start3A_83 : memref<1x128xi32, #tpu.memory_space<vmem>> -> memref<128xi32, #tpu.memory_space<vmem>>
      %dma_start3A_85 = arith.constant 0 : i32
      %dma_start3A_86 = tpu.memref_slice %arg7[%dma_start3A_85] : memref<1906688xf32, #tpu.memory_space<vmem_shared>> -> memref<1906688xf32, #tpu.memory_space<vmem_shared>>
      tpu.enqueue_indirect_dma source(%dma_start3A_86 : memref<1906688xf32, #tpu.memory_space<vmem_shared>>) target(%dma_start3A_81 : memref<128xf32, #tpu.memory_space<vmem>>) offsets(%dma_start3A_84 : memref<128xi32, #tpu.memory_space<vmem>>) semaphore(%arg12 : memref<!tpu.dma_semaphore, #tpu.memory_space<semaphore_mem>>)
      %dma_start3A_87 = arith.constant 2 : i32
      %dma_start3A_88 = arith.constant 2 : i32
      %dma_start3A_89 = arith.constant 0 : i32
      %dma_start3A_90 = tpu.memref_slice %arg11[%dma_start3A_88, %dma_start3A_89] : memref<24x128xf32, #tpu.memory_space<vmem>> -> memref<1x128xf32, #tpu.memory_space<vmem>>
      %dma_start3A_91 = tpu.memref_squeeze %dma_start3A_90 : memref<1x128xf32, #tpu.memory_space<vmem>> -> memref<128xf32, #tpu.memory_space<vmem>>
      %dma_start3A_92 = arith.constant 0 : i32
      %dma_start3A_93 = tpu.memref_slice %arg10[%dma_start3A_87, %dma_start3A_92] : memref<24x128xi32, #tpu.memory_space<vmem>> -> memref<1x128xi32, #tpu.memory_space<vmem>>
      %dma_start3A_94 = tpu.memref_squeeze %dma_start3A_93 : memref<1x128xi32, #tpu.memory_space<vmem>> -> memref<128xi32, #tpu.memory_space<vmem>>
      %dma_start3A_95 = arith.constant 0 : i32
      %dma_start3A_96 = tpu.memref_slice %arg7[%dma_start3A_95] : memref<1906688xf32, #tpu.memory_space<vmem_shared>> -> memref<1906688xf32, #tpu.memory_space<vmem_shared>>
      tpu.enqueue_indirect_dma source(%dma_start3A_96 : memref<1906688xf32, #tpu.memory_space<vmem_shared>>) target(%dma_start3A_91 : memref<128xf32, #tpu.memory_space<vmem>>) offsets(%dma_start3A_94 : memref<128xi32, #tpu.memory_space<vmem>>) semaphore(%arg12 : memref<!tpu.dma_semaphore, #tpu.memory_space<semaphore_mem>>)
      %dma_start3A_97 = arith.constant 3 : i32
      %dma_start3A_98 = arith.constant 3 : i32
      %dma_start3A_99 = arith.constant 0 : i32
      %dma_start3A_100 = tpu.memref_slice %arg11[%dma_start3A_98, %dma_start3A_99] : memref<24x128xf32, #tpu.memory_space<vmem>> -> memref<1x128xf32, #tpu.memory_space<vmem>>
      %dma_start3A_101 = tpu.memref_squeeze %dma_start3A_100 : memref<1x128xf32, #tpu.memory_space<vmem>> -> memref<128xf32, #tpu.memory_space<vmem>>
      %dma_start3A_102 = arith.constant 0 : i32
      %dma_start3A_103 = tpu.memref_slice %arg10[%dma_start3A_97, %dma_start3A_102] : memref<24x128xi32, #tpu.memory_space<vmem>> -> memref<1x128xi32, #tpu.memory_space<vmem>>
      %dma_start3A_104 = tpu.memref_squeeze %dma_start3A_103 : memref<1x128xi32, #tpu.memory_space<vmem>> -> memref<128xi32, #tpu.memory_space<vmem>>
      %dma_start3A_105 = arith.constant 0 : i32
      %dma_start3A_106 = tpu.memref_slice %arg7[%dma_start3A_105] : memref<1906688xf32, #tpu.memory_space<vmem_shared>> -> memref<1906688xf32, #tpu.memory_space<vmem_shared>>
      tpu.enqueue_indirect_dma source(%dma_start3A_106 : memref<1906688xf32, #tpu.memory_space<vmem_shared>>) target(%dma_start3A_101 : memref<128xf32, #tpu.memory_space<vmem>>) offsets(%dma_start3A_104 : memref<128xi32, #tpu.memory_space<vmem>>) semaphore(%arg12 : memref<!tpu.dma_semaphore, #tpu.memory_space<semaphore_mem>>)
      %dma_start3A_107 = arith.constant 4 : i32
      %dma_start3A_108 = arith.constant 4 : i32
      %dma_start3A_109 = arith.constant 0 : i32
      %dma_start3A_110 = tpu.memref_slice %arg11[%dma_start3A_108, %dma_start3A_109] : memref<24x128xf32, #tpu.memory_space<vmem>> -> memref<1x128xf32, #tpu.memory_space<vmem>>
      %dma_start3A_111 = tpu.memref_squeeze %dma_start3A_110 : memref<1x128xf32, #tpu.memory_space<vmem>> -> memref<128xf32, #tpu.memory_space<vmem>>
      %dma_start3A_112 = arith.constant 0 : i32
      %dma_start3A_113 = tpu.memref_slice %arg10[%dma_start3A_107, %dma_start3A_112] : memref<24x128xi32, #tpu.memory_space<vmem>> -> memref<1x128xi32, #tpu.memory_space<vmem>>
      %dma_start3A_114 = tpu.memref_squeeze %dma_start3A_113 : memref<1x128xi32, #tpu.memory_space<vmem>> -> memref<128xi32, #tpu.memory_space<vmem>>
      %dma_start3A_115 = arith.constant 0 : i32
      %dma_start3A_116 = tpu.memref_slice %arg7[%dma_start3A_115] : memref<1906688xf32, #tpu.memory_space<vmem_shared>> -> memref<1906688xf32, #tpu.memory_space<vmem_shared>>
      tpu.enqueue_indirect_dma source(%dma_start3A_116 : memref<1906688xf32, #tpu.memory_space<vmem_shared>>) target(%dma_start3A_111 : memref<128xf32, #tpu.memory_space<vmem>>) offsets(%dma_start3A_114 : memref<128xi32, #tpu.memory_space<vmem>>) semaphore(%arg12 : memref<!tpu.dma_semaphore, #tpu.memory_space<semaphore_mem>>)
      %dma_start3A_117 = arith.constant 5 : i32
      %dma_start3A_118 = arith.constant 5 : i32
      %dma_start3A_119 = arith.constant 0 : i32
      %dma_start3A_120 = tpu.memref_slice %arg11[%dma_start3A_118, %dma_start3A_119] : memref<24x128xf32, #tpu.memory_space<vmem>> -> memref<1x128xf32, #tpu.memory_space<vmem>>
      %dma_start3A_121 = tpu.memref_squeeze %dma_start3A_120 : memref<1x128xf32, #tpu.memory_space<vmem>> -> memref<128xf32, #tpu.memory_space<vmem>>
      %dma_start3A_122 = arith.constant 0 : i32
      %dma_start3A_123 = tpu.memref_slice %arg10[%dma_start3A_117, %dma_start3A_122] : memref<24x128xi32, #tpu.memory_space<vmem>> -> memref<1x128xi32, #tpu.memory_space<vmem>>
      %dma_start3A_124 = tpu.memref_squeeze %dma_start3A_123 : memref<1x128xi32, #tpu.memory_space<vmem>> -> memref<128xi32, #tpu.memory_space<vmem>>
      %dma_start3A_125 = arith.constant 0 : i32
      %dma_start3A_126 = tpu.memref_slice %arg7[%dma_start3A_125] : memref<1906688xf32, #tpu.memory_space<vmem_shared>> -> memref<1906688xf32, #tpu.memory_space<vmem_shared>>
      tpu.enqueue_indirect_dma source(%dma_start3A_126 : memref<1906688xf32, #tpu.memory_space<vmem_shared>>) target(%dma_start3A_121 : memref<128xf32, #tpu.memory_space<vmem>>) offsets(%dma_start3A_124 : memref<128xi32, #tpu.memory_space<vmem>>) semaphore(%arg12 : memref<!tpu.dma_semaphore, #tpu.memory_space<semaphore_mem>>)
      %dma_start3A_127 = arith.constant 6 : i32
      %dma_start3A_128 = arith.constant 6 : i32
      %dma_start3A_129 = arith.constant 0 : i32
      %dma_start3A_130 = tpu.memref_slice %arg11[%dma_start3A_128, %dma_start3A_129] : memref<24x128xf32, #tpu.memory_space<vmem>> -> memref<1x128xf32, #tpu.memory_space<vmem>>
      %dma_start3A_131 = tpu.memref_squeeze %dma_start3A_130 : memref<1x128xf32, #tpu.memory_space<vmem>> -> memref<128xf32, #tpu.memory_space<vmem>>
      %dma_start3A_132 = arith.constant 0 : i32
      %dma_start3A_133 = tpu.memref_slice %arg10[%dma_start3A_127, %dma_start3A_132] : memref<24x128xi32, #tpu.memory_space<vmem>> -> memref<1x128xi32, #tpu.memory_space<vmem>>
      %dma_start3A_134 = tpu.memref_squeeze %dma_start3A_133 : memref<1x128xi32, #tpu.memory_space<vmem>> -> memref<128xi32, #tpu.memory_space<vmem>>
      %dma_start3A_135 = arith.constant 0 : i32
      %dma_start3A_136 = tpu.memref_slice %arg7[%dma_start3A_135] : memref<1906688xf32, #tpu.memory_space<vmem_shared>> -> memref<1906688xf32, #tpu.memory_space<vmem_shared>>
      tpu.enqueue_indirect_dma source(%dma_start3A_136 : memref<1906688xf32, #tpu.memory_space<vmem_shared>>) target(%dma_start3A_131 : memref<128xf32, #tpu.memory_space<vmem>>) offsets(%dma_start3A_134 : memref<128xi32, #tpu.memory_space<vmem>>) semaphore(%arg12 : memref<!tpu.dma_semaphore, #tpu.memory_space<semaphore_mem>>)
      %dma_start3A_137 = arith.constant 7 : i32
      %dma_start3A_138 = arith.constant 7 : i32
      %dma_start3A_139 = arith.constant 0 : i32
      %dma_start3A_140 = tpu.memref_slice %arg11[%dma_start3A_138, %dma_start3A_139] : memref<24x128xf32, #tpu.memory_space<vmem>> -> memref<1x128xf32, #tpu.memory_space<vmem>>
      %dma_start3A_141 = tpu.memref_squeeze %dma_start3A_140 : memref<1x128xf32, #tpu.memory_space<vmem>> -> memref<128xf32, #tpu.memory_space<vmem>>
      %dma_start3A_142 = arith.constant 0 : i32
      %dma_start3A_143 = tpu.memref_slice %arg10[%dma_start3A_137, %dma_start3A_142] : memref<24x128xi32, #tpu.memory_space<vmem>> -> memref<1x128xi32, #tpu.memory_space<vmem>>
      %dma_start3A_144 = tpu.memref_squeeze %dma_start3A_143 : memref<1x128xi32, #tpu.memory_space<vmem>> -> memref<128xi32, #tpu.memory_space<vmem>>
      %dma_start3A_145 = arith.constant 0 : i32
      %dma_start3A_146 = tpu.memref_slice %arg7[%dma_start3A_145] : memref<1906688xf32, #tpu.memory_space<vmem_shared>> -> memref<1906688xf32, #tpu.memory_space<vmem_shared>>
      tpu.enqueue_indirect_dma source(%dma_start3A_146 : memref<1906688xf32, #tpu.memory_space<vmem_shared>>) target(%dma_start3A_141 : memref<128xf32, #tpu.memory_space<vmem>>) offsets(%dma_start3A_144 : memref<128xi32, #tpu.memory_space<vmem>>) semaphore(%arg12 : memref<!tpu.dma_semaphore, #tpu.memory_space<semaphore_mem>>)
      %dma_start3A_147 = arith.constant 8 : i32
      %dma_start3A_148 = arith.constant 8 : i32
      %dma_start3A_149 = arith.constant 0 : i32
      %dma_start3A_150 = tpu.memref_slice %arg11[%dma_start3A_148, %dma_start3A_149] : memref<24x128xf32, #tpu.memory_space<vmem>> -> memref<1x128xf32, #tpu.memory_space<vmem>>
      %dma_start3A_151 = tpu.memref_squeeze %dma_start3A_150 : memref<1x128xf32, #tpu.memory_space<vmem>> -> memref<128xf32, #tpu.memory_space<vmem>>
      %dma_start3A_152 = arith.constant 0 : i32
      %dma_start3A_153 = tpu.memref_slice %arg10[%dma_start3A_147, %dma_start3A_152] : memref<24x128xi32, #tpu.memory_space<vmem>> -> memref<1x128xi32, #tpu.memory_space<vmem>>
      %dma_start3A_154 = tpu.memref_squeeze %dma_start3A_153 : memref<1x128xi32, #tpu.memory_space<vmem>> -> memref<128xi32, #tpu.memory_space<vmem>>
      %dma_start3A_155 = arith.constant 0 : i32
      %dma_start3A_156 = tpu.memref_slice %arg7[%dma_start3A_155] : memref<1906688xf32, #tpu.memory_space<vmem_shared>> -> memref<1906688xf32, #tpu.memory_space<vmem_shared>>
      tpu.enqueue_indirect_dma source(%dma_start3A_156 : memref<1906688xf32, #tpu.memory_space<vmem_shared>>) target(%dma_start3A_151 : memref<128xf32, #tpu.memory_space<vmem>>) offsets(%dma_start3A_154 : memref<128xi32, #tpu.memory_space<vmem>>) semaphore(%arg12 : memref<!tpu.dma_semaphore, #tpu.memory_space<semaphore_mem>>)
      %dma_start3A_157 = arith.constant 9 : i32
      %dma_start3A_158 = arith.constant 9 : i32
      %dma_start3A_159 = arith.constant 0 : i32
      %dma_start3A_160 = tpu.memref_slice %arg11[%dma_start3A_158, %dma_start3A_159] : memref<24x128xf32, #tpu.memory_space<vmem>> -> memref<1x128xf32, #tpu.memory_space<vmem>>
      %dma_start3A_161 = tpu.memref_squeeze %dma_start3A_160 : memref<1x128xf32, #tpu.memory_space<vmem>> -> memref<128xf32, #tpu.memory_space<vmem>>
      %dma_start3A_162 = arith.constant 0 : i32
      %dma_start3A_163 = tpu.memref_slice %arg10[%dma_start3A_157, %dma_start3A_162] : memref<24x128xi32, #tpu.memory_space<vmem>> -> memref<1x128xi32, #tpu.memory_space<vmem>>
      %dma_start3A_164 = tpu.memref_squeeze %dma_start3A_163 : memref<1x128xi32, #tpu.memory_space<vmem>> -> memref<128xi32, #tpu.memory_space<vmem>>
      %dma_start3A_165 = arith.constant 0 : i32
      %dma_start3A_166 = tpu.memref_slice %arg7[%dma_start3A_165] : memref<1906688xf32, #tpu.memory_space<vmem_shared>> -> memref<1906688xf32, #tpu.memory_space<vmem_shared>>
      tpu.enqueue_indirect_dma source(%dma_start3A_166 : memref<1906688xf32, #tpu.memory_space<vmem_shared>>) target(%dma_start3A_161 : memref<128xf32, #tpu.memory_space<vmem>>) offsets(%dma_start3A_164 : memref<128xi32, #tpu.memory_space<vmem>>) semaphore(%arg12 : memref<!tpu.dma_semaphore, #tpu.memory_space<semaphore_mem>>)
      %dma_start3A_167 = arith.constant 10 : i32
      %dma_start3A_168 = arith.constant 10 : i32
      %dma_start3A_169 = arith.constant 0 : i32
      %dma_start3A_170 = tpu.memref_slice %arg11[%dma_start3A_168, %dma_start3A_169] : memref<24x128xf32, #tpu.memory_space<vmem>> -> memref<1x128xf32, #tpu.memory_space<vmem>>
      %dma_start3A_171 = tpu.memref_squeeze %dma_start3A_170 : memref<1x128xf32, #tpu.memory_space<vmem>> -> memref<128xf32, #tpu.memory_space<vmem>>
      %dma_start3A_172 = arith.constant 0 : i32
      %dma_start3A_173 = tpu.memref_slice %arg10[%dma_start3A_167, %dma_start3A_172] : memref<24x128xi32, #tpu.memory_space<vmem>> -> memref<1x128xi32, #tpu.memory_space<vmem>>
      %dma_start3A_174 = tpu.memref_squeeze %dma_start3A_173 : memref<1x128xi32, #tpu.memory_space<vmem>> -> memref<128xi32, #tpu.memory_space<vmem>>
      %dma_start3A_175 = arith.constant 0 : i32
      %dma_start3A_176 = tpu.memref_slice %arg7[%dma_start3A_175] : memref<1906688xf32, #tpu.memory_space<vmem_shared>> -> memref<1906688xf32, #tpu.memory_space<vmem_shared>>
      tpu.enqueue_indirect_dma source(%dma_start3A_176 : memref<1906688xf32, #tpu.memory_space<vmem_shared>>) target(%dma_start3A_171 : memref<128xf32, #tpu.memory_space<vmem>>) offsets(%dma_start3A_174 : memref<128xi32, #tpu.memory_space<vmem>>) semaphore(%arg12 : memref<!tpu.dma_semaphore, #tpu.memory_space<semaphore_mem>>)
      %dma_start3A_177 = arith.constant 11 : i32
      %dma_start3A_178 = arith.constant 11 : i32
      %dma_start3A_179 = arith.constant 0 : i32
      %dma_start3A_180 = tpu.memref_slice %arg11[%dma_start3A_178, %dma_start3A_179] : memref<24x128xf32, #tpu.memory_space<vmem>> -> memref<1x128xf32, #tpu.memory_space<vmem>>
      %dma_start3A_181 = tpu.memref_squeeze %dma_start3A_180 : memref<1x128xf32, #tpu.memory_space<vmem>> -> memref<128xf32, #tpu.memory_space<vmem>>
      %dma_start3A_182 = arith.constant 0 : i32
      %dma_start3A_183 = tpu.memref_slice %arg10[%dma_start3A_177, %dma_start3A_182] : memref<24x128xi32, #tpu.memory_space<vmem>> -> memref<1x128xi32, #tpu.memory_space<vmem>>
      %dma_start3A_184 = tpu.memref_squeeze %dma_start3A_183 : memref<1x128xi32, #tpu.memory_space<vmem>> -> memref<128xi32, #tpu.memory_space<vmem>>
      %dma_start3A_185 = arith.constant 0 : i32
      %dma_start3A_186 = tpu.memref_slice %arg7[%dma_start3A_185] : memref<1906688xf32, #tpu.memory_space<vmem_shared>> -> memref<1906688xf32, #tpu.memory_space<vmem_shared>>
      tpu.enqueue_indirect_dma source(%dma_start3A_186 : memref<1906688xf32, #tpu.memory_space<vmem_shared>>) target(%dma_start3A_181 : memref<128xf32, #tpu.memory_space<vmem>>) offsets(%dma_start3A_184 : memref<128xi32, #tpu.memory_space<vmem>>) semaphore(%arg12 : memref<!tpu.dma_semaphore, #tpu.memory_space<semaphore_mem>>)
      %dma_start3A_187 = arith.constant 12 : i32
      %dma_start3A_188 = arith.constant 12 : i32
      %dma_start3A_189 = arith.constant 0 : i32
      %dma_start3A_190 = tpu.memref_slice %arg11[%dma_start3A_188, %dma_start3A_189] : memref<24x128xf32, #tpu.memory_space<vmem>> -> memref<1x128xf32, #tpu.memory_space<vmem>>
      %dma_start3A_191 = tpu.memref_squeeze %dma_start3A_190 : memref<1x128xf32, #tpu.memory_space<vmem>> -> memref<128xf32, #tpu.memory_space<vmem>>
      %dma_start3A_192 = arith.constant 0 : i32
      %dma_start3A_193 = tpu.memref_slice %arg10[%dma_start3A_187, %dma_start3A_192] : memref<24x128xi32, #tpu.memory_space<vmem>> -> memref<1x128xi32, #tpu.memory_space<vmem>>
      %dma_start3A_194 = tpu.memref_squeeze %dma_start3A_193 : memref<1x128xi32, #tpu.memory_space<vmem>> -> memref<128xi32, #tpu.memory_space<vmem>>
      %dma_start3A_195 = arith.constant 0 : i32
      %dma_start3A_196 = tpu.memref_slice %arg7[%dma_start3A_195] : memref<1906688xf32, #tpu.memory_space<vmem_shared>> -> memref<1906688xf32, #tpu.memory_space<vmem_shared>>
      tpu.enqueue_indirect_dma source(%dma_start3A_196 : memref<1906688xf32, #tpu.memory_space<vmem_shared>>) target(%dma_start3A_191 : memref<128xf32, #tpu.memory_space<vmem>>) offsets(%dma_start3A_194 : memref<128xi32, #tpu.memory_space<vmem>>) semaphore(%arg12 : memref<!tpu.dma_semaphore, #tpu.memory_space<semaphore_mem>>)
      %dma_start3A_197 = arith.constant 13 : i32
      %dma_start3A_198 = arith.constant 13 : i32
      %dma_start3A_199 = arith.constant 0 : i32
      %dma_start3A_200 = tpu.memref_slice %arg11[%dma_start3A_198, %dma_start3A_199] : memref<24x128xf32, #tpu.memory_space<vmem>> -> memref<1x128xf32, #tpu.memory_space<vmem>>
      %dma_start3A_201 = tpu.memref_squeeze %dma_start3A_200 : memref<1x128xf32, #tpu.memory_space<vmem>> -> memref<128xf32, #tpu.memory_space<vmem>>
      %dma_start3A_202 = arith.constant 0 : i32
      %dma_start3A_203 = tpu.memref_slice %arg10[%dma_start3A_197, %dma_start3A_202] : memref<24x128xi32, #tpu.memory_space<vmem>> -> memref<1x128xi32, #tpu.memory_space<vmem>>
      %dma_start3A_204 = tpu.memref_squeeze %dma_start3A_203 : memref<1x128xi32, #tpu.memory_space<vmem>> -> memref<128xi32, #tpu.memory_space<vmem>>
      %dma_start3A_205 = arith.constant 0 : i32
      %dma_start3A_206 = tpu.memref_slice %arg7[%dma_start3A_205] : memref<1906688xf32, #tpu.memory_space<vmem_shared>> -> memref<1906688xf32, #tpu.memory_space<vmem_shared>>
      tpu.enqueue_indirect_dma source(%dma_start3A_206 : memref<1906688xf32, #tpu.memory_space<vmem_shared>>) target(%dma_start3A_201 : memref<128xf32, #tpu.memory_space<vmem>>) offsets(%dma_start3A_204 : memref<128xi32, #tpu.memory_space<vmem>>) semaphore(%arg12 : memref<!tpu.dma_semaphore, #tpu.memory_space<semaphore_mem>>)
      %dma_start3A_207 = arith.constant 14 : i32
      %dma_start3A_208 = arith.constant 14 : i32
      %dma_start3A_209 = arith.constant 0 : i32
      %dma_start3A_210 = tpu.memref_slice %arg11[%dma_start3A_208, %dma_start3A_209] : memref<24x128xf32, #tpu.memory_space<vmem>> -> memref<1x128xf32, #tpu.memory_space<vmem>>
      %dma_start3A_211 = tpu.memref_squeeze %dma_start3A_210 : memref<1x128xf32, #tpu.memory_space<vmem>> -> memref<128xf32, #tpu.memory_space<vmem>>
      %dma_start3A_212 = arith.constant 0 : i32
      %dma_start3A_213 = tpu.memref_slice %arg10[%dma_start3A_207, %dma_start3A_212] : memref<24x128xi32, #tpu.memory_space<vmem>> -> memref<1x128xi32, #tpu.memory_space<vmem>>
      %dma_start3A_214 = tpu.memref_squeeze %dma_start3A_213 : memref<1x128xi32, #tpu.memory_space<vmem>> -> memref<128xi32, #tpu.memory_space<vmem>>
      %dma_start3A_215 = arith.constant 0 : i32
      %dma_start3A_216 = tpu.memref_slice %arg7[%dma_start3A_215] : memref<1906688xf32, #tpu.memory_space<vmem_shared>> -> memref<1906688xf32, #tpu.memory_space<vmem_shared>>
      tpu.enqueue_indirect_dma source(%dma_start3A_216 : memref<1906688xf32, #tpu.memory_space<vmem_shared>>) target(%dma_start3A_211 : memref<128xf32, #tpu.memory_space<vmem>>) offsets(%dma_start3A_214 : memref<128xi32, #tpu.memory_space<vmem>>) semaphore(%arg12 : memref<!tpu.dma_semaphore, #tpu.memory_space<semaphore_mem>>)
      %dma_start3A_217 = arith.constant 15 : i32
      %dma_start3A_218 = arith.constant 15 : i32
      %dma_start3A_219 = arith.constant 0 : i32
      %dma_start3A_220 = tpu.memref_slice %arg11[%dma_start3A_218, %dma_start3A_219] : memref<24x128xf32, #tpu.memory_space<vmem>> -> memref<1x128xf32, #tpu.memory_space<vmem>>
      %dma_start3A_221 = tpu.memref_squeeze %dma_start3A_220 : memref<1x128xf32, #tpu.memory_space<vmem>> -> memref<128xf32, #tpu.memory_space<vmem>>
      %dma_start3A_222 = arith.constant 0 : i32
      %dma_start3A_223 = tpu.memref_slice %arg10[%dma_start3A_217, %dma_start3A_222] : memref<24x128xi32, #tpu.memory_space<vmem>> -> memref<1x128xi32, #tpu.memory_space<vmem>>
      %dma_start3A_224 = tpu.memref_squeeze %dma_start3A_223 : memref<1x128xi32, #tpu.memory_space<vmem>> -> memref<128xi32, #tpu.memory_space<vmem>>
      %dma_start3A_225 = arith.constant 0 : i32
      %dma_start3A_226 = tpu.memref_slice %arg7[%dma_start3A_225] : memref<1906688xf32, #tpu.memory_space<vmem_shared>> -> memref<1906688xf32, #tpu.memory_space<vmem_shared>>
      tpu.enqueue_indirect_dma source(%dma_start3A_226 : memref<1906688xf32, #tpu.memory_space<vmem_shared>>) target(%dma_start3A_221 : memref<128xf32, #tpu.memory_space<vmem>>) offsets(%dma_start3A_224 : memref<128xi32, #tpu.memory_space<vmem>>) semaphore(%arg12 : memref<!tpu.dma_semaphore, #tpu.memory_space<semaphore_mem>>)
      %dma_start3A_227 = arith.constant 16 : i32
      %dma_start3A_228 = arith.constant 16 : i32
      %dma_start3A_229 = arith.constant 0 : i32
      %dma_start3A_230 = tpu.memref_slice %arg11[%dma_start3A_228, %dma_start3A_229] : memref<24x128xf32, #tpu.memory_space<vmem>> -> memref<1x128xf32, #tpu.memory_space<vmem>>
      %dma_start3A_231 = tpu.memref_squeeze %dma_start3A_230 : memref<1x128xf32, #tpu.memory_space<vmem>> -> memref<128xf32, #tpu.memory_space<vmem>>
      %dma_start3A_232 = arith.constant 0 : i32
      %dma_start3A_233 = tpu.memref_slice %arg10[%dma_start3A_227, %dma_start3A_232] : memref<24x128xi32, #tpu.memory_space<vmem>> -> memref<1x128xi32, #tpu.memory_space<vmem>>
      %dma_start3A_234 = tpu.memref_squeeze %dma_start3A_233 : memref<1x128xi32, #tpu.memory_space<vmem>> -> memref<128xi32, #tpu.memory_space<vmem>>
      %dma_start3A_235 = arith.constant 0 : i32
      %dma_start3A_236 = tpu.memref_slice %arg7[%dma_start3A_235] : memref<1906688xf32, #tpu.memory_space<vmem_shared>> -> memref<1906688xf32, #tpu.memory_space<vmem_shared>>
      tpu.enqueue_indirect_dma source(%dma_start3A_236 : memref<1906688xf32, #tpu.memory_space<vmem_shared>>) target(%dma_start3A_231 : memref<128xf32, #tpu.memory_space<vmem>>) offsets(%dma_start3A_234 : memref<128xi32, #tpu.memory_space<vmem>>) semaphore(%arg12 : memref<!tpu.dma_semaphore, #tpu.memory_space<semaphore_mem>>)
      %dma_start3A_237 = arith.constant 17 : i32
      %dma_start3A_238 = arith.constant 17 : i32
      %dma_start3A_239 = arith.constant 0 : i32
      %dma_start3A_240 = tpu.memref_slice %arg11[%dma_start3A_238, %dma_start3A_239] : memref<24x128xf32, #tpu.memory_space<vmem>> -> memref<1x128xf32, #tpu.memory_space<vmem>>
      %dma_start3A_241 = tpu.memref_squeeze %dma_start3A_240 : memref<1x128xf32, #tpu.memory_space<vmem>> -> memref<128xf32, #tpu.memory_space<vmem>>
      %dma_start3A_242 = arith.constant 0 : i32
      %dma_start3A_243 = tpu.memref_slice %arg10[%dma_start3A_237, %dma_start3A_242] : memref<24x128xi32, #tpu.memory_space<vmem>> -> memref<1x128xi32, #tpu.memory_space<vmem>>
      %dma_start3A_244 = tpu.memref_squeeze %dma_start3A_243 : memref<1x128xi32, #tpu.memory_space<vmem>> -> memref<128xi32, #tpu.memory_space<vmem>>
      %dma_start3A_245 = arith.constant 0 : i32
      %dma_start3A_246 = tpu.memref_slice %arg7[%dma_start3A_245] : memref<1906688xf32, #tpu.memory_space<vmem_shared>> -> memref<1906688xf32, #tpu.memory_space<vmem_shared>>
      tpu.enqueue_indirect_dma source(%dma_start3A_246 : memref<1906688xf32, #tpu.memory_space<vmem_shared>>) target(%dma_start3A_241 : memref<128xf32, #tpu.memory_space<vmem>>) offsets(%dma_start3A_244 : memref<128xi32, #tpu.memory_space<vmem>>) semaphore(%arg12 : memref<!tpu.dma_semaphore, #tpu.memory_space<semaphore_mem>>)
      %dma_start3A_247 = arith.constant 18 : i32
      %dma_start3A_248 = arith.constant 18 : i32
      %dma_start3A_249 = arith.constant 0 : i32
      %dma_start3A_250 = tpu.memref_slice %arg11[%dma_start3A_248, %dma_start3A_249] : memref<24x128xf32, #tpu.memory_space<vmem>> -> memref<1x128xf32, #tpu.memory_space<vmem>>
      %dma_start3A_251 = tpu.memref_squeeze %dma_start3A_250 : memref<1x128xf32, #tpu.memory_space<vmem>> -> memref<128xf32, #tpu.memory_space<vmem>>
      %dma_start3A_252 = arith.constant 0 : i32
      %dma_start3A_253 = tpu.memref_slice %arg10[%dma_start3A_247, %dma_start3A_252] : memref<24x128xi32, #tpu.memory_space<vmem>> -> memref<1x128xi32, #tpu.memory_space<vmem>>
      %dma_start3A_254 = tpu.memref_squeeze %dma_start3A_253 : memref<1x128xi32, #tpu.memory_space<vmem>> -> memref<128xi32, #tpu.memory_space<vmem>>
      %dma_start3A_255 = arith.constant 0 : i32
      %dma_start3A_256 = tpu.memref_slice %arg7[%dma_start3A_255] : memref<1906688xf32, #tpu.memory_space<vmem_shared>> -> memref<1906688xf32, #tpu.memory_space<vmem_shared>>
      tpu.enqueue_indirect_dma source(%dma_start3A_256 : memref<1906688xf32, #tpu.memory_space<vmem_shared>>) target(%dma_start3A_251 : memref<128xf32, #tpu.memory_space<vmem>>) offsets(%dma_start3A_254 : memref<128xi32, #tpu.memory_space<vmem>>) semaphore(%arg12 : memref<!tpu.dma_semaphore, #tpu.memory_space<semaphore_mem>>)
      %dma_start3A_257 = arith.constant 19 : i32
      %dma_start3A_258 = arith.constant 19 : i32
      %dma_start3A_259 = arith.constant 0 : i32
      %dma_start3A_260 = tpu.memref_slice %arg11[%dma_start3A_258, %dma_start3A_259] : memref<24x128xf32, #tpu.memory_space<vmem>> -> memref<1x128xf32, #tpu.memory_space<vmem>>
      %dma_start3A_261 = tpu.memref_squeeze %dma_start3A_260 : memref<1x128xf32, #tpu.memory_space<vmem>> -> memref<128xf32, #tpu.memory_space<vmem>>
      %dma_start3A_262 = arith.constant 0 : i32
      %dma_start3A_263 = tpu.memref_slice %arg10[%dma_start3A_257, %dma_start3A_262] : memref<24x128xi32, #tpu.memory_space<vmem>> -> memref<1x128xi32, #tpu.memory_space<vmem>>
      %dma_start3A_264 = tpu.memref_squeeze %dma_start3A_263 : memref<1x128xi32, #tpu.memory_space<vmem>> -> memref<128xi32, #tpu.memory_space<vmem>>
      %dma_start3A_265 = arith.constant 0 : i32
      %dma_start3A_266 = tpu.memref_slice %arg7[%dma_start3A_265] : memref<1906688xf32, #tpu.memory_space<vmem_shared>> -> memref<1906688xf32, #tpu.memory_space<vmem_shared>>
      tpu.enqueue_indirect_dma source(%dma_start3A_266 : memref<1906688xf32, #tpu.memory_space<vmem_shared>>) target(%dma_start3A_261 : memref<128xf32, #tpu.memory_space<vmem>>) offsets(%dma_start3A_264 : memref<128xi32, #tpu.memory_space<vmem>>) semaphore(%arg12 : memref<!tpu.dma_semaphore, #tpu.memory_space<semaphore_mem>>)
      %dma_start3A_267 = arith.constant 20 : i32
      %dma_start3A_268 = arith.constant 20 : i32
      %dma_start3A_269 = arith.constant 0 : i32
      %dma_start3A_270 = tpu.memref_slice %arg11[%dma_start3A_268, %dma_start3A_269] : memref<24x128xf32, #tpu.memory_space<vmem>> -> memref<1x128xf32, #tpu.memory_space<vmem>>
      %dma_start3A_271 = tpu.memref_squeeze %dma_start3A_270 : memref<1x128xf32, #tpu.memory_space<vmem>> -> memref<128xf32, #tpu.memory_space<vmem>>
      %dma_start3A_272 = arith.constant 0 : i32
      %dma_start3A_273 = tpu.memref_slice %arg10[%dma_start3A_267, %dma_start3A_272] : memref<24x128xi32, #tpu.memory_space<vmem>> -> memref<1x128xi32, #tpu.memory_space<vmem>>
      %dma_start3A_274 = tpu.memref_squeeze %dma_start3A_273 : memref<1x128xi32, #tpu.memory_space<vmem>> -> memref<128xi32, #tpu.memory_space<vmem>>
      %dma_start3A_275 = arith.constant 0 : i32
      %dma_start3A_276 = tpu.memref_slice %arg7[%dma_start3A_275] : memref<1906688xf32, #tpu.memory_space<vmem_shared>> -> memref<1906688xf32, #tpu.memory_space<vmem_shared>>
      tpu.enqueue_indirect_dma source(%dma_start3A_276 : memref<1906688xf32, #tpu.memory_space<vmem_shared>>) target(%dma_start3A_271 : memref<128xf32, #tpu.memory_space<vmem>>) offsets(%dma_start3A_274 : memref<128xi32, #tpu.memory_space<vmem>>) semaphore(%arg12 : memref<!tpu.dma_semaphore, #tpu.memory_space<semaphore_mem>>)
      %dma_start3A_277 = arith.constant 21 : i32
      %dma_start3A_278 = arith.constant 21 : i32
      %dma_start3A_279 = arith.constant 0 : i32
      %dma_start3A_280 = tpu.memref_slice %arg11[%dma_start3A_278, %dma_start3A_279] : memref<24x128xf32, #tpu.memory_space<vmem>> -> memref<1x128xf32, #tpu.memory_space<vmem>>
      %dma_start3A_281 = tpu.memref_squeeze %dma_start3A_280 : memref<1x128xf32, #tpu.memory_space<vmem>> -> memref<128xf32, #tpu.memory_space<vmem>>
      %dma_start3A_282 = arith.constant 0 : i32
      %dma_start3A_283 = tpu.memref_slice %arg10[%dma_start3A_277, %dma_start3A_282] : memref<24x128xi32, #tpu.memory_space<vmem>> -> memref<1x128xi32, #tpu.memory_space<vmem>>
      %dma_start3A_284 = tpu.memref_squeeze %dma_start3A_283 : memref<1x128xi32, #tpu.memory_space<vmem>> -> memref<128xi32, #tpu.memory_space<vmem>>
      %dma_start3A_285 = arith.constant 0 : i32
      %dma_start3A_286 = tpu.memref_slice %arg7[%dma_start3A_285] : memref<1906688xf32, #tpu.memory_space<vmem_shared>> -> memref<1906688xf32, #tpu.memory_space<vmem_shared>>
      tpu.enqueue_indirect_dma source(%dma_start3A_286 : memref<1906688xf32, #tpu.memory_space<vmem_shared>>) target(%dma_start3A_281 : memref<128xf32, #tpu.memory_space<vmem>>) offsets(%dma_start3A_284 : memref<128xi32, #tpu.memory_space<vmem>>) semaphore(%arg12 : memref<!tpu.dma_semaphore, #tpu.memory_space<semaphore_mem>>)
      %dma_start3A_287 = arith.constant 22 : i32
      %dma_start3A_288 = arith.constant 22 : i32
      %dma_start3A_289 = arith.constant 0 : i32
      %dma_start3A_290 = tpu.memref_slice %arg11[%dma_start3A_288, %dma_start3A_289] : memref<24x128xf32, #tpu.memory_space<vmem>> -> memref<1x128xf32, #tpu.memory_space<vmem>>
      %dma_start3A_291 = tpu.memref_squeeze %dma_start3A_290 : memref<1x128xf32, #tpu.memory_space<vmem>> -> memref<128xf32, #tpu.memory_space<vmem>>
      %dma_start3A_292 = arith.constant 0 : i32
      %dma_start3A_293 = tpu.memref_slice %arg10[%dma_start3A_287, %dma_start3A_292] : memref<24x128xi32, #tpu.memory_space<vmem>> -> memref<1x128xi32, #tpu.memory_space<vmem>>
      %dma_start3A_294 = tpu.memref_squeeze %dma_start3A_293 : memref<1x128xi32, #tpu.memory_space<vmem>> -> memref<128xi32, #tpu.memory_space<vmem>>
      %dma_start3A_295 = arith.constant 0 : i32
      %dma_start3A_296 = tpu.memref_slice %arg7[%dma_start3A_295] : memref<1906688xf32, #tpu.memory_space<vmem_shared>> -> memref<1906688xf32, #tpu.memory_space<vmem_shared>>
      tpu.enqueue_indirect_dma source(%dma_start3A_296 : memref<1906688xf32, #tpu.memory_space<vmem_shared>>) target(%dma_start3A_291 : memref<128xf32, #tpu.memory_space<vmem>>) offsets(%dma_start3A_294 : memref<128xi32, #tpu.memory_space<vmem>>) semaphore(%arg12 : memref<!tpu.dma_semaphore, #tpu.memory_space<semaphore_mem>>)
      %dma_start3A_297 = arith.constant 23 : i32
      %dma_start3A_298 = arith.constant 23 : i32
      %dma_start3A_299 = arith.constant 0 : i32
      %dma_start3A_300 = tpu.memref_slice %arg11[%dma_start3A_298, %dma_start3A_299] : memref<24x128xf32, #tpu.memory_space<vmem>> -> memref<1x128xf32, #tpu.memory_space<vmem>>
      %dma_start3A_301 = tpu.memref_squeeze %dma_start3A_300 : memref<1x128xf32, #tpu.memory_space<vmem>> -> memref<128xf32, #tpu.memory_space<vmem>>
      %dma_start3A_302 = arith.constant 0 : i32
      %dma_start3A_303 = tpu.memref_slice %arg10[%dma_start3A_297, %dma_start3A_302] : memref<24x128xi32, #tpu.memory_space<vmem>> -> memref<1x128xi32, #tpu.memory_space<vmem>>
      %dma_start3A_304 = tpu.memref_squeeze %dma_start3A_303 : memref<1x128xi32, #tpu.memory_space<vmem>> -> memref<128xi32, #tpu.memory_space<vmem>>
      %dma_start3A_305 = arith.constant 0 : i32
      %dma_start3A_306 = tpu.memref_slice %arg7[%dma_start3A_305] : memref<1906688xf32, #tpu.memory_space<vmem_shared>> -> memref<1906688xf32, #tpu.memory_space<vmem_shared>>
      tpu.enqueue_indirect_dma source(%dma_start3A_306 : memref<1906688xf32, #tpu.memory_space<vmem_shared>>) target(%dma_start3A_301 : memref<128xf32, #tpu.memory_space<vmem>>) offsets(%dma_start3A_304 : memref<128xi32, #tpu.memory_space<vmem>>) semaphore(%arg12 : memref<!tpu.dma_semaphore, #tpu.memory_space<semaphore_mem>>)
      %dma_wait3A_307 = arith.constant 0 : i32
      %dma_wait3A_308 = arith.constant 0 : i32
      %dma_wait3A_309 = arith.constant 0 : i32
      %dma_wait3A_310 = tpu.memref_slice %arg11[%dma_wait3A_308, %dma_wait3A_309] : memref<24x128xf32, #tpu.memory_space<vmem>> -> memref<1x128xf32, #tpu.memory_space<vmem>>
      %dma_wait3A_311 = tpu.memref_squeeze %dma_wait3A_310 : memref<1x128xf32, #tpu.memory_space<vmem>> -> memref<128xf32, #tpu.memory_space<vmem>>
      %dma_wait3A_312 = arith.constant 0 : i32
      %dma_wait3A_313 = tpu.memref_slice %arg10[%dma_wait3A_307, %dma_wait3A_312] : memref<24x128xi32, #tpu.memory_space<vmem>> -> memref<1x128xi32, #tpu.memory_space<vmem>>
      %dma_wait3A_314 = tpu.memref_squeeze %dma_wait3A_313 : memref<1x128xi32, #tpu.memory_space<vmem>> -> memref<128xi32, #tpu.memory_space<vmem>>
      %dma_wait3A_315 = arith.constant 0 : i32
      %dma_wait3A_316 = tpu.memref_slice %arg7[%dma_wait3A_315] : memref<1906688xf32, #tpu.memory_space<vmem_shared>> -> memref<1906688xf32, #tpu.memory_space<vmem_shared>>
      tpu.wait_indirect_dma semaphore(%arg12 : memref<!tpu.dma_semaphore, #tpu.memory_space<semaphore_mem>>) src(%dma_wait3A_316 : memref<1906688xf32, #tpu.memory_space<vmem_shared>>) dst(%dma_wait3A_311 : memref<128xf32, #tpu.memory_space<vmem>>)
      %dma_wait3A_317 = arith.constant 1 : i32
      %dma_wait3A_318 = arith.constant 1 : i32
      %dma_wait3A_319 = arith.constant 0 : i32
      %dma_wait3A_320 = tpu.memref_slice %arg11[%dma_wait3A_318, %dma_wait3A_319] : memref<24x128xf32, #tpu.memory_space<vmem>> -> memref<1x128xf32, #tpu.memory_space<vmem>>
      %dma_wait3A_321 = tpu.memref_squeeze %dma_wait3A_320 : memref<1x128xf32, #tpu.memory_space<vmem>> -> memref<128xf32, #tpu.memory_space<vmem>>
      %dma_wait3A_322 = arith.constant 0 : i32
      %dma_wait3A_323 = tpu.memref_slice %arg10[%dma_wait3A_317, %dma_wait3A_322] : memref<24x128xi32, #tpu.memory_space<vmem>> -> memref<1x128xi32, #tpu.memory_space<vmem>>
      %dma_wait3A_324 = tpu.memref_squeeze %dma_wait3A_323 : memref<1x128xi32, #tpu.memory_space<vmem>> -> memref<128xi32, #tpu.memory_space<vmem>>
      %dma_wait3A_325 = arith.constant 0 : i32
      %dma_wait3A_326 = tpu.memref_slice %arg7[%dma_wait3A_325] : memref<1906688xf32, #tpu.memory_space<vmem_shared>> -> memref<1906688xf32, #tpu.memory_space<vmem_shared>>
      tpu.wait_indirect_dma semaphore(%arg12 : memref<!tpu.dma_semaphore, #tpu.memory_space<semaphore_mem>>) src(%dma_wait3A_326 : memref<1906688xf32, #tpu.memory_space<vmem_shared>>) dst(%dma_wait3A_321 : memref<128xf32, #tpu.memory_space<vmem>>)
      %dma_wait3A_327 = arith.constant 2 : i32
      %dma_wait3A_328 = arith.constant 2 : i32
      %dma_wait3A_329 = arith.constant 0 : i32
      %dma_wait3A_330 = tpu.memref_slice %arg11[%dma_wait3A_328, %dma_wait3A_329] : memref<24x128xf32, #tpu.memory_space<vmem>> -> memref<1x128xf32, #tpu.memory_space<vmem>>
      %dma_wait3A_331 = tpu.memref_squeeze %dma_wait3A_330 : memref<1x128xf32, #tpu.memory_space<vmem>> -> memref<128xf32, #tpu.memory_space<vmem>>
      %dma_wait3A_332 = arith.constant 0 : i32
      %dma_wait3A_333 = tpu.memref_slice %arg10[%dma_wait3A_327, %dma_wait3A_332] : memref<24x128xi32, #tpu.memory_space<vmem>> -> memref<1x128xi32, #tpu.memory_space<vmem>>
      %dma_wait3A_334 = tpu.memref_squeeze %dma_wait3A_333 : memref<1x128xi32, #tpu.memory_space<vmem>> -> memref<128xi32, #tpu.memory_space<vmem>>
      %dma_wait3A_335 = arith.constant 0 : i32
      %dma_wait3A_336 = tpu.memref_slice %arg7[%dma_wait3A_335] : memref<1906688xf32, #tpu.memory_space<vmem_shared>> -> memref<1906688xf32, #tpu.memory_space<vmem_shared>>
      tpu.wait_indirect_dma semaphore(%arg12 : memref<!tpu.dma_semaphore, #tpu.memory_space<semaphore_mem>>) src(%dma_wait3A_336 : memref<1906688xf32, #tpu.memory_space<vmem_shared>>) dst(%dma_wait3A_331 : memref<128xf32, #tpu.memory_space<vmem>>)
      %dma_wait3A_337 = arith.constant 3 : i32
      %dma_wait3A_338 = arith.constant 3 : i32
      %dma_wait3A_339 = arith.constant 0 : i32
      %dma_wait3A_340 = tpu.memref_slice %arg11[%dma_wait3A_338, %dma_wait3A_339] : memref<24x128xf32, #tpu.memory_space<vmem>> -> memref<1x128xf32, #tpu.memory_space<vmem>>
      %dma_wait3A_341 = tpu.memref_squeeze %dma_wait3A_340 : memref<1x128xf32, #tpu.memory_space<vmem>> -> memref<128xf32, #tpu.memory_space<vmem>>
      %dma_wait3A_342 = arith.constant 0 : i32
      %dma_wait3A_343 = tpu.memref_slice %arg10[%dma_wait3A_337, %dma_wait3A_342] : memref<24x128xi32, #tpu.memory_space<vmem>> -> memref<1x128xi32, #tpu.memory_space<vmem>>
      %dma_wait3A_344 = tpu.memref_squeeze %dma_wait3A_343 : memref<1x128xi32, #tpu.memory_space<vmem>> -> memref<128xi32, #tpu.memory_space<vmem>>
      %dma_wait3A_345 = arith.constant 0 : i32
      %dma_wait3A_346 = tpu.memref_slice %arg7[%dma_wait3A_345] : memref<1906688xf32, #tpu.memory_space<vmem_shared>> -> memref<1906688xf32, #tpu.memory_space<vmem_shared>>
      tpu.wait_indirect_dma semaphore(%arg12 : memref<!tpu.dma_semaphore, #tpu.memory_space<semaphore_mem>>) src(%dma_wait3A_346 : memref<1906688xf32, #tpu.memory_space<vmem_shared>>) dst(%dma_wait3A_341 : memref<128xf32, #tpu.memory_space<vmem>>)
      %dma_wait3A_347 = arith.constant 4 : i32
      %dma_wait3A_348 = arith.constant 4 : i32
      %dma_wait3A_349 = arith.constant 0 : i32
      %dma_wait3A_350 = tpu.memref_slice %arg11[%dma_wait3A_348, %dma_wait3A_349] : memref<24x128xf32, #tpu.memory_space<vmem>> -> memref<1x128xf32, #tpu.memory_space<vmem>>
      %dma_wait3A_351 = tpu.memref_squeeze %dma_wait3A_350 : memref<1x128xf32, #tpu.memory_space<vmem>> -> memref<128xf32, #tpu.memory_space<vmem>>
      %dma_wait3A_352 = arith.constant 0 : i32
      %dma_wait3A_353 = tpu.memref_slice %arg10[%dma_wait3A_347, %dma_wait3A_352] : memref<24x128xi32, #tpu.memory_space<vmem>> -> memref<1x128xi32, #tpu.memory_space<vmem>>
      %dma_wait3A_354 = tpu.memref_squeeze %dma_wait3A_353 : memref<1x128xi32, #tpu.memory_space<vmem>> -> memref<128xi32, #tpu.memory_space<vmem>>
      %dma_wait3A_355 = arith.constant 0 : i32
      %dma_wait3A_356 = tpu.memref_slice %arg7[%dma_wait3A_355] : memref<1906688xf32, #tpu.memory_space<vmem_shared>> -> memref<1906688xf32, #tpu.memory_space<vmem_shared>>
      tpu.wait_indirect_dma semaphore(%arg12 : memref<!tpu.dma_semaphore, #tpu.memory_space<semaphore_mem>>) src(%dma_wait3A_356 : memref<1906688xf32, #tpu.memory_space<vmem_shared>>) dst(%dma_wait3A_351 : memref<128xf32, #tpu.memory_space<vmem>>)
      %dma_wait3A_357 = arith.constant 5 : i32
      %dma_wait3A_358 = arith.constant 5 : i32
      %dma_wait3A_359 = arith.constant 0 : i32
      %dma_wait3A_360 = tpu.memref_slice %arg11[%dma_wait3A_358, %dma_wait3A_359] : memref<24x128xf32, #tpu.memory_space<vmem>> -> memref<1x128xf32, #tpu.memory_space<vmem>>
      %dma_wait3A_361 = tpu.memref_squeeze %dma_wait3A_360 : memref<1x128xf32, #tpu.memory_space<vmem>> -> memref<128xf32, #tpu.memory_space<vmem>>
      %dma_wait3A_362 = arith.constant 0 : i32
      %dma_wait3A_363 = tpu.memref_slice %arg10[%dma_wait3A_357, %dma_wait3A_362] : memref<24x128xi32, #tpu.memory_space<vmem>> -> memref<1x128xi32, #tpu.memory_space<vmem>>
      %dma_wait3A_364 = tpu.memref_squeeze %dma_wait3A_363 : memref<1x128xi32, #tpu.memory_space<vmem>> -> memref<128xi32, #tpu.memory_space<vmem>>
      %dma_wait3A_365 = arith.constant 0 : i32
      %dma_wait3A_366 = tpu.memref_slice %arg7[%dma_wait3A_365] : memref<1906688xf32, #tpu.memory_space<vmem_shared>> -> memref<1906688xf32, #tpu.memory_space<vmem_shared>>
      tpu.wait_indirect_dma semaphore(%arg12 : memref<!tpu.dma_semaphore, #tpu.memory_space<semaphore_mem>>) src(%dma_wait3A_366 : memref<1906688xf32, #tpu.memory_space<vmem_shared>>) dst(%dma_wait3A_361 : memref<128xf32, #tpu.memory_space<vmem>>)
      %dma_wait3A_367 = arith.constant 6 : i32
      %dma_wait3A_368 = arith.constant 6 : i32
      %dma_wait3A_369 = arith.constant 0 : i32
      %dma_wait3A_370 = tpu.memref_slice %arg11[%dma_wait3A_368, %dma_wait3A_369] : memref<24x128xf32, #tpu.memory_space<vmem>> -> memref<1x128xf32, #tpu.memory_space<vmem>>
      %dma_wait3A_371 = tpu.memref_squeeze %dma_wait3A_370 : memref<1x128xf32, #tpu.memory_space<vmem>> -> memref<128xf32, #tpu.memory_space<vmem>>
      %dma_wait3A_372 = arith.constant 0 : i32
      %dma_wait3A_373 = tpu.memref_slice %arg10[%dma_wait3A_367, %dma_wait3A_372] : memref<24x128xi32, #tpu.memory_space<vmem>> -> memref<1x128xi32, #tpu.memory_space<vmem>>
      %dma_wait3A_374 = tpu.memref_squeeze %dma_wait3A_373 : memref<1x128xi32, #tpu.memory_space<vmem>> -> memref<128xi32, #tpu.memory_space<vmem>>
      %dma_wait3A_375 = arith.constant 0 : i32
      %dma_wait3A_376 = tpu.memref_slice %arg7[%dma_wait3A_375] : memref<1906688xf32, #tpu.memory_space<vmem_shared>> -> memref<1906688xf32, #tpu.memory_space<vmem_shared>>
      tpu.wait_indirect_dma semaphore(%arg12 : memref<!tpu.dma_semaphore, #tpu.memory_space<semaphore_mem>>) src(%dma_wait3A_376 : memref<1906688xf32, #tpu.memory_space<vmem_shared>>) dst(%dma_wait3A_371 : memref<128xf32, #tpu.memory_space<vmem>>)
      %dma_wait3A_377 = arith.constant 7 : i32
      %dma_wait3A_378 = arith.constant 7 : i32
      %dma_wait3A_379 = arith.constant 0 : i32
      %dma_wait3A_380 = tpu.memref_slice %arg11[%dma_wait3A_378, %dma_wait3A_379] : memref<24x128xf32, #tpu.memory_space<vmem>> -> memref<1x128xf32, #tpu.memory_space<vmem>>
      %dma_wait3A_381 = tpu.memref_squeeze %dma_wait3A_380 : memref<1x128xf32, #tpu.memory_space<vmem>> -> memref<128xf32, #tpu.memory_space<vmem>>
      %dma_wait3A_382 = arith.constant 0 : i32
      %dma_wait3A_383 = tpu.memref_slice %arg10[%dma_wait3A_377, %dma_wait3A_382] : memref<24x128xi32, #tpu.memory_space<vmem>> -> memref<1x128xi32, #tpu.memory_space<vmem>>
      %dma_wait3A_384 = tpu.memref_squeeze %dma_wait3A_383 : memref<1x128xi32, #tpu.memory_space<vmem>> -> memref<128xi32, #tpu.memory_space<vmem>>
      %dma_wait3A_385 = arith.constant 0 : i32
      %dma_wait3A_386 = tpu.memref_slice %arg7[%dma_wait3A_385] : memref<1906688xf32, #tpu.memory_space<vmem_shared>> -> memref<1906688xf32, #tpu.memory_space<vmem_shared>>
      tpu.wait_indirect_dma semaphore(%arg12 : memref<!tpu.dma_semaphore, #tpu.memory_space<semaphore_mem>>) src(%dma_wait3A_386 : memref<1906688xf32, #tpu.memory_space<vmem_shared>>) dst(%dma_wait3A_381 : memref<128xf32, #tpu.memory_space<vmem>>)
      %dma_wait3A_387 = arith.constant 8 : i32
      %dma_wait3A_388 = arith.constant 8 : i32
      %dma_wait3A_389 = arith.constant 0 : i32
      %dma_wait3A_390 = tpu.memref_slice %arg11[%dma_wait3A_388, %dma_wait3A_389] : memref<24x128xf32, #tpu.memory_space<vmem>> -> memref<1x128xf32, #tpu.memory_space<vmem>>
      %dma_wait3A_391 = tpu.memref_squeeze %dma_wait3A_390 : memref<1x128xf32, #tpu.memory_space<vmem>> -> memref<128xf32, #tpu.memory_space<vmem>>
      %dma_wait3A_392 = arith.constant 0 : i32
      %dma_wait3A_393 = tpu.memref_slice %arg10[%dma_wait3A_387, %dma_wait3A_392] : memref<24x128xi32, #tpu.memory_space<vmem>> -> memref<1x128xi32, #tpu.memory_space<vmem>>
      %dma_wait3A_394 = tpu.memref_squeeze %dma_wait3A_393 : memref<1x128xi32, #tpu.memory_space<vmem>> -> memref<128xi32, #tpu.memory_space<vmem>>
      %dma_wait3A_395 = arith.constant 0 : i32
      %dma_wait3A_396 = tpu.memref_slice %arg7[%dma_wait3A_395] : memref<1906688xf32, #tpu.memory_space<vmem_shared>> -> memref<1906688xf32, #tpu.memory_space<vmem_shared>>
      tpu.wait_indirect_dma semaphore(%arg12 : memref<!tpu.dma_semaphore, #tpu.memory_space<semaphore_mem>>) src(%dma_wait3A_396 : memref<1906688xf32, #tpu.memory_space<vmem_shared>>) dst(%dma_wait3A_391 : memref<128xf32, #tpu.memory_space<vmem>>)
      %dma_wait3A_397 = arith.constant 9 : i32
      %dma_wait3A_398 = arith.constant 9 : i32
      %dma_wait3A_399 = arith.constant 0 : i32
      %dma_wait3A_400 = tpu.memref_slice %arg11[%dma_wait3A_398, %dma_wait3A_399] : memref<24x128xf32, #tpu.memory_space<vmem>> -> memref<1x128xf32, #tpu.memory_space<vmem>>
      %dma_wait3A_401 = tpu.memref_squeeze %dma_wait3A_400 : memref<1x128xf32, #tpu.memory_space<vmem>> -> memref<128xf32, #tpu.memory_space<vmem>>
      %dma_wait3A_402 = arith.constant 0 : i32
      %dma_wait3A_403 = tpu.memref_slice %arg10[%dma_wait3A_397, %dma_wait3A_402] : memref<24x128xi32, #tpu.memory_space<vmem>> -> memref<1x128xi32, #tpu.memory_space<vmem>>
      %dma_wait3A_404 = tpu.memref_squeeze %dma_wait3A_403 : memref<1x128xi32, #tpu.memory_space<vmem>> -> memref<128xi32, #tpu.memory_space<vmem>>
      %dma_wait3A_405 = arith.constant 0 : i32
      %dma_wait3A_406 = tpu.memref_slice %arg7[%dma_wait3A_405] : memref<1906688xf32, #tpu.memory_space<vmem_shared>> -> memref<1906688xf32, #tpu.memory_space<vmem_shared>>
      tpu.wait_indirect_dma semaphore(%arg12 : memref<!tpu.dma_semaphore, #tpu.memory_space<semaphore_mem>>) src(%dma_wait3A_406 : memref<1906688xf32, #tpu.memory_space<vmem_shared>>) dst(%dma_wait3A_401 : memref<128xf32, #tpu.memory_space<vmem>>)
      %dma_wait3A_407 = arith.constant 10 : i32
      %dma_wait3A_408 = arith.constant 10 : i32
      %dma_wait3A_409 = arith.constant 0 : i32
      %dma_wait3A_410 = tpu.memref_slice %arg11[%dma_wait3A_408, %dma_wait3A_409] : memref<24x128xf32, #tpu.memory_space<vmem>> -> memref<1x128xf32, #tpu.memory_space<vmem>>
      %dma_wait3A_411 = tpu.memref_squeeze %dma_wait3A_410 : memref<1x128xf32, #tpu.memory_space<vmem>> -> memref<128xf32, #tpu.memory_space<vmem>>
      %dma_wait3A_412 = arith.constant 0 : i32
      %dma_wait3A_413 = tpu.memref_slice %arg10[%dma_wait3A_407, %dma_wait3A_412] : memref<24x128xi32, #tpu.memory_space<vmem>> -> memref<1x128xi32, #tpu.memory_space<vmem>>
      %dma_wait3A_414 = tpu.memref_squeeze %dma_wait3A_413 : memref<1x128xi32, #tpu.memory_space<vmem>> -> memref<128xi32, #tpu.memory_space<vmem>>
      %dma_wait3A_415 = arith.constant 0 : i32
      %dma_wait3A_416 = tpu.memref_slice %arg7[%dma_wait3A_415] : memref<1906688xf32, #tpu.memory_space<vmem_shared>> -> memref<1906688xf32, #tpu.memory_space<vmem_shared>>
      tpu.wait_indirect_dma semaphore(%arg12 : memref<!tpu.dma_semaphore, #tpu.memory_space<semaphore_mem>>) src(%dma_wait3A_416 : memref<1906688xf32, #tpu.memory_space<vmem_shared>>) dst(%dma_wait3A_411 : memref<128xf32, #tpu.memory_space<vmem>>)
      %dma_wait3A_417 = arith.constant 11 : i32
      %dma_wait3A_418 = arith.constant 11 : i32
      %dma_wait3A_419 = arith.constant 0 : i32
      %dma_wait3A_420 = tpu.memref_slice %arg11[%dma_wait3A_418, %dma_wait3A_419] : memref<24x128xf32, #tpu.memory_space<vmem>> -> memref<1x128xf32, #tpu.memory_space<vmem>>
      %dma_wait3A_421 = tpu.memref_squeeze %dma_wait3A_420 : memref<1x128xf32, #tpu.memory_space<vmem>> -> memref<128xf32, #tpu.memory_space<vmem>>
      %dma_wait3A_422 = arith.constant 0 : i32
      %dma_wait3A_423 = tpu.memref_slice %arg10[%dma_wait3A_417, %dma_wait3A_422] : memref<24x128xi32, #tpu.memory_space<vmem>> -> memref<1x128xi32, #tpu.memory_space<vmem>>
      %dma_wait3A_424 = tpu.memref_squeeze %dma_wait3A_423 : memref<1x128xi32, #tpu.memory_space<vmem>> -> memref<128xi32, #tpu.memory_space<vmem>>
      %dma_wait3A_425 = arith.constant 0 : i32
      %dma_wait3A_426 = tpu.memref_slice %arg7[%dma_wait3A_425] : memref<1906688xf32, #tpu.memory_space<vmem_shared>> -> memref<1906688xf32, #tpu.memory_space<vmem_shared>>
      tpu.wait_indirect_dma semaphore(%arg12 : memref<!tpu.dma_semaphore, #tpu.memory_space<semaphore_mem>>) src(%dma_wait3A_426 : memref<1906688xf32, #tpu.memory_space<vmem_shared>>) dst(%dma_wait3A_421 : memref<128xf32, #tpu.memory_space<vmem>>)
      %dma_wait3A_427 = arith.constant 12 : i32
      %dma_wait3A_428 = arith.constant 12 : i32
      %dma_wait3A_429 = arith.constant 0 : i32
      %dma_wait3A_430 = tpu.memref_slice %arg11[%dma_wait3A_428, %dma_wait3A_429] : memref<24x128xf32, #tpu.memory_space<vmem>> -> memref<1x128xf32, #tpu.memory_space<vmem>>
      %dma_wait3A_431 = tpu.memref_squeeze %dma_wait3A_430 : memref<1x128xf32, #tpu.memory_space<vmem>> -> memref<128xf32, #tpu.memory_space<vmem>>
      %dma_wait3A_432 = arith.constant 0 : i32
      %dma_wait3A_433 = tpu.memref_slice %arg10[%dma_wait3A_427, %dma_wait3A_432] : memref<24x128xi32, #tpu.memory_space<vmem>> -> memref<1x128xi32, #tpu.memory_space<vmem>>
      %dma_wait3A_434 = tpu.memref_squeeze %dma_wait3A_433 : memref<1x128xi32, #tpu.memory_space<vmem>> -> memref<128xi32, #tpu.memory_space<vmem>>
      %dma_wait3A_435 = arith.constant 0 : i32
      %dma_wait3A_436 = tpu.memref_slice %arg7[%dma_wait3A_435] : memref<1906688xf32, #tpu.memory_space<vmem_shared>> -> memref<1906688xf32, #tpu.memory_space<vmem_shared>>
      tpu.wait_indirect_dma semaphore(%arg12 : memref<!tpu.dma_semaphore, #tpu.memory_space<semaphore_mem>>) src(%dma_wait3A_436 : memref<1906688xf32, #tpu.memory_space<vmem_shared>>) dst(%dma_wait3A_431 : memref<128xf32, #tpu.memory_space<vmem>>)
      %dma_wait3A_437 = arith.constant 13 : i32
      %dma_wait3A_438 = arith.constant 13 : i32
      %dma_wait3A_439 = arith.constant 0 : i32
      %dma_wait3A_440 = tpu.memref_slice %arg11[%dma_wait3A_438, %dma_wait3A_439] : memref<24x128xf32, #tpu.memory_space<vmem>> -> memref<1x128xf32, #tpu.memory_space<vmem>>
      %dma_wait3A_441 = tpu.memref_squeeze %dma_wait3A_440 : memref<1x128xf32, #tpu.memory_space<vmem>> -> memref<128xf32, #tpu.memory_space<vmem>>
      %dma_wait3A_442 = arith.constant 0 : i32
      %dma_wait3A_443 = tpu.memref_slice %arg10[%dma_wait3A_437, %dma_wait3A_442] : memref<24x128xi32, #tpu.memory_space<vmem>> -> memref<1x128xi32, #tpu.memory_space<vmem>>
      %dma_wait3A_444 = tpu.memref_squeeze %dma_wait3A_443 : memref<1x128xi32, #tpu.memory_space<vmem>> -> memref<128xi32, #tpu.memory_space<vmem>>
      %dma_wait3A_445 = arith.constant 0 : i32
      %dma_wait3A_446 = tpu.memref_slice %arg7[%dma_wait3A_445] : memref<1906688xf32, #tpu.memory_space<vmem_shared>> -> memref<1906688xf32, #tpu.memory_space<vmem_shared>>
      tpu.wait_indirect_dma semaphore(%arg12 : memref<!tpu.dma_semaphore, #tpu.memory_space<semaphore_mem>>) src(%dma_wait3A_446 : memref<1906688xf32, #tpu.memory_space<vmem_shared>>) dst(%dma_wait3A_441 : memref<128xf32, #tpu.memory_space<vmem>>)
      %dma_wait3A_447 = arith.constant 14 : i32
      %dma_wait3A_448 = arith.constant 14 : i32
      %dma_wait3A_449 = arith.constant 0 : i32
      %dma_wait3A_450 = tpu.memref_slice %arg11[%dma_wait3A_448, %dma_wait3A_449] : memref<24x128xf32, #tpu.memory_space<vmem>> -> memref<1x128xf32, #tpu.memory_space<vmem>>
      %dma_wait3A_451 = tpu.memref_squeeze %dma_wait3A_450 : memref<1x128xf32, #tpu.memory_space<vmem>> -> memref<128xf32, #tpu.memory_space<vmem>>
      %dma_wait3A_452 = arith.constant 0 : i32
      %dma_wait3A_453 = tpu.memref_slice %arg10[%dma_wait3A_447, %dma_wait3A_452] : memref<24x128xi32, #tpu.memory_space<vmem>> -> memref<1x128xi32, #tpu.memory_space<vmem>>
      %dma_wait3A_454 = tpu.memref_squeeze %dma_wait3A_453 : memref<1x128xi32, #tpu.memory_space<vmem>> -> memref<128xi32, #tpu.memory_space<vmem>>
      %dma_wait3A_455 = arith.constant 0 : i32
      %dma_wait3A_456 = tpu.memref_slice %arg7[%dma_wait3A_455] : memref<1906688xf32, #tpu.memory_space<vmem_shared>> -> memref<1906688xf32, #tpu.memory_space<vmem_shared>>
      tpu.wait_indirect_dma semaphore(%arg12 : memref<!tpu.dma_semaphore, #tpu.memory_space<semaphore_mem>>) src(%dma_wait3A_456 : memref<1906688xf32, #tpu.memory_space<vmem_shared>>) dst(%dma_wait3A_451 : memref<128xf32, #tpu.memory_space<vmem>>)
      %dma_wait3A_457 = arith.constant 15 : i32
      %dma_wait3A_458 = arith.constant 15 : i32
      %dma_wait3A_459 = arith.constant 0 : i32
      %dma_wait3A_460 = tpu.memref_slice %arg11[%dma_wait3A_458, %dma_wait3A_459] : memref<24x128xf32, #tpu.memory_space<vmem>> -> memref<1x128xf32, #tpu.memory_space<vmem>>
      %dma_wait3A_461 = tpu.memref_squeeze %dma_wait3A_460 : memref<1x128xf32, #tpu.memory_space<vmem>> -> memref<128xf32, #tpu.memory_space<vmem>>
      %dma_wait3A_462 = arith.constant 0 : i32
      %dma_wait3A_463 = tpu.memref_slice %arg10[%dma_wait3A_457, %dma_wait3A_462] : memref<24x128xi32, #tpu.memory_space<vmem>> -> memref<1x128xi32, #tpu.memory_space<vmem>>
      %dma_wait3A_464 = tpu.memref_squeeze %dma_wait3A_463 : memref<1x128xi32, #tpu.memory_space<vmem>> -> memref<128xi32, #tpu.memory_space<vmem>>
      %dma_wait3A_465 = arith.constant 0 : i32
      %dma_wait3A_466 = tpu.memref_slice %arg7[%dma_wait3A_465] : memref<1906688xf32, #tpu.memory_space<vmem_shared>> -> memref<1906688xf32, #tpu.memory_space<vmem_shared>>
      tpu.wait_indirect_dma semaphore(%arg12 : memref<!tpu.dma_semaphore, #tpu.memory_space<semaphore_mem>>) src(%dma_wait3A_466 : memref<1906688xf32, #tpu.memory_space<vmem_shared>>) dst(%dma_wait3A_461 : memref<128xf32, #tpu.memory_space<vmem>>)
      %dma_wait3A_467 = arith.constant 16 : i32
      %dma_wait3A_468 = arith.constant 16 : i32
      %dma_wait3A_469 = arith.constant 0 : i32
      %dma_wait3A_470 = tpu.memref_slice %arg11[%dma_wait3A_468, %dma_wait3A_469] : memref<24x128xf32, #tpu.memory_space<vmem>> -> memref<1x128xf32, #tpu.memory_space<vmem>>
      %dma_wait3A_471 = tpu.memref_squeeze %dma_wait3A_470 : memref<1x128xf32, #tpu.memory_space<vmem>> -> memref<128xf32, #tpu.memory_space<vmem>>
      %dma_wait3A_472 = arith.constant 0 : i32
      %dma_wait3A_473 = tpu.memref_slice %arg10[%dma_wait3A_467, %dma_wait3A_472] : memref<24x128xi32, #tpu.memory_space<vmem>> -> memref<1x128xi32, #tpu.memory_space<vmem>>
      %dma_wait3A_474 = tpu.memref_squeeze %dma_wait3A_473 : memref<1x128xi32, #tpu.memory_space<vmem>> -> memref<128xi32, #tpu.memory_space<vmem>>
      %dma_wait3A_475 = arith.constant 0 : i32
      %dma_wait3A_476 = tpu.memref_slice %arg7[%dma_wait3A_475] : memref<1906688xf32, #tpu.memory_space<vmem_shared>> -> memref<1906688xf32, #tpu.memory_space<vmem_shared>>
      tpu.wait_indirect_dma semaphore(%arg12 : memref<!tpu.dma_semaphore, #tpu.memory_space<semaphore_mem>>) src(%dma_wait3A_476 : memref<1906688xf32, #tpu.memory_space<vmem_shared>>) dst(%dma_wait3A_471 : memref<128xf32, #tpu.memory_space<vmem>>)
      %dma_wait3A_477 = arith.constant 17 : i32
      %dma_wait3A_478 = arith.constant 17 : i32
      %dma_wait3A_479 = arith.constant 0 : i32
      %dma_wait3A_480 = tpu.memref_slice %arg11[%dma_wait3A_478, %dma_wait3A_479] : memref<24x128xf32, #tpu.memory_space<vmem>> -> memref<1x128xf32, #tpu.memory_space<vmem>>
      %dma_wait3A_481 = tpu.memref_squeeze %dma_wait3A_480 : memref<1x128xf32, #tpu.memory_space<vmem>> -> memref<128xf32, #tpu.memory_space<vmem>>
      %dma_wait3A_482 = arith.constant 0 : i32
      %dma_wait3A_483 = tpu.memref_slice %arg10[%dma_wait3A_477, %dma_wait3A_482] : memref<24x128xi32, #tpu.memory_space<vmem>> -> memref<1x128xi32, #tpu.memory_space<vmem>>
      %dma_wait3A_484 = tpu.memref_squeeze %dma_wait3A_483 : memref<1x128xi32, #tpu.memory_space<vmem>> -> memref<128xi32, #tpu.memory_space<vmem>>
      %dma_wait3A_485 = arith.constant 0 : i32
      %dma_wait3A_486 = tpu.memref_slice %arg7[%dma_wait3A_485] : memref<1906688xf32, #tpu.memory_space<vmem_shared>> -> memref<1906688xf32, #tpu.memory_space<vmem_shared>>
      tpu.wait_indirect_dma semaphore(%arg12 : memref<!tpu.dma_semaphore, #tpu.memory_space<semaphore_mem>>) src(%dma_wait3A_486 : memref<1906688xf32, #tpu.memory_space<vmem_shared>>) dst(%dma_wait3A_481 : memref<128xf32, #tpu.memory_space<vmem>>)
      %dma_wait3A_487 = arith.constant 18 : i32
      %dma_wait3A_488 = arith.constant 18 : i32
      %dma_wait3A_489 = arith.constant 0 : i32
      %dma_wait3A_490 = tpu.memref_slice %arg11[%dma_wait3A_488, %dma_wait3A_489] : memref<24x128xf32, #tpu.memory_space<vmem>> -> memref<1x128xf32, #tpu.memory_space<vmem>>
      %dma_wait3A_491 = tpu.memref_squeeze %dma_wait3A_490 : memref<1x128xf32, #tpu.memory_space<vmem>> -> memref<128xf32, #tpu.memory_space<vmem>>
      %dma_wait3A_492 = arith.constant 0 : i32
      %dma_wait3A_493 = tpu.memref_slice %arg10[%dma_wait3A_487, %dma_wait3A_492] : memref<24x128xi32, #tpu.memory_space<vmem>> -> memref<1x128xi32, #tpu.memory_space<vmem>>
      %dma_wait3A_494 = tpu.memref_squeeze %dma_wait3A_493 : memref<1x128xi32, #tpu.memory_space<vmem>> -> memref<128xi32, #tpu.memory_space<vmem>>
      %dma_wait3A_495 = arith.constant 0 : i32
      %dma_wait3A_496 = tpu.memref_slice %arg7[%dma_wait3A_495] : memref<1906688xf32, #tpu.memory_space<vmem_shared>> -> memref<1906688xf32, #tpu.memory_space<vmem_shared>>
      tpu.wait_indirect_dma semaphore(%arg12 : memref<!tpu.dma_semaphore, #tpu.memory_space<semaphore_mem>>) src(%dma_wait3A_496 : memref<1906688xf32, #tpu.memory_space<vmem_shared>>) dst(%dma_wait3A_491 : memref<128xf32, #tpu.memory_space<vmem>>)
      %dma_wait3A_497 = arith.constant 19 : i32
      %dma_wait3A_498 = arith.constant 19 : i32
      %dma_wait3A_499 = arith.constant 0 : i32
      %dma_wait3A_500 = tpu.memref_slice %arg11[%dma_wait3A_498, %dma_wait3A_499] : memref<24x128xf32, #tpu.memory_space<vmem>> -> memref<1x128xf32, #tpu.memory_space<vmem>>
      %dma_wait3A_501 = tpu.memref_squeeze %dma_wait3A_500 : memref<1x128xf32, #tpu.memory_space<vmem>> -> memref<128xf32, #tpu.memory_space<vmem>>
      %dma_wait3A_502 = arith.constant 0 : i32
      %dma_wait3A_503 = tpu.memref_slice %arg10[%dma_wait3A_497, %dma_wait3A_502] : memref<24x128xi32, #tpu.memory_space<vmem>> -> memref<1x128xi32, #tpu.memory_space<vmem>>
      %dma_wait3A_504 = tpu.memref_squeeze %dma_wait3A_503 : memref<1x128xi32, #tpu.memory_space<vmem>> -> memref<128xi32, #tpu.memory_space<vmem>>
      %dma_wait3A_505 = arith.constant 0 : i32
      %dma_wait3A_506 = tpu.memref_slice %arg7[%dma_wait3A_505] : memref<1906688xf32, #tpu.memory_space<vmem_shared>> -> memref<1906688xf32, #tpu.memory_space<vmem_shared>>
      tpu.wait_indirect_dma semaphore(%arg12 : memref<!tpu.dma_semaphore, #tpu.memory_space<semaphore_mem>>) src(%dma_wait3A_506 : memref<1906688xf32, #tpu.memory_space<vmem_shared>>) dst(%dma_wait3A_501 : memref<128xf32, #tpu.memory_space<vmem>>)
      %dma_wait3A_507 = arith.constant 20 : i32
      %dma_wait3A_508 = arith.constant 20 : i32
      %dma_wait3A_509 = arith.constant 0 : i32
      %dma_wait3A_510 = tpu.memref_slice %arg11[%dma_wait3A_508, %dma_wait3A_509] : memref<24x128xf32, #tpu.memory_space<vmem>> -> memref<1x128xf32, #tpu.memory_space<vmem>>
      %dma_wait3A_511 = tpu.memref_squeeze %dma_wait3A_510 : memref<1x128xf32, #tpu.memory_space<vmem>> -> memref<128xf32, #tpu.memory_space<vmem>>
      %dma_wait3A_512 = arith.constant 0 : i32
      %dma_wait3A_513 = tpu.memref_slice %arg10[%dma_wait3A_507, %dma_wait3A_512] : memref<24x128xi32, #tpu.memory_space<vmem>> -> memref<1x128xi32, #tpu.memory_space<vmem>>
      %dma_wait3A_514 = tpu.memref_squeeze %dma_wait3A_513 : memref<1x128xi32, #tpu.memory_space<vmem>> -> memref<128xi32, #tpu.memory_space<vmem>>
      %dma_wait3A_515 = arith.constant 0 : i32
      %dma_wait3A_516 = tpu.memref_slice %arg7[%dma_wait3A_515] : memref<1906688xf32, #tpu.memory_space<vmem_shared>> -> memref<1906688xf32, #tpu.memory_space<vmem_shared>>
      tpu.wait_indirect_dma semaphore(%arg12 : memref<!tpu.dma_semaphore, #tpu.memory_space<semaphore_mem>>) src(%dma_wait3A_516 : memref<1906688xf32, #tpu.memory_space<vmem_shared>>) dst(%dma_wait3A_511 : memref<128xf32, #tpu.memory_space<vmem>>)
      %dma_wait3A_517 = arith.constant 21 : i32
      %dma_wait3A_518 = arith.constant 21 : i32
      %dma_wait3A_519 = arith.constant 0 : i32
      %dma_wait3A_520 = tpu.memref_slice %arg11[%dma_wait3A_518, %dma_wait3A_519] : memref<24x128xf32, #tpu.memory_space<vmem>> -> memref<1x128xf32, #tpu.memory_space<vmem>>
      %dma_wait3A_521 = tpu.memref_squeeze %dma_wait3A_520 : memref<1x128xf32, #tpu.memory_space<vmem>> -> memref<128xf32, #tpu.memory_space<vmem>>
      %dma_wait3A_522 = arith.constant 0 : i32
      %dma_wait3A_523 = tpu.memref_slice %arg10[%dma_wait3A_517, %dma_wait3A_522] : memref<24x128xi32, #tpu.memory_space<vmem>> -> memref<1x128xi32, #tpu.memory_space<vmem>>
      %dma_wait3A_524 = tpu.memref_squeeze %dma_wait3A_523 : memref<1x128xi32, #tpu.memory_space<vmem>> -> memref<128xi32, #tpu.memory_space<vmem>>
      %dma_wait3A_525 = arith.constant 0 : i32
      %dma_wait3A_526 = tpu.memref_slice %arg7[%dma_wait3A_525] : memref<1906688xf32, #tpu.memory_space<vmem_shared>> -> memref<1906688xf32, #tpu.memory_space<vmem_shared>>
      tpu.wait_indirect_dma semaphore(%arg12 : memref<!tpu.dma_semaphore, #tpu.memory_space<semaphore_mem>>) src(%dma_wait3A_526 : memref<1906688xf32, #tpu.memory_space<vmem_shared>>) dst(%dma_wait3A_521 : memref<128xf32, #tpu.memory_space<vmem>>)
      %dma_wait3A_527 = arith.constant 22 : i32
      %dma_wait3A_528 = arith.constant 22 : i32
      %dma_wait3A_529 = arith.constant 0 : i32
      %dma_wait3A_530 = tpu.memref_slice %arg11[%dma_wait3A_528, %dma_wait3A_529] : memref<24x128xf32, #tpu.memory_space<vmem>> -> memref<1x128xf32, #tpu.memory_space<vmem>>
      %dma_wait3A_531 = tpu.memref_squeeze %dma_wait3A_530 : memref<1x128xf32, #tpu.memory_space<vmem>> -> memref<128xf32, #tpu.memory_space<vmem>>
      %dma_wait3A_532 = arith.constant 0 : i32
      %dma_wait3A_533 = tpu.memref_slice %arg10[%dma_wait3A_527, %dma_wait3A_532] : memref<24x128xi32, #tpu.memory_space<vmem>> -> memref<1x128xi32, #tpu.memory_space<vmem>>
      %dma_wait3A_534 = tpu.memref_squeeze %dma_wait3A_533 : memref<1x128xi32, #tpu.memory_space<vmem>> -> memref<128xi32, #tpu.memory_space<vmem>>
      %dma_wait3A_535 = arith.constant 0 : i32
      %dma_wait3A_536 = tpu.memref_slice %arg7[%dma_wait3A_535] : memref<1906688xf32, #tpu.memory_space<vmem_shared>> -> memref<1906688xf32, #tpu.memory_space<vmem_shared>>
      tpu.wait_indirect_dma semaphore(%arg12 : memref<!tpu.dma_semaphore, #tpu.memory_space<semaphore_mem>>) src(%dma_wait3A_536 : memref<1906688xf32, #tpu.memory_space<vmem_shared>>) dst(%dma_wait3A_531 : memref<128xf32, #tpu.memory_space<vmem>>)
      %dma_wait3A_537 = arith.constant 23 : i32
      %dma_wait3A_538 = arith.constant 23 : i32
      %dma_wait3A_539 = arith.constant 0 : i32
      %dma_wait3A_540 = tpu.memref_slice %arg11[%dma_wait3A_538, %dma_wait3A_539] : memref<24x128xf32, #tpu.memory_space<vmem>> -> memref<1x128xf32, #tpu.memory_space<vmem>>
      %dma_wait3A_541 = tpu.memref_squeeze %dma_wait3A_540 : memref<1x128xf32, #tpu.memory_space<vmem>> -> memref<128xf32, #tpu.memory_space<vmem>>
      %dma_wait3A_542 = arith.constant 0 : i32
      %dma_wait3A_543 = tpu.memref_slice %arg10[%dma_wait3A_537, %dma_wait3A_542] : memref<24x128xi32, #tpu.memory_space<vmem>> -> memref<1x128xi32, #tpu.memory_space<vmem>>
      %dma_wait3A_544 = tpu.memref_squeeze %dma_wait3A_543 : memref<1x128xi32, #tpu.memory_space<vmem>> -> memref<128xi32, #tpu.memory_space<vmem>>
      %dma_wait3A_545 = arith.constant 0 : i32
      %dma_wait3A_546 = tpu.memref_slice %arg7[%dma_wait3A_545] : memref<1906688xf32, #tpu.memory_space<vmem_shared>> -> memref<1906688xf32, #tpu.memory_space<vmem_shared>>
      tpu.wait_indirect_dma semaphore(%arg12 : memref<!tpu.dma_semaphore, #tpu.memory_space<semaphore_mem>>) src(%dma_wait3A_546 : memref<1906688xf32, #tpu.memory_space<vmem_shared>>) dst(%dma_wait3A_541 : memref<128xf32, #tpu.memory_space<vmem>>)
      "tpu.region"() ({
        %run_scoped3A_547 = tpu.sem_alloc : memref<!tpu.dma_semaphore, #tpu.memory_space<semaphore_mem>>
        %dma_start3A_548 = arith.constant 0 : i32
        %dma_start3A_549 = tpu.memref_slice %arg6[%add3A_6, %multiple_of3A_66, %dma_start3A_548] : memref<4x768x128xf32, #tpu.memory_space<hbm>> -> memref<1x24x128xf32, #tpu.memory_space<hbm>>
        %dma_start3A_550 = tpu.memref_squeeze %dma_start3A_549 : memref<1x24x128xf32, #tpu.memory_space<hbm>> -> memref<24x128xf32, #tpu.memory_space<hbm>>
        %dma_start3A_551 = arith.constant 0 : i32
        %dma_start3A_552 = tpu.memref_slice %arg6[%add3A_6, %multiple_of3A_66, %dma_start3A_551] : memref<4x768x128xf32, #tpu.memory_space<hbm>> -> memref<1x24x128xf32, #tpu.memory_space<hbm>>
        %dma_start3A_553 = tpu.memref_squeeze %dma_start3A_552 : memref<1x24x128xf32, #tpu.memory_space<hbm>> -> memref<24x128xf32, #tpu.memory_space<hbm>>
        tpu.enqueue_dma source(%arg11 : memref<24x128xf32, #tpu.memory_space<vmem>>) target(%dma_start3A_553 : memref<24x128xf32, #tpu.memory_space<hbm>>) target_semaphore(%run_scoped3A_547 : memref<!tpu.dma_semaphore, #tpu.memory_space<semaphore_mem>>)
        %dma_wait3A_554 = arith.constant 0 : i32
        %dma_wait3A_555 = tpu.memref_slice %arg6[%add3A_6, %multiple_of3A_66, %dma_wait3A_554] : memref<4x768x128xf32, #tpu.memory_space<hbm>> -> memref<1x24x128xf32, #tpu.memory_space<hbm>>
        %dma_wait3A_556 = tpu.memref_squeeze %dma_wait3A_555 : memref<1x24x128xf32, #tpu.memory_space<hbm>> -> memref<24x128xf32, #tpu.memory_space<hbm>>
        %dma_wait3A_557 = arith.constant 0 : i32
        %dma_wait3A_558 = tpu.memref_slice %arg6[%add3A_6, %multiple_of3A_66, %dma_wait3A_557] : memref<4x768x128xf32, #tpu.memory_space<hbm>> -> memref<1x24x128xf32, #tpu.memory_space<hbm>>
        %dma_wait3A_559 = tpu.memref_squeeze %dma_wait3A_558 : memref<1x24x128xf32, #tpu.memory_space<hbm>> -> memref<24x128xf32, #tpu.memory_space<hbm>>
        tpu.wait_dma2 semaphore(%run_scoped3A_547 : memref<!tpu.dma_semaphore, #tpu.memory_space<semaphore_mem>>) src(%arg11 : memref<24x128xf32, #tpu.memory_space<vmem>>) dst(%dma_wait3A_559 : memref<24x128xf32, #tpu.memory_space<hbm>>)
        tpu.yield
      }) : () -> ()
    }
    %scan3A_27 = arith.constant 2 : i32
    %barrier3A_28 = arith.constant 0 : index
    tpu.barrier barrier_id(%barrier3A_28)
    %mul3A_29 = arith.constant 2 : i32
    %mul3A_30 = arith.muli %arg0, %mul3A_29 : i32
    %add3A_31 = arith.constant 1 : i32
    %add3A_32 = arith.addi %mul3A_30, %add3A_31 : i32
    %dma_start3A_33 = tpu.memref_slice %arg7[%multiple_of3A] : memref<1906688xf32, #tpu.memory_space<vmem_shared>> -> memref<119168xf32, #tpu.memory_space<vmem_shared>>
    tpu.enqueue_dma source(%arg5 : memref<119168xf32, #tpu.memory_space<hbm>>) target(%dma_start3A_33 : memref<119168xf32, #tpu.memory_space<vmem_shared>>) target_semaphore(%arg12 : memref<!tpu.dma_semaphore, #tpu.memory_space<semaphore_mem>>)
    "tpu.region"() ({
      %run_scoped3A_60 = tpu.sem_alloc : memref<!tpu.dma_semaphore, #tpu.memory_space<semaphore_mem>>
      %dma_start3A_61 = arith.constant 0 : i32
      %dma_start3A_62 = tpu.memref_slice %arg2[%multiple_of3A_3, %dma_start3A_61] : memref<128x128xi32, #tpu.memory_space<hbm>> -> memref<8x128xi32, #tpu.memory_space<hbm>>
      %dma_start3A_63 = arith.constant 0 : i32
      %dma_start3A_64 = tpu.memref_slice %arg2[%multiple_of3A_3, %dma_start3A_63] : memref<128x128xi32, #tpu.memory_space<hbm>> -> memref<8x128xi32, #tpu.memory_space<hbm>>
      tpu.enqueue_dma source(%dma_start3A_64 : memref<8x128xi32, #tpu.memory_space<hbm>>) target(%arg8 : memref<8x128xi32, #tpu.memory_space<vmem>>) target_semaphore(%run_scoped3A_60 : memref<!tpu.dma_semaphore, #tpu.memory_space<semaphore_mem>>)
      %dma_wait3A_65 = arith.constant 0 : i32
      %dma_wait3A_66 = tpu.memref_slice %arg2[%multiple_of3A_3, %dma_wait3A_65] : memref<128x128xi32, #tpu.memory_space<hbm>> -> memref<8x128xi32, #tpu.memory_space<hbm>>
      %dma_wait3A_67 = arith.constant 0 : i32
      %dma_wait3A_68 = tpu.memref_slice %arg2[%multiple_of3A_3, %dma_wait3A_67] : memref<128x128xi32, #tpu.memory_space<hbm>> -> memref<8x128xi32, #tpu.memory_space<hbm>>
      tpu.wait_dma2 semaphore(%run_scoped3A_60 : memref<!tpu.dma_semaphore, #tpu.memory_space<semaphore_mem>>) src(%dma_wait3A_68 : memref<8x128xi32, #tpu.memory_space<hbm>>) dst(%arg8 : memref<8x128xi32, #tpu.memory_space<vmem>>)
      tpu.yield
    }) : () -> ()
    "tpu.region"() ({
      %run_scoped3A_60 = tpu.sem_alloc : memref<!tpu.dma_semaphore, #tpu.memory_space<semaphore_mem>>
      %dma_start3A_61 = arith.constant 0 : i32
      %dma_start3A_62 = tpu.memref_slice %arg3[%add3A_32, %multiple_of3A_3, %dma_start3A_61] : memref<4x128x128xf32, #tpu.memory_space<hbm>> -> memref<1x8x128xf32, #tpu.memory_space<hbm>>
      %dma_start3A_63 = tpu.memref_squeeze %dma_start3A_62 : memref<1x8x128xf32, #tpu.memory_space<hbm>> -> memref<8x128xf32, #tpu.memory_space<hbm>>
      %dma_start3A_64 = arith.constant 0 : i32
      %dma_start3A_65 = tpu.memref_slice %arg3[%add3A_32, %multiple_of3A_3, %dma_start3A_64] : memref<4x128x128xf32, #tpu.memory_space<hbm>> -> memref<1x8x128xf32, #tpu.memory_space<hbm>>
      %dma_start3A_66 = tpu.memref_squeeze %dma_start3A_65 : memref<1x8x128xf32, #tpu.memory_space<hbm>> -> memref<8x128xf32, #tpu.memory_space<hbm>>
      tpu.enqueue_dma source(%dma_start3A_66 : memref<8x128xf32, #tpu.memory_space<hbm>>) target(%arg9 : memref<8x128xf32, #tpu.memory_space<vmem>>) target_semaphore(%run_scoped3A_60 : memref<!tpu.dma_semaphore, #tpu.memory_space<semaphore_mem>>)
      %dma_wait3A_67 = arith.constant 0 : i32
      %dma_wait3A_68 = tpu.memref_slice %arg3[%add3A_32, %multiple_of3A_3, %dma_wait3A_67] : memref<4x128x128xf32, #tpu.memory_space<hbm>> -> memref<1x8x128xf32, #tpu.memory_space<hbm>>
      %dma_wait3A_69 = tpu.memref_squeeze %dma_wait3A_68 : memref<1x8x128xf32, #tpu.memory_space<hbm>> -> memref<8x128xf32, #tpu.memory_space<hbm>>
      %dma_wait3A_70 = arith.constant 0 : i32
      %dma_wait3A_71 = tpu.memref_slice %arg3[%add3A_32, %multiple_of3A_3, %dma_wait3A_70] : memref<4x128x128xf32, #tpu.memory_space<hbm>> -> memref<1x8x128xf32, #tpu.memory_space<hbm>>
      %dma_wait3A_72 = tpu.memref_squeeze %dma_wait3A_71 : memref<1x8x128xf32, #tpu.memory_space<hbm>> -> memref<8x128xf32, #tpu.memory_space<hbm>>
      tpu.wait_dma2 semaphore(%run_scoped3A_60 : memref<!tpu.dma_semaphore, #tpu.memory_space<semaphore_mem>>) src(%dma_wait3A_72 : memref<8x128xf32, #tpu.memory_space<hbm>>) dst(%arg9 : memref<8x128xf32, #tpu.memory_space<vmem>>)
      tpu.yield
    }) : () -> ()
    %dma_wait3A_34 = tpu.memref_slice %arg7[%multiple_of3A] : memref<1906688xf32, #tpu.memory_space<vmem_shared>> -> memref<119168xf32, #tpu.memory_space<vmem_shared>>
    tpu.wait_dma2 semaphore(%arg12 : memref<!tpu.dma_semaphore, #tpu.memory_space<semaphore_mem>>) src(%arg5 : memref<119168xf32, #tpu.memory_space<hbm>>) dst(%dma_wait3A_34 : memref<119168xf32, #tpu.memory_space<vmem_shared>>)
    %barrier3A_35 = arith.constant 0 : index
    tpu.barrier barrier_id(%barrier3A_35)
    %run_scoped3A_36 = arith.constant 0 : i32
    %run_scoped3A_37 = arith.constant 0 : i32
    "tpu.region"() ({
      %run_scoped3A_60 = tpu.sem_alloc : memref<!tpu.dma_semaphore, #tpu.memory_space<semaphore_mem>>
      %dma_start3A_61 = arith.constant 0 : i32
      %dma_start3A_62 = tpu.memref_slice %arg9[%run_scoped3A_36, %dma_start3A_61] : memref<8x128xf32, #tpu.memory_space<vmem>> -> memref<1x128xf32, #tpu.memory_space<vmem>>
      %dma_start3A_63 = tpu.memref_squeeze %dma_start3A_62 : memref<1x128xf32, #tpu.memory_space<vmem>> -> memref<128xf32, #tpu.memory_space<vmem>>
      %dma_start3A_64 = arith.constant 0 : i32
      %dma_start3A_65 = tpu.memref_slice %arg8[%run_scoped3A_37, %dma_start3A_64] : memref<8x128xi32, #tpu.memory_space<vmem>> -> memref<1x128xi32, #tpu.memory_space<vmem>>
      %dma_start3A_66 = tpu.memref_squeeze %dma_start3A_65 : memref<1x128xi32, #tpu.memory_space<vmem>> -> memref<128xi32, #tpu.memory_space<vmem>>
      %dma_start3A_67 = arith.constant 0 : i32
      %dma_start3A_68 = tpu.memref_slice %arg7[%dma_start3A_67] : memref<1906688xf32, #tpu.memory_space<vmem_shared>> -> memref<1906688xf32, #tpu.memory_space<vmem_shared>>
      tpu.enqueue_indirect_dma source(%dma_start3A_63 : memref<128xf32, #tpu.memory_space<vmem>>) target(%dma_start3A_68 : memref<1906688xf32, #tpu.memory_space<vmem_shared>>) offsets(%dma_start3A_66 : memref<128xi32, #tpu.memory_space<vmem>>) semaphore(%run_scoped3A_60 : memref<!tpu.dma_semaphore, #tpu.memory_space<semaphore_mem>>) {add = true}
      %dma_wait3A_69 = arith.constant 0 : i32
      %dma_wait3A_70 = tpu.memref_slice %arg9[%run_scoped3A_36, %dma_wait3A_69] : memref<8x128xf32, #tpu.memory_space<vmem>> -> memref<1x128xf32, #tpu.memory_space<vmem>>
      %dma_wait3A_71 = tpu.memref_squeeze %dma_wait3A_70 : memref<1x128xf32, #tpu.memory_space<vmem>> -> memref<128xf32, #tpu.memory_space<vmem>>
      %dma_wait3A_72 = arith.constant 0 : i32
      %dma_wait3A_73 = tpu.memref_slice %arg8[%run_scoped3A_37, %dma_wait3A_72] : memref<8x128xi32, #tpu.memory_space<vmem>> -> memref<1x128xi32, #tpu.memory_space<vmem>>
      %dma_wait3A_74 = tpu.memref_squeeze %dma_wait3A_73 : memref<1x128xi32, #tpu.memory_space<vmem>> -> memref<128xi32, #tpu.memory_space<vmem>>
      %dma_wait3A_75 = arith.constant 0 : i32
      %dma_wait3A_76 = tpu.memref_slice %arg7[%dma_wait3A_75] : memref<1906688xf32, #tpu.memory_space<vmem_shared>> -> memref<1906688xf32, #tpu.memory_space<vmem_shared>>
      tpu.wait_indirect_dma semaphore(%run_scoped3A_60 : memref<!tpu.dma_semaphore, #tpu.memory_space<semaphore_mem>>) src(%dma_wait3A_71 : memref<128xf32, #tpu.memory_space<vmem>>) dst(%dma_wait3A_76 : memref<1906688xf32, #tpu.memory_space<vmem_shared>>)
      tpu.yield
    }) : () -> ()
    %run_scoped3A_38 = arith.constant 1 : i32
    %run_scoped3A_39 = arith.constant 1 : i32
    "tpu.region"() ({
      %run_scoped3A_60 = tpu.sem_alloc : memref<!tpu.dma_semaphore, #tpu.memory_space<semaphore_mem>>
      %dma_start3A_61 = arith.constant 0 : i32
      %dma_start3A_62 = tpu.memref_slice %arg9[%run_scoped3A_38, %dma_start3A_61] : memref<8x128xf32, #tpu.memory_space<vmem>> -> memref<1x128xf32, #tpu.memory_space<vmem>>
      %dma_start3A_63 = tpu.memref_squeeze %dma_start3A_62 : memref<1x128xf32, #tpu.memory_space<vmem>> -> memref<128xf32, #tpu.memory_space<vmem>>
      %dma_start3A_64 = arith.constant 0 : i32
      %dma_start3A_65 = tpu.memref_slice %arg8[%run_scoped3A_39, %dma_start3A_64] : memref<8x128xi32, #tpu.memory_space<vmem>> -> memref<1x128xi32, #tpu.memory_space<vmem>>
      %dma_start3A_66 = tpu.memref_squeeze %dma_start3A_65 : memref<1x128xi32, #tpu.memory_space<vmem>> -> memref<128xi32, #tpu.memory_space<vmem>>
      %dma_start3A_67 = arith.constant 0 : i32
      %dma_start3A_68 = tpu.memref_slice %arg7[%dma_start3A_67] : memref<1906688xf32, #tpu.memory_space<vmem_shared>> -> memref<1906688xf32, #tpu.memory_space<vmem_shared>>
      tpu.enqueue_indirect_dma source(%dma_start3A_63 : memref<128xf32, #tpu.memory_space<vmem>>) target(%dma_start3A_68 : memref<1906688xf32, #tpu.memory_space<vmem_shared>>) offsets(%dma_start3A_66 : memref<128xi32, #tpu.memory_space<vmem>>) semaphore(%run_scoped3A_60 : memref<!tpu.dma_semaphore, #tpu.memory_space<semaphore_mem>>) {add = true}
      %dma_wait3A_69 = arith.constant 0 : i32
      %dma_wait3A_70 = tpu.memref_slice %arg9[%run_scoped3A_38, %dma_wait3A_69] : memref<8x128xf32, #tpu.memory_space<vmem>> -> memref<1x128xf32, #tpu.memory_space<vmem>>
      %dma_wait3A_71 = tpu.memref_squeeze %dma_wait3A_70 : memref<1x128xf32, #tpu.memory_space<vmem>> -> memref<128xf32, #tpu.memory_space<vmem>>
      %dma_wait3A_72 = arith.constant 0 : i32
      %dma_wait3A_73 = tpu.memref_slice %arg8[%run_scoped3A_39, %dma_wait3A_72] : memref<8x128xi32, #tpu.memory_space<vmem>> -> memref<1x128xi32, #tpu.memory_space<vmem>>
      %dma_wait3A_74 = tpu.memref_squeeze %dma_wait3A_73 : memref<1x128xi32, #tpu.memory_space<vmem>> -> memref<128xi32, #tpu.memory_space<vmem>>
      %dma_wait3A_75 = arith.constant 0 : i32
      %dma_wait3A_76 = tpu.memref_slice %arg7[%dma_wait3A_75] : memref<1906688xf32, #tpu.memory_space<vmem_shared>> -> memref<1906688xf32, #tpu.memory_space<vmem_shared>>
      tpu.wait_indirect_dma semaphore(%run_scoped3A_60 : memref<!tpu.dma_semaphore, #tpu.memory_space<semaphore_mem>>) src(%dma_wait3A_71 : memref<128xf32, #tpu.memory_space<vmem>>) dst(%dma_wait3A_76 : memref<1906688xf32, #tpu.memory_space<vmem_shared>>)
      tpu.yield
    }) : () -> ()
    %run_scoped3A_40 = arith.constant 2 : i32
    %run_scoped3A_41 = arith.constant 2 : i32
    "tpu.region"() ({
      %run_scoped3A_60 = tpu.sem_alloc : memref<!tpu.dma_semaphore, #tpu.memory_space<semaphore_mem>>
      %dma_start3A_61 = arith.constant 0 : i32
      %dma_start3A_62 = tpu.memref_slice %arg9[%run_scoped3A_40, %dma_start3A_61] : memref<8x128xf32, #tpu.memory_space<vmem>> -> memref<1x128xf32, #tpu.memory_space<vmem>>
      %dma_start3A_63 = tpu.memref_squeeze %dma_start3A_62 : memref<1x128xf32, #tpu.memory_space<vmem>> -> memref<128xf32, #tpu.memory_space<vmem>>
      %dma_start3A_64 = arith.constant 0 : i32
      %dma_start3A_65 = tpu.memref_slice %arg8[%run_scoped3A_41, %dma_start3A_64] : memref<8x128xi32, #tpu.memory_space<vmem>> -> memref<1x128xi32, #tpu.memory_space<vmem>>
      %dma_start3A_66 = tpu.memref_squeeze %dma_start3A_65 : memref<1x128xi32, #tpu.memory_space<vmem>> -> memref<128xi32, #tpu.memory_space<vmem>>
      %dma_start3A_67 = arith.constant 0 : i32
      %dma_start3A_68 = tpu.memref_slice %arg7[%dma_start3A_67] : memref<1906688xf32, #tpu.memory_space<vmem_shared>> -> memref<1906688xf32, #tpu.memory_space<vmem_shared>>
      tpu.enqueue_indirect_dma source(%dma_start3A_63 : memref<128xf32, #tpu.memory_space<vmem>>) target(%dma_start3A_68 : memref<1906688xf32, #tpu.memory_space<vmem_shared>>) offsets(%dma_start3A_66 : memref<128xi32, #tpu.memory_space<vmem>>) semaphore(%run_scoped3A_60 : memref<!tpu.dma_semaphore, #tpu.memory_space<semaphore_mem>>) {add = true}
      %dma_wait3A_69 = arith.constant 0 : i32
      %dma_wait3A_70 = tpu.memref_slice %arg9[%run_scoped3A_40, %dma_wait3A_69] : memref<8x128xf32, #tpu.memory_space<vmem>> -> memref<1x128xf32, #tpu.memory_space<vmem>>
      %dma_wait3A_71 = tpu.memref_squeeze %dma_wait3A_70 : memref<1x128xf32, #tpu.memory_space<vmem>> -> memref<128xf32, #tpu.memory_space<vmem>>
      %dma_wait3A_72 = arith.constant 0 : i32
      %dma_wait3A_73 = tpu.memref_slice %arg8[%run_scoped3A_41, %dma_wait3A_72] : memref<8x128xi32, #tpu.memory_space<vmem>> -> memref<1x128xi32, #tpu.memory_space<vmem>>
      %dma_wait3A_74 = tpu.memref_squeeze %dma_wait3A_73 : memref<1x128xi32, #tpu.memory_space<vmem>> -> memref<128xi32, #tpu.memory_space<vmem>>
      %dma_wait3A_75 = arith.constant 0 : i32
      %dma_wait3A_76 = tpu.memref_slice %arg7[%dma_wait3A_75] : memref<1906688xf32, #tpu.memory_space<vmem_shared>> -> memref<1906688xf32, #tpu.memory_space<vmem_shared>>
      tpu.wait_indirect_dma semaphore(%run_scoped3A_60 : memref<!tpu.dma_semaphore, #tpu.memory_space<semaphore_mem>>) src(%dma_wait3A_71 : memref<128xf32, #tpu.memory_space<vmem>>) dst(%dma_wait3A_76 : memref<1906688xf32, #tpu.memory_space<vmem_shared>>)
      tpu.yield
    }) : () -> ()
    %run_scoped3A_42 = arith.constant 3 : i32
    %run_scoped3A_43 = arith.constant 3 : i32
    "tpu.region"() ({
      %run_scoped3A_60 = tpu.sem_alloc : memref<!tpu.dma_semaphore, #tpu.memory_space<semaphore_mem>>
      %dma_start3A_61 = arith.constant 0 : i32
      %dma_start3A_62 = tpu.memref_slice %arg9[%run_scoped3A_42, %dma_start3A_61] : memref<8x128xf32, #tpu.memory_space<vmem>> -> memref<1x128xf32, #tpu.memory_space<vmem>>
      %dma_start3A_63 = tpu.memref_squeeze %dma_start3A_62 : memref<1x128xf32, #tpu.memory_space<vmem>> -> memref<128xf32, #tpu.memory_space<vmem>>
      %dma_start3A_64 = arith.constant 0 : i32
      %dma_start3A_65 = tpu.memref_slice %arg8[%run_scoped3A_43, %dma_start3A_64] : memref<8x128xi32, #tpu.memory_space<vmem>> -> memref<1x128xi32, #tpu.memory_space<vmem>>
      %dma_start3A_66 = tpu.memref_squeeze %dma_start3A_65 : memref<1x128xi32, #tpu.memory_space<vmem>> -> memref<128xi32, #tpu.memory_space<vmem>>
      %dma_start3A_67 = arith.constant 0 : i32
      %dma_start3A_68 = tpu.memref_slice %arg7[%dma_start3A_67] : memref<1906688xf32, #tpu.memory_space<vmem_shared>> -> memref<1906688xf32, #tpu.memory_space<vmem_shared>>
      tpu.enqueue_indirect_dma source(%dma_start3A_63 : memref<128xf32, #tpu.memory_space<vmem>>) target(%dma_start3A_68 : memref<1906688xf32, #tpu.memory_space<vmem_shared>>) offsets(%dma_start3A_66 : memref<128xi32, #tpu.memory_space<vmem>>) semaphore(%run_scoped3A_60 : memref<!tpu.dma_semaphore, #tpu.memory_space<semaphore_mem>>) {add = true}
      %dma_wait3A_69 = arith.constant 0 : i32
      %dma_wait3A_70 = tpu.memref_slice %arg9[%run_scoped3A_42, %dma_wait3A_69] : memref<8x128xf32, #tpu.memory_space<vmem>> -> memref<1x128xf32, #tpu.memory_space<vmem>>
      %dma_wait3A_71 = tpu.memref_squeeze %dma_wait3A_70 : memref<1x128xf32, #tpu.memory_space<vmem>> -> memref<128xf32, #tpu.memory_space<vmem>>
      %dma_wait3A_72 = arith.constant 0 : i32
      %dma_wait3A_73 = tpu.memref_slice %arg8[%run_scoped3A_43, %dma_wait3A_72] : memref<8x128xi32, #tpu.memory_space<vmem>> -> memref<1x128xi32, #tpu.memory_space<vmem>>
      %dma_wait3A_74 = tpu.memref_squeeze %dma_wait3A_73 : memref<1x128xi32, #tpu.memory_space<vmem>> -> memref<128xi32, #tpu.memory_space<vmem>>
      %dma_wait3A_75 = arith.constant 0 : i32
      %dma_wait3A_76 = tpu.memref_slice %arg7[%dma_wait3A_75] : memref<1906688xf32, #tpu.memory_space<vmem_shared>> -> memref<1906688xf32, #tpu.memory_space<vmem_shared>>
      tpu.wait_indirect_dma semaphore(%run_scoped3A_60 : memref<!tpu.dma_semaphore, #tpu.memory_space<semaphore_mem>>) src(%dma_wait3A_71 : memref<128xf32, #tpu.memory_space<vmem>>) dst(%dma_wait3A_76 : memref<1906688xf32, #tpu.memory_space<vmem_shared>>)
      tpu.yield
    }) : () -> ()
    %run_scoped3A_44 = arith.constant 4 : i32
    %run_scoped3A_45 = arith.constant 4 : i32
    "tpu.region"() ({
      %run_scoped3A_60 = tpu.sem_alloc : memref<!tpu.dma_semaphore, #tpu.memory_space<semaphore_mem>>
      %dma_start3A_61 = arith.constant 0 : i32
      %dma_start3A_62 = tpu.memref_slice %arg9[%run_scoped3A_44, %dma_start3A_61] : memref<8x128xf32, #tpu.memory_space<vmem>> -> memref<1x128xf32, #tpu.memory_space<vmem>>
      %dma_start3A_63 = tpu.memref_squeeze %dma_start3A_62 : memref<1x128xf32, #tpu.memory_space<vmem>> -> memref<128xf32, #tpu.memory_space<vmem>>
      %dma_start3A_64 = arith.constant 0 : i32
      %dma_start3A_65 = tpu.memref_slice %arg8[%run_scoped3A_45, %dma_start3A_64] : memref<8x128xi32, #tpu.memory_space<vmem>> -> memref<1x128xi32, #tpu.memory_space<vmem>>
      %dma_start3A_66 = tpu.memref_squeeze %dma_start3A_65 : memref<1x128xi32, #tpu.memory_space<vmem>> -> memref<128xi32, #tpu.memory_space<vmem>>
      %dma_start3A_67 = arith.constant 0 : i32
      %dma_start3A_68 = tpu.memref_slice %arg7[%dma_start3A_67] : memref<1906688xf32, #tpu.memory_space<vmem_shared>> -> memref<1906688xf32, #tpu.memory_space<vmem_shared>>
      tpu.enqueue_indirect_dma source(%dma_start3A_63 : memref<128xf32, #tpu.memory_space<vmem>>) target(%dma_start3A_68 : memref<1906688xf32, #tpu.memory_space<vmem_shared>>) offsets(%dma_start3A_66 : memref<128xi32, #tpu.memory_space<vmem>>) semaphore(%run_scoped3A_60 : memref<!tpu.dma_semaphore, #tpu.memory_space<semaphore_mem>>) {add = true}
      %dma_wait3A_69 = arith.constant 0 : i32
      %dma_wait3A_70 = tpu.memref_slice %arg9[%run_scoped3A_44, %dma_wait3A_69] : memref<8x128xf32, #tpu.memory_space<vmem>> -> memref<1x128xf32, #tpu.memory_space<vmem>>
      %dma_wait3A_71 = tpu.memref_squeeze %dma_wait3A_70 : memref<1x128xf32, #tpu.memory_space<vmem>> -> memref<128xf32, #tpu.memory_space<vmem>>
      %dma_wait3A_72 = arith.constant 0 : i32
      %dma_wait3A_73 = tpu.memref_slice %arg8[%run_scoped3A_45, %dma_wait3A_72] : memref<8x128xi32, #tpu.memory_space<vmem>> -> memref<1x128xi32, #tpu.memory_space<vmem>>
      %dma_wait3A_74 = tpu.memref_squeeze %dma_wait3A_73 : memref<1x128xi32, #tpu.memory_space<vmem>> -> memref<128xi32, #tpu.memory_space<vmem>>
      %dma_wait3A_75 = arith.constant 0 : i32
      %dma_wait3A_76 = tpu.memref_slice %arg7[%dma_wait3A_75] : memref<1906688xf32, #tpu.memory_space<vmem_shared>> -> memref<1906688xf32, #tpu.memory_space<vmem_shared>>
      tpu.wait_indirect_dma semaphore(%run_scoped3A_60 : memref<!tpu.dma_semaphore, #tpu.memory_space<semaphore_mem>>) src(%dma_wait3A_71 : memref<128xf32, #tpu.memory_space<vmem>>) dst(%dma_wait3A_76 : memref<1906688xf32, #tpu.memory_space<vmem_shared>>)
      tpu.yield
    }) : () -> ()
    %run_scoped3A_46 = arith.constant 5 : i32
    %run_scoped3A_47 = arith.constant 5 : i32
    "tpu.region"() ({
      %run_scoped3A_60 = tpu.sem_alloc : memref<!tpu.dma_semaphore, #tpu.memory_space<semaphore_mem>>
      %dma_start3A_61 = arith.constant 0 : i32
      %dma_start3A_62 = tpu.memref_slice %arg9[%run_scoped3A_46, %dma_start3A_61] : memref<8x128xf32, #tpu.memory_space<vmem>> -> memref<1x128xf32, #tpu.memory_space<vmem>>
      %dma_start3A_63 = tpu.memref_squeeze %dma_start3A_62 : memref<1x128xf32, #tpu.memory_space<vmem>> -> memref<128xf32, #tpu.memory_space<vmem>>
      %dma_start3A_64 = arith.constant 0 : i32
      %dma_start3A_65 = tpu.memref_slice %arg8[%run_scoped3A_47, %dma_start3A_64] : memref<8x128xi32, #tpu.memory_space<vmem>> -> memref<1x128xi32, #tpu.memory_space<vmem>>
      %dma_start3A_66 = tpu.memref_squeeze %dma_start3A_65 : memref<1x128xi32, #tpu.memory_space<vmem>> -> memref<128xi32, #tpu.memory_space<vmem>>
      %dma_start3A_67 = arith.constant 0 : i32
      %dma_start3A_68 = tpu.memref_slice %arg7[%dma_start3A_67] : memref<1906688xf32, #tpu.memory_space<vmem_shared>> -> memref<1906688xf32, #tpu.memory_space<vmem_shared>>
      tpu.enqueue_indirect_dma source(%dma_start3A_63 : memref<128xf32, #tpu.memory_space<vmem>>) target(%dma_start3A_68 : memref<1906688xf32, #tpu.memory_space<vmem_shared>>) offsets(%dma_start3A_66 : memref<128xi32, #tpu.memory_space<vmem>>) semaphore(%run_scoped3A_60 : memref<!tpu.dma_semaphore, #tpu.memory_space<semaphore_mem>>) {add = true}
      %dma_wait3A_69 = arith.constant 0 : i32
      %dma_wait3A_70 = tpu.memref_slice %arg9[%run_scoped3A_46, %dma_wait3A_69] : memref<8x128xf32, #tpu.memory_space<vmem>> -> memref<1x128xf32, #tpu.memory_space<vmem>>
      %dma_wait3A_71 = tpu.memref_squeeze %dma_wait3A_70 : memref<1x128xf32, #tpu.memory_space<vmem>> -> memref<128xf32, #tpu.memory_space<vmem>>
      %dma_wait3A_72 = arith.constant 0 : i32
      %dma_wait3A_73 = tpu.memref_slice %arg8[%run_scoped3A_47, %dma_wait3A_72] : memref<8x128xi32, #tpu.memory_space<vmem>> -> memref<1x128xi32, #tpu.memory_space<vmem>>
      %dma_wait3A_74 = tpu.memref_squeeze %dma_wait3A_73 : memref<1x128xi32, #tpu.memory_space<vmem>> -> memref<128xi32, #tpu.memory_space<vmem>>
      %dma_wait3A_75 = arith.constant 0 : i32
      %dma_wait3A_76 = tpu.memref_slice %arg7[%dma_wait3A_75] : memref<1906688xf32, #tpu.memory_space<vmem_shared>> -> memref<1906688xf32, #tpu.memory_space<vmem_shared>>
      tpu.wait_indirect_dma semaphore(%run_scoped3A_60 : memref<!tpu.dma_semaphore, #tpu.memory_space<semaphore_mem>>) src(%dma_wait3A_71 : memref<128xf32, #tpu.memory_space<vmem>>) dst(%dma_wait3A_76 : memref<1906688xf32, #tpu.memory_space<vmem_shared>>)
      tpu.yield
    }) : () -> ()
    %run_scoped3A_48 = arith.constant 6 : i32
    %run_scoped3A_49 = arith.constant 6 : i32
    "tpu.region"() ({
      %run_scoped3A_60 = tpu.sem_alloc : memref<!tpu.dma_semaphore, #tpu.memory_space<semaphore_mem>>
      %dma_start3A_61 = arith.constant 0 : i32
      %dma_start3A_62 = tpu.memref_slice %arg9[%run_scoped3A_48, %dma_start3A_61] : memref<8x128xf32, #tpu.memory_space<vmem>> -> memref<1x128xf32, #tpu.memory_space<vmem>>
      %dma_start3A_63 = tpu.memref_squeeze %dma_start3A_62 : memref<1x128xf32, #tpu.memory_space<vmem>> -> memref<128xf32, #tpu.memory_space<vmem>>
      %dma_start3A_64 = arith.constant 0 : i32
      %dma_start3A_65 = tpu.memref_slice %arg8[%run_scoped3A_49, %dma_start3A_64] : memref<8x128xi32, #tpu.memory_space<vmem>> -> memref<1x128xi32, #tpu.memory_space<vmem>>
      %dma_start3A_66 = tpu.memref_squeeze %dma_start3A_65 : memref<1x128xi32, #tpu.memory_space<vmem>> -> memref<128xi32, #tpu.memory_space<vmem>>
      %dma_start3A_67 = arith.constant 0 : i32
      %dma_start3A_68 = tpu.memref_slice %arg7[%dma_start3A_67] : memref<1906688xf32, #tpu.memory_space<vmem_shared>> -> memref<1906688xf32, #tpu.memory_space<vmem_shared>>
      tpu.enqueue_indirect_dma source(%dma_start3A_63 : memref<128xf32, #tpu.memory_space<vmem>>) target(%dma_start3A_68 : memref<1906688xf32, #tpu.memory_space<vmem_shared>>) offsets(%dma_start3A_66 : memref<128xi32, #tpu.memory_space<vmem>>) semaphore(%run_scoped3A_60 : memref<!tpu.dma_semaphore, #tpu.memory_space<semaphore_mem>>) {add = true}
      %dma_wait3A_69 = arith.constant 0 : i32
      %dma_wait3A_70 = tpu.memref_slice %arg9[%run_scoped3A_48, %dma_wait3A_69] : memref<8x128xf32, #tpu.memory_space<vmem>> -> memref<1x128xf32, #tpu.memory_space<vmem>>
      %dma_wait3A_71 = tpu.memref_squeeze %dma_wait3A_70 : memref<1x128xf32, #tpu.memory_space<vmem>> -> memref<128xf32, #tpu.memory_space<vmem>>
      %dma_wait3A_72 = arith.constant 0 : i32
      %dma_wait3A_73 = tpu.memref_slice %arg8[%run_scoped3A_49, %dma_wait3A_72] : memref<8x128xi32, #tpu.memory_space<vmem>> -> memref<1x128xi32, #tpu.memory_space<vmem>>
      %dma_wait3A_74 = tpu.memref_squeeze %dma_wait3A_73 : memref<1x128xi32, #tpu.memory_space<vmem>> -> memref<128xi32, #tpu.memory_space<vmem>>
      %dma_wait3A_75 = arith.constant 0 : i32
      %dma_wait3A_76 = tpu.memref_slice %arg7[%dma_wait3A_75] : memref<1906688xf32, #tpu.memory_space<vmem_shared>> -> memref<1906688xf32, #tpu.memory_space<vmem_shared>>
      tpu.wait_indirect_dma semaphore(%run_scoped3A_60 : memref<!tpu.dma_semaphore, #tpu.memory_space<semaphore_mem>>) src(%dma_wait3A_71 : memref<128xf32, #tpu.memory_space<vmem>>) dst(%dma_wait3A_76 : memref<1906688xf32, #tpu.memory_space<vmem_shared>>)
      tpu.yield
    }) : () -> ()
    %run_scoped3A_50 = arith.constant 7 : i32
    %run_scoped3A_51 = arith.constant 7 : i32
    "tpu.region"() ({
      %run_scoped3A_60 = tpu.sem_alloc : memref<!tpu.dma_semaphore, #tpu.memory_space<semaphore_mem>>
      %dma_start3A_61 = arith.constant 0 : i32
      %dma_start3A_62 = tpu.memref_slice %arg9[%run_scoped3A_50, %dma_start3A_61] : memref<8x128xf32, #tpu.memory_space<vmem>> -> memref<1x128xf32, #tpu.memory_space<vmem>>
      %dma_start3A_63 = tpu.memref_squeeze %dma_start3A_62 : memref<1x128xf32, #tpu.memory_space<vmem>> -> memref<128xf32, #tpu.memory_space<vmem>>
      %dma_start3A_64 = arith.constant 0 : i32
      %dma_start3A_65 = tpu.memref_slice %arg8[%run_scoped3A_51, %dma_start3A_64] : memref<8x128xi32, #tpu.memory_space<vmem>> -> memref<1x128xi32, #tpu.memory_space<vmem>>
      %dma_start3A_66 = tpu.memref_squeeze %dma_start3A_65 : memref<1x128xi32, #tpu.memory_space<vmem>> -> memref<128xi32, #tpu.memory_space<vmem>>
      %dma_start3A_67 = arith.constant 0 : i32
      %dma_start3A_68 = tpu.memref_slice %arg7[%dma_start3A_67] : memref<1906688xf32, #tpu.memory_space<vmem_shared>> -> memref<1906688xf32, #tpu.memory_space<vmem_shared>>
      tpu.enqueue_indirect_dma source(%dma_start3A_63 : memref<128xf32, #tpu.memory_space<vmem>>) target(%dma_start3A_68 : memref<1906688xf32, #tpu.memory_space<vmem_shared>>) offsets(%dma_start3A_66 : memref<128xi32, #tpu.memory_space<vmem>>) semaphore(%run_scoped3A_60 : memref<!tpu.dma_semaphore, #tpu.memory_space<semaphore_mem>>) {add = true}
      %dma_wait3A_69 = arith.constant 0 : i32
      %dma_wait3A_70 = tpu.memref_slice %arg9[%run_scoped3A_50, %dma_wait3A_69] : memref<8x128xf32, #tpu.memory_space<vmem>> -> memref<1x128xf32, #tpu.memory_space<vmem>>
      %dma_wait3A_71 = tpu.memref_squeeze %dma_wait3A_70 : memref<1x128xf32, #tpu.memory_space<vmem>> -> memref<128xf32, #tpu.memory_space<vmem>>
      %dma_wait3A_72 = arith.constant 0 : i32
      %dma_wait3A_73 = tpu.memref_slice %arg8[%run_scoped3A_51, %dma_wait3A_72] : memref<8x128xi32, #tpu.memory_space<vmem>> -> memref<1x128xi32, #tpu.memory_space<vmem>>
      %dma_wait3A_74 = tpu.memref_squeeze %dma_wait3A_73 : memref<1x128xi32, #tpu.memory_space<vmem>> -> memref<128xi32, #tpu.memory_space<vmem>>
      %dma_wait3A_75 = arith.constant 0 : i32
      %dma_wait3A_76 = tpu.memref_slice %arg7[%dma_wait3A_75] : memref<1906688xf32, #tpu.memory_space<vmem_shared>> -> memref<1906688xf32, #tpu.memory_space<vmem_shared>>
      tpu.wait_indirect_dma semaphore(%run_scoped3A_60 : memref<!tpu.dma_semaphore, #tpu.memory_space<semaphore_mem>>) src(%dma_wait3A_71 : memref<128xf32, #tpu.memory_space<vmem>>) dst(%dma_wait3A_76 : memref<1906688xf32, #tpu.memory_space<vmem_shared>>)
      tpu.yield
    }) : () -> ()
    %barrier3A_52 = arith.constant 0 : index
    tpu.barrier barrier_id(%barrier3A_52)
    %scan3A_53 = arith.constant 0 : i32
    %scan3A_54 = arith.constant 0 : i32
    %scan3A_55 = arith.constant 2 : i32
    %scan3A_56 = arith.addi %scan3A_54, %scan3A_55 : i32
    %scan3A_57 = arith.constant 1 : i32
    scf.for %scan3A_60 = %scan3A_54 to %scan3A_56 step %scan3A_57  : i32 {
      %mul3A_61 = arith.constant 48 : i32
      %mul3A_62 = arith.muli %arg1, %mul3A_61 : i32
      %mul3A_63 = arith.constant 24 : i32
      %mul3A_64 = arith.muli %scan3A_60, %mul3A_63 : i32
      %add3A_65 = arith.addi %mul3A_62, %mul3A_64 : i32
      %multiple_of3A_66 = tpu.assume_multiple %add3A_65, 8 : i32
      "tpu.region"() ({
        %run_scoped3A_547 = tpu.sem_alloc : memref<!tpu.dma_semaphore, #tpu.memory_space<semaphore_mem>>
        %dma_start3A_548 = arith.constant 0 : i32
        %dma_start3A_549 = tpu.memref_slice %arg4[%multiple_of3A_66, %dma_start3A_548] : memref<768x128xi32, #tpu.memory_space<hbm>> -> memref<24x128xi32, #tpu.memory_space<hbm>>
        %dma_start3A_550 = arith.constant 0 : i32
        %dma_start3A_551 = tpu.memref_slice %arg4[%multiple_of3A_66, %dma_start3A_550] : memref<768x128xi32, #tpu.memory_space<hbm>> -> memref<24x128xi32, #tpu.memory_space<hbm>>
        tpu.enqueue_dma source(%dma_start3A_551 : memref<24x128xi32, #tpu.memory_space<hbm>>) target(%arg10 : memref<24x128xi32, #tpu.memory_space<vmem>>) target_semaphore(%run_scoped3A_547 : memref<!tpu.dma_semaphore, #tpu.memory_space<semaphore_mem>>)
        %dma_wait3A_552 = arith.constant 0 : i32
        %dma_wait3A_553 = tpu.memref_slice %arg4[%multiple_of3A_66, %dma_wait3A_552] : memref<768x128xi32, #tpu.memory_space<hbm>> -> memref<24x128xi32, #tpu.memory_space<hbm>>
        %dma_wait3A_554 = arith.constant 0 : i32
        %dma_wait3A_555 = tpu.memref_slice %arg4[%multiple_of3A_66, %dma_wait3A_554] : memref<768x128xi32, #tpu.memory_space<hbm>> -> memref<24x128xi32, #tpu.memory_space<hbm>>
        tpu.wait_dma2 semaphore(%run_scoped3A_547 : memref<!tpu.dma_semaphore, #tpu.memory_space<semaphore_mem>>) src(%dma_wait3A_555 : memref<24x128xi32, #tpu.memory_space<hbm>>) dst(%arg10 : memref<24x128xi32, #tpu.memory_space<vmem>>)
        tpu.yield
      }) : () -> ()
      %dma_start3A_67 = arith.constant 0 : i32
      %dma_start3A_68 = arith.constant 0 : i32
      %dma_start3A_69 = arith.constant 0 : i32
      %dma_start3A_70 = tpu.memref_slice %arg11[%dma_start3A_68, %dma_start3A_69] : memref<24x128xf32, #tpu.memory_space<vmem>> -> memref<1x128xf32, #tpu.memory_space<vmem>>
      %dma_start3A_71 = tpu.memref_squeeze %dma_start3A_70 : memref<1x128xf32, #tpu.memory_space<vmem>> -> memref<128xf32, #tpu.memory_space<vmem>>
      %dma_start3A_72 = arith.constant 0 : i32
      %dma_start3A_73 = tpu.memref_slice %arg10[%dma_start3A_67, %dma_start3A_72] : memref<24x128xi32, #tpu.memory_space<vmem>> -> memref<1x128xi32, #tpu.memory_space<vmem>>
      %dma_start3A_74 = tpu.memref_squeeze %dma_start3A_73 : memref<1x128xi32, #tpu.memory_space<vmem>> -> memref<128xi32, #tpu.memory_space<vmem>>
      %dma_start3A_75 = arith.constant 0 : i32
      %dma_start3A_76 = tpu.memref_slice %arg7[%dma_start3A_75] : memref<1906688xf32, #tpu.memory_space<vmem_shared>> -> memref<1906688xf32, #tpu.memory_space<vmem_shared>>
      tpu.enqueue_indirect_dma source(%dma_start3A_76 : memref<1906688xf32, #tpu.memory_space<vmem_shared>>) target(%dma_start3A_71 : memref<128xf32, #tpu.memory_space<vmem>>) offsets(%dma_start3A_74 : memref<128xi32, #tpu.memory_space<vmem>>) semaphore(%arg12 : memref<!tpu.dma_semaphore, #tpu.memory_space<semaphore_mem>>)
      %dma_start3A_77 = arith.constant 1 : i32
      %dma_start3A_78 = arith.constant 1 : i32
      %dma_start3A_79 = arith.constant 0 : i32
      %dma_start3A_80 = tpu.memref_slice %arg11[%dma_start3A_78, %dma_start3A_79] : memref<24x128xf32, #tpu.memory_space<vmem>> -> memref<1x128xf32, #tpu.memory_space<vmem>>
      %dma_start3A_81 = tpu.memref_squeeze %dma_start3A_80 : memref<1x128xf32, #tpu.memory_space<vmem>> -> memref<128xf32, #tpu.memory_space<vmem>>
      %dma_start3A_82 = arith.constant 0 : i32
      %dma_start3A_83 = tpu.memref_slice %arg10[%dma_start3A_77, %dma_start3A_82] : memref<24x128xi32, #tpu.memory_space<vmem>> -> memref<1x128xi32, #tpu.memory_space<vmem>>
      %dma_start3A_84 = tpu.memref_squeeze %dma_start3A_83 : memref<1x128xi32, #tpu.memory_space<vmem>> -> memref<128xi32, #tpu.memory_space<vmem>>
      %dma_start3A_85 = arith.constant 0 : i32
      %dma_start3A_86 = tpu.memref_slice %arg7[%dma_start3A_85] : memref<1906688xf32, #tpu.memory_space<vmem_shared>> -> memref<1906688xf32, #tpu.memory_space<vmem_shared>>
      tpu.enqueue_indirect_dma source(%dma_start3A_86 : memref<1906688xf32, #tpu.memory_space<vmem_shared>>) target(%dma_start3A_81 : memref<128xf32, #tpu.memory_space<vmem>>) offsets(%dma_start3A_84 : memref<128xi32, #tpu.memory_space<vmem>>) semaphore(%arg12 : memref<!tpu.dma_semaphore, #tpu.memory_space<semaphore_mem>>)
      %dma_start3A_87 = arith.constant 2 : i32
      %dma_start3A_88 = arith.constant 2 : i32
      %dma_start3A_89 = arith.constant 0 : i32
      %dma_start3A_90 = tpu.memref_slice %arg11[%dma_start3A_88, %dma_start3A_89] : memref<24x128xf32, #tpu.memory_space<vmem>> -> memref<1x128xf32, #tpu.memory_space<vmem>>
      %dma_start3A_91 = tpu.memref_squeeze %dma_start3A_90 : memref<1x128xf32, #tpu.memory_space<vmem>> -> memref<128xf32, #tpu.memory_space<vmem>>
      %dma_start3A_92 = arith.constant 0 : i32
      %dma_start3A_93 = tpu.memref_slice %arg10[%dma_start3A_87, %dma_start3A_92] : memref<24x128xi32, #tpu.memory_space<vmem>> -> memref<1x128xi32, #tpu.memory_space<vmem>>
      %dma_start3A_94 = tpu.memref_squeeze %dma_start3A_93 : memref<1x128xi32, #tpu.memory_space<vmem>> -> memref<128xi32, #tpu.memory_space<vmem>>
      %dma_start3A_95 = arith.constant 0 : i32
      %dma_start3A_96 = tpu.memref_slice %arg7[%dma_start3A_95] : memref<1906688xf32, #tpu.memory_space<vmem_shared>> -> memref<1906688xf32, #tpu.memory_space<vmem_shared>>
      tpu.enqueue_indirect_dma source(%dma_start3A_96 : memref<1906688xf32, #tpu.memory_space<vmem_shared>>) target(%dma_start3A_91 : memref<128xf32, #tpu.memory_space<vmem>>) offsets(%dma_start3A_94 : memref<128xi32, #tpu.memory_space<vmem>>) semaphore(%arg12 : memref<!tpu.dma_semaphore, #tpu.memory_space<semaphore_mem>>)
      %dma_start3A_97 = arith.constant 3 : i32
      %dma_start3A_98 = arith.constant 3 : i32
      %dma_start3A_99 = arith.constant 0 : i32
      %dma_start3A_100 = tpu.memref_slice %arg11[%dma_start3A_98, %dma_start3A_99] : memref<24x128xf32, #tpu.memory_space<vmem>> -> memref<1x128xf32, #tpu.memory_space<vmem>>
      %dma_start3A_101 = tpu.memref_squeeze %dma_start3A_100 : memref<1x128xf32, #tpu.memory_space<vmem>> -> memref<128xf32, #tpu.memory_space<vmem>>
      %dma_start3A_102 = arith.constant 0 : i32
      %dma_start3A_103 = tpu.memref_slice %arg10[%dma_start3A_97, %dma_start3A_102] : memref<24x128xi32, #tpu.memory_space<vmem>> -> memref<1x128xi32, #tpu.memory_space<vmem>>
      %dma_start3A_104 = tpu.memref_squeeze %dma_start3A_103 : memref<1x128xi32, #tpu.memory_space<vmem>> -> memref<128xi32, #tpu.memory_space<vmem>>
      %dma_start3A_105 = arith.constant 0 : i32
      %dma_start3A_106 = tpu.memref_slice %arg7[%dma_start3A_105] : memref<1906688xf32, #tpu.memory_space<vmem_shared>> -> memref<1906688xf32, #tpu.memory_space<vmem_shared>>
      tpu.enqueue_indirect_dma source(%dma_start3A_106 : memref<1906688xf32, #tpu.memory_space<vmem_shared>>) target(%dma_start3A_101 : memref<128xf32, #tpu.memory_space<vmem>>) offsets(%dma_start3A_104 : memref<128xi32, #tpu.memory_space<vmem>>) semaphore(%arg12 : memref<!tpu.dma_semaphore, #tpu.memory_space<semaphore_mem>>)
      %dma_start3A_107 = arith.constant 4 : i32
      %dma_start3A_108 = arith.constant 4 : i32
      %dma_start3A_109 = arith.constant 0 : i32
      %dma_start3A_110 = tpu.memref_slice %arg11[%dma_start3A_108, %dma_start3A_109] : memref<24x128xf32, #tpu.memory_space<vmem>> -> memref<1x128xf32, #tpu.memory_space<vmem>>
      %dma_start3A_111 = tpu.memref_squeeze %dma_start3A_110 : memref<1x128xf32, #tpu.memory_space<vmem>> -> memref<128xf32, #tpu.memory_space<vmem>>
      %dma_start3A_112 = arith.constant 0 : i32
      %dma_start3A_113 = tpu.memref_slice %arg10[%dma_start3A_107, %dma_start3A_112] : memref<24x128xi32, #tpu.memory_space<vmem>> -> memref<1x128xi32, #tpu.memory_space<vmem>>
      %dma_start3A_114 = tpu.memref_squeeze %dma_start3A_113 : memref<1x128xi32, #tpu.memory_space<vmem>> -> memref<128xi32, #tpu.memory_space<vmem>>
      %dma_start3A_115 = arith.constant 0 : i32
      %dma_start3A_116 = tpu.memref_slice %arg7[%dma_start3A_115] : memref<1906688xf32, #tpu.memory_space<vmem_shared>> -> memref<1906688xf32, #tpu.memory_space<vmem_shared>>
      tpu.enqueue_indirect_dma source(%dma_start3A_116 : memref<1906688xf32, #tpu.memory_space<vmem_shared>>) target(%dma_start3A_111 : memref<128xf32, #tpu.memory_space<vmem>>) offsets(%dma_start3A_114 : memref<128xi32, #tpu.memory_space<vmem>>) semaphore(%arg12 : memref<!tpu.dma_semaphore, #tpu.memory_space<semaphore_mem>>)
      %dma_start3A_117 = arith.constant 5 : i32
      %dma_start3A_118 = arith.constant 5 : i32
      %dma_start3A_119 = arith.constant 0 : i32
      %dma_start3A_120 = tpu.memref_slice %arg11[%dma_start3A_118, %dma_start3A_119] : memref<24x128xf32, #tpu.memory_space<vmem>> -> memref<1x128xf32, #tpu.memory_space<vmem>>
      %dma_start3A_121 = tpu.memref_squeeze %dma_start3A_120 : memref<1x128xf32, #tpu.memory_space<vmem>> -> memref<128xf32, #tpu.memory_space<vmem>>
      %dma_start3A_122 = arith.constant 0 : i32
      %dma_start3A_123 = tpu.memref_slice %arg10[%dma_start3A_117, %dma_start3A_122] : memref<24x128xi32, #tpu.memory_space<vmem>> -> memref<1x128xi32, #tpu.memory_space<vmem>>
      %dma_start3A_124 = tpu.memref_squeeze %dma_start3A_123 : memref<1x128xi32, #tpu.memory_space<vmem>> -> memref<128xi32, #tpu.memory_space<vmem>>
      %dma_start3A_125 = arith.constant 0 : i32
      %dma_start3A_126 = tpu.memref_slice %arg7[%dma_start3A_125] : memref<1906688xf32, #tpu.memory_space<vmem_shared>> -> memref<1906688xf32, #tpu.memory_space<vmem_shared>>
      tpu.enqueue_indirect_dma source(%dma_start3A_126 : memref<1906688xf32, #tpu.memory_space<vmem_shared>>) target(%dma_start3A_121 : memref<128xf32, #tpu.memory_space<vmem>>) offsets(%dma_start3A_124 : memref<128xi32, #tpu.memory_space<vmem>>) semaphore(%arg12 : memref<!tpu.dma_semaphore, #tpu.memory_space<semaphore_mem>>)
      %dma_start3A_127 = arith.constant 6 : i32
      %dma_start3A_128 = arith.constant 6 : i32
      %dma_start3A_129 = arith.constant 0 : i32
      %dma_start3A_130 = tpu.memref_slice %arg11[%dma_start3A_128, %dma_start3A_129] : memref<24x128xf32, #tpu.memory_space<vmem>> -> memref<1x128xf32, #tpu.memory_space<vmem>>
      %dma_start3A_131 = tpu.memref_squeeze %dma_start3A_130 : memref<1x128xf32, #tpu.memory_space<vmem>> -> memref<128xf32, #tpu.memory_space<vmem>>
      %dma_start3A_132 = arith.constant 0 : i32
      %dma_start3A_133 = tpu.memref_slice %arg10[%dma_start3A_127, %dma_start3A_132] : memref<24x128xi32, #tpu.memory_space<vmem>> -> memref<1x128xi32, #tpu.memory_space<vmem>>
      %dma_start3A_134 = tpu.memref_squeeze %dma_start3A_133 : memref<1x128xi32, #tpu.memory_space<vmem>> -> memref<128xi32, #tpu.memory_space<vmem>>
      %dma_start3A_135 = arith.constant 0 : i32
      %dma_start3A_136 = tpu.memref_slice %arg7[%dma_start3A_135] : memref<1906688xf32, #tpu.memory_space<vmem_shared>> -> memref<1906688xf32, #tpu.memory_space<vmem_shared>>
      tpu.enqueue_indirect_dma source(%dma_start3A_136 : memref<1906688xf32, #tpu.memory_space<vmem_shared>>) target(%dma_start3A_131 : memref<128xf32, #tpu.memory_space<vmem>>) offsets(%dma_start3A_134 : memref<128xi32, #tpu.memory_space<vmem>>) semaphore(%arg12 : memref<!tpu.dma_semaphore, #tpu.memory_space<semaphore_mem>>)
      %dma_start3A_137 = arith.constant 7 : i32
      %dma_start3A_138 = arith.constant 7 : i32
      %dma_start3A_139 = arith.constant 0 : i32
      %dma_start3A_140 = tpu.memref_slice %arg11[%dma_start3A_138, %dma_start3A_139] : memref<24x128xf32, #tpu.memory_space<vmem>> -> memref<1x128xf32, #tpu.memory_space<vmem>>
      %dma_start3A_141 = tpu.memref_squeeze %dma_start3A_140 : memref<1x128xf32, #tpu.memory_space<vmem>> -> memref<128xf32, #tpu.memory_space<vmem>>
      %dma_start3A_142 = arith.constant 0 : i32
      %dma_start3A_143 = tpu.memref_slice %arg10[%dma_start3A_137, %dma_start3A_142] : memref<24x128xi32, #tpu.memory_space<vmem>> -> memref<1x128xi32, #tpu.memory_space<vmem>>
      %dma_start3A_144 = tpu.memref_squeeze %dma_start3A_143 : memref<1x128xi32, #tpu.memory_space<vmem>> -> memref<128xi32, #tpu.memory_space<vmem>>
      %dma_start3A_145 = arith.constant 0 : i32
      %dma_start3A_146 = tpu.memref_slice %arg7[%dma_start3A_145] : memref<1906688xf32, #tpu.memory_space<vmem_shared>> -> memref<1906688xf32, #tpu.memory_space<vmem_shared>>
      tpu.enqueue_indirect_dma source(%dma_start3A_146 : memref<1906688xf32, #tpu.memory_space<vmem_shared>>) target(%dma_start3A_141 : memref<128xf32, #tpu.memory_space<vmem>>) offsets(%dma_start3A_144 : memref<128xi32, #tpu.memory_space<vmem>>) semaphore(%arg12 : memref<!tpu.dma_semaphore, #tpu.memory_space<semaphore_mem>>)
      %dma_start3A_147 = arith.constant 8 : i32
      %dma_start3A_148 = arith.constant 8 : i32
      %dma_start3A_149 = arith.constant 0 : i32
      %dma_start3A_150 = tpu.memref_slice %arg11[%dma_start3A_148, %dma_start3A_149] : memref<24x128xf32, #tpu.memory_space<vmem>> -> memref<1x128xf32, #tpu.memory_space<vmem>>
      %dma_start3A_151 = tpu.memref_squeeze %dma_start3A_150 : memref<1x128xf32, #tpu.memory_space<vmem>> -> memref<128xf32, #tpu.memory_space<vmem>>
      %dma_start3A_152 = arith.constant 0 : i32
      %dma_start3A_153 = tpu.memref_slice %arg10[%dma_start3A_147, %dma_start3A_152] : memref<24x128xi32, #tpu.memory_space<vmem>> -> memref<1x128xi32, #tpu.memory_space<vmem>>
      %dma_start3A_154 = tpu.memref_squeeze %dma_start3A_153 : memref<1x128xi32, #tpu.memory_space<vmem>> -> memref<128xi32, #tpu.memory_space<vmem>>
      %dma_start3A_155 = arith.constant 0 : i32
      %dma_start3A_156 = tpu.memref_slice %arg7[%dma_start3A_155] : memref<1906688xf32, #tpu.memory_space<vmem_shared>> -> memref<1906688xf32, #tpu.memory_space<vmem_shared>>
      tpu.enqueue_indirect_dma source(%dma_start3A_156 : memref<1906688xf32, #tpu.memory_space<vmem_shared>>) target(%dma_start3A_151 : memref<128xf32, #tpu.memory_space<vmem>>) offsets(%dma_start3A_154 : memref<128xi32, #tpu.memory_space<vmem>>) semaphore(%arg12 : memref<!tpu.dma_semaphore, #tpu.memory_space<semaphore_mem>>)
      %dma_start3A_157 = arith.constant 9 : i32
      %dma_start3A_158 = arith.constant 9 : i32
      %dma_start3A_159 = arith.constant 0 : i32
      %dma_start3A_160 = tpu.memref_slice %arg11[%dma_start3A_158, %dma_start3A_159] : memref<24x128xf32, #tpu.memory_space<vmem>> -> memref<1x128xf32, #tpu.memory_space<vmem>>
      %dma_start3A_161 = tpu.memref_squeeze %dma_start3A_160 : memref<1x128xf32, #tpu.memory_space<vmem>> -> memref<128xf32, #tpu.memory_space<vmem>>
      %dma_start3A_162 = arith.constant 0 : i32
      %dma_start3A_163 = tpu.memref_slice %arg10[%dma_start3A_157, %dma_start3A_162] : memref<24x128xi32, #tpu.memory_space<vmem>> -> memref<1x128xi32, #tpu.memory_space<vmem>>
      %dma_start3A_164 = tpu.memref_squeeze %dma_start3A_163 : memref<1x128xi32, #tpu.memory_space<vmem>> -> memref<128xi32, #tpu.memory_space<vmem>>
      %dma_start3A_165 = arith.constant 0 : i32
      %dma_start3A_166 = tpu.memref_slice %arg7[%dma_start3A_165] : memref<1906688xf32, #tpu.memory_space<vmem_shared>> -> memref<1906688xf32, #tpu.memory_space<vmem_shared>>
      tpu.enqueue_indirect_dma source(%dma_start3A_166 : memref<1906688xf32, #tpu.memory_space<vmem_shared>>) target(%dma_start3A_161 : memref<128xf32, #tpu.memory_space<vmem>>) offsets(%dma_start3A_164 : memref<128xi32, #tpu.memory_space<vmem>>) semaphore(%arg12 : memref<!tpu.dma_semaphore, #tpu.memory_space<semaphore_mem>>)
      %dma_start3A_167 = arith.constant 10 : i32
      %dma_start3A_168 = arith.constant 10 : i32
      %dma_start3A_169 = arith.constant 0 : i32
      %dma_start3A_170 = tpu.memref_slice %arg11[%dma_start3A_168, %dma_start3A_169] : memref<24x128xf32, #tpu.memory_space<vmem>> -> memref<1x128xf32, #tpu.memory_space<vmem>>
      %dma_start3A_171 = tpu.memref_squeeze %dma_start3A_170 : memref<1x128xf32, #tpu.memory_space<vmem>> -> memref<128xf32, #tpu.memory_space<vmem>>
      %dma_start3A_172 = arith.constant 0 : i32
      %dma_start3A_173 = tpu.memref_slice %arg10[%dma_start3A_167, %dma_start3A_172] : memref<24x128xi32, #tpu.memory_space<vmem>> -> memref<1x128xi32, #tpu.memory_space<vmem>>
      %dma_start3A_174 = tpu.memref_squeeze %dma_start3A_173 : memref<1x128xi32, #tpu.memory_space<vmem>> -> memref<128xi32, #tpu.memory_space<vmem>>
      %dma_start3A_175 = arith.constant 0 : i32
      %dma_start3A_176 = tpu.memref_slice %arg7[%dma_start3A_175] : memref<1906688xf32, #tpu.memory_space<vmem_shared>> -> memref<1906688xf32, #tpu.memory_space<vmem_shared>>
      tpu.enqueue_indirect_dma source(%dma_start3A_176 : memref<1906688xf32, #tpu.memory_space<vmem_shared>>) target(%dma_start3A_171 : memref<128xf32, #tpu.memory_space<vmem>>) offsets(%dma_start3A_174 : memref<128xi32, #tpu.memory_space<vmem>>) semaphore(%arg12 : memref<!tpu.dma_semaphore, #tpu.memory_space<semaphore_mem>>)
      %dma_start3A_177 = arith.constant 11 : i32
      %dma_start3A_178 = arith.constant 11 : i32
      %dma_start3A_179 = arith.constant 0 : i32
      %dma_start3A_180 = tpu.memref_slice %arg11[%dma_start3A_178, %dma_start3A_179] : memref<24x128xf32, #tpu.memory_space<vmem>> -> memref<1x128xf32, #tpu.memory_space<vmem>>
      %dma_start3A_181 = tpu.memref_squeeze %dma_start3A_180 : memref<1x128xf32, #tpu.memory_space<vmem>> -> memref<128xf32, #tpu.memory_space<vmem>>
      %dma_start3A_182 = arith.constant 0 : i32
      %dma_start3A_183 = tpu.memref_slice %arg10[%dma_start3A_177, %dma_start3A_182] : memref<24x128xi32, #tpu.memory_space<vmem>> -> memref<1x128xi32, #tpu.memory_space<vmem>>
      %dma_start3A_184 = tpu.memref_squeeze %dma_start3A_183 : memref<1x128xi32, #tpu.memory_space<vmem>> -> memref<128xi32, #tpu.memory_space<vmem>>
      %dma_start3A_185 = arith.constant 0 : i32
      %dma_start3A_186 = tpu.memref_slice %arg7[%dma_start3A_185] : memref<1906688xf32, #tpu.memory_space<vmem_shared>> -> memref<1906688xf32, #tpu.memory_space<vmem_shared>>
      tpu.enqueue_indirect_dma source(%dma_start3A_186 : memref<1906688xf32, #tpu.memory_space<vmem_shared>>) target(%dma_start3A_181 : memref<128xf32, #tpu.memory_space<vmem>>) offsets(%dma_start3A_184 : memref<128xi32, #tpu.memory_space<vmem>>) semaphore(%arg12 : memref<!tpu.dma_semaphore, #tpu.memory_space<semaphore_mem>>)
      %dma_start3A_187 = arith.constant 12 : i32
      %dma_start3A_188 = arith.constant 12 : i32
      %dma_start3A_189 = arith.constant 0 : i32
      %dma_start3A_190 = tpu.memref_slice %arg11[%dma_start3A_188, %dma_start3A_189] : memref<24x128xf32, #tpu.memory_space<vmem>> -> memref<1x128xf32, #tpu.memory_space<vmem>>
      %dma_start3A_191 = tpu.memref_squeeze %dma_start3A_190 : memref<1x128xf32, #tpu.memory_space<vmem>> -> memref<128xf32, #tpu.memory_space<vmem>>
      %dma_start3A_192 = arith.constant 0 : i32
      %dma_start3A_193 = tpu.memref_slice %arg10[%dma_start3A_187, %dma_start3A_192] : memref<24x128xi32, #tpu.memory_space<vmem>> -> memref<1x128xi32, #tpu.memory_space<vmem>>
      %dma_start3A_194 = tpu.memref_squeeze %dma_start3A_193 : memref<1x128xi32, #tpu.memory_space<vmem>> -> memref<128xi32, #tpu.memory_space<vmem>>
      %dma_start3A_195 = arith.constant 0 : i32
      %dma_start3A_196 = tpu.memref_slice %arg7[%dma_start3A_195] : memref<1906688xf32, #tpu.memory_space<vmem_shared>> -> memref<1906688xf32, #tpu.memory_space<vmem_shared>>
      tpu.enqueue_indirect_dma source(%dma_start3A_196 : memref<1906688xf32, #tpu.memory_space<vmem_shared>>) target(%dma_start3A_191 : memref<128xf32, #tpu.memory_space<vmem>>) offsets(%dma_start3A_194 : memref<128xi32, #tpu.memory_space<vmem>>) semaphore(%arg12 : memref<!tpu.dma_semaphore, #tpu.memory_space<semaphore_mem>>)
      %dma_start3A_197 = arith.constant 13 : i32
      %dma_start3A_198 = arith.constant 13 : i32
      %dma_start3A_199 = arith.constant 0 : i32
      %dma_start3A_200 = tpu.memref_slice %arg11[%dma_start3A_198, %dma_start3A_199] : memref<24x128xf32, #tpu.memory_space<vmem>> -> memref<1x128xf32, #tpu.memory_space<vmem>>
      %dma_start3A_201 = tpu.memref_squeeze %dma_start3A_200 : memref<1x128xf32, #tpu.memory_space<vmem>> -> memref<128xf32, #tpu.memory_space<vmem>>
      %dma_start3A_202 = arith.constant 0 : i32
      %dma_start3A_203 = tpu.memref_slice %arg10[%dma_start3A_197, %dma_start3A_202] : memref<24x128xi32, #tpu.memory_space<vmem>> -> memref<1x128xi32, #tpu.memory_space<vmem>>
      %dma_start3A_204 = tpu.memref_squeeze %dma_start3A_203 : memref<1x128xi32, #tpu.memory_space<vmem>> -> memref<128xi32, #tpu.memory_space<vmem>>
      %dma_start3A_205 = arith.constant 0 : i32
      %dma_start3A_206 = tpu.memref_slice %arg7[%dma_start3A_205] : memref<1906688xf32, #tpu.memory_space<vmem_shared>> -> memref<1906688xf32, #tpu.memory_space<vmem_shared>>
      tpu.enqueue_indirect_dma source(%dma_start3A_206 : memref<1906688xf32, #tpu.memory_space<vmem_shared>>) target(%dma_start3A_201 : memref<128xf32, #tpu.memory_space<vmem>>) offsets(%dma_start3A_204 : memref<128xi32, #tpu.memory_space<vmem>>) semaphore(%arg12 : memref<!tpu.dma_semaphore, #tpu.memory_space<semaphore_mem>>)
      %dma_start3A_207 = arith.constant 14 : i32
      %dma_start3A_208 = arith.constant 14 : i32
      %dma_start3A_209 = arith.constant 0 : i32
      %dma_start3A_210 = tpu.memref_slice %arg11[%dma_start3A_208, %dma_start3A_209] : memref<24x128xf32, #tpu.memory_space<vmem>> -> memref<1x128xf32, #tpu.memory_space<vmem>>
      %dma_start3A_211 = tpu.memref_squeeze %dma_start3A_210 : memref<1x128xf32, #tpu.memory_space<vmem>> -> memref<128xf32, #tpu.memory_space<vmem>>
      %dma_start3A_212 = arith.constant 0 : i32
      %dma_start3A_213 = tpu.memref_slice %arg10[%dma_start3A_207, %dma_start3A_212] : memref<24x128xi32, #tpu.memory_space<vmem>> -> memref<1x128xi32, #tpu.memory_space<vmem>>
      %dma_start3A_214 = tpu.memref_squeeze %dma_start3A_213 : memref<1x128xi32, #tpu.memory_space<vmem>> -> memref<128xi32, #tpu.memory_space<vmem>>
      %dma_start3A_215 = arith.constant 0 : i32
      %dma_start3A_216 = tpu.memref_slice %arg7[%dma_start3A_215] : memref<1906688xf32, #tpu.memory_space<vmem_shared>> -> memref<1906688xf32, #tpu.memory_space<vmem_shared>>
      tpu.enqueue_indirect_dma source(%dma_start3A_216 : memref<1906688xf32, #tpu.memory_space<vmem_shared>>) target(%dma_start3A_211 : memref<128xf32, #tpu.memory_space<vmem>>) offsets(%dma_start3A_214 : memref<128xi32, #tpu.memory_space<vmem>>) semaphore(%arg12 : memref<!tpu.dma_semaphore, #tpu.memory_space<semaphore_mem>>)
      %dma_start3A_217 = arith.constant 15 : i32
      %dma_start3A_218 = arith.constant 15 : i32
      %dma_start3A_219 = arith.constant 0 : i32
      %dma_start3A_220 = tpu.memref_slice %arg11[%dma_start3A_218, %dma_start3A_219] : memref<24x128xf32, #tpu.memory_space<vmem>> -> memref<1x128xf32, #tpu.memory_space<vmem>>
      %dma_start3A_221 = tpu.memref_squeeze %dma_start3A_220 : memref<1x128xf32, #tpu.memory_space<vmem>> -> memref<128xf32, #tpu.memory_space<vmem>>
      %dma_start3A_222 = arith.constant 0 : i32
      %dma_start3A_223 = tpu.memref_slice %arg10[%dma_start3A_217, %dma_start3A_222] : memref<24x128xi32, #tpu.memory_space<vmem>> -> memref<1x128xi32, #tpu.memory_space<vmem>>
      %dma_start3A_224 = tpu.memref_squeeze %dma_start3A_223 : memref<1x128xi32, #tpu.memory_space<vmem>> -> memref<128xi32, #tpu.memory_space<vmem>>
      %dma_start3A_225 = arith.constant 0 : i32
      %dma_start3A_226 = tpu.memref_slice %arg7[%dma_start3A_225] : memref<1906688xf32, #tpu.memory_space<vmem_shared>> -> memref<1906688xf32, #tpu.memory_space<vmem_shared>>
      tpu.enqueue_indirect_dma source(%dma_start3A_226 : memref<1906688xf32, #tpu.memory_space<vmem_shared>>) target(%dma_start3A_221 : memref<128xf32, #tpu.memory_space<vmem>>) offsets(%dma_start3A_224 : memref<128xi32, #tpu.memory_space<vmem>>) semaphore(%arg12 : memref<!tpu.dma_semaphore, #tpu.memory_space<semaphore_mem>>)
      %dma_start3A_227 = arith.constant 16 : i32
      %dma_start3A_228 = arith.constant 16 : i32
      %dma_start3A_229 = arith.constant 0 : i32
      %dma_start3A_230 = tpu.memref_slice %arg11[%dma_start3A_228, %dma_start3A_229] : memref<24x128xf32, #tpu.memory_space<vmem>> -> memref<1x128xf32, #tpu.memory_space<vmem>>
      %dma_start3A_231 = tpu.memref_squeeze %dma_start3A_230 : memref<1x128xf32, #tpu.memory_space<vmem>> -> memref<128xf32, #tpu.memory_space<vmem>>
      %dma_start3A_232 = arith.constant 0 : i32
      %dma_start3A_233 = tpu.memref_slice %arg10[%dma_start3A_227, %dma_start3A_232] : memref<24x128xi32, #tpu.memory_space<vmem>> -> memref<1x128xi32, #tpu.memory_space<vmem>>
      %dma_start3A_234 = tpu.memref_squeeze %dma_start3A_233 : memref<1x128xi32, #tpu.memory_space<vmem>> -> memref<128xi32, #tpu.memory_space<vmem>>
      %dma_start3A_235 = arith.constant 0 : i32
      %dma_start3A_236 = tpu.memref_slice %arg7[%dma_start3A_235] : memref<1906688xf32, #tpu.memory_space<vmem_shared>> -> memref<1906688xf32, #tpu.memory_space<vmem_shared>>
      tpu.enqueue_indirect_dma source(%dma_start3A_236 : memref<1906688xf32, #tpu.memory_space<vmem_shared>>) target(%dma_start3A_231 : memref<128xf32, #tpu.memory_space<vmem>>) offsets(%dma_start3A_234 : memref<128xi32, #tpu.memory_space<vmem>>) semaphore(%arg12 : memref<!tpu.dma_semaphore, #tpu.memory_space<semaphore_mem>>)
      %dma_start3A_237 = arith.constant 17 : i32
      %dma_start3A_238 = arith.constant 17 : i32
      %dma_start3A_239 = arith.constant 0 : i32
      %dma_start3A_240 = tpu.memref_slice %arg11[%dma_start3A_238, %dma_start3A_239] : memref<24x128xf32, #tpu.memory_space<vmem>> -> memref<1x128xf32, #tpu.memory_space<vmem>>
      %dma_start3A_241 = tpu.memref_squeeze %dma_start3A_240 : memref<1x128xf32, #tpu.memory_space<vmem>> -> memref<128xf32, #tpu.memory_space<vmem>>
      %dma_start3A_242 = arith.constant 0 : i32
      %dma_start3A_243 = tpu.memref_slice %arg10[%dma_start3A_237, %dma_start3A_242] : memref<24x128xi32, #tpu.memory_space<vmem>> -> memref<1x128xi32, #tpu.memory_space<vmem>>
      %dma_start3A_244 = tpu.memref_squeeze %dma_start3A_243 : memref<1x128xi32, #tpu.memory_space<vmem>> -> memref<128xi32, #tpu.memory_space<vmem>>
      %dma_start3A_245 = arith.constant 0 : i32
      %dma_start3A_246 = tpu.memref_slice %arg7[%dma_start3A_245] : memref<1906688xf32, #tpu.memory_space<vmem_shared>> -> memref<1906688xf32, #tpu.memory_space<vmem_shared>>
      tpu.enqueue_indirect_dma source(%dma_start3A_246 : memref<1906688xf32, #tpu.memory_space<vmem_shared>>) target(%dma_start3A_241 : memref<128xf32, #tpu.memory_space<vmem>>) offsets(%dma_start3A_244 : memref<128xi32, #tpu.memory_space<vmem>>) semaphore(%arg12 : memref<!tpu.dma_semaphore, #tpu.memory_space<semaphore_mem>>)
      %dma_start3A_247 = arith.constant 18 : i32
      %dma_start3A_248 = arith.constant 18 : i32
      %dma_start3A_249 = arith.constant 0 : i32
      %dma_start3A_250 = tpu.memref_slice %arg11[%dma_start3A_248, %dma_start3A_249] : memref<24x128xf32, #tpu.memory_space<vmem>> -> memref<1x128xf32, #tpu.memory_space<vmem>>
      %dma_start3A_251 = tpu.memref_squeeze %dma_start3A_250 : memref<1x128xf32, #tpu.memory_space<vmem>> -> memref<128xf32, #tpu.memory_space<vmem>>
      %dma_start3A_252 = arith.constant 0 : i32
      %dma_start3A_253 = tpu.memref_slice %arg10[%dma_start3A_247, %dma_start3A_252] : memref<24x128xi32, #tpu.memory_space<vmem>> -> memref<1x128xi32, #tpu.memory_space<vmem>>
      %dma_start3A_254 = tpu.memref_squeeze %dma_start3A_253 : memref<1x128xi32, #tpu.memory_space<vmem>> -> memref<128xi32, #tpu.memory_space<vmem>>
      %dma_start3A_255 = arith.constant 0 : i32
      %dma_start3A_256 = tpu.memref_slice %arg7[%dma_start3A_255] : memref<1906688xf32, #tpu.memory_space<vmem_shared>> -> memref<1906688xf32, #tpu.memory_space<vmem_shared>>
      tpu.enqueue_indirect_dma source(%dma_start3A_256 : memref<1906688xf32, #tpu.memory_space<vmem_shared>>) target(%dma_start3A_251 : memref<128xf32, #tpu.memory_space<vmem>>) offsets(%dma_start3A_254 : memref<128xi32, #tpu.memory_space<vmem>>) semaphore(%arg12 : memref<!tpu.dma_semaphore, #tpu.memory_space<semaphore_mem>>)
      %dma_start3A_257 = arith.constant 19 : i32
      %dma_start3A_258 = arith.constant 19 : i32
      %dma_start3A_259 = arith.constant 0 : i32
      %dma_start3A_260 = tpu.memref_slice %arg11[%dma_start3A_258, %dma_start3A_259] : memref<24x128xf32, #tpu.memory_space<vmem>> -> memref<1x128xf32, #tpu.memory_space<vmem>>
      %dma_start3A_261 = tpu.memref_squeeze %dma_start3A_260 : memref<1x128xf32, #tpu.memory_space<vmem>> -> memref<128xf32, #tpu.memory_space<vmem>>
      %dma_start3A_262 = arith.constant 0 : i32
      %dma_start3A_263 = tpu.memref_slice %arg10[%dma_start3A_257, %dma_start3A_262] : memref<24x128xi32, #tpu.memory_space<vmem>> -> memref<1x128xi32, #tpu.memory_space<vmem>>
      %dma_start3A_264 = tpu.memref_squeeze %dma_start3A_263 : memref<1x128xi32, #tpu.memory_space<vmem>> -> memref<128xi32, #tpu.memory_space<vmem>>
      %dma_start3A_265 = arith.constant 0 : i32
      %dma_start3A_266 = tpu.memref_slice %arg7[%dma_start3A_265] : memref<1906688xf32, #tpu.memory_space<vmem_shared>> -> memref<1906688xf32, #tpu.memory_space<vmem_shared>>
      tpu.enqueue_indirect_dma source(%dma_start3A_266 : memref<1906688xf32, #tpu.memory_space<vmem_shared>>) target(%dma_start3A_261 : memref<128xf32, #tpu.memory_space<vmem>>) offsets(%dma_start3A_264 : memref<128xi32, #tpu.memory_space<vmem>>) semaphore(%arg12 : memref<!tpu.dma_semaphore, #tpu.memory_space<semaphore_mem>>)
      %dma_start3A_267 = arith.constant 20 : i32
      %dma_start3A_268 = arith.constant 20 : i32
      %dma_start3A_269 = arith.constant 0 : i32
      %dma_start3A_270 = tpu.memref_slice %arg11[%dma_start3A_268, %dma_start3A_269] : memref<24x128xf32, #tpu.memory_space<vmem>> -> memref<1x128xf32, #tpu.memory_space<vmem>>
      %dma_start3A_271 = tpu.memref_squeeze %dma_start3A_270 : memref<1x128xf32, #tpu.memory_space<vmem>> -> memref<128xf32, #tpu.memory_space<vmem>>
      %dma_start3A_272 = arith.constant 0 : i32
      %dma_start3A_273 = tpu.memref_slice %arg10[%dma_start3A_267, %dma_start3A_272] : memref<24x128xi32, #tpu.memory_space<vmem>> -> memref<1x128xi32, #tpu.memory_space<vmem>>
      %dma_start3A_274 = tpu.memref_squeeze %dma_start3A_273 : memref<1x128xi32, #tpu.memory_space<vmem>> -> memref<128xi32, #tpu.memory_space<vmem>>
      %dma_start3A_275 = arith.constant 0 : i32
      %dma_start3A_276 = tpu.memref_slice %arg7[%dma_start3A_275] : memref<1906688xf32, #tpu.memory_space<vmem_shared>> -> memref<1906688xf32, #tpu.memory_space<vmem_shared>>
      tpu.enqueue_indirect_dma source(%dma_start3A_276 : memref<1906688xf32, #tpu.memory_space<vmem_shared>>) target(%dma_start3A_271 : memref<128xf32, #tpu.memory_space<vmem>>) offsets(%dma_start3A_274 : memref<128xi32, #tpu.memory_space<vmem>>) semaphore(%arg12 : memref<!tpu.dma_semaphore, #tpu.memory_space<semaphore_mem>>)
      %dma_start3A_277 = arith.constant 21 : i32
      %dma_start3A_278 = arith.constant 21 : i32
      %dma_start3A_279 = arith.constant 0 : i32
      %dma_start3A_280 = tpu.memref_slice %arg11[%dma_start3A_278, %dma_start3A_279] : memref<24x128xf32, #tpu.memory_space<vmem>> -> memref<1x128xf32, #tpu.memory_space<vmem>>
      %dma_start3A_281 = tpu.memref_squeeze %dma_start3A_280 : memref<1x128xf32, #tpu.memory_space<vmem>> -> memref<128xf32, #tpu.memory_space<vmem>>
      %dma_start3A_282 = arith.constant 0 : i32
      %dma_start3A_283 = tpu.memref_slice %arg10[%dma_start3A_277, %dma_start3A_282] : memref<24x128xi32, #tpu.memory_space<vmem>> -> memref<1x128xi32, #tpu.memory_space<vmem>>
      %dma_start3A_284 = tpu.memref_squeeze %dma_start3A_283 : memref<1x128xi32, #tpu.memory_space<vmem>> -> memref<128xi32, #tpu.memory_space<vmem>>
      %dma_start3A_285 = arith.constant 0 : i32
      %dma_start3A_286 = tpu.memref_slice %arg7[%dma_start3A_285] : memref<1906688xf32, #tpu.memory_space<vmem_shared>> -> memref<1906688xf32, #tpu.memory_space<vmem_shared>>
      tpu.enqueue_indirect_dma source(%dma_start3A_286 : memref<1906688xf32, #tpu.memory_space<vmem_shared>>) target(%dma_start3A_281 : memref<128xf32, #tpu.memory_space<vmem>>) offsets(%dma_start3A_284 : memref<128xi32, #tpu.memory_space<vmem>>) semaphore(%arg12 : memref<!tpu.dma_semaphore, #tpu.memory_space<semaphore_mem>>)
      %dma_start3A_287 = arith.constant 22 : i32
      %dma_start3A_288 = arith.constant 22 : i32
      %dma_start3A_289 = arith.constant 0 : i32
      %dma_start3A_290 = tpu.memref_slice %arg11[%dma_start3A_288, %dma_start3A_289] : memref<24x128xf32, #tpu.memory_space<vmem>> -> memref<1x128xf32, #tpu.memory_space<vmem>>
      %dma_start3A_291 = tpu.memref_squeeze %dma_start3A_290 : memref<1x128xf32, #tpu.memory_space<vmem>> -> memref<128xf32, #tpu.memory_space<vmem>>
      %dma_start3A_292 = arith.constant 0 : i32
      %dma_start3A_293 = tpu.memref_slice %arg10[%dma_start3A_287, %dma_start3A_292] : memref<24x128xi32, #tpu.memory_space<vmem>> -> memref<1x128xi32, #tpu.memory_space<vmem>>
      %dma_start3A_294 = tpu.memref_squeeze %dma_start3A_293 : memref<1x128xi32, #tpu.memory_space<vmem>> -> memref<128xi32, #tpu.memory_space<vmem>>
      %dma_start3A_295 = arith.constant 0 : i32
      %dma_start3A_296 = tpu.memref_slice %arg7[%dma_start3A_295] : memref<1906688xf32, #tpu.memory_space<vmem_shared>> -> memref<1906688xf32, #tpu.memory_space<vmem_shared>>
      tpu.enqueue_indirect_dma source(%dma_start3A_296 : memref<1906688xf32, #tpu.memory_space<vmem_shared>>) target(%dma_start3A_291 : memref<128xf32, #tpu.memory_space<vmem>>) offsets(%dma_start3A_294 : memref<128xi32, #tpu.memory_space<vmem>>) semaphore(%arg12 : memref<!tpu.dma_semaphore, #tpu.memory_space<semaphore_mem>>)
      %dma_start3A_297 = arith.constant 23 : i32
      %dma_start3A_298 = arith.constant 23 : i32
      %dma_start3A_299 = arith.constant 0 : i32
      %dma_start3A_300 = tpu.memref_slice %arg11[%dma_start3A_298, %dma_start3A_299] : memref<24x128xf32, #tpu.memory_space<vmem>> -> memref<1x128xf32, #tpu.memory_space<vmem>>
      %dma_start3A_301 = tpu.memref_squeeze %dma_start3A_300 : memref<1x128xf32, #tpu.memory_space<vmem>> -> memref<128xf32, #tpu.memory_space<vmem>>
      %dma_start3A_302 = arith.constant 0 : i32
      %dma_start3A_303 = tpu.memref_slice %arg10[%dma_start3A_297, %dma_start3A_302] : memref<24x128xi32, #tpu.memory_space<vmem>> -> memref<1x128xi32, #tpu.memory_space<vmem>>
      %dma_start3A_304 = tpu.memref_squeeze %dma_start3A_303 : memref<1x128xi32, #tpu.memory_space<vmem>> -> memref<128xi32, #tpu.memory_space<vmem>>
      %dma_start3A_305 = arith.constant 0 : i32
      %dma_start3A_306 = tpu.memref_slice %arg7[%dma_start3A_305] : memref<1906688xf32, #tpu.memory_space<vmem_shared>> -> memref<1906688xf32, #tpu.memory_space<vmem_shared>>
      tpu.enqueue_indirect_dma source(%dma_start3A_306 : memref<1906688xf32, #tpu.memory_space<vmem_shared>>) target(%dma_start3A_301 : memref<128xf32, #tpu.memory_space<vmem>>) offsets(%dma_start3A_304 : memref<128xi32, #tpu.memory_space<vmem>>) semaphore(%arg12 : memref<!tpu.dma_semaphore, #tpu.memory_space<semaphore_mem>>)
      %dma_wait3A_307 = arith.constant 0 : i32
      %dma_wait3A_308 = arith.constant 0 : i32
      %dma_wait3A_309 = arith.constant 0 : i32
      %dma_wait3A_310 = tpu.memref_slice %arg11[%dma_wait3A_308, %dma_wait3A_309] : memref<24x128xf32, #tpu.memory_space<vmem>> -> memref<1x128xf32, #tpu.memory_space<vmem>>
      %dma_wait3A_311 = tpu.memref_squeeze %dma_wait3A_310 : memref<1x128xf32, #tpu.memory_space<vmem>> -> memref<128xf32, #tpu.memory_space<vmem>>
      %dma_wait3A_312 = arith.constant 0 : i32
      %dma_wait3A_313 = tpu.memref_slice %arg10[%dma_wait3A_307, %dma_wait3A_312] : memref<24x128xi32, #tpu.memory_space<vmem>> -> memref<1x128xi32, #tpu.memory_space<vmem>>
      %dma_wait3A_314 = tpu.memref_squeeze %dma_wait3A_313 : memref<1x128xi32, #tpu.memory_space<vmem>> -> memref<128xi32, #tpu.memory_space<vmem>>
      %dma_wait3A_315 = arith.constant 0 : i32
      %dma_wait3A_316 = tpu.memref_slice %arg7[%dma_wait3A_315] : memref<1906688xf32, #tpu.memory_space<vmem_shared>> -> memref<1906688xf32, #tpu.memory_space<vmem_shared>>
      tpu.wait_indirect_dma semaphore(%arg12 : memref<!tpu.dma_semaphore, #tpu.memory_space<semaphore_mem>>) src(%dma_wait3A_316 : memref<1906688xf32, #tpu.memory_space<vmem_shared>>) dst(%dma_wait3A_311 : memref<128xf32, #tpu.memory_space<vmem>>)
      %dma_wait3A_317 = arith.constant 1 : i32
      %dma_wait3A_318 = arith.constant 1 : i32
      %dma_wait3A_319 = arith.constant 0 : i32
      %dma_wait3A_320 = tpu.memref_slice %arg11[%dma_wait3A_318, %dma_wait3A_319] : memref<24x128xf32, #tpu.memory_space<vmem>> -> memref<1x128xf32, #tpu.memory_space<vmem>>
      %dma_wait3A_321 = tpu.memref_squeeze %dma_wait3A_320 : memref<1x128xf32, #tpu.memory_space<vmem>> -> memref<128xf32, #tpu.memory_space<vmem>>
      %dma_wait3A_322 = arith.constant 0 : i32
      %dma_wait3A_323 = tpu.memref_slice %arg10[%dma_wait3A_317, %dma_wait3A_322] : memref<24x128xi32, #tpu.memory_space<vmem>> -> memref<1x128xi32, #tpu.memory_space<vmem>>
      %dma_wait3A_324 = tpu.memref_squeeze %dma_wait3A_323 : memref<1x128xi32, #tpu.memory_space<vmem>> -> memref<128xi32, #tpu.memory_space<vmem>>
      %dma_wait3A_325 = arith.constant 0 : i32
      %dma_wait3A_326 = tpu.memref_slice %arg7[%dma_wait3A_325] : memref<1906688xf32, #tpu.memory_space<vmem_shared>> -> memref<1906688xf32, #tpu.memory_space<vmem_shared>>
      tpu.wait_indirect_dma semaphore(%arg12 : memref<!tpu.dma_semaphore, #tpu.memory_space<semaphore_mem>>) src(%dma_wait3A_326 : memref<1906688xf32, #tpu.memory_space<vmem_shared>>) dst(%dma_wait3A_321 : memref<128xf32, #tpu.memory_space<vmem>>)
      %dma_wait3A_327 = arith.constant 2 : i32
      %dma_wait3A_328 = arith.constant 2 : i32
      %dma_wait3A_329 = arith.constant 0 : i32
      %dma_wait3A_330 = tpu.memref_slice %arg11[%dma_wait3A_328, %dma_wait3A_329] : memref<24x128xf32, #tpu.memory_space<vmem>> -> memref<1x128xf32, #tpu.memory_space<vmem>>
      %dma_wait3A_331 = tpu.memref_squeeze %dma_wait3A_330 : memref<1x128xf32, #tpu.memory_space<vmem>> -> memref<128xf32, #tpu.memory_space<vmem>>
      %dma_wait3A_332 = arith.constant 0 : i32
      %dma_wait3A_333 = tpu.memref_slice %arg10[%dma_wait3A_327, %dma_wait3A_332] : memref<24x128xi32, #tpu.memory_space<vmem>> -> memref<1x128xi32, #tpu.memory_space<vmem>>
      %dma_wait3A_334 = tpu.memref_squeeze %dma_wait3A_333 : memref<1x128xi32, #tpu.memory_space<vmem>> -> memref<128xi32, #tpu.memory_space<vmem>>
      %dma_wait3A_335 = arith.constant 0 : i32
      %dma_wait3A_336 = tpu.memref_slice %arg7[%dma_wait3A_335] : memref<1906688xf32, #tpu.memory_space<vmem_shared>> -> memref<1906688xf32, #tpu.memory_space<vmem_shared>>
      tpu.wait_indirect_dma semaphore(%arg12 : memref<!tpu.dma_semaphore, #tpu.memory_space<semaphore_mem>>) src(%dma_wait3A_336 : memref<1906688xf32, #tpu.memory_space<vmem_shared>>) dst(%dma_wait3A_331 : memref<128xf32, #tpu.memory_space<vmem>>)
      %dma_wait3A_337 = arith.constant 3 : i32
      %dma_wait3A_338 = arith.constant 3 : i32
      %dma_wait3A_339 = arith.constant 0 : i32
      %dma_wait3A_340 = tpu.memref_slice %arg11[%dma_wait3A_338, %dma_wait3A_339] : memref<24x128xf32, #tpu.memory_space<vmem>> -> memref<1x128xf32, #tpu.memory_space<vmem>>
      %dma_wait3A_341 = tpu.memref_squeeze %dma_wait3A_340 : memref<1x128xf32, #tpu.memory_space<vmem>> -> memref<128xf32, #tpu.memory_space<vmem>>
      %dma_wait3A_342 = arith.constant 0 : i32
      %dma_wait3A_343 = tpu.memref_slice %arg10[%dma_wait3A_337, %dma_wait3A_342] : memref<24x128xi32, #tpu.memory_space<vmem>> -> memref<1x128xi32, #tpu.memory_space<vmem>>
      %dma_wait3A_344 = tpu.memref_squeeze %dma_wait3A_343 : memref<1x128xi32, #tpu.memory_space<vmem>> -> memref<128xi32, #tpu.memory_space<vmem>>
      %dma_wait3A_345 = arith.constant 0 : i32
      %dma_wait3A_346 = tpu.memref_slice %arg7[%dma_wait3A_345] : memref<1906688xf32, #tpu.memory_space<vmem_shared>> -> memref<1906688xf32, #tpu.memory_space<vmem_shared>>
      tpu.wait_indirect_dma semaphore(%arg12 : memref<!tpu.dma_semaphore, #tpu.memory_space<semaphore_mem>>) src(%dma_wait3A_346 : memref<1906688xf32, #tpu.memory_space<vmem_shared>>) dst(%dma_wait3A_341 : memref<128xf32, #tpu.memory_space<vmem>>)
      %dma_wait3A_347 = arith.constant 4 : i32
      %dma_wait3A_348 = arith.constant 4 : i32
      %dma_wait3A_349 = arith.constant 0 : i32
      %dma_wait3A_350 = tpu.memref_slice %arg11[%dma_wait3A_348, %dma_wait3A_349] : memref<24x128xf32, #tpu.memory_space<vmem>> -> memref<1x128xf32, #tpu.memory_space<vmem>>
      %dma_wait3A_351 = tpu.memref_squeeze %dma_wait3A_350 : memref<1x128xf32, #tpu.memory_space<vmem>> -> memref<128xf32, #tpu.memory_space<vmem>>
      %dma_wait3A_352 = arith.constant 0 : i32
      %dma_wait3A_353 = tpu.memref_slice %arg10[%dma_wait3A_347, %dma_wait3A_352] : memref<24x128xi32, #tpu.memory_space<vmem>> -> memref<1x128xi32, #tpu.memory_space<vmem>>
      %dma_wait3A_354 = tpu.memref_squeeze %dma_wait3A_353 : memref<1x128xi32, #tpu.memory_space<vmem>> -> memref<128xi32, #tpu.memory_space<vmem>>
      %dma_wait3A_355 = arith.constant 0 : i32
      %dma_wait3A_356 = tpu.memref_slice %arg7[%dma_wait3A_355] : memref<1906688xf32, #tpu.memory_space<vmem_shared>> -> memref<1906688xf32, #tpu.memory_space<vmem_shared>>
      tpu.wait_indirect_dma semaphore(%arg12 : memref<!tpu.dma_semaphore, #tpu.memory_space<semaphore_mem>>) src(%dma_wait3A_356 : memref<1906688xf32, #tpu.memory_space<vmem_shared>>) dst(%dma_wait3A_351 : memref<128xf32, #tpu.memory_space<vmem>>)
      %dma_wait3A_357 = arith.constant 5 : i32
      %dma_wait3A_358 = arith.constant 5 : i32
      %dma_wait3A_359 = arith.constant 0 : i32
      %dma_wait3A_360 = tpu.memref_slice %arg11[%dma_wait3A_358, %dma_wait3A_359] : memref<24x128xf32, #tpu.memory_space<vmem>> -> memref<1x128xf32, #tpu.memory_space<vmem>>
      %dma_wait3A_361 = tpu.memref_squeeze %dma_wait3A_360 : memref<1x128xf32, #tpu.memory_space<vmem>> -> memref<128xf32, #tpu.memory_space<vmem>>
      %dma_wait3A_362 = arith.constant 0 : i32
      %dma_wait3A_363 = tpu.memref_slice %arg10[%dma_wait3A_357, %dma_wait3A_362] : memref<24x128xi32, #tpu.memory_space<vmem>> -> memref<1x128xi32, #tpu.memory_space<vmem>>
      %dma_wait3A_364 = tpu.memref_squeeze %dma_wait3A_363 : memref<1x128xi32, #tpu.memory_space<vmem>> -> memref<128xi32, #tpu.memory_space<vmem>>
      %dma_wait3A_365 = arith.constant 0 : i32
      %dma_wait3A_366 = tpu.memref_slice %arg7[%dma_wait3A_365] : memref<1906688xf32, #tpu.memory_space<vmem_shared>> -> memref<1906688xf32, #tpu.memory_space<vmem_shared>>
      tpu.wait_indirect_dma semaphore(%arg12 : memref<!tpu.dma_semaphore, #tpu.memory_space<semaphore_mem>>) src(%dma_wait3A_366 : memref<1906688xf32, #tpu.memory_space<vmem_shared>>) dst(%dma_wait3A_361 : memref<128xf32, #tpu.memory_space<vmem>>)
      %dma_wait3A_367 = arith.constant 6 : i32
      %dma_wait3A_368 = arith.constant 6 : i32
      %dma_wait3A_369 = arith.constant 0 : i32
      %dma_wait3A_370 = tpu.memref_slice %arg11[%dma_wait3A_368, %dma_wait3A_369] : memref<24x128xf32, #tpu.memory_space<vmem>> -> memref<1x128xf32, #tpu.memory_space<vmem>>
      %dma_wait3A_371 = tpu.memref_squeeze %dma_wait3A_370 : memref<1x128xf32, #tpu.memory_space<vmem>> -> memref<128xf32, #tpu.memory_space<vmem>>
      %dma_wait3A_372 = arith.constant 0 : i32
      %dma_wait3A_373 = tpu.memref_slice %arg10[%dma_wait3A_367, %dma_wait3A_372] : memref<24x128xi32, #tpu.memory_space<vmem>> -> memref<1x128xi32, #tpu.memory_space<vmem>>
      %dma_wait3A_374 = tpu.memref_squeeze %dma_wait3A_373 : memref<1x128xi32, #tpu.memory_space<vmem>> -> memref<128xi32, #tpu.memory_space<vmem>>
      %dma_wait3A_375 = arith.constant 0 : i32
      %dma_wait3A_376 = tpu.memref_slice %arg7[%dma_wait3A_375] : memref<1906688xf32, #tpu.memory_space<vmem_shared>> -> memref<1906688xf32, #tpu.memory_space<vmem_shared>>
      tpu.wait_indirect_dma semaphore(%arg12 : memref<!tpu.dma_semaphore, #tpu.memory_space<semaphore_mem>>) src(%dma_wait3A_376 : memref<1906688xf32, #tpu.memory_space<vmem_shared>>) dst(%dma_wait3A_371 : memref<128xf32, #tpu.memory_space<vmem>>)
      %dma_wait3A_377 = arith.constant 7 : i32
      %dma_wait3A_378 = arith.constant 7 : i32
      %dma_wait3A_379 = arith.constant 0 : i32
      %dma_wait3A_380 = tpu.memref_slice %arg11[%dma_wait3A_378, %dma_wait3A_379] : memref<24x128xf32, #tpu.memory_space<vmem>> -> memref<1x128xf32, #tpu.memory_space<vmem>>
      %dma_wait3A_381 = tpu.memref_squeeze %dma_wait3A_380 : memref<1x128xf32, #tpu.memory_space<vmem>> -> memref<128xf32, #tpu.memory_space<vmem>>
      %dma_wait3A_382 = arith.constant 0 : i32
      %dma_wait3A_383 = tpu.memref_slice %arg10[%dma_wait3A_377, %dma_wait3A_382] : memref<24x128xi32, #tpu.memory_space<vmem>> -> memref<1x128xi32, #tpu.memory_space<vmem>>
      %dma_wait3A_384 = tpu.memref_squeeze %dma_wait3A_383 : memref<1x128xi32, #tpu.memory_space<vmem>> -> memref<128xi32, #tpu.memory_space<vmem>>
      %dma_wait3A_385 = arith.constant 0 : i32
      %dma_wait3A_386 = tpu.memref_slice %arg7[%dma_wait3A_385] : memref<1906688xf32, #tpu.memory_space<vmem_shared>> -> memref<1906688xf32, #tpu.memory_space<vmem_shared>>
      tpu.wait_indirect_dma semaphore(%arg12 : memref<!tpu.dma_semaphore, #tpu.memory_space<semaphore_mem>>) src(%dma_wait3A_386 : memref<1906688xf32, #tpu.memory_space<vmem_shared>>) dst(%dma_wait3A_381 : memref<128xf32, #tpu.memory_space<vmem>>)
      %dma_wait3A_387 = arith.constant 8 : i32
      %dma_wait3A_388 = arith.constant 8 : i32
      %dma_wait3A_389 = arith.constant 0 : i32
      %dma_wait3A_390 = tpu.memref_slice %arg11[%dma_wait3A_388, %dma_wait3A_389] : memref<24x128xf32, #tpu.memory_space<vmem>> -> memref<1x128xf32, #tpu.memory_space<vmem>>
      %dma_wait3A_391 = tpu.memref_squeeze %dma_wait3A_390 : memref<1x128xf32, #tpu.memory_space<vmem>> -> memref<128xf32, #tpu.memory_space<vmem>>
      %dma_wait3A_392 = arith.constant 0 : i32
      %dma_wait3A_393 = tpu.memref_slice %arg10[%dma_wait3A_387, %dma_wait3A_392] : memref<24x128xi32, #tpu.memory_space<vmem>> -> memref<1x128xi32, #tpu.memory_space<vmem>>
      %dma_wait3A_394 = tpu.memref_squeeze %dma_wait3A_393 : memref<1x128xi32, #tpu.memory_space<vmem>> -> memref<128xi32, #tpu.memory_space<vmem>>
      %dma_wait3A_395 = arith.constant 0 : i32
      %dma_wait3A_396 = tpu.memref_slice %arg7[%dma_wait3A_395] : memref<1906688xf32, #tpu.memory_space<vmem_shared>> -> memref<1906688xf32, #tpu.memory_space<vmem_shared>>
      tpu.wait_indirect_dma semaphore(%arg12 : memref<!tpu.dma_semaphore, #tpu.memory_space<semaphore_mem>>) src(%dma_wait3A_396 : memref<1906688xf32, #tpu.memory_space<vmem_shared>>) dst(%dma_wait3A_391 : memref<128xf32, #tpu.memory_space<vmem>>)
      %dma_wait3A_397 = arith.constant 9 : i32
      %dma_wait3A_398 = arith.constant 9 : i32
      %dma_wait3A_399 = arith.constant 0 : i32
      %dma_wait3A_400 = tpu.memref_slice %arg11[%dma_wait3A_398, %dma_wait3A_399] : memref<24x128xf32, #tpu.memory_space<vmem>> -> memref<1x128xf32, #tpu.memory_space<vmem>>
      %dma_wait3A_401 = tpu.memref_squeeze %dma_wait3A_400 : memref<1x128xf32, #tpu.memory_space<vmem>> -> memref<128xf32, #tpu.memory_space<vmem>>
      %dma_wait3A_402 = arith.constant 0 : i32
      %dma_wait3A_403 = tpu.memref_slice %arg10[%dma_wait3A_397, %dma_wait3A_402] : memref<24x128xi32, #tpu.memory_space<vmem>> -> memref<1x128xi32, #tpu.memory_space<vmem>>
      %dma_wait3A_404 = tpu.memref_squeeze %dma_wait3A_403 : memref<1x128xi32, #tpu.memory_space<vmem>> -> memref<128xi32, #tpu.memory_space<vmem>>
      %dma_wait3A_405 = arith.constant 0 : i32
      %dma_wait3A_406 = tpu.memref_slice %arg7[%dma_wait3A_405] : memref<1906688xf32, #tpu.memory_space<vmem_shared>> -> memref<1906688xf32, #tpu.memory_space<vmem_shared>>
      tpu.wait_indirect_dma semaphore(%arg12 : memref<!tpu.dma_semaphore, #tpu.memory_space<semaphore_mem>>) src(%dma_wait3A_406 : memref<1906688xf32, #tpu.memory_space<vmem_shared>>) dst(%dma_wait3A_401 : memref<128xf32, #tpu.memory_space<vmem>>)
      %dma_wait3A_407 = arith.constant 10 : i32
      %dma_wait3A_408 = arith.constant 10 : i32
      %dma_wait3A_409 = arith.constant 0 : i32
      %dma_wait3A_410 = tpu.memref_slice %arg11[%dma_wait3A_408, %dma_wait3A_409] : memref<24x128xf32, #tpu.memory_space<vmem>> -> memref<1x128xf32, #tpu.memory_space<vmem>>
      %dma_wait3A_411 = tpu.memref_squeeze %dma_wait3A_410 : memref<1x128xf32, #tpu.memory_space<vmem>> -> memref<128xf32, #tpu.memory_space<vmem>>
      %dma_wait3A_412 = arith.constant 0 : i32
      %dma_wait3A_413 = tpu.memref_slice %arg10[%dma_wait3A_407, %dma_wait3A_412] : memref<24x128xi32, #tpu.memory_space<vmem>> -> memref<1x128xi32, #tpu.memory_space<vmem>>
      %dma_wait3A_414 = tpu.memref_squeeze %dma_wait3A_413 : memref<1x128xi32, #tpu.memory_space<vmem>> -> memref<128xi32, #tpu.memory_space<vmem>>
      %dma_wait3A_415 = arith.constant 0 : i32
      %dma_wait3A_416 = tpu.memref_slice %arg7[%dma_wait3A_415] : memref<1906688xf32, #tpu.memory_space<vmem_shared>> -> memref<1906688xf32, #tpu.memory_space<vmem_shared>>
      tpu.wait_indirect_dma semaphore(%arg12 : memref<!tpu.dma_semaphore, #tpu.memory_space<semaphore_mem>>) src(%dma_wait3A_416 : memref<1906688xf32, #tpu.memory_space<vmem_shared>>) dst(%dma_wait3A_411 : memref<128xf32, #tpu.memory_space<vmem>>)
      %dma_wait3A_417 = arith.constant 11 : i32
      %dma_wait3A_418 = arith.constant 11 : i32
      %dma_wait3A_419 = arith.constant 0 : i32
      %dma_wait3A_420 = tpu.memref_slice %arg11[%dma_wait3A_418, %dma_wait3A_419] : memref<24x128xf32, #tpu.memory_space<vmem>> -> memref<1x128xf32, #tpu.memory_space<vmem>>
      %dma_wait3A_421 = tpu.memref_squeeze %dma_wait3A_420 : memref<1x128xf32, #tpu.memory_space<vmem>> -> memref<128xf32, #tpu.memory_space<vmem>>
      %dma_wait3A_422 = arith.constant 0 : i32
      %dma_wait3A_423 = tpu.memref_slice %arg10[%dma_wait3A_417, %dma_wait3A_422] : memref<24x128xi32, #tpu.memory_space<vmem>> -> memref<1x128xi32, #tpu.memory_space<vmem>>
      %dma_wait3A_424 = tpu.memref_squeeze %dma_wait3A_423 : memref<1x128xi32, #tpu.memory_space<vmem>> -> memref<128xi32, #tpu.memory_space<vmem>>
      %dma_wait3A_425 = arith.constant 0 : i32
      %dma_wait3A_426 = tpu.memref_slice %arg7[%dma_wait3A_425] : memref<1906688xf32, #tpu.memory_space<vmem_shared>> -> memref<1906688xf32, #tpu.memory_space<vmem_shared>>
      tpu.wait_indirect_dma semaphore(%arg12 : memref<!tpu.dma_semaphore, #tpu.memory_space<semaphore_mem>>) src(%dma_wait3A_426 : memref<1906688xf32, #tpu.memory_space<vmem_shared>>) dst(%dma_wait3A_421 : memref<128xf32, #tpu.memory_space<vmem>>)
      %dma_wait3A_427 = arith.constant 12 : i32
      %dma_wait3A_428 = arith.constant 12 : i32
      %dma_wait3A_429 = arith.constant 0 : i32
      %dma_wait3A_430 = tpu.memref_slice %arg11[%dma_wait3A_428, %dma_wait3A_429] : memref<24x128xf32, #tpu.memory_space<vmem>> -> memref<1x128xf32, #tpu.memory_space<vmem>>
      %dma_wait3A_431 = tpu.memref_squeeze %dma_wait3A_430 : memref<1x128xf32, #tpu.memory_space<vmem>> -> memref<128xf32, #tpu.memory_space<vmem>>
      %dma_wait3A_432 = arith.constant 0 : i32
      %dma_wait3A_433 = tpu.memref_slice %arg10[%dma_wait3A_427, %dma_wait3A_432] : memref<24x128xi32, #tpu.memory_space<vmem>> -> memref<1x128xi32, #tpu.memory_space<vmem>>
      %dma_wait3A_434 = tpu.memref_squeeze %dma_wait3A_433 : memref<1x128xi32, #tpu.memory_space<vmem>> -> memref<128xi32, #tpu.memory_space<vmem>>
      %dma_wait3A_435 = arith.constant 0 : i32
      %dma_wait3A_436 = tpu.memref_slice %arg7[%dma_wait3A_435] : memref<1906688xf32, #tpu.memory_space<vmem_shared>> -> memref<1906688xf32, #tpu.memory_space<vmem_shared>>
      tpu.wait_indirect_dma semaphore(%arg12 : memref<!tpu.dma_semaphore, #tpu.memory_space<semaphore_mem>>) src(%dma_wait3A_436 : memref<1906688xf32, #tpu.memory_space<vmem_shared>>) dst(%dma_wait3A_431 : memref<128xf32, #tpu.memory_space<vmem>>)
      %dma_wait3A_437 = arith.constant 13 : i32
      %dma_wait3A_438 = arith.constant 13 : i32
      %dma_wait3A_439 = arith.constant 0 : i32
      %dma_wait3A_440 = tpu.memref_slice %arg11[%dma_wait3A_438, %dma_wait3A_439] : memref<24x128xf32, #tpu.memory_space<vmem>> -> memref<1x128xf32, #tpu.memory_space<vmem>>
      %dma_wait3A_441 = tpu.memref_squeeze %dma_wait3A_440 : memref<1x128xf32, #tpu.memory_space<vmem>> -> memref<128xf32, #tpu.memory_space<vmem>>
      %dma_wait3A_442 = arith.constant 0 : i32
      %dma_wait3A_443 = tpu.memref_slice %arg10[%dma_wait3A_437, %dma_wait3A_442] : memref<24x128xi32, #tpu.memory_space<vmem>> -> memref<1x128xi32, #tpu.memory_space<vmem>>
      %dma_wait3A_444 = tpu.memref_squeeze %dma_wait3A_443 : memref<1x128xi32, #tpu.memory_space<vmem>> -> memref<128xi32, #tpu.memory_space<vmem>>
      %dma_wait3A_445 = arith.constant 0 : i32
      %dma_wait3A_446 = tpu.memref_slice %arg7[%dma_wait3A_445] : memref<1906688xf32, #tpu.memory_space<vmem_shared>> -> memref<1906688xf32, #tpu.memory_space<vmem_shared>>
      tpu.wait_indirect_dma semaphore(%arg12 : memref<!tpu.dma_semaphore, #tpu.memory_space<semaphore_mem>>) src(%dma_wait3A_446 : memref<1906688xf32, #tpu.memory_space<vmem_shared>>) dst(%dma_wait3A_441 : memref<128xf32, #tpu.memory_space<vmem>>)
      %dma_wait3A_447 = arith.constant 14 : i32
      %dma_wait3A_448 = arith.constant 14 : i32
      %dma_wait3A_449 = arith.constant 0 : i32
      %dma_wait3A_450 = tpu.memref_slice %arg11[%dma_wait3A_448, %dma_wait3A_449] : memref<24x128xf32, #tpu.memory_space<vmem>> -> memref<1x128xf32, #tpu.memory_space<vmem>>
      %dma_wait3A_451 = tpu.memref_squeeze %dma_wait3A_450 : memref<1x128xf32, #tpu.memory_space<vmem>> -> memref<128xf32, #tpu.memory_space<vmem>>
      %dma_wait3A_452 = arith.constant 0 : i32
      %dma_wait3A_453 = tpu.memref_slice %arg10[%dma_wait3A_447, %dma_wait3A_452] : memref<24x128xi32, #tpu.memory_space<vmem>> -> memref<1x128xi32, #tpu.memory_space<vmem>>
      %dma_wait3A_454 = tpu.memref_squeeze %dma_wait3A_453 : memref<1x128xi32, #tpu.memory_space<vmem>> -> memref<128xi32, #tpu.memory_space<vmem>>
      %dma_wait3A_455 = arith.constant 0 : i32
      %dma_wait3A_456 = tpu.memref_slice %arg7[%dma_wait3A_455] : memref<1906688xf32, #tpu.memory_space<vmem_shared>> -> memref<1906688xf32, #tpu.memory_space<vmem_shared>>
      tpu.wait_indirect_dma semaphore(%arg12 : memref<!tpu.dma_semaphore, #tpu.memory_space<semaphore_mem>>) src(%dma_wait3A_456 : memref<1906688xf32, #tpu.memory_space<vmem_shared>>) dst(%dma_wait3A_451 : memref<128xf32, #tpu.memory_space<vmem>>)
      %dma_wait3A_457 = arith.constant 15 : i32
      %dma_wait3A_458 = arith.constant 15 : i32
      %dma_wait3A_459 = arith.constant 0 : i32
      %dma_wait3A_460 = tpu.memref_slice %arg11[%dma_wait3A_458, %dma_wait3A_459] : memref<24x128xf32, #tpu.memory_space<vmem>> -> memref<1x128xf32, #tpu.memory_space<vmem>>
      %dma_wait3A_461 = tpu.memref_squeeze %dma_wait3A_460 : memref<1x128xf32, #tpu.memory_space<vmem>> -> memref<128xf32, #tpu.memory_space<vmem>>
      %dma_wait3A_462 = arith.constant 0 : i32
      %dma_wait3A_463 = tpu.memref_slice %arg10[%dma_wait3A_457, %dma_wait3A_462] : memref<24x128xi32, #tpu.memory_space<vmem>> -> memref<1x128xi32, #tpu.memory_space<vmem>>
      %dma_wait3A_464 = tpu.memref_squeeze %dma_wait3A_463 : memref<1x128xi32, #tpu.memory_space<vmem>> -> memref<128xi32, #tpu.memory_space<vmem>>
      %dma_wait3A_465 = arith.constant 0 : i32
      %dma_wait3A_466 = tpu.memref_slice %arg7[%dma_wait3A_465] : memref<1906688xf32, #tpu.memory_space<vmem_shared>> -> memref<1906688xf32, #tpu.memory_space<vmem_shared>>
      tpu.wait_indirect_dma semaphore(%arg12 : memref<!tpu.dma_semaphore, #tpu.memory_space<semaphore_mem>>) src(%dma_wait3A_466 : memref<1906688xf32, #tpu.memory_space<vmem_shared>>) dst(%dma_wait3A_461 : memref<128xf32, #tpu.memory_space<vmem>>)
      %dma_wait3A_467 = arith.constant 16 : i32
      %dma_wait3A_468 = arith.constant 16 : i32
      %dma_wait3A_469 = arith.constant 0 : i32
      %dma_wait3A_470 = tpu.memref_slice %arg11[%dma_wait3A_468, %dma_wait3A_469] : memref<24x128xf32, #tpu.memory_space<vmem>> -> memref<1x128xf32, #tpu.memory_space<vmem>>
      %dma_wait3A_471 = tpu.memref_squeeze %dma_wait3A_470 : memref<1x128xf32, #tpu.memory_space<vmem>> -> memref<128xf32, #tpu.memory_space<vmem>>
      %dma_wait3A_472 = arith.constant 0 : i32
      %dma_wait3A_473 = tpu.memref_slice %arg10[%dma_wait3A_467, %dma_wait3A_472] : memref<24x128xi32, #tpu.memory_space<vmem>> -> memref<1x128xi32, #tpu.memory_space<vmem>>
      %dma_wait3A_474 = tpu.memref_squeeze %dma_wait3A_473 : memref<1x128xi32, #tpu.memory_space<vmem>> -> memref<128xi32, #tpu.memory_space<vmem>>
      %dma_wait3A_475 = arith.constant 0 : i32
      %dma_wait3A_476 = tpu.memref_slice %arg7[%dma_wait3A_475] : memref<1906688xf32, #tpu.memory_space<vmem_shared>> -> memref<1906688xf32, #tpu.memory_space<vmem_shared>>
      tpu.wait_indirect_dma semaphore(%arg12 : memref<!tpu.dma_semaphore, #tpu.memory_space<semaphore_mem>>) src(%dma_wait3A_476 : memref<1906688xf32, #tpu.memory_space<vmem_shared>>) dst(%dma_wait3A_471 : memref<128xf32, #tpu.memory_space<vmem>>)
      %dma_wait3A_477 = arith.constant 17 : i32
      %dma_wait3A_478 = arith.constant 17 : i32
      %dma_wait3A_479 = arith.constant 0 : i32
      %dma_wait3A_480 = tpu.memref_slice %arg11[%dma_wait3A_478, %dma_wait3A_479] : memref<24x128xf32, #tpu.memory_space<vmem>> -> memref<1x128xf32, #tpu.memory_space<vmem>>
      %dma_wait3A_481 = tpu.memref_squeeze %dma_wait3A_480 : memref<1x128xf32, #tpu.memory_space<vmem>> -> memref<128xf32, #tpu.memory_space<vmem>>
      %dma_wait3A_482 = arith.constant 0 : i32
      %dma_wait3A_483 = tpu.memref_slice %arg10[%dma_wait3A_477, %dma_wait3A_482] : memref<24x128xi32, #tpu.memory_space<vmem>> -> memref<1x128xi32, #tpu.memory_space<vmem>>
      %dma_wait3A_484 = tpu.memref_squeeze %dma_wait3A_483 : memref<1x128xi32, #tpu.memory_space<vmem>> -> memref<128xi32, #tpu.memory_space<vmem>>
      %dma_wait3A_485 = arith.constant 0 : i32
      %dma_wait3A_486 = tpu.memref_slice %arg7[%dma_wait3A_485] : memref<1906688xf32, #tpu.memory_space<vmem_shared>> -> memref<1906688xf32, #tpu.memory_space<vmem_shared>>
      tpu.wait_indirect_dma semaphore(%arg12 : memref<!tpu.dma_semaphore, #tpu.memory_space<semaphore_mem>>) src(%dma_wait3A_486 : memref<1906688xf32, #tpu.memory_space<vmem_shared>>) dst(%dma_wait3A_481 : memref<128xf32, #tpu.memory_space<vmem>>)
      %dma_wait3A_487 = arith.constant 18 : i32
      %dma_wait3A_488 = arith.constant 18 : i32
      %dma_wait3A_489 = arith.constant 0 : i32
      %dma_wait3A_490 = tpu.memref_slice %arg11[%dma_wait3A_488, %dma_wait3A_489] : memref<24x128xf32, #tpu.memory_space<vmem>> -> memref<1x128xf32, #tpu.memory_space<vmem>>
      %dma_wait3A_491 = tpu.memref_squeeze %dma_wait3A_490 : memref<1x128xf32, #tpu.memory_space<vmem>> -> memref<128xf32, #tpu.memory_space<vmem>>
      %dma_wait3A_492 = arith.constant 0 : i32
      %dma_wait3A_493 = tpu.memref_slice %arg10[%dma_wait3A_487, %dma_wait3A_492] : memref<24x128xi32, #tpu.memory_space<vmem>> -> memref<1x128xi32, #tpu.memory_space<vmem>>
      %dma_wait3A_494 = tpu.memref_squeeze %dma_wait3A_493 : memref<1x128xi32, #tpu.memory_space<vmem>> -> memref<128xi32, #tpu.memory_space<vmem>>
      %dma_wait3A_495 = arith.constant 0 : i32
      %dma_wait3A_496 = tpu.memref_slice %arg7[%dma_wait3A_495] : memref<1906688xf32, #tpu.memory_space<vmem_shared>> -> memref<1906688xf32, #tpu.memory_space<vmem_shared>>
      tpu.wait_indirect_dma semaphore(%arg12 : memref<!tpu.dma_semaphore, #tpu.memory_space<semaphore_mem>>) src(%dma_wait3A_496 : memref<1906688xf32, #tpu.memory_space<vmem_shared>>) dst(%dma_wait3A_491 : memref<128xf32, #tpu.memory_space<vmem>>)
      %dma_wait3A_497 = arith.constant 19 : i32
      %dma_wait3A_498 = arith.constant 19 : i32
      %dma_wait3A_499 = arith.constant 0 : i32
      %dma_wait3A_500 = tpu.memref_slice %arg11[%dma_wait3A_498, %dma_wait3A_499] : memref<24x128xf32, #tpu.memory_space<vmem>> -> memref<1x128xf32, #tpu.memory_space<vmem>>
      %dma_wait3A_501 = tpu.memref_squeeze %dma_wait3A_500 : memref<1x128xf32, #tpu.memory_space<vmem>> -> memref<128xf32, #tpu.memory_space<vmem>>
      %dma_wait3A_502 = arith.constant 0 : i32
      %dma_wait3A_503 = tpu.memref_slice %arg10[%dma_wait3A_497, %dma_wait3A_502] : memref<24x128xi32, #tpu.memory_space<vmem>> -> memref<1x128xi32, #tpu.memory_space<vmem>>
      %dma_wait3A_504 = tpu.memref_squeeze %dma_wait3A_503 : memref<1x128xi32, #tpu.memory_space<vmem>> -> memref<128xi32, #tpu.memory_space<vmem>>
      %dma_wait3A_505 = arith.constant 0 : i32
      %dma_wait3A_506 = tpu.memref_slice %arg7[%dma_wait3A_505] : memref<1906688xf32, #tpu.memory_space<vmem_shared>> -> memref<1906688xf32, #tpu.memory_space<vmem_shared>>
      tpu.wait_indirect_dma semaphore(%arg12 : memref<!tpu.dma_semaphore, #tpu.memory_space<semaphore_mem>>) src(%dma_wait3A_506 : memref<1906688xf32, #tpu.memory_space<vmem_shared>>) dst(%dma_wait3A_501 : memref<128xf32, #tpu.memory_space<vmem>>)
      %dma_wait3A_507 = arith.constant 20 : i32
      %dma_wait3A_508 = arith.constant 20 : i32
      %dma_wait3A_509 = arith.constant 0 : i32
      %dma_wait3A_510 = tpu.memref_slice %arg11[%dma_wait3A_508, %dma_wait3A_509] : memref<24x128xf32, #tpu.memory_space<vmem>> -> memref<1x128xf32, #tpu.memory_space<vmem>>
      %dma_wait3A_511 = tpu.memref_squeeze %dma_wait3A_510 : memref<1x128xf32, #tpu.memory_space<vmem>> -> memref<128xf32, #tpu.memory_space<vmem>>
      %dma_wait3A_512 = arith.constant 0 : i32
      %dma_wait3A_513 = tpu.memref_slice %arg10[%dma_wait3A_507, %dma_wait3A_512] : memref<24x128xi32, #tpu.memory_space<vmem>> -> memref<1x128xi32, #tpu.memory_space<vmem>>
      %dma_wait3A_514 = tpu.memref_squeeze %dma_wait3A_513 : memref<1x128xi32, #tpu.memory_space<vmem>> -> memref<128xi32, #tpu.memory_space<vmem>>
      %dma_wait3A_515 = arith.constant 0 : i32
      %dma_wait3A_516 = tpu.memref_slice %arg7[%dma_wait3A_515] : memref<1906688xf32, #tpu.memory_space<vmem_shared>> -> memref<1906688xf32, #tpu.memory_space<vmem_shared>>
      tpu.wait_indirect_dma semaphore(%arg12 : memref<!tpu.dma_semaphore, #tpu.memory_space<semaphore_mem>>) src(%dma_wait3A_516 : memref<1906688xf32, #tpu.memory_space<vmem_shared>>) dst(%dma_wait3A_511 : memref<128xf32, #tpu.memory_space<vmem>>)
      %dma_wait3A_517 = arith.constant 21 : i32
      %dma_wait3A_518 = arith.constant 21 : i32
      %dma_wait3A_519 = arith.constant 0 : i32
      %dma_wait3A_520 = tpu.memref_slice %arg11[%dma_wait3A_518, %dma_wait3A_519] : memref<24x128xf32, #tpu.memory_space<vmem>> -> memref<1x128xf32, #tpu.memory_space<vmem>>
      %dma_wait3A_521 = tpu.memref_squeeze %dma_wait3A_520 : memref<1x128xf32, #tpu.memory_space<vmem>> -> memref<128xf32, #tpu.memory_space<vmem>>
      %dma_wait3A_522 = arith.constant 0 : i32
      %dma_wait3A_523 = tpu.memref_slice %arg10[%dma_wait3A_517, %dma_wait3A_522] : memref<24x128xi32, #tpu.memory_space<vmem>> -> memref<1x128xi32, #tpu.memory_space<vmem>>
      %dma_wait3A_524 = tpu.memref_squeeze %dma_wait3A_523 : memref<1x128xi32, #tpu.memory_space<vmem>> -> memref<128xi32, #tpu.memory_space<vmem>>
      %dma_wait3A_525 = arith.constant 0 : i32
      %dma_wait3A_526 = tpu.memref_slice %arg7[%dma_wait3A_525] : memref<1906688xf32, #tpu.memory_space<vmem_shared>> -> memref<1906688xf32, #tpu.memory_space<vmem_shared>>
      tpu.wait_indirect_dma semaphore(%arg12 : memref<!tpu.dma_semaphore, #tpu.memory_space<semaphore_mem>>) src(%dma_wait3A_526 : memref<1906688xf32, #tpu.memory_space<vmem_shared>>) dst(%dma_wait3A_521 : memref<128xf32, #tpu.memory_space<vmem>>)
      %dma_wait3A_527 = arith.constant 22 : i32
      %dma_wait3A_528 = arith.constant 22 : i32
      %dma_wait3A_529 = arith.constant 0 : i32
      %dma_wait3A_530 = tpu.memref_slice %arg11[%dma_wait3A_528, %dma_wait3A_529] : memref<24x128xf32, #tpu.memory_space<vmem>> -> memref<1x128xf32, #tpu.memory_space<vmem>>
      %dma_wait3A_531 = tpu.memref_squeeze %dma_wait3A_530 : memref<1x128xf32, #tpu.memory_space<vmem>> -> memref<128xf32, #tpu.memory_space<vmem>>
      %dma_wait3A_532 = arith.constant 0 : i32
      %dma_wait3A_533 = tpu.memref_slice %arg10[%dma_wait3A_527, %dma_wait3A_532] : memref<24x128xi32, #tpu.memory_space<vmem>> -> memref<1x128xi32, #tpu.memory_space<vmem>>
      %dma_wait3A_534 = tpu.memref_squeeze %dma_wait3A_533 : memref<1x128xi32, #tpu.memory_space<vmem>> -> memref<128xi32, #tpu.memory_space<vmem>>
      %dma_wait3A_535 = arith.constant 0 : i32
      %dma_wait3A_536 = tpu.memref_slice %arg7[%dma_wait3A_535] : memref<1906688xf32, #tpu.memory_space<vmem_shared>> -> memref<1906688xf32, #tpu.memory_space<vmem_shared>>
      tpu.wait_indirect_dma semaphore(%arg12 : memref<!tpu.dma_semaphore, #tpu.memory_space<semaphore_mem>>) src(%dma_wait3A_536 : memref<1906688xf32, #tpu.memory_space<vmem_shared>>) dst(%dma_wait3A_531 : memref<128xf32, #tpu.memory_space<vmem>>)
      %dma_wait3A_537 = arith.constant 23 : i32
      %dma_wait3A_538 = arith.constant 23 : i32
      %dma_wait3A_539 = arith.constant 0 : i32
      %dma_wait3A_540 = tpu.memref_slice %arg11[%dma_wait3A_538, %dma_wait3A_539] : memref<24x128xf32, #tpu.memory_space<vmem>> -> memref<1x128xf32, #tpu.memory_space<vmem>>
      %dma_wait3A_541 = tpu.memref_squeeze %dma_wait3A_540 : memref<1x128xf32, #tpu.memory_space<vmem>> -> memref<128xf32, #tpu.memory_space<vmem>>
      %dma_wait3A_542 = arith.constant 0 : i32
      %dma_wait3A_543 = tpu.memref_slice %arg10[%dma_wait3A_537, %dma_wait3A_542] : memref<24x128xi32, #tpu.memory_space<vmem>> -> memref<1x128xi32, #tpu.memory_space<vmem>>
      %dma_wait3A_544 = tpu.memref_squeeze %dma_wait3A_543 : memref<1x128xi32, #tpu.memory_space<vmem>> -> memref<128xi32, #tpu.memory_space<vmem>>
      %dma_wait3A_545 = arith.constant 0 : i32
      %dma_wait3A_546 = tpu.memref_slice %arg7[%dma_wait3A_545] : memref<1906688xf32, #tpu.memory_space<vmem_shared>> -> memref<1906688xf32, #tpu.memory_space<vmem_shared>>
      tpu.wait_indirect_dma semaphore(%arg12 : memref<!tpu.dma_semaphore, #tpu.memory_space<semaphore_mem>>) src(%dma_wait3A_546 : memref<1906688xf32, #tpu.memory_space<vmem_shared>>) dst(%dma_wait3A_541 : memref<128xf32, #tpu.memory_space<vmem>>)
      "tpu.region"() ({
        %run_scoped3A_547 = tpu.sem_alloc : memref<!tpu.dma_semaphore, #tpu.memory_space<semaphore_mem>>
        %dma_start3A_548 = arith.constant 0 : i32
        %dma_start3A_549 = tpu.memref_slice %arg6[%add3A_32, %multiple_of3A_66, %dma_start3A_548] : memref<4x768x128xf32, #tpu.memory_space<hbm>> -> memref<1x24x128xf32, #tpu.memory_space<hbm>>
        %dma_start3A_550 = tpu.memref_squeeze %dma_start3A_549 : memref<1x24x128xf32, #tpu.memory_space<hbm>> -> memref<24x128xf32, #tpu.memory_space<hbm>>
        %dma_start3A_551 = arith.constant 0 : i32
        %dma_start3A_552 = tpu.memref_slice %arg6[%add3A_32, %multiple_of3A_66, %dma_start3A_551] : memref<4x768x128xf32, #tpu.memory_space<hbm>> -> memref<1x24x128xf32, #tpu.memory_space<hbm>>
        %dma_start3A_553 = tpu.memref_squeeze %dma_start3A_552 : memref<1x24x128xf32, #tpu.memory_space<hbm>> -> memref<24x128xf32, #tpu.memory_space<hbm>>
        tpu.enqueue_dma source(%arg11 : memref<24x128xf32, #tpu.memory_space<vmem>>) target(%dma_start3A_553 : memref<24x128xf32, #tpu.memory_space<hbm>>) target_semaphore(%run_scoped3A_547 : memref<!tpu.dma_semaphore, #tpu.memory_space<semaphore_mem>>)
        %dma_wait3A_554 = arith.constant 0 : i32
        %dma_wait3A_555 = tpu.memref_slice %arg6[%add3A_32, %multiple_of3A_66, %dma_wait3A_554] : memref<4x768x128xf32, #tpu.memory_space<hbm>> -> memref<1x24x128xf32, #tpu.memory_space<hbm>>
        %dma_wait3A_556 = tpu.memref_squeeze %dma_wait3A_555 : memref<1x24x128xf32, #tpu.memory_space<hbm>> -> memref<24x128xf32, #tpu.memory_space<hbm>>
        %dma_wait3A_557 = arith.constant 0 : i32
        %dma_wait3A_558 = tpu.memref_slice %arg6[%add3A_32, %multiple_of3A_66, %dma_wait3A_557] : memref<4x768x128xf32, #tpu.memory_space<hbm>> -> memref<1x24x128xf32, #tpu.memory_space<hbm>>
        %dma_wait3A_559 = tpu.memref_squeeze %dma_wait3A_558 : memref<1x24x128xf32, #tpu.memory_space<hbm>> -> memref<24x128xf32, #tpu.memory_space<hbm>>
        tpu.wait_dma2 semaphore(%run_scoped3A_547 : memref<!tpu.dma_semaphore, #tpu.memory_space<semaphore_mem>>) src(%arg11 : memref<24x128xf32, #tpu.memory_space<vmem>>) dst(%dma_wait3A_559 : memref<24x128xf32, #tpu.memory_space<hbm>>)
        tpu.yield
      }) : () -> ()
    }
    %scan3A_58 = arith.constant 2 : i32
    %barrier3A_59 = arith.constant 0 : index
    tpu.barrier barrier_id(%barrier3A_59)
    return
  }
}

module attributes {stable_mosaic.version = 14 : i64} {
  func.func @_prep_body(%arg0: memref<3x12x128xi32, #tpu.memory_space<vmem>>, %arg1: memref<6x12x128xf32, #tpu.memory_space<vmem>>, %arg2: memref<3x12x128xf32, #tpu.memory_space<vmem>>, %arg3: memref<4x12x128xf32, #tpu.memory_space<vmem>>, %arg4: memref<1x12x128xf32, #tpu.memory_space<vmem>>, %arg5: memref<8x12x128xi32, #tpu.memory_space<vmem>>, %arg6: memref<4x8x12x128xf32, #tpu.memory_space<vmem>>, %arg7: memref<64x12x128xi32, #tpu.memory_space<vmem>>, %arg8: memref<8x12x128xf32, #tpu.memory_space<vmem>>) attributes {dimension_semantics = [], scalar_prefetch = 0 : i64, scratch_operands = 0 : i64, tpu.core_type = #tpu.core_type<tc>} {
    %get3A = arith.constant 0 : index
    %get3A_0 = arith.constant 0 : index
    %get3A_1 = arith.constant 0 : index
    %get3A_2 = vector.load %arg0[%get3A, %get3A_0, %get3A_1] : memref<3x12x128xi32, #tpu.memory_space<vmem>>, vector<1x12x128xi32>
    %get3A_3 = vector.shape_cast %get3A_2 : vector<1x12x128xi32> to vector<12x128xi32>
    %get3A_4 = arith.constant 1 : index
    %get3A_5 = arith.constant 0 : index
    %get3A_6 = arith.constant 0 : index
    %get3A_7 = vector.load %arg0[%get3A_4, %get3A_5, %get3A_6] : memref<3x12x128xi32, #tpu.memory_space<vmem>>, vector<1x12x128xi32>
    %get3A_8 = vector.shape_cast %get3A_7 : vector<1x12x128xi32> to vector<12x128xi32>
    %get3A_9 = arith.constant 2 : index
    %get3A_10 = arith.constant 0 : index
    %get3A_11 = arith.constant 0 : index
    %get3A_12 = vector.load %arg0[%get3A_9, %get3A_10, %get3A_11] : memref<3x12x128xi32, #tpu.memory_space<vmem>>, vector<1x12x128xi32>
    %get3A_13 = vector.shape_cast %get3A_12 : vector<1x12x128xi32> to vector<12x128xi32>
    %get3A_14 = arith.constant 0 : index
    %get3A_15 = arith.constant 0 : index
    %get3A_16 = arith.constant 0 : index
    %get3A_17 = vector.load %arg2[%get3A_14, %get3A_15, %get3A_16] : memref<3x12x128xf32, #tpu.memory_space<vmem>>, vector<1x12x128xf32>
    %get3A_18 = vector.shape_cast %get3A_17 : vector<1x12x128xf32> to vector<12x128xf32>
    %get3A_19 = arith.constant 1 : index
    %get3A_20 = arith.constant 0 : index
    %get3A_21 = arith.constant 0 : index
    %get3A_22 = vector.load %arg2[%get3A_19, %get3A_20, %get3A_21] : memref<3x12x128xf32, #tpu.memory_space<vmem>>, vector<1x12x128xf32>
    %get3A_23 = vector.shape_cast %get3A_22 : vector<1x12x128xf32> to vector<12x128xf32>
    %get3A_24 = arith.constant 2 : index
    %get3A_25 = arith.constant 0 : index
    %get3A_26 = arith.constant 0 : index
    %get3A_27 = vector.load %arg2[%get3A_24, %get3A_25, %get3A_26] : memref<3x12x128xf32, #tpu.memory_space<vmem>>, vector<1x12x128xf32>
    %get3A_28 = vector.shape_cast %get3A_27 : vector<1x12x128xf32> to vector<12x128xf32>
    %get3A_29 = arith.constant 0 : index
    %get3A_30 = arith.constant 0 : index
    %get3A_31 = arith.constant 0 : index
    %get3A_32 = vector.load %arg4[%get3A_29, %get3A_30, %get3A_31] : memref<1x12x128xf32, #tpu.memory_space<vmem>>, vector<1x12x128xf32>
    %get3A_33 = vector.shape_cast %get3A_32 : vector<1x12x128xf32> to vector<12x128xf32>
    %get3A_34 = arith.constant 0 : index
    %get3A_35 = arith.constant 0 : index
    %get3A_36 = arith.constant 0 : index
    %get3A_37 = vector.load %arg1[%get3A_34, %get3A_35, %get3A_36] : memref<6x12x128xf32, #tpu.memory_space<vmem>>, vector<1x12x128xf32>
    %get3A_38 = vector.shape_cast %get3A_37 : vector<1x12x128xf32> to vector<12x128xf32>
    %get3A_39 = arith.constant 2 : index
    %get3A_40 = arith.constant 0 : index
    %get3A_41 = arith.constant 0 : index
    %get3A_42 = vector.load %arg1[%get3A_39, %get3A_40, %get3A_41] : memref<6x12x128xf32, #tpu.memory_space<vmem>>, vector<1x12x128xf32>
    %get3A_43 = vector.shape_cast %get3A_42 : vector<1x12x128xf32> to vector<12x128xf32>
    %get3A_44 = arith.constant 4 : index
    %get3A_45 = arith.constant 0 : index
    %get3A_46 = arith.constant 0 : index
    %get3A_47 = vector.load %arg1[%get3A_44, %get3A_45, %get3A_46] : memref<6x12x128xf32, #tpu.memory_space<vmem>>, vector<1x12x128xf32>
    %get3A_48 = vector.shape_cast %get3A_47 : vector<1x12x128xf32> to vector<12x128xf32>
    %sub3A = arith.subf %get3A_18, %get3A_38 : vector<12x128xf32>
    %integer_pow3A = arith.mulf %sub3A, %sub3A : vector<12x128xf32>
    %sub3A_49 = arith.subf %get3A_23, %get3A_43 : vector<12x128xf32>
    %integer_pow3A_50 = arith.mulf %sub3A_49, %sub3A_49 : vector<12x128xf32>
    %add3A = arith.addf %integer_pow3A, %integer_pow3A_50 : vector<12x128xf32>
    %sub3A_51 = arith.subf %get3A_28, %get3A_48 : vector<12x128xf32>
    %integer_pow3A_52 = arith.mulf %sub3A_51, %sub3A_51 : vector<12x128xf32>
    %add3A_53 = arith.addf %add3A, %integer_pow3A_52 : vector<12x128xf32>
    %sqrt3A = math.sqrt %add3A_53 : vector<12x128xf32>
    %add3A_54 = arith.constant -3 : i32
    %add3A_55 = vector.broadcast %add3A_54 : i32 to vector<12x128xi32>
    %add3A_56 = arith.addi %get3A_3, %add3A_55 : vector<12x128xi32>
    %mul3A = arith.constant 124 : i32
    %mul3A_57 = vector.broadcast %mul3A : i32 to vector<12x128xi32>
    %mul3A_58 = arith.muli %add3A_56, %mul3A_57 : vector<12x128xi32>
    %add3A_59 = arith.constant -3 : i32
    %add3A_60 = vector.broadcast %add3A_59 : i32 to vector<12x128xi32>
    %add3A_61 = arith.addi %get3A_8, %add3A_60 : vector<12x128xi32>
    %add3A_62 = arith.addi %mul3A_58, %add3A_61 : vector<12x128xi32>
    %mul3A_63 = arith.constant 124 : i32
    %mul3A_64 = vector.broadcast %mul3A_63 : i32 to vector<12x128xi32>
    %mul3A_65 = arith.muli %add3A_62, %mul3A_64 : vector<12x128xi32>
    %add3A_66 = arith.constant -3 : i32
    %add3A_67 = vector.broadcast %add3A_66 : i32 to vector<12x128xi32>
    %add3A_68 = arith.addi %get3A_13, %add3A_67 : vector<12x128xi32>
    %add3A_69 = arith.addi %mul3A_65, %add3A_68 : vector<12x128xi32>
    %jit3A = arith.constant 0 : i32
    %jit3A_70 = arith.constant 1906623 : i32
    %max3A = vector.broadcast %jit3A : i32 to vector<12x128xi32>
    %max3A_71 = arith.maxsi %max3A, %add3A_69 : vector<12x128xi32>
    %min3A = vector.broadcast %jit3A_70 : i32 to vector<12x128xi32>
    %min3A_72 = arith.minsi %min3A, %max3A_71 : vector<12x128xi32>
    %swap3A = arith.constant 0 : index
    %swap3A_73 = arith.constant 0 : index
    %swap3A_74 = arith.constant 0 : index
    %swap3A_75 = vector.load %arg5[%swap3A, %swap3A_73, %swap3A_74] : memref<8x12x128xi32, #tpu.memory_space<vmem>>, vector<1x12x128xi32>
    %swap3A_76 = vector.shape_cast %swap3A_75 : vector<1x12x128xi32> to vector<12x128xi32>
    %swap3A_77 = vector.shape_cast %min3A_72 : vector<12x128xi32> to vector<1x12x128xi32>
    tpu.vector_store %arg5[%swap3A, %swap3A_73, %swap3A_74], %swap3A_77 {strides = array<i32>} : memref<8x12x128xi32, #tpu.memory_space<vmem>>, vector<1x12x128xi32>,
    %get3A_78 = arith.constant 0 : index
    %get3A_79 = arith.constant 0 : index
    %get3A_80 = arith.constant 0 : index
    %get3A_81 = vector.load %arg1[%get3A_78, %get3A_79, %get3A_80] : memref<6x12x128xf32, #tpu.memory_space<vmem>>, vector<1x12x128xf32>
    %get3A_82 = vector.shape_cast %get3A_81 : vector<1x12x128xf32> to vector<12x128xf32>
    %get3A_83 = arith.constant 2 : index
    %get3A_84 = arith.constant 0 : index
    %get3A_85 = arith.constant 0 : index
    %get3A_86 = vector.load %arg1[%get3A_83, %get3A_84, %get3A_85] : memref<6x12x128xf32, #tpu.memory_space<vmem>>, vector<1x12x128xf32>
    %get3A_87 = vector.shape_cast %get3A_86 : vector<1x12x128xf32> to vector<12x128xf32>
    %get3A_88 = arith.constant 5 : index
    %get3A_89 = arith.constant 0 : index
    %get3A_90 = arith.constant 0 : index
    %get3A_91 = vector.load %arg1[%get3A_88, %get3A_89, %get3A_90] : memref<6x12x128xf32, #tpu.memory_space<vmem>>, vector<1x12x128xf32>
    %get3A_92 = vector.shape_cast %get3A_91 : vector<1x12x128xf32> to vector<12x128xf32>
    %sub3A_93 = arith.subf %get3A_18, %get3A_82 : vector<12x128xf32>
    %integer_pow3A_94 = arith.mulf %sub3A_93, %sub3A_93 : vector<12x128xf32>
    %sub3A_95 = arith.subf %get3A_23, %get3A_87 : vector<12x128xf32>
    %integer_pow3A_96 = arith.mulf %sub3A_95, %sub3A_95 : vector<12x128xf32>
    %add3A_97 = arith.addf %integer_pow3A_94, %integer_pow3A_96 : vector<12x128xf32>
    %sub3A_98 = arith.subf %get3A_28, %get3A_92 : vector<12x128xf32>
    %integer_pow3A_99 = arith.mulf %sub3A_98, %sub3A_98 : vector<12x128xf32>
    %add3A_100 = arith.addf %add3A_97, %integer_pow3A_99 : vector<12x128xf32>
    %sqrt3A_101 = math.sqrt %add3A_100 : vector<12x128xf32>
    %add3A_102 = arith.constant -3 : i32
    %add3A_103 = vector.broadcast %add3A_102 : i32 to vector<12x128xi32>
    %add3A_104 = arith.addi %get3A_3, %add3A_103 : vector<12x128xi32>
    %mul3A_105 = arith.constant 124 : i32
    %mul3A_106 = vector.broadcast %mul3A_105 : i32 to vector<12x128xi32>
    %mul3A_107 = arith.muli %add3A_104, %mul3A_106 : vector<12x128xi32>
    %add3A_108 = arith.constant -3 : i32
    %add3A_109 = vector.broadcast %add3A_108 : i32 to vector<12x128xi32>
    %add3A_110 = arith.addi %get3A_8, %add3A_109 : vector<12x128xi32>
    %add3A_111 = arith.addi %mul3A_107, %add3A_110 : vector<12x128xi32>
    %mul3A_112 = arith.constant 124 : i32
    %mul3A_113 = vector.broadcast %mul3A_112 : i32 to vector<12x128xi32>
    %mul3A_114 = arith.muli %add3A_111, %mul3A_113 : vector<12x128xi32>
    %add3A_115 = arith.constant -2 : i32
    %add3A_116 = vector.broadcast %add3A_115 : i32 to vector<12x128xi32>
    %add3A_117 = arith.addi %get3A_13, %add3A_116 : vector<12x128xi32>
    %add3A_118 = arith.addi %mul3A_114, %add3A_117 : vector<12x128xi32>
    %jit3A_119 = arith.constant 0 : i32
    %jit3A_120 = arith.constant 1906623 : i32
    %max3A_121 = vector.broadcast %jit3A_119 : i32 to vector<12x128xi32>
    %max3A_122 = arith.maxsi %max3A_121, %add3A_118 : vector<12x128xi32>
    %min3A_123 = vector.broadcast %jit3A_120 : i32 to vector<12x128xi32>
    %min3A_124 = arith.minsi %min3A_123, %max3A_122 : vector<12x128xi32>
    %swap3A_125 = arith.constant 1 : index
    %swap3A_126 = arith.constant 0 : index
    %swap3A_127 = arith.constant 0 : index
    %swap3A_128 = vector.load %arg5[%swap3A_125, %swap3A_126, %swap3A_127] : memref<8x12x128xi32, #tpu.memory_space<vmem>>, vector<1x12x128xi32>
    %swap3A_129 = vector.shape_cast %swap3A_128 : vector<1x12x128xi32> to vector<12x128xi32>
    %swap3A_130 = vector.shape_cast %min3A_124 : vector<12x128xi32> to vector<1x12x128xi32>
    tpu.vector_store %arg5[%swap3A_125, %swap3A_126, %swap3A_127], %swap3A_130 {strides = array<i32>} : memref<8x12x128xi32, #tpu.memory_space<vmem>>, vector<1x12x128xi32>,
    %get3A_131 = arith.constant 0 : index
    %get3A_132 = arith.constant 0 : index
    %get3A_133 = arith.constant 0 : index
    %get3A_134 = vector.load %arg1[%get3A_131, %get3A_132, %get3A_133] : memref<6x12x128xf32, #tpu.memory_space<vmem>>, vector<1x12x128xf32>
    %get3A_135 = vector.shape_cast %get3A_134 : vector<1x12x128xf32> to vector<12x128xf32>
    %get3A_136 = arith.constant 3 : index
    %get3A_137 = arith.constant 0 : index
    %get3A_138 = arith.constant 0 : index
    %get3A_139 = vector.load %arg1[%get3A_136, %get3A_137, %get3A_138] : memref<6x12x128xf32, #tpu.memory_space<vmem>>, vector<1x12x128xf32>
    %get3A_140 = vector.shape_cast %get3A_139 : vector<1x12x128xf32> to vector<12x128xf32>
    %get3A_141 = arith.constant 4 : index
    %get3A_142 = arith.constant 0 : index
    %get3A_143 = arith.constant 0 : index
    %get3A_144 = vector.load %arg1[%get3A_141, %get3A_142, %get3A_143] : memref<6x12x128xf32, #tpu.memory_space<vmem>>, vector<1x12x128xf32>
    %get3A_145 = vector.shape_cast %get3A_144 : vector<1x12x128xf32> to vector<12x128xf32>
    %sub3A_146 = arith.subf %get3A_18, %get3A_135 : vector<12x128xf32>
    %integer_pow3A_147 = arith.mulf %sub3A_146, %sub3A_146 : vector<12x128xf32>
    %sub3A_148 = arith.subf %get3A_23, %get3A_140 : vector<12x128xf32>
    %integer_pow3A_149 = arith.mulf %sub3A_148, %sub3A_148 : vector<12x128xf32>
    %add3A_150 = arith.addf %integer_pow3A_147, %integer_pow3A_149 : vector<12x128xf32>
    %sub3A_151 = arith.subf %get3A_28, %get3A_145 : vector<12x128xf32>
    %integer_pow3A_152 = arith.mulf %sub3A_151, %sub3A_151 : vector<12x128xf32>
    %add3A_153 = arith.addf %add3A_150, %integer_pow3A_152 : vector<12x128xf32>
    %sqrt3A_154 = math.sqrt %add3A_153 : vector<12x128xf32>
    %add3A_155 = arith.constant -3 : i32
    %add3A_156 = vector.broadcast %add3A_155 : i32 to vector<12x128xi32>
    %add3A_157 = arith.addi %get3A_3, %add3A_156 : vector<12x128xi32>
    %mul3A_158 = arith.constant 124 : i32
    %mul3A_159 = vector.broadcast %mul3A_158 : i32 to vector<12x128xi32>
    %mul3A_160 = arith.muli %add3A_157, %mul3A_159 : vector<12x128xi32>
    %add3A_161 = arith.constant -2 : i32
    %add3A_162 = vector.broadcast %add3A_161 : i32 to vector<12x128xi32>
    %add3A_163 = arith.addi %get3A_8, %add3A_162 : vector<12x128xi32>
    %add3A_164 = arith.addi %mul3A_160, %add3A_163 : vector<12x128xi32>
    %mul3A_165 = arith.constant 124 : i32
    %mul3A_166 = vector.broadcast %mul3A_165 : i32 to vector<12x128xi32>
    %mul3A_167 = arith.muli %add3A_164, %mul3A_166 : vector<12x128xi32>
    %add3A_168 = arith.constant -3 : i32
    %add3A_169 = vector.broadcast %add3A_168 : i32 to vector<12x128xi32>
    %add3A_170 = arith.addi %get3A_13, %add3A_169 : vector<12x128xi32>
    %add3A_171 = arith.addi %mul3A_167, %add3A_170 : vector<12x128xi32>
    %jit3A_172 = arith.constant 0 : i32
    %jit3A_173 = arith.constant 1906623 : i32
    %max3A_174 = vector.broadcast %jit3A_172 : i32 to vector<12x128xi32>
    %max3A_175 = arith.maxsi %max3A_174, %add3A_171 : vector<12x128xi32>
    %min3A_176 = vector.broadcast %jit3A_173 : i32 to vector<12x128xi32>
    %min3A_177 = arith.minsi %min3A_176, %max3A_175 : vector<12x128xi32>
    %swap3A_178 = arith.constant 2 : index
    %swap3A_179 = arith.constant 0 : index
    %swap3A_180 = arith.constant 0 : index
    %swap3A_181 = vector.load %arg5[%swap3A_178, %swap3A_179, %swap3A_180] : memref<8x12x128xi32, #tpu.memory_space<vmem>>, vector<1x12x128xi32>
    %swap3A_182 = vector.shape_cast %swap3A_181 : vector<1x12x128xi32> to vector<12x128xi32>
    %swap3A_183 = vector.shape_cast %min3A_177 : vector<12x128xi32> to vector<1x12x128xi32>
    tpu.vector_store %arg5[%swap3A_178, %swap3A_179, %swap3A_180], %swap3A_183 {strides = array<i32>} : memref<8x12x128xi32, #tpu.memory_space<vmem>>, vector<1x12x128xi32>,
    %get3A_184 = arith.constant 0 : index
    %get3A_185 = arith.constant 0 : index
    %get3A_186 = arith.constant 0 : index
    %get3A_187 = vector.load %arg1[%get3A_184, %get3A_185, %get3A_186] : memref<6x12x128xf32, #tpu.memory_space<vmem>>, vector<1x12x128xf32>
    %get3A_188 = vector.shape_cast %get3A_187 : vector<1x12x128xf32> to vector<12x128xf32>
    %get3A_189 = arith.constant 3 : index
    %get3A_190 = arith.constant 0 : index
    %get3A_191 = arith.constant 0 : index
    %get3A_192 = vector.load %arg1[%get3A_189, %get3A_190, %get3A_191] : memref<6x12x128xf32, #tpu.memory_space<vmem>>, vector<1x12x128xf32>
    %get3A_193 = vector.shape_cast %get3A_192 : vector<1x12x128xf32> to vector<12x128xf32>
    %get3A_194 = arith.constant 5 : index
    %get3A_195 = arith.constant 0 : index
    %get3A_196 = arith.constant 0 : index
    %get3A_197 = vector.load %arg1[%get3A_194, %get3A_195, %get3A_196] : memref<6x12x128xf32, #tpu.memory_space<vmem>>, vector<1x12x128xf32>
    %get3A_198 = vector.shape_cast %get3A_197 : vector<1x12x128xf32> to vector<12x128xf32>
    %sub3A_199 = arith.subf %get3A_18, %get3A_188 : vector<12x128xf32>
    %integer_pow3A_200 = arith.mulf %sub3A_199, %sub3A_199 : vector<12x128xf32>
    %sub3A_201 = arith.subf %get3A_23, %get3A_193 : vector<12x128xf32>
    %integer_pow3A_202 = arith.mulf %sub3A_201, %sub3A_201 : vector<12x128xf32>
    %add3A_203 = arith.addf %integer_pow3A_200, %integer_pow3A_202 : vector<12x128xf32>
    %sub3A_204 = arith.subf %get3A_28, %get3A_198 : vector<12x128xf32>
    %integer_pow3A_205 = arith.mulf %sub3A_204, %sub3A_204 : vector<12x128xf32>
    %add3A_206 = arith.addf %add3A_203, %integer_pow3A_205 : vector<12x128xf32>
    %sqrt3A_207 = math.sqrt %add3A_206 : vector<12x128xf32>
    %add3A_208 = arith.constant -3 : i32
    %add3A_209 = vector.broadcast %add3A_208 : i32 to vector<12x128xi32>
    %add3A_210 = arith.addi %get3A_3, %add3A_209 : vector<12x128xi32>
    %mul3A_211 = arith.constant 124 : i32
    %mul3A_212 = vector.broadcast %mul3A_211 : i32 to vector<12x128xi32>
    %mul3A_213 = arith.muli %add3A_210, %mul3A_212 : vector<12x128xi32>
    %add3A_214 = arith.constant -2 : i32
    %add3A_215 = vector.broadcast %add3A_214 : i32 to vector<12x128xi32>
    %add3A_216 = arith.addi %get3A_8, %add3A_215 : vector<12x128xi32>
    %add3A_217 = arith.addi %mul3A_213, %add3A_216 : vector<12x128xi32>
    %mul3A_218 = arith.constant 124 : i32
    %mul3A_219 = vector.broadcast %mul3A_218 : i32 to vector<12x128xi32>
    %mul3A_220 = arith.muli %add3A_217, %mul3A_219 : vector<12x128xi32>
    %add3A_221 = arith.constant -2 : i32
    %add3A_222 = vector.broadcast %add3A_221 : i32 to vector<12x128xi32>
    %add3A_223 = arith.addi %get3A_13, %add3A_222 : vector<12x128xi32>
    %add3A_224 = arith.addi %mul3A_220, %add3A_223 : vector<12x128xi32>
    %jit3A_225 = arith.constant 0 : i32
    %jit3A_226 = arith.constant 1906623 : i32
    %max3A_227 = vector.broadcast %jit3A_225 : i32 to vector<12x128xi32>
    %max3A_228 = arith.maxsi %max3A_227, %add3A_224 : vector<12x128xi32>
    %min3A_229 = vector.broadcast %jit3A_226 : i32 to vector<12x128xi32>
    %min3A_230 = arith.minsi %min3A_229, %max3A_228 : vector<12x128xi32>
    %swap3A_231 = arith.constant 3 : index
    %swap3A_232 = arith.constant 0 : index
    %swap3A_233 = arith.constant 0 : index
    %swap3A_234 = vector.load %arg5[%swap3A_231, %swap3A_232, %swap3A_233] : memref<8x12x128xi32, #tpu.memory_space<vmem>>, vector<1x12x128xi32>
    %swap3A_235 = vector.shape_cast %swap3A_234 : vector<1x12x128xi32> to vector<12x128xi32>
    %swap3A_236 = vector.shape_cast %min3A_230 : vector<12x128xi32> to vector<1x12x128xi32>
    tpu.vector_store %arg5[%swap3A_231, %swap3A_232, %swap3A_233], %swap3A_236 {strides = array<i32>} : memref<8x12x128xi32, #tpu.memory_space<vmem>>, vector<1x12x128xi32>,
    %get3A_237 = arith.constant 1 : index
    %get3A_238 = arith.constant 0 : index
    %get3A_239 = arith.constant 0 : index
    %get3A_240 = vector.load %arg1[%get3A_237, %get3A_238, %get3A_239] : memref<6x12x128xf32, #tpu.memory_space<vmem>>, vector<1x12x128xf32>
    %get3A_241 = vector.shape_cast %get3A_240 : vector<1x12x128xf32> to vector<12x128xf32>
    %get3A_242 = arith.constant 2 : index
    %get3A_243 = arith.constant 0 : index
    %get3A_244 = arith.constant 0 : index
    %get3A_245 = vector.load %arg1[%get3A_242, %get3A_243, %get3A_244] : memref<6x12x128xf32, #tpu.memory_space<vmem>>, vector<1x12x128xf32>
    %get3A_246 = vector.shape_cast %get3A_245 : vector<1x12x128xf32> to vector<12x128xf32>
    %get3A_247 = arith.constant 4 : index
    %get3A_248 = arith.constant 0 : index
    %get3A_249 = arith.constant 0 : index
    %get3A_250 = vector.load %arg1[%get3A_247, %get3A_248, %get3A_249] : memref<6x12x128xf32, #tpu.memory_space<vmem>>, vector<1x12x128xf32>
    %get3A_251 = vector.shape_cast %get3A_250 : vector<1x12x128xf32> to vector<12x128xf32>
    %sub3A_252 = arith.subf %get3A_18, %get3A_241 : vector<12x128xf32>
    %integer_pow3A_253 = arith.mulf %sub3A_252, %sub3A_252 : vector<12x128xf32>
    %sub3A_254 = arith.subf %get3A_23, %get3A_246 : vector<12x128xf32>
    %integer_pow3A_255 = arith.mulf %sub3A_254, %sub3A_254 : vector<12x128xf32>
    %add3A_256 = arith.addf %integer_pow3A_253, %integer_pow3A_255 : vector<12x128xf32>
    %sub3A_257 = arith.subf %get3A_28, %get3A_251 : vector<12x128xf32>
    %integer_pow3A_258 = arith.mulf %sub3A_257, %sub3A_257 : vector<12x128xf32>
    %add3A_259 = arith.addf %add3A_256, %integer_pow3A_258 : vector<12x128xf32>
    %sqrt3A_260 = math.sqrt %add3A_259 : vector<12x128xf32>
    %add3A_261 = arith.constant -2 : i32
    %add3A_262 = vector.broadcast %add3A_261 : i32 to vector<12x128xi32>
    %add3A_263 = arith.addi %get3A_3, %add3A_262 : vector<12x128xi32>
    %mul3A_264 = arith.constant 124 : i32
    %mul3A_265 = vector.broadcast %mul3A_264 : i32 to vector<12x128xi32>
    %mul3A_266 = arith.muli %add3A_263, %mul3A_265 : vector<12x128xi32>
    %add3A_267 = arith.constant -3 : i32
    %add3A_268 = vector.broadcast %add3A_267 : i32 to vector<12x128xi32>
    %add3A_269 = arith.addi %get3A_8, %add3A_268 : vector<12x128xi32>
    %add3A_270 = arith.addi %mul3A_266, %add3A_269 : vector<12x128xi32>
    %mul3A_271 = arith.constant 124 : i32
    %mul3A_272 = vector.broadcast %mul3A_271 : i32 to vector<12x128xi32>
    %mul3A_273 = arith.muli %add3A_270, %mul3A_272 : vector<12x128xi32>
    %add3A_274 = arith.constant -3 : i32
    %add3A_275 = vector.broadcast %add3A_274 : i32 to vector<12x128xi32>
    %add3A_276 = arith.addi %get3A_13, %add3A_275 : vector<12x128xi32>
    %add3A_277 = arith.addi %mul3A_273, %add3A_276 : vector<12x128xi32>
    %jit3A_278 = arith.constant 0 : i32
    %jit3A_279 = arith.constant 1906623 : i32
    %max3A_280 = vector.broadcast %jit3A_278 : i32 to vector<12x128xi32>
    %max3A_281 = arith.maxsi %max3A_280, %add3A_277 : vector<12x128xi32>
    %min3A_282 = vector.broadcast %jit3A_279 : i32 to vector<12x128xi32>
    %min3A_283 = arith.minsi %min3A_282, %max3A_281 : vector<12x128xi32>
    %swap3A_284 = arith.constant 4 : index
    %swap3A_285 = arith.constant 0 : index
    %swap3A_286 = arith.constant 0 : index
    %swap3A_287 = vector.load %arg5[%swap3A_284, %swap3A_285, %swap3A_286] : memref<8x12x128xi32, #tpu.memory_space<vmem>>, vector<1x12x128xi32>
    %swap3A_288 = vector.shape_cast %swap3A_287 : vector<1x12x128xi32> to vector<12x128xi32>
    %swap3A_289 = vector.shape_cast %min3A_283 : vector<12x128xi32> to vector<1x12x128xi32>
    tpu.vector_store %arg5[%swap3A_284, %swap3A_285, %swap3A_286], %swap3A_289 {strides = array<i32>} : memref<8x12x128xi32, #tpu.memory_space<vmem>>, vector<1x12x128xi32>,
    %get3A_290 = arith.constant 1 : index
    %get3A_291 = arith.constant 0 : index
    %get3A_292 = arith.constant 0 : index
    %get3A_293 = vector.load %arg1[%get3A_290, %get3A_291, %get3A_292] : memref<6x12x128xf32, #tpu.memory_space<vmem>>, vector<1x12x128xf32>
    %get3A_294 = vector.shape_cast %get3A_293 : vector<1x12x128xf32> to vector<12x128xf32>
    %get3A_295 = arith.constant 2 : index
    %get3A_296 = arith.constant 0 : index
    %get3A_297 = arith.constant 0 : index
    %get3A_298 = vector.load %arg1[%get3A_295, %get3A_296, %get3A_297] : memref<6x12x128xf32, #tpu.memory_space<vmem>>, vector<1x12x128xf32>
    %get3A_299 = vector.shape_cast %get3A_298 : vector<1x12x128xf32> to vector<12x128xf32>
    %get3A_300 = arith.constant 5 : index
    %get3A_301 = arith.constant 0 : index
    %get3A_302 = arith.constant 0 : index
    %get3A_303 = vector.load %arg1[%get3A_300, %get3A_301, %get3A_302] : memref<6x12x128xf32, #tpu.memory_space<vmem>>, vector<1x12x128xf32>
    %get3A_304 = vector.shape_cast %get3A_303 : vector<1x12x128xf32> to vector<12x128xf32>
    %sub3A_305 = arith.subf %get3A_18, %get3A_294 : vector<12x128xf32>
    %integer_pow3A_306 = arith.mulf %sub3A_305, %sub3A_305 : vector<12x128xf32>
    %sub3A_307 = arith.subf %get3A_23, %get3A_299 : vector<12x128xf32>
    %integer_pow3A_308 = arith.mulf %sub3A_307, %sub3A_307 : vector<12x128xf32>
    %add3A_309 = arith.addf %integer_pow3A_306, %integer_pow3A_308 : vector<12x128xf32>
    %sub3A_310 = arith.subf %get3A_28, %get3A_304 : vector<12x128xf32>
    %integer_pow3A_311 = arith.mulf %sub3A_310, %sub3A_310 : vector<12x128xf32>
    %add3A_312 = arith.addf %add3A_309, %integer_pow3A_311 : vector<12x128xf32>
    %sqrt3A_313 = math.sqrt %add3A_312 : vector<12x128xf32>
    %add3A_314 = arith.constant -2 : i32
    %add3A_315 = vector.broadcast %add3A_314 : i32 to vector<12x128xi32>
    %add3A_316 = arith.addi %get3A_3, %add3A_315 : vector<12x128xi32>
    %mul3A_317 = arith.constant 124 : i32
    %mul3A_318 = vector.broadcast %mul3A_317 : i32 to vector<12x128xi32>
    %mul3A_319 = arith.muli %add3A_316, %mul3A_318 : vector<12x128xi32>
    %add3A_320 = arith.constant -3 : i32
    %add3A_321 = vector.broadcast %add3A_320 : i32 to vector<12x128xi32>
    %add3A_322 = arith.addi %get3A_8, %add3A_321 : vector<12x128xi32>
    %add3A_323 = arith.addi %mul3A_319, %add3A_322 : vector<12x128xi32>
    %mul3A_324 = arith.constant 124 : i32
    %mul3A_325 = vector.broadcast %mul3A_324 : i32 to vector<12x128xi32>
    %mul3A_326 = arith.muli %add3A_323, %mul3A_325 : vector<12x128xi32>
    %add3A_327 = arith.constant -2 : i32
    %add3A_328 = vector.broadcast %add3A_327 : i32 to vector<12x128xi32>
    %add3A_329 = arith.addi %get3A_13, %add3A_328 : vector<12x128xi32>
    %add3A_330 = arith.addi %mul3A_326, %add3A_329 : vector<12x128xi32>
    %jit3A_331 = arith.constant 0 : i32
    %jit3A_332 = arith.constant 1906623 : i32
    %max3A_333 = vector.broadcast %jit3A_331 : i32 to vector<12x128xi32>
    %max3A_334 = arith.maxsi %max3A_333, %add3A_330 : vector<12x128xi32>
    %min3A_335 = vector.broadcast %jit3A_332 : i32 to vector<12x128xi32>
    %min3A_336 = arith.minsi %min3A_335, %max3A_334 : vector<12x128xi32>
    %swap3A_337 = arith.constant 5 : index
    %swap3A_338 = arith.constant 0 : index
    %swap3A_339 = arith.constant 0 : index
    %swap3A_340 = vector.load %arg5[%swap3A_337, %swap3A_338, %swap3A_339] : memref<8x12x128xi32, #tpu.memory_space<vmem>>, vector<1x12x128xi32>
    %swap3A_341 = vector.shape_cast %swap3A_340 : vector<1x12x128xi32> to vector<12x128xi32>
    %swap3A_342 = vector.shape_cast %min3A_336 : vector<12x128xi32> to vector<1x12x128xi32>
    tpu.vector_store %arg5[%swap3A_337, %swap3A_338, %swap3A_339], %swap3A_342 {strides = array<i32>} : memref<8x12x128xi32, #tpu.memory_space<vmem>>, vector<1x12x128xi32>,
    %get3A_343 = arith.constant 1 : index
    %get3A_344 = arith.constant 0 : index
    %get3A_345 = arith.constant 0 : index
    %get3A_346 = vector.load %arg1[%get3A_343, %get3A_344, %get3A_345] : memref<6x12x128xf32, #tpu.memory_space<vmem>>, vector<1x12x128xf32>
    %get3A_347 = vector.shape_cast %get3A_346 : vector<1x12x128xf32> to vector<12x128xf32>
    %get3A_348 = arith.constant 3 : index
    %get3A_349 = arith.constant 0 : index
    %get3A_350 = arith.constant 0 : index
    %get3A_351 = vector.load %arg1[%get3A_348, %get3A_349, %get3A_350] : memref<6x12x128xf32, #tpu.memory_space<vmem>>, vector<1x12x128xf32>
    %get3A_352 = vector.shape_cast %get3A_351 : vector<1x12x128xf32> to vector<12x128xf32>
    %get3A_353 = arith.constant 4 : index
    %get3A_354 = arith.constant 0 : index
    %get3A_355 = arith.constant 0 : index
    %get3A_356 = vector.load %arg1[%get3A_353, %get3A_354, %get3A_355] : memref<6x12x128xf32, #tpu.memory_space<vmem>>, vector<1x12x128xf32>
    %get3A_357 = vector.shape_cast %get3A_356 : vector<1x12x128xf32> to vector<12x128xf32>
    %sub3A_358 = arith.subf %get3A_18, %get3A_347 : vector<12x128xf32>
    %integer_pow3A_359 = arith.mulf %sub3A_358, %sub3A_358 : vector<12x128xf32>
    %sub3A_360 = arith.subf %get3A_23, %get3A_352 : vector<12x128xf32>
    %integer_pow3A_361 = arith.mulf %sub3A_360, %sub3A_360 : vector<12x128xf32>
    %add3A_362 = arith.addf %integer_pow3A_359, %integer_pow3A_361 : vector<12x128xf32>
    %sub3A_363 = arith.subf %get3A_28, %get3A_357 : vector<12x128xf32>
    %integer_pow3A_364 = arith.mulf %sub3A_363, %sub3A_363 : vector<12x128xf32>
    %add3A_365 = arith.addf %add3A_362, %integer_pow3A_364 : vector<12x128xf32>
    %sqrt3A_366 = math.sqrt %add3A_365 : vector<12x128xf32>
    %add3A_367 = arith.constant -2 : i32
    %add3A_368 = vector.broadcast %add3A_367 : i32 to vector<12x128xi32>
    %add3A_369 = arith.addi %get3A_3, %add3A_368 : vector<12x128xi32>
    %mul3A_370 = arith.constant 124 : i32
    %mul3A_371 = vector.broadcast %mul3A_370 : i32 to vector<12x128xi32>
    %mul3A_372 = arith.muli %add3A_369, %mul3A_371 : vector<12x128xi32>
    %add3A_373 = arith.constant -2 : i32
    %add3A_374 = vector.broadcast %add3A_373 : i32 to vector<12x128xi32>
    %add3A_375 = arith.addi %get3A_8, %add3A_374 : vector<12x128xi32>
    %add3A_376 = arith.addi %mul3A_372, %add3A_375 : vector<12x128xi32>
    %mul3A_377 = arith.constant 124 : i32
    %mul3A_378 = vector.broadcast %mul3A_377 : i32 to vector<12x128xi32>
    %mul3A_379 = arith.muli %add3A_376, %mul3A_378 : vector<12x128xi32>
    %add3A_380 = arith.constant -3 : i32
    %add3A_381 = vector.broadcast %add3A_380 : i32 to vector<12x128xi32>
    %add3A_382 = arith.addi %get3A_13, %add3A_381 : vector<12x128xi32>
    %add3A_383 = arith.addi %mul3A_379, %add3A_382 : vector<12x128xi32>
    %jit3A_384 = arith.constant 0 : i32
    %jit3A_385 = arith.constant 1906623 : i32
    %max3A_386 = vector.broadcast %jit3A_384 : i32 to vector<12x128xi32>
    %max3A_387 = arith.maxsi %max3A_386, %add3A_383 : vector<12x128xi32>
    %min3A_388 = vector.broadcast %jit3A_385 : i32 to vector<12x128xi32>
    %min3A_389 = arith.minsi %min3A_388, %max3A_387 : vector<12x128xi32>
    %swap3A_390 = arith.constant 6 : index
    %swap3A_391 = arith.constant 0 : index
    %swap3A_392 = arith.constant 0 : index
    %swap3A_393 = vector.load %arg5[%swap3A_390, %swap3A_391, %swap3A_392] : memref<8x12x128xi32, #tpu.memory_space<vmem>>, vector<1x12x128xi32>
    %swap3A_394 = vector.shape_cast %swap3A_393 : vector<1x12x128xi32> to vector<12x128xi32>
    %swap3A_395 = vector.shape_cast %min3A_389 : vector<12x128xi32> to vector<1x12x128xi32>
    tpu.vector_store %arg5[%swap3A_390, %swap3A_391, %swap3A_392], %swap3A_395 {strides = array<i32>} : memref<8x12x128xi32, #tpu.memory_space<vmem>>, vector<1x12x128xi32>,
    %get3A_396 = arith.constant 1 : index
    %get3A_397 = arith.constant 0 : index
    %get3A_398 = arith.constant 0 : index
    %get3A_399 = vector.load %arg1[%get3A_396, %get3A_397, %get3A_398] : memref<6x12x128xf32, #tpu.memory_space<vmem>>, vector<1x12x128xf32>
    %get3A_400 = vector.shape_cast %get3A_399 : vector<1x12x128xf32> to vector<12x128xf32>
    %get3A_401 = arith.constant 3 : index
    %get3A_402 = arith.constant 0 : index
    %get3A_403 = arith.constant 0 : index
    %get3A_404 = vector.load %arg1[%get3A_401, %get3A_402, %get3A_403] : memref<6x12x128xf32, #tpu.memory_space<vmem>>, vector<1x12x128xf32>
    %get3A_405 = vector.shape_cast %get3A_404 : vector<1x12x128xf32> to vector<12x128xf32>
    %get3A_406 = arith.constant 5 : index
    %get3A_407 = arith.constant 0 : index
    %get3A_408 = arith.constant 0 : index
    %get3A_409 = vector.load %arg1[%get3A_406, %get3A_407, %get3A_408] : memref<6x12x128xf32, #tpu.memory_space<vmem>>, vector<1x12x128xf32>
    %get3A_410 = vector.shape_cast %get3A_409 : vector<1x12x128xf32> to vector<12x128xf32>
    %sub3A_411 = arith.subf %get3A_18, %get3A_400 : vector<12x128xf32>
    %integer_pow3A_412 = arith.mulf %sub3A_411, %sub3A_411 : vector<12x128xf32>
    %sub3A_413 = arith.subf %get3A_23, %get3A_405 : vector<12x128xf32>
    %integer_pow3A_414 = arith.mulf %sub3A_413, %sub3A_413 : vector<12x128xf32>
    %add3A_415 = arith.addf %integer_pow3A_412, %integer_pow3A_414 : vector<12x128xf32>
    %sub3A_416 = arith.subf %get3A_28, %get3A_410 : vector<12x128xf32>
    %integer_pow3A_417 = arith.mulf %sub3A_416, %sub3A_416 : vector<12x128xf32>
    %add3A_418 = arith.addf %add3A_415, %integer_pow3A_417 : vector<12x128xf32>
    %sqrt3A_419 = math.sqrt %add3A_418 : vector<12x128xf32>
    %add3A_420 = arith.constant -2 : i32
    %add3A_421 = vector.broadcast %add3A_420 : i32 to vector<12x128xi32>
    %add3A_422 = arith.addi %get3A_3, %add3A_421 : vector<12x128xi32>
    %mul3A_423 = arith.constant 124 : i32
    %mul3A_424 = vector.broadcast %mul3A_423 : i32 to vector<12x128xi32>
    %mul3A_425 = arith.muli %add3A_422, %mul3A_424 : vector<12x128xi32>
    %add3A_426 = arith.constant -2 : i32
    %add3A_427 = vector.broadcast %add3A_426 : i32 to vector<12x128xi32>
    %add3A_428 = arith.addi %get3A_8, %add3A_427 : vector<12x128xi32>
    %add3A_429 = arith.addi %mul3A_425, %add3A_428 : vector<12x128xi32>
    %mul3A_430 = arith.constant 124 : i32
    %mul3A_431 = vector.broadcast %mul3A_430 : i32 to vector<12x128xi32>
    %mul3A_432 = arith.muli %add3A_429, %mul3A_431 : vector<12x128xi32>
    %add3A_433 = arith.constant -2 : i32
    %add3A_434 = vector.broadcast %add3A_433 : i32 to vector<12x128xi32>
    %add3A_435 = arith.addi %get3A_13, %add3A_434 : vector<12x128xi32>
    %add3A_436 = arith.addi %mul3A_432, %add3A_435 : vector<12x128xi32>
    %jit3A_437 = arith.constant 0 : i32
    %jit3A_438 = arith.constant 1906623 : i32
    %max3A_439 = vector.broadcast %jit3A_437 : i32 to vector<12x128xi32>
    %max3A_440 = arith.maxsi %max3A_439, %add3A_436 : vector<12x128xi32>
    %min3A_441 = vector.broadcast %jit3A_438 : i32 to vector<12x128xi32>
    %min3A_442 = arith.minsi %min3A_441, %max3A_440 : vector<12x128xi32>
    %swap3A_443 = arith.constant 7 : index
    %swap3A_444 = arith.constant 0 : index
    %swap3A_445 = arith.constant 0 : index
    %swap3A_446 = vector.load %arg5[%swap3A_443, %swap3A_444, %swap3A_445] : memref<8x12x128xi32, #tpu.memory_space<vmem>>, vector<1x12x128xi32>
    %swap3A_447 = vector.shape_cast %swap3A_446 : vector<1x12x128xi32> to vector<12x128xi32>
    %swap3A_448 = vector.shape_cast %min3A_442 : vector<12x128xi32> to vector<1x12x128xi32>
    tpu.vector_store %arg5[%swap3A_443, %swap3A_444, %swap3A_445], %swap3A_448 {strides = array<i32>} : memref<8x12x128xi32, #tpu.memory_space<vmem>>, vector<1x12x128xi32>,
    %get3A_449 = arith.constant 0 : index
    %get3A_450 = arith.constant 0 : index
    %get3A_451 = arith.constant 0 : index
    %get3A_452 = vector.load %arg3[%get3A_449, %get3A_450, %get3A_451] : memref<4x12x128xf32, #tpu.memory_space<vmem>>, vector<1x12x128xf32>
    %get3A_453 = vector.shape_cast %get3A_452 : vector<1x12x128xf32> to vector<12x128xf32>
    %mul3A_454 = arith.mulf %get3A_453, %get3A_33 : vector<12x128xf32>
    %div3A = arith.divf %mul3A_454, %sqrt3A : vector<12x128xf32>
    %swap3A_455 = arith.constant 0 : index
    %swap3A_456 = arith.constant 0 : index
    %swap3A_457 = arith.constant 0 : index
    %swap3A_458 = arith.constant 0 : index
    %swap3A_459 = vector.load %arg6[%swap3A_455, %swap3A_456, %swap3A_457, %swap3A_458] : memref<4x8x12x128xf32, #tpu.memory_space<vmem>>, vector<1x1x12x128xf32>
    %swap3A_460 = vector.shape_cast %swap3A_459 : vector<1x1x12x128xf32> to vector<12x128xf32>
    %swap3A_461 = vector.shape_cast %div3A : vector<12x128xf32> to vector<1x1x12x128xf32>
    tpu.vector_store %arg6[%swap3A_455, %swap3A_456, %swap3A_457, %swap3A_458], %swap3A_461 {strides = array<i32>} : memref<4x8x12x128xf32, #tpu.memory_space<vmem>>, vector<1x1x12x128xf32>,
    %div3A_462 = arith.divf %mul3A_454, %sqrt3A_101 : vector<12x128xf32>
    %swap3A_463 = arith.constant 0 : index
    %swap3A_464 = arith.constant 1 : index
    %swap3A_465 = arith.constant 0 : index
    %swap3A_466 = arith.constant 0 : index
    %swap3A_467 = vector.load %arg6[%swap3A_463, %swap3A_464, %swap3A_465, %swap3A_466] : memref<4x8x12x128xf32, #tpu.memory_space<vmem>>, vector<1x1x12x128xf32>
    %swap3A_468 = vector.shape_cast %swap3A_467 : vector<1x1x12x128xf32> to vector<12x128xf32>
    %swap3A_469 = vector.shape_cast %div3A_462 : vector<12x128xf32> to vector<1x1x12x128xf32>
    tpu.vector_store %arg6[%swap3A_463, %swap3A_464, %swap3A_465, %swap3A_466], %swap3A_469 {strides = array<i32>} : memref<4x8x12x128xf32, #tpu.memory_space<vmem>>, vector<1x1x12x128xf32>,
    %div3A_470 = arith.divf %mul3A_454, %sqrt3A_154 : vector<12x128xf32>
    %swap3A_471 = arith.constant 0 : index
    %swap3A_472 = arith.constant 2 : index
    %swap3A_473 = arith.constant 0 : index
    %swap3A_474 = arith.constant 0 : index
    %swap3A_475 = vector.load %arg6[%swap3A_471, %swap3A_472, %swap3A_473, %swap3A_474] : memref<4x8x12x128xf32, #tpu.memory_space<vmem>>, vector<1x1x12x128xf32>
    %swap3A_476 = vector.shape_cast %swap3A_475 : vector<1x1x12x128xf32> to vector<12x128xf32>
    %swap3A_477 = vector.shape_cast %div3A_470 : vector<12x128xf32> to vector<1x1x12x128xf32>
    tpu.vector_store %arg6[%swap3A_471, %swap3A_472, %swap3A_473, %swap3A_474], %swap3A_477 {strides = array<i32>} : memref<4x8x12x128xf32, #tpu.memory_space<vmem>>, vector<1x1x12x128xf32>,
    %div3A_478 = arith.divf %mul3A_454, %sqrt3A_207 : vector<12x128xf32>
    %swap3A_479 = arith.constant 0 : index
    %swap3A_480 = arith.constant 3 : index
    %swap3A_481 = arith.constant 0 : index
    %swap3A_482 = arith.constant 0 : index
    %swap3A_483 = vector.load %arg6[%swap3A_479, %swap3A_480, %swap3A_481, %swap3A_482] : memref<4x8x12x128xf32, #tpu.memory_space<vmem>>, vector<1x1x12x128xf32>
    %swap3A_484 = vector.shape_cast %swap3A_483 : vector<1x1x12x128xf32> to vector<12x128xf32>
    %swap3A_485 = vector.shape_cast %div3A_478 : vector<12x128xf32> to vector<1x1x12x128xf32>
    tpu.vector_store %arg6[%swap3A_479, %swap3A_480, %swap3A_481, %swap3A_482], %swap3A_485 {strides = array<i32>} : memref<4x8x12x128xf32, #tpu.memory_space<vmem>>, vector<1x1x12x128xf32>,
    %div3A_486 = arith.divf %mul3A_454, %sqrt3A_260 : vector<12x128xf32>
    %swap3A_487 = arith.constant 0 : index
    %swap3A_488 = arith.constant 4 : index
    %swap3A_489 = arith.constant 0 : index
    %swap3A_490 = arith.constant 0 : index
    %swap3A_491 = vector.load %arg6[%swap3A_487, %swap3A_488, %swap3A_489, %swap3A_490] : memref<4x8x12x128xf32, #tpu.memory_space<vmem>>, vector<1x1x12x128xf32>
    %swap3A_492 = vector.shape_cast %swap3A_491 : vector<1x1x12x128xf32> to vector<12x128xf32>
    %swap3A_493 = vector.shape_cast %div3A_486 : vector<12x128xf32> to vector<1x1x12x128xf32>
    tpu.vector_store %arg6[%swap3A_487, %swap3A_488, %swap3A_489, %swap3A_490], %swap3A_493 {strides = array<i32>} : memref<4x8x12x128xf32, #tpu.memory_space<vmem>>, vector<1x1x12x128xf32>,
    %div3A_494 = arith.divf %mul3A_454, %sqrt3A_313 : vector<12x128xf32>
    %swap3A_495 = arith.constant 0 : index
    %swap3A_496 = arith.constant 5 : index
    %swap3A_497 = arith.constant 0 : index
    %swap3A_498 = arith.constant 0 : index
    %swap3A_499 = vector.load %arg6[%swap3A_495, %swap3A_496, %swap3A_497, %swap3A_498] : memref<4x8x12x128xf32, #tpu.memory_space<vmem>>, vector<1x1x12x128xf32>
    %swap3A_500 = vector.shape_cast %swap3A_499 : vector<1x1x12x128xf32> to vector<12x128xf32>
    %swap3A_501 = vector.shape_cast %div3A_494 : vector<12x128xf32> to vector<1x1x12x128xf32>
    tpu.vector_store %arg6[%swap3A_495, %swap3A_496, %swap3A_497, %swap3A_498], %swap3A_501 {strides = array<i32>} : memref<4x8x12x128xf32, #tpu.memory_space<vmem>>, vector<1x1x12x128xf32>,
    %div3A_502 = arith.divf %mul3A_454, %sqrt3A_366 : vector<12x128xf32>
    %swap3A_503 = arith.constant 0 : index
    %swap3A_504 = arith.constant 6 : index
    %swap3A_505 = arith.constant 0 : index
    %swap3A_506 = arith.constant 0 : index
    %swap3A_507 = vector.load %arg6[%swap3A_503, %swap3A_504, %swap3A_505, %swap3A_506] : memref<4x8x12x128xf32, #tpu.memory_space<vmem>>, vector<1x1x12x128xf32>
    %swap3A_508 = vector.shape_cast %swap3A_507 : vector<1x1x12x128xf32> to vector<12x128xf32>
    %swap3A_509 = vector.shape_cast %div3A_502 : vector<12x128xf32> to vector<1x1x12x128xf32>
    tpu.vector_store %arg6[%swap3A_503, %swap3A_504, %swap3A_505, %swap3A_506], %swap3A_509 {strides = array<i32>} : memref<4x8x12x128xf32, #tpu.memory_space<vmem>>, vector<1x1x12x128xf32>,
    %div3A_510 = arith.divf %mul3A_454, %sqrt3A_419 : vector<12x128xf32>
    %swap3A_511 = arith.constant 0 : index
    %swap3A_512 = arith.constant 7 : index
    %swap3A_513 = arith.constant 0 : index
    %swap3A_514 = arith.constant 0 : index
    %swap3A_515 = vector.load %arg6[%swap3A_511, %swap3A_512, %swap3A_513, %swap3A_514] : memref<4x8x12x128xf32, #tpu.memory_space<vmem>>, vector<1x1x12x128xf32>
    %swap3A_516 = vector.shape_cast %swap3A_515 : vector<1x1x12x128xf32> to vector<12x128xf32>
    %swap3A_517 = vector.shape_cast %div3A_510 : vector<12x128xf32> to vector<1x1x12x128xf32>
    tpu.vector_store %arg6[%swap3A_511, %swap3A_512, %swap3A_513, %swap3A_514], %swap3A_517 {strides = array<i32>} : memref<4x8x12x128xf32, #tpu.memory_space<vmem>>, vector<1x1x12x128xf32>,
    %get3A_518 = arith.constant 1 : index
    %get3A_519 = arith.constant 0 : index
    %get3A_520 = arith.constant 0 : index
    %get3A_521 = vector.load %arg3[%get3A_518, %get3A_519, %get3A_520] : memref<4x12x128xf32, #tpu.memory_space<vmem>>, vector<1x12x128xf32>
    %get3A_522 = vector.shape_cast %get3A_521 : vector<1x12x128xf32> to vector<12x128xf32>
    %mul3A_523 = arith.mulf %get3A_522, %get3A_33 : vector<12x128xf32>
    %div3A_524 = arith.divf %mul3A_523, %sqrt3A : vector<12x128xf32>
    %swap3A_525 = arith.constant 1 : index
    %swap3A_526 = arith.constant 0 : index
    %swap3A_527 = arith.constant 0 : index
    %swap3A_528 = arith.constant 0 : index
    %swap3A_529 = vector.load %arg6[%swap3A_525, %swap3A_526, %swap3A_527, %swap3A_528] : memref<4x8x12x128xf32, #tpu.memory_space<vmem>>, vector<1x1x12x128xf32>
    %swap3A_530 = vector.shape_cast %swap3A_529 : vector<1x1x12x128xf32> to vector<12x128xf32>
    %swap3A_531 = vector.shape_cast %div3A_524 : vector<12x128xf32> to vector<1x1x12x128xf32>
    tpu.vector_store %arg6[%swap3A_525, %swap3A_526, %swap3A_527, %swap3A_528], %swap3A_531 {strides = array<i32>} : memref<4x8x12x128xf32, #tpu.memory_space<vmem>>, vector<1x1x12x128xf32>,
    %div3A_532 = arith.divf %mul3A_523, %sqrt3A_101 : vector<12x128xf32>
    %swap3A_533 = arith.constant 1 : index
    %swap3A_534 = arith.constant 1 : index
    %swap3A_535 = arith.constant 0 : index
    %swap3A_536 = arith.constant 0 : index
    %swap3A_537 = vector.load %arg6[%swap3A_533, %swap3A_534, %swap3A_535, %swap3A_536] : memref<4x8x12x128xf32, #tpu.memory_space<vmem>>, vector<1x1x12x128xf32>
    %swap3A_538 = vector.shape_cast %swap3A_537 : vector<1x1x12x128xf32> to vector<12x128xf32>
    %swap3A_539 = vector.shape_cast %div3A_532 : vector<12x128xf32> to vector<1x1x12x128xf32>
    tpu.vector_store %arg6[%swap3A_533, %swap3A_534, %swap3A_535, %swap3A_536], %swap3A_539 {strides = array<i32>} : memref<4x8x12x128xf32, #tpu.memory_space<vmem>>, vector<1x1x12x128xf32>,
    %div3A_540 = arith.divf %mul3A_523, %sqrt3A_154 : vector<12x128xf32>
    %swap3A_541 = arith.constant 1 : index
    %swap3A_542 = arith.constant 2 : index
    %swap3A_543 = arith.constant 0 : index
    %swap3A_544 = arith.constant 0 : index
    %swap3A_545 = vector.load %arg6[%swap3A_541, %swap3A_542, %swap3A_543, %swap3A_544] : memref<4x8x12x128xf32, #tpu.memory_space<vmem>>, vector<1x1x12x128xf32>
    %swap3A_546 = vector.shape_cast %swap3A_545 : vector<1x1x12x128xf32> to vector<12x128xf32>
    %swap3A_547 = vector.shape_cast %div3A_540 : vector<12x128xf32> to vector<1x1x12x128xf32>
    tpu.vector_store %arg6[%swap3A_541, %swap3A_542, %swap3A_543, %swap3A_544], %swap3A_547 {strides = array<i32>} : memref<4x8x12x128xf32, #tpu.memory_space<vmem>>, vector<1x1x12x128xf32>,
    %div3A_548 = arith.divf %mul3A_523, %sqrt3A_207 : vector<12x128xf32>
    %swap3A_549 = arith.constant 1 : index
    %swap3A_550 = arith.constant 3 : index
    %swap3A_551 = arith.constant 0 : index
    %swap3A_552 = arith.constant 0 : index
    %swap3A_553 = vector.load %arg6[%swap3A_549, %swap3A_550, %swap3A_551, %swap3A_552] : memref<4x8x12x128xf32, #tpu.memory_space<vmem>>, vector<1x1x12x128xf32>
    %swap3A_554 = vector.shape_cast %swap3A_553 : vector<1x1x12x128xf32> to vector<12x128xf32>
    %swap3A_555 = vector.shape_cast %div3A_548 : vector<12x128xf32> to vector<1x1x12x128xf32>
    tpu.vector_store %arg6[%swap3A_549, %swap3A_550, %swap3A_551, %swap3A_552], %swap3A_555 {strides = array<i32>} : memref<4x8x12x128xf32, #tpu.memory_space<vmem>>, vector<1x1x12x128xf32>,
    %div3A_556 = arith.divf %mul3A_523, %sqrt3A_260 : vector<12x128xf32>
    %swap3A_557 = arith.constant 1 : index
    %swap3A_558 = arith.constant 4 : index
    %swap3A_559 = arith.constant 0 : index
    %swap3A_560 = arith.constant 0 : index
    %swap3A_561 = vector.load %arg6[%swap3A_557, %swap3A_558, %swap3A_559, %swap3A_560] : memref<4x8x12x128xf32, #tpu.memory_space<vmem>>, vector<1x1x12x128xf32>
    %swap3A_562 = vector.shape_cast %swap3A_561 : vector<1x1x12x128xf32> to vector<12x128xf32>
    %swap3A_563 = vector.shape_cast %div3A_556 : vector<12x128xf32> to vector<1x1x12x128xf32>
    tpu.vector_store %arg6[%swap3A_557, %swap3A_558, %swap3A_559, %swap3A_560], %swap3A_563 {strides = array<i32>} : memref<4x8x12x128xf32, #tpu.memory_space<vmem>>, vector<1x1x12x128xf32>,
    %div3A_564 = arith.divf %mul3A_523, %sqrt3A_313 : vector<12x128xf32>
    %swap3A_565 = arith.constant 1 : index
    %swap3A_566 = arith.constant 5 : index
    %swap3A_567 = arith.constant 0 : index
    %swap3A_568 = arith.constant 0 : index
    %swap3A_569 = vector.load %arg6[%swap3A_565, %swap3A_566, %swap3A_567, %swap3A_568] : memref<4x8x12x128xf32, #tpu.memory_space<vmem>>, vector<1x1x12x128xf32>
    %swap3A_570 = vector.shape_cast %swap3A_569 : vector<1x1x12x128xf32> to vector<12x128xf32>
    %swap3A_571 = vector.shape_cast %div3A_564 : vector<12x128xf32> to vector<1x1x12x128xf32>
    tpu.vector_store %arg6[%swap3A_565, %swap3A_566, %swap3A_567, %swap3A_568], %swap3A_571 {strides = array<i32>} : memref<4x8x12x128xf32, #tpu.memory_space<vmem>>, vector<1x1x12x128xf32>,
    %div3A_572 = arith.divf %mul3A_523, %sqrt3A_366 : vector<12x128xf32>
    %swap3A_573 = arith.constant 1 : index
    %swap3A_574 = arith.constant 6 : index
    %swap3A_575 = arith.constant 0 : index
    %swap3A_576 = arith.constant 0 : index
    %swap3A_577 = vector.load %arg6[%swap3A_573, %swap3A_574, %swap3A_575, %swap3A_576] : memref<4x8x12x128xf32, #tpu.memory_space<vmem>>, vector<1x1x12x128xf32>
    %swap3A_578 = vector.shape_cast %swap3A_577 : vector<1x1x12x128xf32> to vector<12x128xf32>
    %swap3A_579 = vector.shape_cast %div3A_572 : vector<12x128xf32> to vector<1x1x12x128xf32>
    tpu.vector_store %arg6[%swap3A_573, %swap3A_574, %swap3A_575, %swap3A_576], %swap3A_579 {strides = array<i32>} : memref<4x8x12x128xf32, #tpu.memory_space<vmem>>, vector<1x1x12x128xf32>,
    %div3A_580 = arith.divf %mul3A_523, %sqrt3A_419 : vector<12x128xf32>
    %swap3A_581 = arith.constant 1 : index
    %swap3A_582 = arith.constant 7 : index
    %swap3A_583 = arith.constant 0 : index
    %swap3A_584 = arith.constant 0 : index
    %swap3A_585 = vector.load %arg6[%swap3A_581, %swap3A_582, %swap3A_583, %swap3A_584] : memref<4x8x12x128xf32, #tpu.memory_space<vmem>>, vector<1x1x12x128xf32>
    %swap3A_586 = vector.shape_cast %swap3A_585 : vector<1x1x12x128xf32> to vector<12x128xf32>
    %swap3A_587 = vector.shape_cast %div3A_580 : vector<12x128xf32> to vector<1x1x12x128xf32>
    tpu.vector_store %arg6[%swap3A_581, %swap3A_582, %swap3A_583, %swap3A_584], %swap3A_587 {strides = array<i32>} : memref<4x8x12x128xf32, #tpu.memory_space<vmem>>, vector<1x1x12x128xf32>,
    %get3A_588 = arith.constant 2 : index
    %get3A_589 = arith.constant 0 : index
    %get3A_590 = arith.constant 0 : index
    %get3A_591 = vector.load %arg3[%get3A_588, %get3A_589, %get3A_590] : memref<4x12x128xf32, #tpu.memory_space<vmem>>, vector<1x12x128xf32>
    %get3A_592 = vector.shape_cast %get3A_591 : vector<1x12x128xf32> to vector<12x128xf32>
    %mul3A_593 = arith.mulf %get3A_592, %get3A_33 : vector<12x128xf32>
    %div3A_594 = arith.divf %mul3A_593, %sqrt3A : vector<12x128xf32>
    %swap3A_595 = arith.constant 2 : index
    %swap3A_596 = arith.constant 0 : index
    %swap3A_597 = arith.constant 0 : index
    %swap3A_598 = arith.constant 0 : index
    %swap3A_599 = vector.load %arg6[%swap3A_595, %swap3A_596, %swap3A_597, %swap3A_598] : memref<4x8x12x128xf32, #tpu.memory_space<vmem>>, vector<1x1x12x128xf32>
    %swap3A_600 = vector.shape_cast %swap3A_599 : vector<1x1x12x128xf32> to vector<12x128xf32>
    %swap3A_601 = vector.shape_cast %div3A_594 : vector<12x128xf32> to vector<1x1x12x128xf32>
    tpu.vector_store %arg6[%swap3A_595, %swap3A_596, %swap3A_597, %swap3A_598], %swap3A_601 {strides = array<i32>} : memref<4x8x12x128xf32, #tpu.memory_space<vmem>>, vector<1x1x12x128xf32>,
    %div3A_602 = arith.divf %mul3A_593, %sqrt3A_101 : vector<12x128xf32>
    %swap3A_603 = arith.constant 2 : index
    %swap3A_604 = arith.constant 1 : index
    %swap3A_605 = arith.constant 0 : index
    %swap3A_606 = arith.constant 0 : index
    %swap3A_607 = vector.load %arg6[%swap3A_603, %swap3A_604, %swap3A_605, %swap3A_606] : memref<4x8x12x128xf32, #tpu.memory_space<vmem>>, vector<1x1x12x128xf32>
    %swap3A_608 = vector.shape_cast %swap3A_607 : vector<1x1x12x128xf32> to vector<12x128xf32>
    %swap3A_609 = vector.shape_cast %div3A_602 : vector<12x128xf32> to vector<1x1x12x128xf32>
    tpu.vector_store %arg6[%swap3A_603, %swap3A_604, %swap3A_605, %swap3A_606], %swap3A_609 {strides = array<i32>} : memref<4x8x12x128xf32, #tpu.memory_space<vmem>>, vector<1x1x12x128xf32>,
    %div3A_610 = arith.divf %mul3A_593, %sqrt3A_154 : vector<12x128xf32>
    %swap3A_611 = arith.constant 2 : index
    %swap3A_612 = arith.constant 2 : index
    %swap3A_613 = arith.constant 0 : index
    %swap3A_614 = arith.constant 0 : index
    %swap3A_615 = vector.load %arg6[%swap3A_611, %swap3A_612, %swap3A_613, %swap3A_614] : memref<4x8x12x128xf32, #tpu.memory_space<vmem>>, vector<1x1x12x128xf32>
    %swap3A_616 = vector.shape_cast %swap3A_615 : vector<1x1x12x128xf32> to vector<12x128xf32>
    %swap3A_617 = vector.shape_cast %div3A_610 : vector<12x128xf32> to vector<1x1x12x128xf32>
    tpu.vector_store %arg6[%swap3A_611, %swap3A_612, %swap3A_613, %swap3A_614], %swap3A_617 {strides = array<i32>} : memref<4x8x12x128xf32, #tpu.memory_space<vmem>>, vector<1x1x12x128xf32>,
    %div3A_618 = arith.divf %mul3A_593, %sqrt3A_207 : vector<12x128xf32>
    %swap3A_619 = arith.constant 2 : index
    %swap3A_620 = arith.constant 3 : index
    %swap3A_621 = arith.constant 0 : index
    %swap3A_622 = arith.constant 0 : index
    %swap3A_623 = vector.load %arg6[%swap3A_619, %swap3A_620, %swap3A_621, %swap3A_622] : memref<4x8x12x128xf32, #tpu.memory_space<vmem>>, vector<1x1x12x128xf32>
    %swap3A_624 = vector.shape_cast %swap3A_623 : vector<1x1x12x128xf32> to vector<12x128xf32>
    %swap3A_625 = vector.shape_cast %div3A_618 : vector<12x128xf32> to vector<1x1x12x128xf32>
    tpu.vector_store %arg6[%swap3A_619, %swap3A_620, %swap3A_621, %swap3A_622], %swap3A_625 {strides = array<i32>} : memref<4x8x12x128xf32, #tpu.memory_space<vmem>>, vector<1x1x12x128xf32>,
    %div3A_626 = arith.divf %mul3A_593, %sqrt3A_260 : vector<12x128xf32>
    %swap3A_627 = arith.constant 2 : index
    %swap3A_628 = arith.constant 4 : index
    %swap3A_629 = arith.constant 0 : index
    %swap3A_630 = arith.constant 0 : index
    %swap3A_631 = vector.load %arg6[%swap3A_627, %swap3A_628, %swap3A_629, %swap3A_630] : memref<4x8x12x128xf32, #tpu.memory_space<vmem>>, vector<1x1x12x128xf32>
    %swap3A_632 = vector.shape_cast %swap3A_631 : vector<1x1x12x128xf32> to vector<12x128xf32>
    %swap3A_633 = vector.shape_cast %div3A_626 : vector<12x128xf32> to vector<1x1x12x128xf32>
    tpu.vector_store %arg6[%swap3A_627, %swap3A_628, %swap3A_629, %swap3A_630], %swap3A_633 {strides = array<i32>} : memref<4x8x12x128xf32, #tpu.memory_space<vmem>>, vector<1x1x12x128xf32>,
    %div3A_634 = arith.divf %mul3A_593, %sqrt3A_313 : vector<12x128xf32>
    %swap3A_635 = arith.constant 2 : index
    %swap3A_636 = arith.constant 5 : index
    %swap3A_637 = arith.constant 0 : index
    %swap3A_638 = arith.constant 0 : index
    %swap3A_639 = vector.load %arg6[%swap3A_635, %swap3A_636, %swap3A_637, %swap3A_638] : memref<4x8x12x128xf32, #tpu.memory_space<vmem>>, vector<1x1x12x128xf32>
    %swap3A_640 = vector.shape_cast %swap3A_639 : vector<1x1x12x128xf32> to vector<12x128xf32>
    %swap3A_641 = vector.shape_cast %div3A_634 : vector<12x128xf32> to vector<1x1x12x128xf32>
    tpu.vector_store %arg6[%swap3A_635, %swap3A_636, %swap3A_637, %swap3A_638], %swap3A_641 {strides = array<i32>} : memref<4x8x12x128xf32, #tpu.memory_space<vmem>>, vector<1x1x12x128xf32>,
    %div3A_642 = arith.divf %mul3A_593, %sqrt3A_366 : vector<12x128xf32>
    %swap3A_643 = arith.constant 2 : index
    %swap3A_644 = arith.constant 6 : index
    %swap3A_645 = arith.constant 0 : index
    %swap3A_646 = arith.constant 0 : index
    %swap3A_647 = vector.load %arg6[%swap3A_643, %swap3A_644, %swap3A_645, %swap3A_646] : memref<4x8x12x128xf32, #tpu.memory_space<vmem>>, vector<1x1x12x128xf32>
    %swap3A_648 = vector.shape_cast %swap3A_647 : vector<1x1x12x128xf32> to vector<12x128xf32>
    %swap3A_649 = vector.shape_cast %div3A_642 : vector<12x128xf32> to vector<1x1x12x128xf32>
    tpu.vector_store %arg6[%swap3A_643, %swap3A_644, %swap3A_645, %swap3A_646], %swap3A_649 {strides = array<i32>} : memref<4x8x12x128xf32, #tpu.memory_space<vmem>>, vector<1x1x12x128xf32>,
    %div3A_650 = arith.divf %mul3A_593, %sqrt3A_419 : vector<12x128xf32>
    %swap3A_651 = arith.constant 2 : index
    %swap3A_652 = arith.constant 7 : index
    %swap3A_653 = arith.constant 0 : index
    %swap3A_654 = arith.constant 0 : index
    %swap3A_655 = vector.load %arg6[%swap3A_651, %swap3A_652, %swap3A_653, %swap3A_654] : memref<4x8x12x128xf32, #tpu.memory_space<vmem>>, vector<1x1x12x128xf32>
    %swap3A_656 = vector.shape_cast %swap3A_655 : vector<1x1x12x128xf32> to vector<12x128xf32>
    %swap3A_657 = vector.shape_cast %div3A_650 : vector<12x128xf32> to vector<1x1x12x128xf32>
    tpu.vector_store %arg6[%swap3A_651, %swap3A_652, %swap3A_653, %swap3A_654], %swap3A_657 {strides = array<i32>} : memref<4x8x12x128xf32, #tpu.memory_space<vmem>>, vector<1x1x12x128xf32>,
    %get3A_658 = arith.constant 3 : index
    %get3A_659 = arith.constant 0 : index
    %get3A_660 = arith.constant 0 : index
    %get3A_661 = vector.load %arg3[%get3A_658, %get3A_659, %get3A_660] : memref<4x12x128xf32, #tpu.memory_space<vmem>>, vector<1x12x128xf32>
    %get3A_662 = vector.shape_cast %get3A_661 : vector<1x12x128xf32> to vector<12x128xf32>
    %mul3A_663 = arith.mulf %get3A_662, %get3A_33 : vector<12x128xf32>
    %div3A_664 = arith.divf %mul3A_663, %sqrt3A : vector<12x128xf32>
    %swap3A_665 = arith.constant 3 : index
    %swap3A_666 = arith.constant 0 : index
    %swap3A_667 = arith.constant 0 : index
    %swap3A_668 = arith.constant 0 : index
    %swap3A_669 = vector.load %arg6[%swap3A_665, %swap3A_666, %swap3A_667, %swap3A_668] : memref<4x8x12x128xf32, #tpu.memory_space<vmem>>, vector<1x1x12x128xf32>
    %swap3A_670 = vector.shape_cast %swap3A_669 : vector<1x1x12x128xf32> to vector<12x128xf32>
    %swap3A_671 = vector.shape_cast %div3A_664 : vector<12x128xf32> to vector<1x1x12x128xf32>
    tpu.vector_store %arg6[%swap3A_665, %swap3A_666, %swap3A_667, %swap3A_668], %swap3A_671 {strides = array<i32>} : memref<4x8x12x128xf32, #tpu.memory_space<vmem>>, vector<1x1x12x128xf32>,
    %div3A_672 = arith.divf %mul3A_663, %sqrt3A_101 : vector<12x128xf32>
    %swap3A_673 = arith.constant 3 : index
    %swap3A_674 = arith.constant 1 : index
    %swap3A_675 = arith.constant 0 : index
    %swap3A_676 = arith.constant 0 : index
    %swap3A_677 = vector.load %arg6[%swap3A_673, %swap3A_674, %swap3A_675, %swap3A_676] : memref<4x8x12x128xf32, #tpu.memory_space<vmem>>, vector<1x1x12x128xf32>
    %swap3A_678 = vector.shape_cast %swap3A_677 : vector<1x1x12x128xf32> to vector<12x128xf32>
    %swap3A_679 = vector.shape_cast %div3A_672 : vector<12x128xf32> to vector<1x1x12x128xf32>
    tpu.vector_store %arg6[%swap3A_673, %swap3A_674, %swap3A_675, %swap3A_676], %swap3A_679 {strides = array<i32>} : memref<4x8x12x128xf32, #tpu.memory_space<vmem>>, vector<1x1x12x128xf32>,
    %div3A_680 = arith.divf %mul3A_663, %sqrt3A_154 : vector<12x128xf32>
    %swap3A_681 = arith.constant 3 : index
    %swap3A_682 = arith.constant 2 : index
    %swap3A_683 = arith.constant 0 : index
    %swap3A_684 = arith.constant 0 : index
    %swap3A_685 = vector.load %arg6[%swap3A_681, %swap3A_682, %swap3A_683, %swap3A_684] : memref<4x8x12x128xf32, #tpu.memory_space<vmem>>, vector<1x1x12x128xf32>
    %swap3A_686 = vector.shape_cast %swap3A_685 : vector<1x1x12x128xf32> to vector<12x128xf32>
    %swap3A_687 = vector.shape_cast %div3A_680 : vector<12x128xf32> to vector<1x1x12x128xf32>
    tpu.vector_store %arg6[%swap3A_681, %swap3A_682, %swap3A_683, %swap3A_684], %swap3A_687 {strides = array<i32>} : memref<4x8x12x128xf32, #tpu.memory_space<vmem>>, vector<1x1x12x128xf32>,
    %div3A_688 = arith.divf %mul3A_663, %sqrt3A_207 : vector<12x128xf32>
    %swap3A_689 = arith.constant 3 : index
    %swap3A_690 = arith.constant 3 : index
    %swap3A_691 = arith.constant 0 : index
    %swap3A_692 = arith.constant 0 : index
    %swap3A_693 = vector.load %arg6[%swap3A_689, %swap3A_690, %swap3A_691, %swap3A_692] : memref<4x8x12x128xf32, #tpu.memory_space<vmem>>, vector<1x1x12x128xf32>
    %swap3A_694 = vector.shape_cast %swap3A_693 : vector<1x1x12x128xf32> to vector<12x128xf32>
    %swap3A_695 = vector.shape_cast %div3A_688 : vector<12x128xf32> to vector<1x1x12x128xf32>
    tpu.vector_store %arg6[%swap3A_689, %swap3A_690, %swap3A_691, %swap3A_692], %swap3A_695 {strides = array<i32>} : memref<4x8x12x128xf32, #tpu.memory_space<vmem>>, vector<1x1x12x128xf32>,
    %div3A_696 = arith.divf %mul3A_663, %sqrt3A_260 : vector<12x128xf32>
    %swap3A_697 = arith.constant 3 : index
    %swap3A_698 = arith.constant 4 : index
    %swap3A_699 = arith.constant 0 : index
    %swap3A_700 = arith.constant 0 : index
    %swap3A_701 = vector.load %arg6[%swap3A_697, %swap3A_698, %swap3A_699, %swap3A_700] : memref<4x8x12x128xf32, #tpu.memory_space<vmem>>, vector<1x1x12x128xf32>
    %swap3A_702 = vector.shape_cast %swap3A_701 : vector<1x1x12x128xf32> to vector<12x128xf32>
    %swap3A_703 = vector.shape_cast %div3A_696 : vector<12x128xf32> to vector<1x1x12x128xf32>
    tpu.vector_store %arg6[%swap3A_697, %swap3A_698, %swap3A_699, %swap3A_700], %swap3A_703 {strides = array<i32>} : memref<4x8x12x128xf32, #tpu.memory_space<vmem>>, vector<1x1x12x128xf32>,
    %div3A_704 = arith.divf %mul3A_663, %sqrt3A_313 : vector<12x128xf32>
    %swap3A_705 = arith.constant 3 : index
    %swap3A_706 = arith.constant 5 : index
    %swap3A_707 = arith.constant 0 : index
    %swap3A_708 = arith.constant 0 : index
    %swap3A_709 = vector.load %arg6[%swap3A_705, %swap3A_706, %swap3A_707, %swap3A_708] : memref<4x8x12x128xf32, #tpu.memory_space<vmem>>, vector<1x1x12x128xf32>
    %swap3A_710 = vector.shape_cast %swap3A_709 : vector<1x1x12x128xf32> to vector<12x128xf32>
    %swap3A_711 = vector.shape_cast %div3A_704 : vector<12x128xf32> to vector<1x1x12x128xf32>
    tpu.vector_store %arg6[%swap3A_705, %swap3A_706, %swap3A_707, %swap3A_708], %swap3A_711 {strides = array<i32>} : memref<4x8x12x128xf32, #tpu.memory_space<vmem>>, vector<1x1x12x128xf32>,
    %div3A_712 = arith.divf %mul3A_663, %sqrt3A_366 : vector<12x128xf32>
    %swap3A_713 = arith.constant 3 : index
    %swap3A_714 = arith.constant 6 : index
    %swap3A_715 = arith.constant 0 : index
    %swap3A_716 = arith.constant 0 : index
    %swap3A_717 = vector.load %arg6[%swap3A_713, %swap3A_714, %swap3A_715, %swap3A_716] : memref<4x8x12x128xf32, #tpu.memory_space<vmem>>, vector<1x1x12x128xf32>
    %swap3A_718 = vector.shape_cast %swap3A_717 : vector<1x1x12x128xf32> to vector<12x128xf32>
    %swap3A_719 = vector.shape_cast %div3A_712 : vector<12x128xf32> to vector<1x1x12x128xf32>
    tpu.vector_store %arg6[%swap3A_713, %swap3A_714, %swap3A_715, %swap3A_716], %swap3A_719 {strides = array<i32>} : memref<4x8x12x128xf32, #tpu.memory_space<vmem>>, vector<1x1x12x128xf32>,
    %div3A_720 = arith.divf %mul3A_663, %sqrt3A_419 : vector<12x128xf32>
    %swap3A_721 = arith.constant 3 : index
    %swap3A_722 = arith.constant 7 : index
    %swap3A_723 = arith.constant 0 : index
    %swap3A_724 = arith.constant 0 : index
    %swap3A_725 = vector.load %arg6[%swap3A_721, %swap3A_722, %swap3A_723, %swap3A_724] : memref<4x8x12x128xf32, #tpu.memory_space<vmem>>, vector<1x1x12x128xf32>
    %swap3A_726 = vector.shape_cast %swap3A_725 : vector<1x1x12x128xf32> to vector<12x128xf32>
    %swap3A_727 = vector.shape_cast %div3A_720 : vector<12x128xf32> to vector<1x1x12x128xf32>
    tpu.vector_store %arg6[%swap3A_721, %swap3A_722, %swap3A_723, %swap3A_724], %swap3A_727 {strides = array<i32>} : memref<4x8x12x128xf32, #tpu.memory_space<vmem>>, vector<1x1x12x128xf32>,
    %mul3A_728 = arith.mulf %sqrt3A, %get3A_33 : vector<12x128xf32>
    %swap3A_729 = arith.constant 0 : index
    %swap3A_730 = arith.constant 0 : index
    %swap3A_731 = arith.constant 0 : index
    %swap3A_732 = vector.load %arg8[%swap3A_729, %swap3A_730, %swap3A_731] : memref<8x12x128xf32, #tpu.memory_space<vmem>>, vector<1x12x128xf32>
    %swap3A_733 = vector.shape_cast %swap3A_732 : vector<1x12x128xf32> to vector<12x128xf32>
    %swap3A_734 = vector.shape_cast %mul3A_728 : vector<12x128xf32> to vector<1x12x128xf32>
    tpu.vector_store %arg8[%swap3A_729, %swap3A_730, %swap3A_731], %swap3A_734 {strides = array<i32>} : memref<8x12x128xf32, #tpu.memory_space<vmem>>, vector<1x12x128xf32>,
    %mul3A_735 = arith.mulf %sqrt3A, %get3A_33 : vector<12x128xf32>
    %swap3A_736 = arith.constant 1 : index
    %swap3A_737 = arith.constant 0 : index
    %swap3A_738 = arith.constant 0 : index
    %swap3A_739 = vector.load %arg8[%swap3A_736, %swap3A_737, %swap3A_738] : memref<8x12x128xf32, #tpu.memory_space<vmem>>, vector<1x12x128xf32>
    %swap3A_740 = vector.shape_cast %swap3A_739 : vector<1x12x128xf32> to vector<12x128xf32>
    %swap3A_741 = vector.shape_cast %mul3A_735 : vector<12x128xf32> to vector<1x12x128xf32>
    tpu.vector_store %arg8[%swap3A_736, %swap3A_737, %swap3A_738], %swap3A_741 {strides = array<i32>} : memref<8x12x128xf32, #tpu.memory_space<vmem>>, vector<1x12x128xf32>,
    %mul3A_742 = arith.mulf %sqrt3A, %get3A_33 : vector<12x128xf32>
    %swap3A_743 = arith.constant 2 : index
    %swap3A_744 = arith.constant 0 : index
    %swap3A_745 = arith.constant 0 : index
    %swap3A_746 = vector.load %arg8[%swap3A_743, %swap3A_744, %swap3A_745] : memref<8x12x128xf32, #tpu.memory_space<vmem>>, vector<1x12x128xf32>
    %swap3A_747 = vector.shape_cast %swap3A_746 : vector<1x12x128xf32> to vector<12x128xf32>
    %swap3A_748 = vector.shape_cast %mul3A_742 : vector<12x128xf32> to vector<1x12x128xf32>
    tpu.vector_store %arg8[%swap3A_743, %swap3A_744, %swap3A_745], %swap3A_748 {strides = array<i32>} : memref<8x12x128xf32, #tpu.memory_space<vmem>>, vector<1x12x128xf32>,
    %mul3A_749 = arith.mulf %sqrt3A_154, %get3A_33 : vector<12x128xf32>
    %swap3A_750 = arith.constant 3 : index
    %swap3A_751 = arith.constant 0 : index
    %swap3A_752 = arith.constant 0 : index
    %swap3A_753 = vector.load %arg8[%swap3A_750, %swap3A_751, %swap3A_752] : memref<8x12x128xf32, #tpu.memory_space<vmem>>, vector<1x12x128xf32>
    %swap3A_754 = vector.shape_cast %swap3A_753 : vector<1x12x128xf32> to vector<12x128xf32>
    %swap3A_755 = vector.shape_cast %mul3A_749 : vector<12x128xf32> to vector<1x12x128xf32>
    tpu.vector_store %arg8[%swap3A_750, %swap3A_751, %swap3A_752], %swap3A_755 {strides = array<i32>} : memref<8x12x128xf32, #tpu.memory_space<vmem>>, vector<1x12x128xf32>,
    %mul3A_756 = arith.mulf %sqrt3A_260, %get3A_33 : vector<12x128xf32>
    %swap3A_757 = arith.constant 4 : index
    %swap3A_758 = arith.constant 0 : index
    %swap3A_759 = arith.constant 0 : index
    %swap3A_760 = vector.load %arg8[%swap3A_757, %swap3A_758, %swap3A_759] : memref<8x12x128xf32, #tpu.memory_space<vmem>>, vector<1x12x128xf32>
    %swap3A_761 = vector.shape_cast %swap3A_760 : vector<1x12x128xf32> to vector<12x128xf32>
    %swap3A_762 = vector.shape_cast %mul3A_756 : vector<12x128xf32> to vector<1x12x128xf32>
    tpu.vector_store %arg8[%swap3A_757, %swap3A_758, %swap3A_759], %swap3A_762 {strides = array<i32>} : memref<8x12x128xf32, #tpu.memory_space<vmem>>, vector<1x12x128xf32>,
    %mul3A_763 = arith.mulf %sqrt3A_260, %get3A_33 : vector<12x128xf32>
    %swap3A_764 = arith.constant 5 : index
    %swap3A_765 = arith.constant 0 : index
    %swap3A_766 = arith.constant 0 : index
    %swap3A_767 = vector.load %arg8[%swap3A_764, %swap3A_765, %swap3A_766] : memref<8x12x128xf32, #tpu.memory_space<vmem>>, vector<1x12x128xf32>
    %swap3A_768 = vector.shape_cast %swap3A_767 : vector<1x12x128xf32> to vector<12x128xf32>
    %swap3A_769 = vector.shape_cast %mul3A_763 : vector<12x128xf32> to vector<1x12x128xf32>
    tpu.vector_store %arg8[%swap3A_764, %swap3A_765, %swap3A_766], %swap3A_769 {strides = array<i32>} : memref<8x12x128xf32, #tpu.memory_space<vmem>>, vector<1x12x128xf32>,
    %mul3A_770 = arith.mulf %sqrt3A_260, %get3A_33 : vector<12x128xf32>
    %swap3A_771 = arith.constant 6 : index
    %swap3A_772 = arith.constant 0 : index
    %swap3A_773 = arith.constant 0 : index
    %swap3A_774 = vector.load %arg8[%swap3A_771, %swap3A_772, %swap3A_773] : memref<8x12x128xf32, #tpu.memory_space<vmem>>, vector<1x12x128xf32>
    %swap3A_775 = vector.shape_cast %swap3A_774 : vector<1x12x128xf32> to vector<12x128xf32>
    %swap3A_776 = vector.shape_cast %mul3A_770 : vector<12x128xf32> to vector<1x12x128xf32>
    tpu.vector_store %arg8[%swap3A_771, %swap3A_772, %swap3A_773], %swap3A_776 {strides = array<i32>} : memref<8x12x128xf32, #tpu.memory_space<vmem>>, vector<1x12x128xf32>,
    %mul3A_777 = arith.mulf %sqrt3A_366, %get3A_33 : vector<12x128xf32>
    %swap3A_778 = arith.constant 7 : index
    %swap3A_779 = arith.constant 0 : index
    %swap3A_780 = arith.constant 0 : index
    %swap3A_781 = vector.load %arg8[%swap3A_778, %swap3A_779, %swap3A_780] : memref<8x12x128xf32, #tpu.memory_space<vmem>>, vector<1x12x128xf32>
    %swap3A_782 = vector.shape_cast %swap3A_781 : vector<1x12x128xf32> to vector<12x128xf32>
    %swap3A_783 = vector.shape_cast %mul3A_777 : vector<12x128xf32> to vector<1x12x128xf32>
    tpu.vector_store %arg8[%swap3A_778, %swap3A_779, %swap3A_780], %swap3A_783 {strides = array<i32>} : memref<8x12x128xf32, #tpu.memory_space<vmem>>, vector<1x12x128xf32>,
    %add3A_784 = arith.constant -3 : i32
    %add3A_785 = vector.broadcast %add3A_784 : i32 to vector<12x128xi32>
    %add3A_786 = arith.addi %get3A_3, %add3A_785 : vector<12x128xi32>
    %mul3A_787 = arith.constant 124 : i32
    %mul3A_788 = vector.broadcast %mul3A_787 : i32 to vector<12x128xi32>
    %mul3A_789 = arith.muli %add3A_786, %mul3A_788 : vector<12x128xi32>
    %add3A_790 = arith.constant -3 : i32
    %add3A_791 = vector.broadcast %add3A_790 : i32 to vector<12x128xi32>
    %add3A_792 = arith.addi %get3A_8, %add3A_791 : vector<12x128xi32>
    %add3A_793 = arith.addi %mul3A_789, %add3A_792 : vector<12x128xi32>
    %mul3A_794 = arith.constant 124 : i32
    %mul3A_795 = vector.broadcast %mul3A_794 : i32 to vector<12x128xi32>
    %mul3A_796 = arith.muli %add3A_793, %mul3A_795 : vector<12x128xi32>
    %add3A_797 = arith.constant -3 : i32
    %add3A_798 = vector.broadcast %add3A_797 : i32 to vector<12x128xi32>
    %add3A_799 = arith.addi %get3A_13, %add3A_798 : vector<12x128xi32>
    %add3A_800 = arith.addi %mul3A_796, %add3A_799 : vector<12x128xi32>
    %jit3A_801 = arith.constant 0 : i32
    %jit3A_802 = arith.constant 1906623 : i32
    %max3A_803 = vector.broadcast %jit3A_801 : i32 to vector<12x128xi32>
    %max3A_804 = arith.maxsi %max3A_803, %add3A_800 : vector<12x128xi32>
    %min3A_805 = vector.broadcast %jit3A_802 : i32 to vector<12x128xi32>
    %min3A_806 = arith.minsi %min3A_805, %max3A_804 : vector<12x128xi32>
    %swap3A_807 = arith.constant 0 : index
    %swap3A_808 = arith.constant 0 : index
    %swap3A_809 = arith.constant 0 : index
    %swap3A_810 = vector.load %arg7[%swap3A_807, %swap3A_808, %swap3A_809] : memref<64x12x128xi32, #tpu.memory_space<vmem>>, vector<1x12x128xi32>
    %swap3A_811 = vector.shape_cast %swap3A_810 : vector<1x12x128xi32> to vector<12x128xi32>
    %swap3A_812 = vector.shape_cast %min3A_806 : vector<12x128xi32> to vector<1x12x128xi32>
    tpu.vector_store %arg7[%swap3A_807, %swap3A_808, %swap3A_809], %swap3A_812 {strides = array<i32>} : memref<64x12x128xi32, #tpu.memory_space<vmem>>, vector<1x12x128xi32>,
    %add3A_813 = arith.constant -3 : i32
    %add3A_814 = vector.broadcast %add3A_813 : i32 to vector<12x128xi32>
    %add3A_815 = arith.addi %get3A_3, %add3A_814 : vector<12x128xi32>
    %mul3A_816 = arith.constant 124 : i32
    %mul3A_817 = vector.broadcast %mul3A_816 : i32 to vector<12x128xi32>
    %mul3A_818 = arith.muli %add3A_815, %mul3A_817 : vector<12x128xi32>
    %add3A_819 = arith.constant -3 : i32
    %add3A_820 = vector.broadcast %add3A_819 : i32 to vector<12x128xi32>
    %add3A_821 = arith.addi %get3A_8, %add3A_820 : vector<12x128xi32>
    %add3A_822 = arith.addi %mul3A_818, %add3A_821 : vector<12x128xi32>
    %mul3A_823 = arith.constant 124 : i32
    %mul3A_824 = vector.broadcast %mul3A_823 : i32 to vector<12x128xi32>
    %mul3A_825 = arith.muli %add3A_822, %mul3A_824 : vector<12x128xi32>
    %add3A_826 = arith.constant -2 : i32
    %add3A_827 = vector.broadcast %add3A_826 : i32 to vector<12x128xi32>
    %add3A_828 = arith.addi %get3A_13, %add3A_827 : vector<12x128xi32>
    %add3A_829 = arith.addi %mul3A_825, %add3A_828 : vector<12x128xi32>
    %jit3A_830 = arith.constant 0 : i32
    %jit3A_831 = arith.constant 1906623 : i32
    %max3A_832 = vector.broadcast %jit3A_830 : i32 to vector<12x128xi32>
    %max3A_833 = arith.maxsi %max3A_832, %add3A_829 : vector<12x128xi32>
    %min3A_834 = vector.broadcast %jit3A_831 : i32 to vector<12x128xi32>
    %min3A_835 = arith.minsi %min3A_834, %max3A_833 : vector<12x128xi32>
    %swap3A_836 = arith.constant 1 : index
    %swap3A_837 = arith.constant 0 : index
    %swap3A_838 = arith.constant 0 : index
    %swap3A_839 = vector.load %arg7[%swap3A_836, %swap3A_837, %swap3A_838] : memref<64x12x128xi32, #tpu.memory_space<vmem>>, vector<1x12x128xi32>
    %swap3A_840 = vector.shape_cast %swap3A_839 : vector<1x12x128xi32> to vector<12x128xi32>
    %swap3A_841 = vector.shape_cast %min3A_835 : vector<12x128xi32> to vector<1x12x128xi32>
    tpu.vector_store %arg7[%swap3A_836, %swap3A_837, %swap3A_838], %swap3A_841 {strides = array<i32>} : memref<64x12x128xi32, #tpu.memory_space<vmem>>, vector<1x12x128xi32>,
    %add3A_842 = arith.constant -3 : i32
    %add3A_843 = vector.broadcast %add3A_842 : i32 to vector<12x128xi32>
    %add3A_844 = arith.addi %get3A_3, %add3A_843 : vector<12x128xi32>
    %mul3A_845 = arith.constant 124 : i32
    %mul3A_846 = vector.broadcast %mul3A_845 : i32 to vector<12x128xi32>
    %mul3A_847 = arith.muli %add3A_844, %mul3A_846 : vector<12x128xi32>
    %add3A_848 = arith.constant -3 : i32
    %add3A_849 = vector.broadcast %add3A_848 : i32 to vector<12x128xi32>
    %add3A_850 = arith.addi %get3A_8, %add3A_849 : vector<12x128xi32>
    %add3A_851 = arith.addi %mul3A_847, %add3A_850 : vector<12x128xi32>
    %mul3A_852 = arith.constant 124 : i32
    %mul3A_853 = vector.broadcast %mul3A_852 : i32 to vector<12x128xi32>
    %mul3A_854 = arith.muli %add3A_851, %mul3A_853 : vector<12x128xi32>
    %add3A_855 = arith.constant -1 : i32
    %add3A_856 = vector.broadcast %add3A_855 : i32 to vector<12x128xi32>
    %add3A_857 = arith.addi %get3A_13, %add3A_856 : vector<12x128xi32>
    %add3A_858 = arith.addi %mul3A_854, %add3A_857 : vector<12x128xi32>
    %jit3A_859 = arith.constant 0 : i32
    %jit3A_860 = arith.constant 1906623 : i32
    %max3A_861 = vector.broadcast %jit3A_859 : i32 to vector<12x128xi32>
    %max3A_862 = arith.maxsi %max3A_861, %add3A_858 : vector<12x128xi32>
    %min3A_863 = vector.broadcast %jit3A_860 : i32 to vector<12x128xi32>
    %min3A_864 = arith.minsi %min3A_863, %max3A_862 : vector<12x128xi32>
    %swap3A_865 = arith.constant 2 : index
    %swap3A_866 = arith.constant 0 : index
    %swap3A_867 = arith.constant 0 : index
    %swap3A_868 = vector.load %arg7[%swap3A_865, %swap3A_866, %swap3A_867] : memref<64x12x128xi32, #tpu.memory_space<vmem>>, vector<1x12x128xi32>
    %swap3A_869 = vector.shape_cast %swap3A_868 : vector<1x12x128xi32> to vector<12x128xi32>
    %swap3A_870 = vector.shape_cast %min3A_864 : vector<12x128xi32> to vector<1x12x128xi32>
    tpu.vector_store %arg7[%swap3A_865, %swap3A_866, %swap3A_867], %swap3A_870 {strides = array<i32>} : memref<64x12x128xi32, #tpu.memory_space<vmem>>, vector<1x12x128xi32>,
    %add3A_871 = arith.constant -3 : i32
    %add3A_872 = vector.broadcast %add3A_871 : i32 to vector<12x128xi32>
    %add3A_873 = arith.addi %get3A_3, %add3A_872 : vector<12x128xi32>
    %mul3A_874 = arith.constant 124 : i32
    %mul3A_875 = vector.broadcast %mul3A_874 : i32 to vector<12x128xi32>
    %mul3A_876 = arith.muli %add3A_873, %mul3A_875 : vector<12x128xi32>
    %add3A_877 = arith.constant -3 : i32
    %add3A_878 = vector.broadcast %add3A_877 : i32 to vector<12x128xi32>
    %add3A_879 = arith.addi %get3A_8, %add3A_878 : vector<12x128xi32>
    %add3A_880 = arith.addi %mul3A_876, %add3A_879 : vector<12x128xi32>
    %mul3A_881 = arith.constant 124 : i32
    %mul3A_882 = vector.broadcast %mul3A_881 : i32 to vector<12x128xi32>
    %mul3A_883 = arith.muli %add3A_880, %mul3A_882 : vector<12x128xi32>
    %add3A_884 = arith.constant 0 : i32
    %add3A_885 = vector.broadcast %add3A_884 : i32 to vector<12x128xi32>
    %add3A_886 = arith.addi %get3A_13, %add3A_885 : vector<12x128xi32>
    %add3A_887 = arith.addi %mul3A_883, %add3A_886 : vector<12x128xi32>
    %jit3A_888 = arith.constant 0 : i32
    %jit3A_889 = arith.constant 1906623 : i32
    %max3A_890 = vector.broadcast %jit3A_888 : i32 to vector<12x128xi32>
    %max3A_891 = arith.maxsi %max3A_890, %add3A_887 : vector<12x128xi32>
    %min3A_892 = vector.broadcast %jit3A_889 : i32 to vector<12x128xi32>
    %min3A_893 = arith.minsi %min3A_892, %max3A_891 : vector<12x128xi32>
    %swap3A_894 = arith.constant 3 : index
    %swap3A_895 = arith.constant 0 : index
    %swap3A_896 = arith.constant 0 : index
    %swap3A_897 = vector.load %arg7[%swap3A_894, %swap3A_895, %swap3A_896] : memref<64x12x128xi32, #tpu.memory_space<vmem>>, vector<1x12x128xi32>
    %swap3A_898 = vector.shape_cast %swap3A_897 : vector<1x12x128xi32> to vector<12x128xi32>
    %swap3A_899 = vector.shape_cast %min3A_893 : vector<12x128xi32> to vector<1x12x128xi32>
    tpu.vector_store %arg7[%swap3A_894, %swap3A_895, %swap3A_896], %swap3A_899 {strides = array<i32>} : memref<64x12x128xi32, #tpu.memory_space<vmem>>, vector<1x12x128xi32>,
    %add3A_900 = arith.constant -3 : i32
    %add3A_901 = vector.broadcast %add3A_900 : i32 to vector<12x128xi32>
    %add3A_902 = arith.addi %get3A_3, %add3A_901 : vector<12x128xi32>
    %mul3A_903 = arith.constant 124 : i32
    %mul3A_904 = vector.broadcast %mul3A_903 : i32 to vector<12x128xi32>
    %mul3A_905 = arith.muli %add3A_902, %mul3A_904 : vector<12x128xi32>
    %add3A_906 = arith.constant -2 : i32
    %add3A_907 = vector.broadcast %add3A_906 : i32 to vector<12x128xi32>
    %add3A_908 = arith.addi %get3A_8, %add3A_907 : vector<12x128xi32>
    %add3A_909 = arith.addi %mul3A_905, %add3A_908 : vector<12x128xi32>
    %mul3A_910 = arith.constant 124 : i32
    %mul3A_911 = vector.broadcast %mul3A_910 : i32 to vector<12x128xi32>
    %mul3A_912 = arith.muli %add3A_909, %mul3A_911 : vector<12x128xi32>
    %add3A_913 = arith.constant -3 : i32
    %add3A_914 = vector.broadcast %add3A_913 : i32 to vector<12x128xi32>
    %add3A_915 = arith.addi %get3A_13, %add3A_914 : vector<12x128xi32>
    %add3A_916 = arith.addi %mul3A_912, %add3A_915 : vector<12x128xi32>
    %jit3A_917 = arith.constant 0 : i32
    %jit3A_918 = arith.constant 1906623 : i32
    %max3A_919 = vector.broadcast %jit3A_917 : i32 to vector<12x128xi32>
    %max3A_920 = arith.maxsi %max3A_919, %add3A_916 : vector<12x128xi32>
    %min3A_921 = vector.broadcast %jit3A_918 : i32 to vector<12x128xi32>
    %min3A_922 = arith.minsi %min3A_921, %max3A_920 : vector<12x128xi32>
    %swap3A_923 = arith.constant 4 : index
    %swap3A_924 = arith.constant 0 : index
    %swap3A_925 = arith.constant 0 : index
    %swap3A_926 = vector.load %arg7[%swap3A_923, %swap3A_924, %swap3A_925] : memref<64x12x128xi32, #tpu.memory_space<vmem>>, vector<1x12x128xi32>
    %swap3A_927 = vector.shape_cast %swap3A_926 : vector<1x12x128xi32> to vector<12x128xi32>
    %swap3A_928 = vector.shape_cast %min3A_922 : vector<12x128xi32> to vector<1x12x128xi32>
    tpu.vector_store %arg7[%swap3A_923, %swap3A_924, %swap3A_925], %swap3A_928 {strides = array<i32>} : memref<64x12x128xi32, #tpu.memory_space<vmem>>, vector<1x12x128xi32>,
    %add3A_929 = arith.constant -3 : i32
    %add3A_930 = vector.broadcast %add3A_929 : i32 to vector<12x128xi32>
    %add3A_931 = arith.addi %get3A_3, %add3A_930 : vector<12x128xi32>
    %mul3A_932 = arith.constant 124 : i32
    %mul3A_933 = vector.broadcast %mul3A_932 : i32 to vector<12x128xi32>
    %mul3A_934 = arith.muli %add3A_931, %mul3A_933 : vector<12x128xi32>
    %add3A_935 = arith.constant -2 : i32
    %add3A_936 = vector.broadcast %add3A_935 : i32 to vector<12x128xi32>
    %add3A_937 = arith.addi %get3A_8, %add3A_936 : vector<12x128xi32>
    %add3A_938 = arith.addi %mul3A_934, %add3A_937 : vector<12x128xi32>
    %mul3A_939 = arith.constant 124 : i32
    %mul3A_940 = vector.broadcast %mul3A_939 : i32 to vector<12x128xi32>
    %mul3A_941 = arith.muli %add3A_938, %mul3A_940 : vector<12x128xi32>
    %add3A_942 = arith.constant -2 : i32
    %add3A_943 = vector.broadcast %add3A_942 : i32 to vector<12x128xi32>
    %add3A_944 = arith.addi %get3A_13, %add3A_943 : vector<12x128xi32>
    %add3A_945 = arith.addi %mul3A_941, %add3A_944 : vector<12x128xi32>
    %jit3A_946 = arith.constant 0 : i32
    %jit3A_947 = arith.constant 1906623 : i32
    %max3A_948 = vector.broadcast %jit3A_946 : i32 to vector<12x128xi32>
    %max3A_949 = arith.maxsi %max3A_948, %add3A_945 : vector<12x128xi32>
    %min3A_950 = vector.broadcast %jit3A_947 : i32 to vector<12x128xi32>
    %min3A_951 = arith.minsi %min3A_950, %max3A_949 : vector<12x128xi32>
    %swap3A_952 = arith.constant 5 : index
    %swap3A_953 = arith.constant 0 : index
    %swap3A_954 = arith.constant 0 : index
    %swap3A_955 = vector.load %arg7[%swap3A_952, %swap3A_953, %swap3A_954] : memref<64x12x128xi32, #tpu.memory_space<vmem>>, vector<1x12x128xi32>
    %swap3A_956 = vector.shape_cast %swap3A_955 : vector<1x12x128xi32> to vector<12x128xi32>
    %swap3A_957 = vector.shape_cast %min3A_951 : vector<12x128xi32> to vector<1x12x128xi32>
    tpu.vector_store %arg7[%swap3A_952, %swap3A_953, %swap3A_954], %swap3A_957 {strides = array<i32>} : memref<64x12x128xi32, #tpu.memory_space<vmem>>, vector<1x12x128xi32>,
    %add3A_958 = arith.constant -3 : i32
    %add3A_959 = vector.broadcast %add3A_958 : i32 to vector<12x128xi32>
    %add3A_960 = arith.addi %get3A_3, %add3A_959 : vector<12x128xi32>
    %mul3A_961 = arith.constant 124 : i32
    %mul3A_962 = vector.broadcast %mul3A_961 : i32 to vector<12x128xi32>
    %mul3A_963 = arith.muli %add3A_960, %mul3A_962 : vector<12x128xi32>
    %add3A_964 = arith.constant -2 : i32
    %add3A_965 = vector.broadcast %add3A_964 : i32 to vector<12x128xi32>
    %add3A_966 = arith.addi %get3A_8, %add3A_965 : vector<12x128xi32>
    %add3A_967 = arith.addi %mul3A_963, %add3A_966 : vector<12x128xi32>
    %mul3A_968 = arith.constant 124 : i32
    %mul3A_969 = vector.broadcast %mul3A_968 : i32 to vector<12x128xi32>
    %mul3A_970 = arith.muli %add3A_967, %mul3A_969 : vector<12x128xi32>
    %add3A_971 = arith.constant -1 : i32
    %add3A_972 = vector.broadcast %add3A_971 : i32 to vector<12x128xi32>
    %add3A_973 = arith.addi %get3A_13, %add3A_972 : vector<12x128xi32>
    %add3A_974 = arith.addi %mul3A_970, %add3A_973 : vector<12x128xi32>
    %jit3A_975 = arith.constant 0 : i32
    %jit3A_976 = arith.constant 1906623 : i32
    %max3A_977 = vector.broadcast %jit3A_975 : i32 to vector<12x128xi32>
    %max3A_978 = arith.maxsi %max3A_977, %add3A_974 : vector<12x128xi32>
    %min3A_979 = vector.broadcast %jit3A_976 : i32 to vector<12x128xi32>
    %min3A_980 = arith.minsi %min3A_979, %max3A_978 : vector<12x128xi32>
    %swap3A_981 = arith.constant 6 : index
    %swap3A_982 = arith.constant 0 : index
    %swap3A_983 = arith.constant 0 : index
    %swap3A_984 = vector.load %arg7[%swap3A_981, %swap3A_982, %swap3A_983] : memref<64x12x128xi32, #tpu.memory_space<vmem>>, vector<1x12x128xi32>
    %swap3A_985 = vector.shape_cast %swap3A_984 : vector<1x12x128xi32> to vector<12x128xi32>
    %swap3A_986 = vector.shape_cast %min3A_980 : vector<12x128xi32> to vector<1x12x128xi32>
    tpu.vector_store %arg7[%swap3A_981, %swap3A_982, %swap3A_983], %swap3A_986 {strides = array<i32>} : memref<64x12x128xi32, #tpu.memory_space<vmem>>, vector<1x12x128xi32>,
    %add3A_987 = arith.constant -3 : i32
    %add3A_988 = vector.broadcast %add3A_987 : i32 to vector<12x128xi32>
    %add3A_989 = arith.addi %get3A_3, %add3A_988 : vector<12x128xi32>
    %mul3A_990 = arith.constant 124 : i32
    %mul3A_991 = vector.broadcast %mul3A_990 : i32 to vector<12x128xi32>
    %mul3A_992 = arith.muli %add3A_989, %mul3A_991 : vector<12x128xi32>
    %add3A_993 = arith.constant -2 : i32
    %add3A_994 = vector.broadcast %add3A_993 : i32 to vector<12x128xi32>
    %add3A_995 = arith.addi %get3A_8, %add3A_994 : vector<12x128xi32>
    %add3A_996 = arith.addi %mul3A_992, %add3A_995 : vector<12x128xi32>
    %mul3A_997 = arith.constant 124 : i32
    %mul3A_998 = vector.broadcast %mul3A_997 : i32 to vector<12x128xi32>
    %mul3A_999 = arith.muli %add3A_996, %mul3A_998 : vector<12x128xi32>
    %add3A_1000 = arith.constant 0 : i32
    %add3A_1001 = vector.broadcast %add3A_1000 : i32 to vector<12x128xi32>
    %add3A_1002 = arith.addi %get3A_13, %add3A_1001 : vector<12x128xi32>
    %add3A_1003 = arith.addi %mul3A_999, %add3A_1002 : vector<12x128xi32>
    %jit3A_1004 = arith.constant 0 : i32
    %jit3A_1005 = arith.constant 1906623 : i32
    %max3A_1006 = vector.broadcast %jit3A_1004 : i32 to vector<12x128xi32>
    %max3A_1007 = arith.maxsi %max3A_1006, %add3A_1003 : vector<12x128xi32>
    %min3A_1008 = vector.broadcast %jit3A_1005 : i32 to vector<12x128xi32>
    %min3A_1009 = arith.minsi %min3A_1008, %max3A_1007 : vector<12x128xi32>
    %swap3A_1010 = arith.constant 7 : index
    %swap3A_1011 = arith.constant 0 : index
    %swap3A_1012 = arith.constant 0 : index
    %swap3A_1013 = vector.load %arg7[%swap3A_1010, %swap3A_1011, %swap3A_1012] : memref<64x12x128xi32, #tpu.memory_space<vmem>>, vector<1x12x128xi32>
    %swap3A_1014 = vector.shape_cast %swap3A_1013 : vector<1x12x128xi32> to vector<12x128xi32>
    %swap3A_1015 = vector.shape_cast %min3A_1009 : vector<12x128xi32> to vector<1x12x128xi32>
    tpu.vector_store %arg7[%swap3A_1010, %swap3A_1011, %swap3A_1012], %swap3A_1015 {strides = array<i32>} : memref<64x12x128xi32, #tpu.memory_space<vmem>>, vector<1x12x128xi32>,
    %add3A_1016 = arith.constant -3 : i32
    %add3A_1017 = vector.broadcast %add3A_1016 : i32 to vector<12x128xi32>
    %add3A_1018 = arith.addi %get3A_3, %add3A_1017 : vector<12x128xi32>
    %mul3A_1019 = arith.constant 124 : i32
    %mul3A_1020 = vector.broadcast %mul3A_1019 : i32 to vector<12x128xi32>
    %mul3A_1021 = arith.muli %add3A_1018, %mul3A_1020 : vector<12x128xi32>
    %add3A_1022 = arith.constant -1 : i32
    %add3A_1023 = vector.broadcast %add3A_1022 : i32 to vector<12x128xi32>
    %add3A_1024 = arith.addi %get3A_8, %add3A_1023 : vector<12x128xi32>
    %add3A_1025 = arith.addi %mul3A_1021, %add3A_1024 : vector<12x128xi32>
    %mul3A_1026 = arith.constant 124 : i32
    %mul3A_1027 = vector.broadcast %mul3A_1026 : i32 to vector<12x128xi32>
    %mul3A_1028 = arith.muli %add3A_1025, %mul3A_1027 : vector<12x128xi32>
    %add3A_1029 = arith.constant -3 : i32
    %add3A_1030 = vector.broadcast %add3A_1029 : i32 to vector<12x128xi32>
    %add3A_1031 = arith.addi %get3A_13, %add3A_1030 : vector<12x128xi32>
    %add3A_1032 = arith.addi %mul3A_1028, %add3A_1031 : vector<12x128xi32>
    %jit3A_1033 = arith.constant 0 : i32
    %jit3A_1034 = arith.constant 1906623 : i32
    %max3A_1035 = vector.broadcast %jit3A_1033 : i32 to vector<12x128xi32>
    %max3A_1036 = arith.maxsi %max3A_1035, %add3A_1032 : vector<12x128xi32>
    %min3A_1037 = vector.broadcast %jit3A_1034 : i32 to vector<12x128xi32>
    %min3A_1038 = arith.minsi %min3A_1037, %max3A_1036 : vector<12x128xi32>
    %swap3A_1039 = arith.constant 8 : index
    %swap3A_1040 = arith.constant 0 : index
    %swap3A_1041 = arith.constant 0 : index
    %swap3A_1042 = vector.load %arg7[%swap3A_1039, %swap3A_1040, %swap3A_1041] : memref<64x12x128xi32, #tpu.memory_space<vmem>>, vector<1x12x128xi32>
    %swap3A_1043 = vector.shape_cast %swap3A_1042 : vector<1x12x128xi32> to vector<12x128xi32>
    %swap3A_1044 = vector.shape_cast %min3A_1038 : vector<12x128xi32> to vector<1x12x128xi32>
    tpu.vector_store %arg7[%swap3A_1039, %swap3A_1040, %swap3A_1041], %swap3A_1044 {strides = array<i32>} : memref<64x12x128xi32, #tpu.memory_space<vmem>>, vector<1x12x128xi32>,
    %add3A_1045 = arith.constant -3 : i32
    %add3A_1046 = vector.broadcast %add3A_1045 : i32 to vector<12x128xi32>
    %add3A_1047 = arith.addi %get3A_3, %add3A_1046 : vector<12x128xi32>
    %mul3A_1048 = arith.constant 124 : i32
    %mul3A_1049 = vector.broadcast %mul3A_1048 : i32 to vector<12x128xi32>
    %mul3A_1050 = arith.muli %add3A_1047, %mul3A_1049 : vector<12x128xi32>
    %add3A_1051 = arith.constant -1 : i32
    %add3A_1052 = vector.broadcast %add3A_1051 : i32 to vector<12x128xi32>
    %add3A_1053 = arith.addi %get3A_8, %add3A_1052 : vector<12x128xi32>
    %add3A_1054 = arith.addi %mul3A_1050, %add3A_1053 : vector<12x128xi32>
    %mul3A_1055 = arith.constant 124 : i32
    %mul3A_1056 = vector.broadcast %mul3A_1055 : i32 to vector<12x128xi32>
    %mul3A_1057 = arith.muli %add3A_1054, %mul3A_1056 : vector<12x128xi32>
    %add3A_1058 = arith.constant -2 : i32
    %add3A_1059 = vector.broadcast %add3A_1058 : i32 to vector<12x128xi32>
    %add3A_1060 = arith.addi %get3A_13, %add3A_1059 : vector<12x128xi32>
    %add3A_1061 = arith.addi %mul3A_1057, %add3A_1060 : vector<12x128xi32>
    %jit3A_1062 = arith.constant 0 : i32
    %jit3A_1063 = arith.constant 1906623 : i32
    %max3A_1064 = vector.broadcast %jit3A_1062 : i32 to vector<12x128xi32>
    %max3A_1065 = arith.maxsi %max3A_1064, %add3A_1061 : vector<12x128xi32>
    %min3A_1066 = vector.broadcast %jit3A_1063 : i32 to vector<12x128xi32>
    %min3A_1067 = arith.minsi %min3A_1066, %max3A_1065 : vector<12x128xi32>
    %swap3A_1068 = arith.constant 9 : index
    %swap3A_1069 = arith.constant 0 : index
    %swap3A_1070 = arith.constant 0 : index
    %swap3A_1071 = vector.load %arg7[%swap3A_1068, %swap3A_1069, %swap3A_1070] : memref<64x12x128xi32, #tpu.memory_space<vmem>>, vector<1x12x128xi32>
    %swap3A_1072 = vector.shape_cast %swap3A_1071 : vector<1x12x128xi32> to vector<12x128xi32>
    %swap3A_1073 = vector.shape_cast %min3A_1067 : vector<12x128xi32> to vector<1x12x128xi32>
    tpu.vector_store %arg7[%swap3A_1068, %swap3A_1069, %swap3A_1070], %swap3A_1073 {strides = array<i32>} : memref<64x12x128xi32, #tpu.memory_space<vmem>>, vector<1x12x128xi32>,
    %add3A_1074 = arith.constant -3 : i32
    %add3A_1075 = vector.broadcast %add3A_1074 : i32 to vector<12x128xi32>
    %add3A_1076 = arith.addi %get3A_3, %add3A_1075 : vector<12x128xi32>
    %mul3A_1077 = arith.constant 124 : i32
    %mul3A_1078 = vector.broadcast %mul3A_1077 : i32 to vector<12x128xi32>
    %mul3A_1079 = arith.muli %add3A_1076, %mul3A_1078 : vector<12x128xi32>
    %add3A_1080 = arith.constant -1 : i32
    %add3A_1081 = vector.broadcast %add3A_1080 : i32 to vector<12x128xi32>
    %add3A_1082 = arith.addi %get3A_8, %add3A_1081 : vector<12x128xi32>
    %add3A_1083 = arith.addi %mul3A_1079, %add3A_1082 : vector<12x128xi32>
    %mul3A_1084 = arith.constant 124 : i32
    %mul3A_1085 = vector.broadcast %mul3A_1084 : i32 to vector<12x128xi32>
    %mul3A_1086 = arith.muli %add3A_1083, %mul3A_1085 : vector<12x128xi32>
    %add3A_1087 = arith.constant -1 : i32
    %add3A_1088 = vector.broadcast %add3A_1087 : i32 to vector<12x128xi32>
    %add3A_1089 = arith.addi %get3A_13, %add3A_1088 : vector<12x128xi32>
    %add3A_1090 = arith.addi %mul3A_1086, %add3A_1089 : vector<12x128xi32>
    %jit3A_1091 = arith.constant 0 : i32
    %jit3A_1092 = arith.constant 1906623 : i32
    %max3A_1093 = vector.broadcast %jit3A_1091 : i32 to vector<12x128xi32>
    %max3A_1094 = arith.maxsi %max3A_1093, %add3A_1090 : vector<12x128xi32>
    %min3A_1095 = vector.broadcast %jit3A_1092 : i32 to vector<12x128xi32>
    %min3A_1096 = arith.minsi %min3A_1095, %max3A_1094 : vector<12x128xi32>
    %swap3A_1097 = arith.constant 10 : index
    %swap3A_1098 = arith.constant 0 : index
    %swap3A_1099 = arith.constant 0 : index
    %swap3A_1100 = vector.load %arg7[%swap3A_1097, %swap3A_1098, %swap3A_1099] : memref<64x12x128xi32, #tpu.memory_space<vmem>>, vector<1x12x128xi32>
    %swap3A_1101 = vector.shape_cast %swap3A_1100 : vector<1x12x128xi32> to vector<12x128xi32>
    %swap3A_1102 = vector.shape_cast %min3A_1096 : vector<12x128xi32> to vector<1x12x128xi32>
    tpu.vector_store %arg7[%swap3A_1097, %swap3A_1098, %swap3A_1099], %swap3A_1102 {strides = array<i32>} : memref<64x12x128xi32, #tpu.memory_space<vmem>>, vector<1x12x128xi32>,
    %add3A_1103 = arith.constant -3 : i32
    %add3A_1104 = vector.broadcast %add3A_1103 : i32 to vector<12x128xi32>
    %add3A_1105 = arith.addi %get3A_3, %add3A_1104 : vector<12x128xi32>
    %mul3A_1106 = arith.constant 124 : i32
    %mul3A_1107 = vector.broadcast %mul3A_1106 : i32 to vector<12x128xi32>
    %mul3A_1108 = arith.muli %add3A_1105, %mul3A_1107 : vector<12x128xi32>
    %add3A_1109 = arith.constant -1 : i32
    %add3A_1110 = vector.broadcast %add3A_1109 : i32 to vector<12x128xi32>
    %add3A_1111 = arith.addi %get3A_8, %add3A_1110 : vector<12x128xi32>
    %add3A_1112 = arith.addi %mul3A_1108, %add3A_1111 : vector<12x128xi32>
    %mul3A_1113 = arith.constant 124 : i32
    %mul3A_1114 = vector.broadcast %mul3A_1113 : i32 to vector<12x128xi32>
    %mul3A_1115 = arith.muli %add3A_1112, %mul3A_1114 : vector<12x128xi32>
    %add3A_1116 = arith.constant 0 : i32
    %add3A_1117 = vector.broadcast %add3A_1116 : i32 to vector<12x128xi32>
    %add3A_1118 = arith.addi %get3A_13, %add3A_1117 : vector<12x128xi32>
    %add3A_1119 = arith.addi %mul3A_1115, %add3A_1118 : vector<12x128xi32>
    %jit3A_1120 = arith.constant 0 : i32
    %jit3A_1121 = arith.constant 1906623 : i32
    %max3A_1122 = vector.broadcast %jit3A_1120 : i32 to vector<12x128xi32>
    %max3A_1123 = arith.maxsi %max3A_1122, %add3A_1119 : vector<12x128xi32>
    %min3A_1124 = vector.broadcast %jit3A_1121 : i32 to vector<12x128xi32>
    %min3A_1125 = arith.minsi %min3A_1124, %max3A_1123 : vector<12x128xi32>
    %swap3A_1126 = arith.constant 11 : index
    %swap3A_1127 = arith.constant 0 : index
    %swap3A_1128 = arith.constant 0 : index
    %swap3A_1129 = vector.load %arg7[%swap3A_1126, %swap3A_1127, %swap3A_1128] : memref<64x12x128xi32, #tpu.memory_space<vmem>>, vector<1x12x128xi32>
    %swap3A_1130 = vector.shape_cast %swap3A_1129 : vector<1x12x128xi32> to vector<12x128xi32>
    %swap3A_1131 = vector.shape_cast %min3A_1125 : vector<12x128xi32> to vector<1x12x128xi32>
    tpu.vector_store %arg7[%swap3A_1126, %swap3A_1127, %swap3A_1128], %swap3A_1131 {strides = array<i32>} : memref<64x12x128xi32, #tpu.memory_space<vmem>>, vector<1x12x128xi32>,
    %add3A_1132 = arith.constant -3 : i32
    %add3A_1133 = vector.broadcast %add3A_1132 : i32 to vector<12x128xi32>
    %add3A_1134 = arith.addi %get3A_3, %add3A_1133 : vector<12x128xi32>
    %mul3A_1135 = arith.constant 124 : i32
    %mul3A_1136 = vector.broadcast %mul3A_1135 : i32 to vector<12x128xi32>
    %mul3A_1137 = arith.muli %add3A_1134, %mul3A_1136 : vector<12x128xi32>
    %add3A_1138 = arith.constant 0 : i32
    %add3A_1139 = vector.broadcast %add3A_1138 : i32 to vector<12x128xi32>
    %add3A_1140 = arith.addi %get3A_8, %add3A_1139 : vector<12x128xi32>
    %add3A_1141 = arith.addi %mul3A_1137, %add3A_1140 : vector<12x128xi32>
    %mul3A_1142 = arith.constant 124 : i32
    %mul3A_1143 = vector.broadcast %mul3A_1142 : i32 to vector<12x128xi32>
    %mul3A_1144 = arith.muli %add3A_1141, %mul3A_1143 : vector<12x128xi32>
    %add3A_1145 = arith.constant -3 : i32
    %add3A_1146 = vector.broadcast %add3A_1145 : i32 to vector<12x128xi32>
    %add3A_1147 = arith.addi %get3A_13, %add3A_1146 : vector<12x128xi32>
    %add3A_1148 = arith.addi %mul3A_1144, %add3A_1147 : vector<12x128xi32>
    %jit3A_1149 = arith.constant 0 : i32
    %jit3A_1150 = arith.constant 1906623 : i32
    %max3A_1151 = vector.broadcast %jit3A_1149 : i32 to vector<12x128xi32>
    %max3A_1152 = arith.maxsi %max3A_1151, %add3A_1148 : vector<12x128xi32>
    %min3A_1153 = vector.broadcast %jit3A_1150 : i32 to vector<12x128xi32>
    %min3A_1154 = arith.minsi %min3A_1153, %max3A_1152 : vector<12x128xi32>
    %swap3A_1155 = arith.constant 12 : index
    %swap3A_1156 = arith.constant 0 : index
    %swap3A_1157 = arith.constant 0 : index
    %swap3A_1158 = vector.load %arg7[%swap3A_1155, %swap3A_1156, %swap3A_1157] : memref<64x12x128xi32, #tpu.memory_space<vmem>>, vector<1x12x128xi32>
    %swap3A_1159 = vector.shape_cast %swap3A_1158 : vector<1x12x128xi32> to vector<12x128xi32>
    %swap3A_1160 = vector.shape_cast %min3A_1154 : vector<12x128xi32> to vector<1x12x128xi32>
    tpu.vector_store %arg7[%swap3A_1155, %swap3A_1156, %swap3A_1157], %swap3A_1160 {strides = array<i32>} : memref<64x12x128xi32, #tpu.memory_space<vmem>>, vector<1x12x128xi32>,
    %add3A_1161 = arith.constant -3 : i32
    %add3A_1162 = vector.broadcast %add3A_1161 : i32 to vector<12x128xi32>
    %add3A_1163 = arith.addi %get3A_3, %add3A_1162 : vector<12x128xi32>
    %mul3A_1164 = arith.constant 124 : i32
    %mul3A_1165 = vector.broadcast %mul3A_1164 : i32 to vector<12x128xi32>
    %mul3A_1166 = arith.muli %add3A_1163, %mul3A_1165 : vector<12x128xi32>
    %add3A_1167 = arith.constant 0 : i32
    %add3A_1168 = vector.broadcast %add3A_1167 : i32 to vector<12x128xi32>
    %add3A_1169 = arith.addi %get3A_8, %add3A_1168 : vector<12x128xi32>
    %add3A_1170 = arith.addi %mul3A_1166, %add3A_1169 : vector<12x128xi32>
    %mul3A_1171 = arith.constant 124 : i32
    %mul3A_1172 = vector.broadcast %mul3A_1171 : i32 to vector<12x128xi32>
    %mul3A_1173 = arith.muli %add3A_1170, %mul3A_1172 : vector<12x128xi32>
    %add3A_1174 = arith.constant -2 : i32
    %add3A_1175 = vector.broadcast %add3A_1174 : i32 to vector<12x128xi32>
    %add3A_1176 = arith.addi %get3A_13, %add3A_1175 : vector<12x128xi32>
    %add3A_1177 = arith.addi %mul3A_1173, %add3A_1176 : vector<12x128xi32>
    %jit3A_1178 = arith.constant 0 : i32
    %jit3A_1179 = arith.constant 1906623 : i32
    %max3A_1180 = vector.broadcast %jit3A_1178 : i32 to vector<12x128xi32>
    %max3A_1181 = arith.maxsi %max3A_1180, %add3A_1177 : vector<12x128xi32>
    %min3A_1182 = vector.broadcast %jit3A_1179 : i32 to vector<12x128xi32>
    %min3A_1183 = arith.minsi %min3A_1182, %max3A_1181 : vector<12x128xi32>
    %swap3A_1184 = arith.constant 13 : index
    %swap3A_1185 = arith.constant 0 : index
    %swap3A_1186 = arith.constant 0 : index
    %swap3A_1187 = vector.load %arg7[%swap3A_1184, %swap3A_1185, %swap3A_1186] : memref<64x12x128xi32, #tpu.memory_space<vmem>>, vector<1x12x128xi32>
    %swap3A_1188 = vector.shape_cast %swap3A_1187 : vector<1x12x128xi32> to vector<12x128xi32>
    %swap3A_1189 = vector.shape_cast %min3A_1183 : vector<12x128xi32> to vector<1x12x128xi32>
    tpu.vector_store %arg7[%swap3A_1184, %swap3A_1185, %swap3A_1186], %swap3A_1189 {strides = array<i32>} : memref<64x12x128xi32, #tpu.memory_space<vmem>>, vector<1x12x128xi32>,
    %add3A_1190 = arith.constant -3 : i32
    %add3A_1191 = vector.broadcast %add3A_1190 : i32 to vector<12x128xi32>
    %add3A_1192 = arith.addi %get3A_3, %add3A_1191 : vector<12x128xi32>
    %mul3A_1193 = arith.constant 124 : i32
    %mul3A_1194 = vector.broadcast %mul3A_1193 : i32 to vector<12x128xi32>
    %mul3A_1195 = arith.muli %add3A_1192, %mul3A_1194 : vector<12x128xi32>
    %add3A_1196 = arith.constant 0 : i32
    %add3A_1197 = vector.broadcast %add3A_1196 : i32 to vector<12x128xi32>
    %add3A_1198 = arith.addi %get3A_8, %add3A_1197 : vector<12x128xi32>
    %add3A_1199 = arith.addi %mul3A_1195, %add3A_1198 : vector<12x128xi32>
    %mul3A_1200 = arith.constant 124 : i32
    %mul3A_1201 = vector.broadcast %mul3A_1200 : i32 to vector<12x128xi32>
    %mul3A_1202 = arith.muli %add3A_1199, %mul3A_1201 : vector<12x128xi32>
    %add3A_1203 = arith.constant -1 : i32
    %add3A_1204 = vector.broadcast %add3A_1203 : i32 to vector<12x128xi32>
    %add3A_1205 = arith.addi %get3A_13, %add3A_1204 : vector<12x128xi32>
    %add3A_1206 = arith.addi %mul3A_1202, %add3A_1205 : vector<12x128xi32>
    %jit3A_1207 = arith.constant 0 : i32
    %jit3A_1208 = arith.constant 1906623 : i32
    %max3A_1209 = vector.broadcast %jit3A_1207 : i32 to vector<12x128xi32>
    %max3A_1210 = arith.maxsi %max3A_1209, %add3A_1206 : vector<12x128xi32>
    %min3A_1211 = vector.broadcast %jit3A_1208 : i32 to vector<12x128xi32>
    %min3A_1212 = arith.minsi %min3A_1211, %max3A_1210 : vector<12x128xi32>
    %swap3A_1213 = arith.constant 14 : index
    %swap3A_1214 = arith.constant 0 : index
    %swap3A_1215 = arith.constant 0 : index
    %swap3A_1216 = vector.load %arg7[%swap3A_1213, %swap3A_1214, %swap3A_1215] : memref<64x12x128xi32, #tpu.memory_space<vmem>>, vector<1x12x128xi32>
    %swap3A_1217 = vector.shape_cast %swap3A_1216 : vector<1x12x128xi32> to vector<12x128xi32>
    %swap3A_1218 = vector.shape_cast %min3A_1212 : vector<12x128xi32> to vector<1x12x128xi32>
    tpu.vector_store %arg7[%swap3A_1213, %swap3A_1214, %swap3A_1215], %swap3A_1218 {strides = array<i32>} : memref<64x12x128xi32, #tpu.memory_space<vmem>>, vector<1x12x128xi32>,
    %add3A_1219 = arith.constant -3 : i32
    %add3A_1220 = vector.broadcast %add3A_1219 : i32 to vector<12x128xi32>
    %add3A_1221 = arith.addi %get3A_3, %add3A_1220 : vector<12x128xi32>
    %mul3A_1222 = arith.constant 124 : i32
    %mul3A_1223 = vector.broadcast %mul3A_1222 : i32 to vector<12x128xi32>
    %mul3A_1224 = arith.muli %add3A_1221, %mul3A_1223 : vector<12x128xi32>
    %add3A_1225 = arith.constant 0 : i32
    %add3A_1226 = vector.broadcast %add3A_1225 : i32 to vector<12x128xi32>
    %add3A_1227 = arith.addi %get3A_8, %add3A_1226 : vector<12x128xi32>
    %add3A_1228 = arith.addi %mul3A_1224, %add3A_1227 : vector<12x128xi32>
    %mul3A_1229 = arith.constant 124 : i32
    %mul3A_1230 = vector.broadcast %mul3A_1229 : i32 to vector<12x128xi32>
    %mul3A_1231 = arith.muli %add3A_1228, %mul3A_1230 : vector<12x128xi32>
    %add3A_1232 = arith.constant 0 : i32
    %add3A_1233 = vector.broadcast %add3A_1232 : i32 to vector<12x128xi32>
    %add3A_1234 = arith.addi %get3A_13, %add3A_1233 : vector<12x128xi32>
    %add3A_1235 = arith.addi %mul3A_1231, %add3A_1234 : vector<12x128xi32>
    %jit3A_1236 = arith.constant 0 : i32
    %jit3A_1237 = arith.constant 1906623 : i32
    %max3A_1238 = vector.broadcast %jit3A_1236 : i32 to vector<12x128xi32>
    %max3A_1239 = arith.maxsi %max3A_1238, %add3A_1235 : vector<12x128xi32>
    %min3A_1240 = vector.broadcast %jit3A_1237 : i32 to vector<12x128xi32>
    %min3A_1241 = arith.minsi %min3A_1240, %max3A_1239 : vector<12x128xi32>
    %swap3A_1242 = arith.constant 15 : index
    %swap3A_1243 = arith.constant 0 : index
    %swap3A_1244 = arith.constant 0 : index
    %swap3A_1245 = vector.load %arg7[%swap3A_1242, %swap3A_1243, %swap3A_1244] : memref<64x12x128xi32, #tpu.memory_space<vmem>>, vector<1x12x128xi32>
    %swap3A_1246 = vector.shape_cast %swap3A_1245 : vector<1x12x128xi32> to vector<12x128xi32>
    %swap3A_1247 = vector.shape_cast %min3A_1241 : vector<12x128xi32> to vector<1x12x128xi32>
    tpu.vector_store %arg7[%swap3A_1242, %swap3A_1243, %swap3A_1244], %swap3A_1247 {strides = array<i32>} : memref<64x12x128xi32, #tpu.memory_space<vmem>>, vector<1x12x128xi32>,
    %add3A_1248 = arith.constant -2 : i32
    %add3A_1249 = vector.broadcast %add3A_1248 : i32 to vector<12x128xi32>
    %add3A_1250 = arith.addi %get3A_3, %add3A_1249 : vector<12x128xi32>
    %mul3A_1251 = arith.constant 124 : i32
    %mul3A_1252 = vector.broadcast %mul3A_1251 : i32 to vector<12x128xi32>
    %mul3A_1253 = arith.muli %add3A_1250, %mul3A_1252 : vector<12x128xi32>
    %add3A_1254 = arith.constant -3 : i32
    %add3A_1255 = vector.broadcast %add3A_1254 : i32 to vector<12x128xi32>
    %add3A_1256 = arith.addi %get3A_8, %add3A_1255 : vector<12x128xi32>
    %add3A_1257 = arith.addi %mul3A_1253, %add3A_1256 : vector<12x128xi32>
    %mul3A_1258 = arith.constant 124 : i32
    %mul3A_1259 = vector.broadcast %mul3A_1258 : i32 to vector<12x128xi32>
    %mul3A_1260 = arith.muli %add3A_1257, %mul3A_1259 : vector<12x128xi32>
    %add3A_1261 = arith.constant -3 : i32
    %add3A_1262 = vector.broadcast %add3A_1261 : i32 to vector<12x128xi32>
    %add3A_1263 = arith.addi %get3A_13, %add3A_1262 : vector<12x128xi32>
    %add3A_1264 = arith.addi %mul3A_1260, %add3A_1263 : vector<12x128xi32>
    %jit3A_1265 = arith.constant 0 : i32
    %jit3A_1266 = arith.constant 1906623 : i32
    %max3A_1267 = vector.broadcast %jit3A_1265 : i32 to vector<12x128xi32>
    %max3A_1268 = arith.maxsi %max3A_1267, %add3A_1264 : vector<12x128xi32>
    %min3A_1269 = vector.broadcast %jit3A_1266 : i32 to vector<12x128xi32>
    %min3A_1270 = arith.minsi %min3A_1269, %max3A_1268 : vector<12x128xi32>
    %swap3A_1271 = arith.constant 16 : index
    %swap3A_1272 = arith.constant 0 : index
    %swap3A_1273 = arith.constant 0 : index
    %swap3A_1274 = vector.load %arg7[%swap3A_1271, %swap3A_1272, %swap3A_1273] : memref<64x12x128xi32, #tpu.memory_space<vmem>>, vector<1x12x128xi32>
    %swap3A_1275 = vector.shape_cast %swap3A_1274 : vector<1x12x128xi32> to vector<12x128xi32>
    %swap3A_1276 = vector.shape_cast %min3A_1270 : vector<12x128xi32> to vector<1x12x128xi32>
    tpu.vector_store %arg7[%swap3A_1271, %swap3A_1272, %swap3A_1273], %swap3A_1276 {strides = array<i32>} : memref<64x12x128xi32, #tpu.memory_space<vmem>>, vector<1x12x128xi32>,
    %add3A_1277 = arith.constant -2 : i32
    %add3A_1278 = vector.broadcast %add3A_1277 : i32 to vector<12x128xi32>
    %add3A_1279 = arith.addi %get3A_3, %add3A_1278 : vector<12x128xi32>
    %mul3A_1280 = arith.constant 124 : i32
    %mul3A_1281 = vector.broadcast %mul3A_1280 : i32 to vector<12x128xi32>
    %mul3A_1282 = arith.muli %add3A_1279, %mul3A_1281 : vector<12x128xi32>
    %add3A_1283 = arith.constant -3 : i32
    %add3A_1284 = vector.broadcast %add3A_1283 : i32 to vector<12x128xi32>
    %add3A_1285 = arith.addi %get3A_8, %add3A_1284 : vector<12x128xi32>
    %add3A_1286 = arith.addi %mul3A_1282, %add3A_1285 : vector<12x128xi32>
    %mul3A_1287 = arith.constant 124 : i32
    %mul3A_1288 = vector.broadcast %mul3A_1287 : i32 to vector<12x128xi32>
    %mul3A_1289 = arith.muli %add3A_1286, %mul3A_1288 : vector<12x128xi32>
    %add3A_1290 = arith.constant -2 : i32
    %add3A_1291 = vector.broadcast %add3A_1290 : i32 to vector<12x128xi32>
    %add3A_1292 = arith.addi %get3A_13, %add3A_1291 : vector<12x128xi32>
    %add3A_1293 = arith.addi %mul3A_1289, %add3A_1292 : vector<12x128xi32>
    %jit3A_1294 = arith.constant 0 : i32
    %jit3A_1295 = arith.constant 1906623 : i32
    %max3A_1296 = vector.broadcast %jit3A_1294 : i32 to vector<12x128xi32>
    %max3A_1297 = arith.maxsi %max3A_1296, %add3A_1293 : vector<12x128xi32>
    %min3A_1298 = vector.broadcast %jit3A_1295 : i32 to vector<12x128xi32>
    %min3A_1299 = arith.minsi %min3A_1298, %max3A_1297 : vector<12x128xi32>
    %swap3A_1300 = arith.constant 17 : index
    %swap3A_1301 = arith.constant 0 : index
    %swap3A_1302 = arith.constant 0 : index
    %swap3A_1303 = vector.load %arg7[%swap3A_1300, %swap3A_1301, %swap3A_1302] : memref<64x12x128xi32, #tpu.memory_space<vmem>>, vector<1x12x128xi32>
    %swap3A_1304 = vector.shape_cast %swap3A_1303 : vector<1x12x128xi32> to vector<12x128xi32>
    %swap3A_1305 = vector.shape_cast %min3A_1299 : vector<12x128xi32> to vector<1x12x128xi32>
    tpu.vector_store %arg7[%swap3A_1300, %swap3A_1301, %swap3A_1302], %swap3A_1305 {strides = array<i32>} : memref<64x12x128xi32, #tpu.memory_space<vmem>>, vector<1x12x128xi32>,
    %add3A_1306 = arith.constant -2 : i32
    %add3A_1307 = vector.broadcast %add3A_1306 : i32 to vector<12x128xi32>
    %add3A_1308 = arith.addi %get3A_3, %add3A_1307 : vector<12x128xi32>
    %mul3A_1309 = arith.constant 124 : i32
    %mul3A_1310 = vector.broadcast %mul3A_1309 : i32 to vector<12x128xi32>
    %mul3A_1311 = arith.muli %add3A_1308, %mul3A_1310 : vector<12x128xi32>
    %add3A_1312 = arith.constant -3 : i32
    %add3A_1313 = vector.broadcast %add3A_1312 : i32 to vector<12x128xi32>
    %add3A_1314 = arith.addi %get3A_8, %add3A_1313 : vector<12x128xi32>
    %add3A_1315 = arith.addi %mul3A_1311, %add3A_1314 : vector<12x128xi32>
    %mul3A_1316 = arith.constant 124 : i32
    %mul3A_1317 = vector.broadcast %mul3A_1316 : i32 to vector<12x128xi32>
    %mul3A_1318 = arith.muli %add3A_1315, %mul3A_1317 : vector<12x128xi32>
    %add3A_1319 = arith.constant -1 : i32
    %add3A_1320 = vector.broadcast %add3A_1319 : i32 to vector<12x128xi32>
    %add3A_1321 = arith.addi %get3A_13, %add3A_1320 : vector<12x128xi32>
    %add3A_1322 = arith.addi %mul3A_1318, %add3A_1321 : vector<12x128xi32>
    %jit3A_1323 = arith.constant 0 : i32
    %jit3A_1324 = arith.constant 1906623 : i32
    %max3A_1325 = vector.broadcast %jit3A_1323 : i32 to vector<12x128xi32>
    %max3A_1326 = arith.maxsi %max3A_1325, %add3A_1322 : vector<12x128xi32>
    %min3A_1327 = vector.broadcast %jit3A_1324 : i32 to vector<12x128xi32>
    %min3A_1328 = arith.minsi %min3A_1327, %max3A_1326 : vector<12x128xi32>
    %swap3A_1329 = arith.constant 18 : index
    %swap3A_1330 = arith.constant 0 : index
    %swap3A_1331 = arith.constant 0 : index
    %swap3A_1332 = vector.load %arg7[%swap3A_1329, %swap3A_1330, %swap3A_1331] : memref<64x12x128xi32, #tpu.memory_space<vmem>>, vector<1x12x128xi32>
    %swap3A_1333 = vector.shape_cast %swap3A_1332 : vector<1x12x128xi32> to vector<12x128xi32>
    %swap3A_1334 = vector.shape_cast %min3A_1328 : vector<12x128xi32> to vector<1x12x128xi32>
    tpu.vector_store %arg7[%swap3A_1329, %swap3A_1330, %swap3A_1331], %swap3A_1334 {strides = array<i32>} : memref<64x12x128xi32, #tpu.memory_space<vmem>>, vector<1x12x128xi32>,
    %add3A_1335 = arith.constant -2 : i32
    %add3A_1336 = vector.broadcast %add3A_1335 : i32 to vector<12x128xi32>
    %add3A_1337 = arith.addi %get3A_3, %add3A_1336 : vector<12x128xi32>
    %mul3A_1338 = arith.constant 124 : i32
    %mul3A_1339 = vector.broadcast %mul3A_1338 : i32 to vector<12x128xi32>
    %mul3A_1340 = arith.muli %add3A_1337, %mul3A_1339 : vector<12x128xi32>
    %add3A_1341 = arith.constant -3 : i32
    %add3A_1342 = vector.broadcast %add3A_1341 : i32 to vector<12x128xi32>
    %add3A_1343 = arith.addi %get3A_8, %add3A_1342 : vector<12x128xi32>
    %add3A_1344 = arith.addi %mul3A_1340, %add3A_1343 : vector<12x128xi32>
    %mul3A_1345 = arith.constant 124 : i32
    %mul3A_1346 = vector.broadcast %mul3A_1345 : i32 to vector<12x128xi32>
    %mul3A_1347 = arith.muli %add3A_1344, %mul3A_1346 : vector<12x128xi32>
    %add3A_1348 = arith.constant 0 : i32
    %add3A_1349 = vector.broadcast %add3A_1348 : i32 to vector<12x128xi32>
    %add3A_1350 = arith.addi %get3A_13, %add3A_1349 : vector<12x128xi32>
    %add3A_1351 = arith.addi %mul3A_1347, %add3A_1350 : vector<12x128xi32>
    %jit3A_1352 = arith.constant 0 : i32
    %jit3A_1353 = arith.constant 1906623 : i32
    %max3A_1354 = vector.broadcast %jit3A_1352 : i32 to vector<12x128xi32>
    %max3A_1355 = arith.maxsi %max3A_1354, %add3A_1351 : vector<12x128xi32>
    %min3A_1356 = vector.broadcast %jit3A_1353 : i32 to vector<12x128xi32>
    %min3A_1357 = arith.minsi %min3A_1356, %max3A_1355 : vector<12x128xi32>
    %swap3A_1358 = arith.constant 19 : index
    %swap3A_1359 = arith.constant 0 : index
    %swap3A_1360 = arith.constant 0 : index
    %swap3A_1361 = vector.load %arg7[%swap3A_1358, %swap3A_1359, %swap3A_1360] : memref<64x12x128xi32, #tpu.memory_space<vmem>>, vector<1x12x128xi32>
    %swap3A_1362 = vector.shape_cast %swap3A_1361 : vector<1x12x128xi32> to vector<12x128xi32>
    %swap3A_1363 = vector.shape_cast %min3A_1357 : vector<12x128xi32> to vector<1x12x128xi32>
    tpu.vector_store %arg7[%swap3A_1358, %swap3A_1359, %swap3A_1360], %swap3A_1363 {strides = array<i32>} : memref<64x12x128xi32, #tpu.memory_space<vmem>>, vector<1x12x128xi32>,
    %add3A_1364 = arith.constant -2 : i32
    %add3A_1365 = vector.broadcast %add3A_1364 : i32 to vector<12x128xi32>
    %add3A_1366 = arith.addi %get3A_3, %add3A_1365 : vector<12x128xi32>
    %mul3A_1367 = arith.constant 124 : i32
    %mul3A_1368 = vector.broadcast %mul3A_1367 : i32 to vector<12x128xi32>
    %mul3A_1369 = arith.muli %add3A_1366, %mul3A_1368 : vector<12x128xi32>
    %add3A_1370 = arith.constant -2 : i32
    %add3A_1371 = vector.broadcast %add3A_1370 : i32 to vector<12x128xi32>
    %add3A_1372 = arith.addi %get3A_8, %add3A_1371 : vector<12x128xi32>
    %add3A_1373 = arith.addi %mul3A_1369, %add3A_1372 : vector<12x128xi32>
    %mul3A_1374 = arith.constant 124 : i32
    %mul3A_1375 = vector.broadcast %mul3A_1374 : i32 to vector<12x128xi32>
    %mul3A_1376 = arith.muli %add3A_1373, %mul3A_1375 : vector<12x128xi32>
    %add3A_1377 = arith.constant -3 : i32
    %add3A_1378 = vector.broadcast %add3A_1377 : i32 to vector<12x128xi32>
    %add3A_1379 = arith.addi %get3A_13, %add3A_1378 : vector<12x128xi32>
    %add3A_1380 = arith.addi %mul3A_1376, %add3A_1379 : vector<12x128xi32>
    %jit3A_1381 = arith.constant 0 : i32
    %jit3A_1382 = arith.constant 1906623 : i32
    %max3A_1383 = vector.broadcast %jit3A_1381 : i32 to vector<12x128xi32>
    %max3A_1384 = arith.maxsi %max3A_1383, %add3A_1380 : vector<12x128xi32>
    %min3A_1385 = vector.broadcast %jit3A_1382 : i32 to vector<12x128xi32>
    %min3A_1386 = arith.minsi %min3A_1385, %max3A_1384 : vector<12x128xi32>
    %swap3A_1387 = arith.constant 20 : index
    %swap3A_1388 = arith.constant 0 : index
    %swap3A_1389 = arith.constant 0 : index
    %swap3A_1390 = vector.load %arg7[%swap3A_1387, %swap3A_1388, %swap3A_1389] : memref<64x12x128xi32, #tpu.memory_space<vmem>>, vector<1x12x128xi32>
    %swap3A_1391 = vector.shape_cast %swap3A_1390 : vector<1x12x128xi32> to vector<12x128xi32>
    %swap3A_1392 = vector.shape_cast %min3A_1386 : vector<12x128xi32> to vector<1x12x128xi32>
    tpu.vector_store %arg7[%swap3A_1387, %swap3A_1388, %swap3A_1389], %swap3A_1392 {strides = array<i32>} : memref<64x12x128xi32, #tpu.memory_space<vmem>>, vector<1x12x128xi32>,
    %add3A_1393 = arith.constant -2 : i32
    %add3A_1394 = vector.broadcast %add3A_1393 : i32 to vector<12x128xi32>
    %add3A_1395 = arith.addi %get3A_3, %add3A_1394 : vector<12x128xi32>
    %mul3A_1396 = arith.constant 124 : i32
    %mul3A_1397 = vector.broadcast %mul3A_1396 : i32 to vector<12x128xi32>
    %mul3A_1398 = arith.muli %add3A_1395, %mul3A_1397 : vector<12x128xi32>
    %add3A_1399 = arith.constant -2 : i32
    %add3A_1400 = vector.broadcast %add3A_1399 : i32 to vector<12x128xi32>
    %add3A_1401 = arith.addi %get3A_8, %add3A_1400 : vector<12x128xi32>
    %add3A_1402 = arith.addi %mul3A_1398, %add3A_1401 : vector<12x128xi32>
    %mul3A_1403 = arith.constant 124 : i32
    %mul3A_1404 = vector.broadcast %mul3A_1403 : i32 to vector<12x128xi32>
    %mul3A_1405 = arith.muli %add3A_1402, %mul3A_1404 : vector<12x128xi32>
    %add3A_1406 = arith.constant -2 : i32
    %add3A_1407 = vector.broadcast %add3A_1406 : i32 to vector<12x128xi32>
    %add3A_1408 = arith.addi %get3A_13, %add3A_1407 : vector<12x128xi32>
    %add3A_1409 = arith.addi %mul3A_1405, %add3A_1408 : vector<12x128xi32>
    %jit3A_1410 = arith.constant 0 : i32
    %jit3A_1411 = arith.constant 1906623 : i32
    %max3A_1412 = vector.broadcast %jit3A_1410 : i32 to vector<12x128xi32>
    %max3A_1413 = arith.maxsi %max3A_1412, %add3A_1409 : vector<12x128xi32>
    %min3A_1414 = vector.broadcast %jit3A_1411 : i32 to vector<12x128xi32>
    %min3A_1415 = arith.minsi %min3A_1414, %max3A_1413 : vector<12x128xi32>
    %swap3A_1416 = arith.constant 21 : index
    %swap3A_1417 = arith.constant 0 : index
    %swap3A_1418 = arith.constant 0 : index
    %swap3A_1419 = vector.load %arg7[%swap3A_1416, %swap3A_1417, %swap3A_1418] : memref<64x12x128xi32, #tpu.memory_space<vmem>>, vector<1x12x128xi32>
    %swap3A_1420 = vector.shape_cast %swap3A_1419 : vector<1x12x128xi32> to vector<12x128xi32>
    %swap3A_1421 = vector.shape_cast %min3A_1415 : vector<12x128xi32> to vector<1x12x128xi32>
    tpu.vector_store %arg7[%swap3A_1416, %swap3A_1417, %swap3A_1418], %swap3A_1421 {strides = array<i32>} : memref<64x12x128xi32, #tpu.memory_space<vmem>>, vector<1x12x128xi32>,
    %add3A_1422 = arith.constant -2 : i32
    %add3A_1423 = vector.broadcast %add3A_1422 : i32 to vector<12x128xi32>
    %add3A_1424 = arith.addi %get3A_3, %add3A_1423 : vector<12x128xi32>
    %mul3A_1425 = arith.constant 124 : i32
    %mul3A_1426 = vector.broadcast %mul3A_1425 : i32 to vector<12x128xi32>
    %mul3A_1427 = arith.muli %add3A_1424, %mul3A_1426 : vector<12x128xi32>
    %add3A_1428 = arith.constant -2 : i32
    %add3A_1429 = vector.broadcast %add3A_1428 : i32 to vector<12x128xi32>
    %add3A_1430 = arith.addi %get3A_8, %add3A_1429 : vector<12x128xi32>
    %add3A_1431 = arith.addi %mul3A_1427, %add3A_1430 : vector<12x128xi32>
    %mul3A_1432 = arith.constant 124 : i32
    %mul3A_1433 = vector.broadcast %mul3A_1432 : i32 to vector<12x128xi32>
    %mul3A_1434 = arith.muli %add3A_1431, %mul3A_1433 : vector<12x128xi32>
    %add3A_1435 = arith.constant -1 : i32
    %add3A_1436 = vector.broadcast %add3A_1435 : i32 to vector<12x128xi32>
    %add3A_1437 = arith.addi %get3A_13, %add3A_1436 : vector<12x128xi32>
    %add3A_1438 = arith.addi %mul3A_1434, %add3A_1437 : vector<12x128xi32>
    %jit3A_1439 = arith.constant 0 : i32
    %jit3A_1440 = arith.constant 1906623 : i32
    %max3A_1441 = vector.broadcast %jit3A_1439 : i32 to vector<12x128xi32>
    %max3A_1442 = arith.maxsi %max3A_1441, %add3A_1438 : vector<12x128xi32>
    %min3A_1443 = vector.broadcast %jit3A_1440 : i32 to vector<12x128xi32>
    %min3A_1444 = arith.minsi %min3A_1443, %max3A_1442 : vector<12x128xi32>
    %swap3A_1445 = arith.constant 22 : index
    %swap3A_1446 = arith.constant 0 : index
    %swap3A_1447 = arith.constant 0 : index
    %swap3A_1448 = vector.load %arg7[%swap3A_1445, %swap3A_1446, %swap3A_1447] : memref<64x12x128xi32, #tpu.memory_space<vmem>>, vector<1x12x128xi32>
    %swap3A_1449 = vector.shape_cast %swap3A_1448 : vector<1x12x128xi32> to vector<12x128xi32>
    %swap3A_1450 = vector.shape_cast %min3A_1444 : vector<12x128xi32> to vector<1x12x128xi32>
    tpu.vector_store %arg7[%swap3A_1445, %swap3A_1446, %swap3A_1447], %swap3A_1450 {strides = array<i32>} : memref<64x12x128xi32, #tpu.memory_space<vmem>>, vector<1x12x128xi32>,
    %add3A_1451 = arith.constant -2 : i32
    %add3A_1452 = vector.broadcast %add3A_1451 : i32 to vector<12x128xi32>
    %add3A_1453 = arith.addi %get3A_3, %add3A_1452 : vector<12x128xi32>
    %mul3A_1454 = arith.constant 124 : i32
    %mul3A_1455 = vector.broadcast %mul3A_1454 : i32 to vector<12x128xi32>
    %mul3A_1456 = arith.muli %add3A_1453, %mul3A_1455 : vector<12x128xi32>
    %add3A_1457 = arith.constant -2 : i32
    %add3A_1458 = vector.broadcast %add3A_1457 : i32 to vector<12x128xi32>
    %add3A_1459 = arith.addi %get3A_8, %add3A_1458 : vector<12x128xi32>
    %add3A_1460 = arith.addi %mul3A_1456, %add3A_1459 : vector<12x128xi32>
    %mul3A_1461 = arith.constant 124 : i32
    %mul3A_1462 = vector.broadcast %mul3A_1461 : i32 to vector<12x128xi32>
    %mul3A_1463 = arith.muli %add3A_1460, %mul3A_1462 : vector<12x128xi32>
    %add3A_1464 = arith.constant 0 : i32
    %add3A_1465 = vector.broadcast %add3A_1464 : i32 to vector<12x128xi32>
    %add3A_1466 = arith.addi %get3A_13, %add3A_1465 : vector<12x128xi32>
    %add3A_1467 = arith.addi %mul3A_1463, %add3A_1466 : vector<12x128xi32>
    %jit3A_1468 = arith.constant 0 : i32
    %jit3A_1469 = arith.constant 1906623 : i32
    %max3A_1470 = vector.broadcast %jit3A_1468 : i32 to vector<12x128xi32>
    %max3A_1471 = arith.maxsi %max3A_1470, %add3A_1467 : vector<12x128xi32>
    %min3A_1472 = vector.broadcast %jit3A_1469 : i32 to vector<12x128xi32>
    %min3A_1473 = arith.minsi %min3A_1472, %max3A_1471 : vector<12x128xi32>
    %swap3A_1474 = arith.constant 23 : index
    %swap3A_1475 = arith.constant 0 : index
    %swap3A_1476 = arith.constant 0 : index
    %swap3A_1477 = vector.load %arg7[%swap3A_1474, %swap3A_1475, %swap3A_1476] : memref<64x12x128xi32, #tpu.memory_space<vmem>>, vector<1x12x128xi32>
    %swap3A_1478 = vector.shape_cast %swap3A_1477 : vector<1x12x128xi32> to vector<12x128xi32>
    %swap3A_1479 = vector.shape_cast %min3A_1473 : vector<12x128xi32> to vector<1x12x128xi32>
    tpu.vector_store %arg7[%swap3A_1474, %swap3A_1475, %swap3A_1476], %swap3A_1479 {strides = array<i32>} : memref<64x12x128xi32, #tpu.memory_space<vmem>>, vector<1x12x128xi32>,
    %add3A_1480 = arith.constant -2 : i32
    %add3A_1481 = vector.broadcast %add3A_1480 : i32 to vector<12x128xi32>
    %add3A_1482 = arith.addi %get3A_3, %add3A_1481 : vector<12x128xi32>
    %mul3A_1483 = arith.constant 124 : i32
    %mul3A_1484 = vector.broadcast %mul3A_1483 : i32 to vector<12x128xi32>
    %mul3A_1485 = arith.muli %add3A_1482, %mul3A_1484 : vector<12x128xi32>
    %add3A_1486 = arith.constant -1 : i32
    %add3A_1487 = vector.broadcast %add3A_1486 : i32 to vector<12x128xi32>
    %add3A_1488 = arith.addi %get3A_8, %add3A_1487 : vector<12x128xi32>
    %add3A_1489 = arith.addi %mul3A_1485, %add3A_1488 : vector<12x128xi32>
    %mul3A_1490 = arith.constant 124 : i32
    %mul3A_1491 = vector.broadcast %mul3A_1490 : i32 to vector<12x128xi32>
    %mul3A_1492 = arith.muli %add3A_1489, %mul3A_1491 : vector<12x128xi32>
    %add3A_1493 = arith.constant -3 : i32
    %add3A_1494 = vector.broadcast %add3A_1493 : i32 to vector<12x128xi32>
    %add3A_1495 = arith.addi %get3A_13, %add3A_1494 : vector<12x128xi32>
    %add3A_1496 = arith.addi %mul3A_1492, %add3A_1495 : vector<12x128xi32>
    %jit3A_1497 = arith.constant 0 : i32
    %jit3A_1498 = arith.constant 1906623 : i32
    %max3A_1499 = vector.broadcast %jit3A_1497 : i32 to vector<12x128xi32>
    %max3A_1500 = arith.maxsi %max3A_1499, %add3A_1496 : vector<12x128xi32>
    %min3A_1501 = vector.broadcast %jit3A_1498 : i32 to vector<12x128xi32>
    %min3A_1502 = arith.minsi %min3A_1501, %max3A_1500 : vector<12x128xi32>
    %swap3A_1503 = arith.constant 24 : index
    %swap3A_1504 = arith.constant 0 : index
    %swap3A_1505 = arith.constant 0 : index
    %swap3A_1506 = vector.load %arg7[%swap3A_1503, %swap3A_1504, %swap3A_1505] : memref<64x12x128xi32, #tpu.memory_space<vmem>>, vector<1x12x128xi32>
    %swap3A_1507 = vector.shape_cast %swap3A_1506 : vector<1x12x128xi32> to vector<12x128xi32>
    %swap3A_1508 = vector.shape_cast %min3A_1502 : vector<12x128xi32> to vector<1x12x128xi32>
    tpu.vector_store %arg7[%swap3A_1503, %swap3A_1504, %swap3A_1505], %swap3A_1508 {strides = array<i32>} : memref<64x12x128xi32, #tpu.memory_space<vmem>>, vector<1x12x128xi32>,
    %add3A_1509 = arith.constant -2 : i32
    %add3A_1510 = vector.broadcast %add3A_1509 : i32 to vector<12x128xi32>
    %add3A_1511 = arith.addi %get3A_3, %add3A_1510 : vector<12x128xi32>
    %mul3A_1512 = arith.constant 124 : i32
    %mul3A_1513 = vector.broadcast %mul3A_1512 : i32 to vector<12x128xi32>
    %mul3A_1514 = arith.muli %add3A_1511, %mul3A_1513 : vector<12x128xi32>
    %add3A_1515 = arith.constant -1 : i32
    %add3A_1516 = vector.broadcast %add3A_1515 : i32 to vector<12x128xi32>
    %add3A_1517 = arith.addi %get3A_8, %add3A_1516 : vector<12x128xi32>
    %add3A_1518 = arith.addi %mul3A_1514, %add3A_1517 : vector<12x128xi32>
    %mul3A_1519 = arith.constant 124 : i32
    %mul3A_1520 = vector.broadcast %mul3A_1519 : i32 to vector<12x128xi32>
    %mul3A_1521 = arith.muli %add3A_1518, %mul3A_1520 : vector<12x128xi32>
    %add3A_1522 = arith.constant -2 : i32
    %add3A_1523 = vector.broadcast %add3A_1522 : i32 to vector<12x128xi32>
    %add3A_1524 = arith.addi %get3A_13, %add3A_1523 : vector<12x128xi32>
    %add3A_1525 = arith.addi %mul3A_1521, %add3A_1524 : vector<12x128xi32>
    %jit3A_1526 = arith.constant 0 : i32
    %jit3A_1527 = arith.constant 1906623 : i32
    %max3A_1528 = vector.broadcast %jit3A_1526 : i32 to vector<12x128xi32>
    %max3A_1529 = arith.maxsi %max3A_1528, %add3A_1525 : vector<12x128xi32>
    %min3A_1530 = vector.broadcast %jit3A_1527 : i32 to vector<12x128xi32>
    %min3A_1531 = arith.minsi %min3A_1530, %max3A_1529 : vector<12x128xi32>
    %swap3A_1532 = arith.constant 25 : index
    %swap3A_1533 = arith.constant 0 : index
    %swap3A_1534 = arith.constant 0 : index
    %swap3A_1535 = vector.load %arg7[%swap3A_1532, %swap3A_1533, %swap3A_1534] : memref<64x12x128xi32, #tpu.memory_space<vmem>>, vector<1x12x128xi32>
    %swap3A_1536 = vector.shape_cast %swap3A_1535 : vector<1x12x128xi32> to vector<12x128xi32>
    %swap3A_1537 = vector.shape_cast %min3A_1531 : vector<12x128xi32> to vector<1x12x128xi32>
    tpu.vector_store %arg7[%swap3A_1532, %swap3A_1533, %swap3A_1534], %swap3A_1537 {strides = array<i32>} : memref<64x12x128xi32, #tpu.memory_space<vmem>>, vector<1x12x128xi32>,
    %add3A_1538 = arith.constant -2 : i32
    %add3A_1539 = vector.broadcast %add3A_1538 : i32 to vector<12x128xi32>
    %add3A_1540 = arith.addi %get3A_3, %add3A_1539 : vector<12x128xi32>
    %mul3A_1541 = arith.constant 124 : i32
    %mul3A_1542 = vector.broadcast %mul3A_1541 : i32 to vector<12x128xi32>
    %mul3A_1543 = arith.muli %add3A_1540, %mul3A_1542 : vector<12x128xi32>
    %add3A_1544 = arith.constant -1 : i32
    %add3A_1545 = vector.broadcast %add3A_1544 : i32 to vector<12x128xi32>
    %add3A_1546 = arith.addi %get3A_8, %add3A_1545 : vector<12x128xi32>
    %add3A_1547 = arith.addi %mul3A_1543, %add3A_1546 : vector<12x128xi32>
    %mul3A_1548 = arith.constant 124 : i32
    %mul3A_1549 = vector.broadcast %mul3A_1548 : i32 to vector<12x128xi32>
    %mul3A_1550 = arith.muli %add3A_1547, %mul3A_1549 : vector<12x128xi32>
    %add3A_1551 = arith.constant -1 : i32
    %add3A_1552 = vector.broadcast %add3A_1551 : i32 to vector<12x128xi32>
    %add3A_1553 = arith.addi %get3A_13, %add3A_1552 : vector<12x128xi32>
    %add3A_1554 = arith.addi %mul3A_1550, %add3A_1553 : vector<12x128xi32>
    %jit3A_1555 = arith.constant 0 : i32
    %jit3A_1556 = arith.constant 1906623 : i32
    %max3A_1557 = vector.broadcast %jit3A_1555 : i32 to vector<12x128xi32>
    %max3A_1558 = arith.maxsi %max3A_1557, %add3A_1554 : vector<12x128xi32>
    %min3A_1559 = vector.broadcast %jit3A_1556 : i32 to vector<12x128xi32>
    %min3A_1560 = arith.minsi %min3A_1559, %max3A_1558 : vector<12x128xi32>
    %swap3A_1561 = arith.constant 26 : index
    %swap3A_1562 = arith.constant 0 : index
    %swap3A_1563 = arith.constant 0 : index
    %swap3A_1564 = vector.load %arg7[%swap3A_1561, %swap3A_1562, %swap3A_1563] : memref<64x12x128xi32, #tpu.memory_space<vmem>>, vector<1x12x128xi32>
    %swap3A_1565 = vector.shape_cast %swap3A_1564 : vector<1x12x128xi32> to vector<12x128xi32>
    %swap3A_1566 = vector.shape_cast %min3A_1560 : vector<12x128xi32> to vector<1x12x128xi32>
    tpu.vector_store %arg7[%swap3A_1561, %swap3A_1562, %swap3A_1563], %swap3A_1566 {strides = array<i32>} : memref<64x12x128xi32, #tpu.memory_space<vmem>>, vector<1x12x128xi32>,
    %add3A_1567 = arith.constant -2 : i32
    %add3A_1568 = vector.broadcast %add3A_1567 : i32 to vector<12x128xi32>
    %add3A_1569 = arith.addi %get3A_3, %add3A_1568 : vector<12x128xi32>
    %mul3A_1570 = arith.constant 124 : i32
    %mul3A_1571 = vector.broadcast %mul3A_1570 : i32 to vector<12x128xi32>
    %mul3A_1572 = arith.muli %add3A_1569, %mul3A_1571 : vector<12x128xi32>
    %add3A_1573 = arith.constant -1 : i32
    %add3A_1574 = vector.broadcast %add3A_1573 : i32 to vector<12x128xi32>
    %add3A_1575 = arith.addi %get3A_8, %add3A_1574 : vector<12x128xi32>
    %add3A_1576 = arith.addi %mul3A_1572, %add3A_1575 : vector<12x128xi32>
    %mul3A_1577 = arith.constant 124 : i32
    %mul3A_1578 = vector.broadcast %mul3A_1577 : i32 to vector<12x128xi32>
    %mul3A_1579 = arith.muli %add3A_1576, %mul3A_1578 : vector<12x128xi32>
    %add3A_1580 = arith.constant 0 : i32
    %add3A_1581 = vector.broadcast %add3A_1580 : i32 to vector<12x128xi32>
    %add3A_1582 = arith.addi %get3A_13, %add3A_1581 : vector<12x128xi32>
    %add3A_1583 = arith.addi %mul3A_1579, %add3A_1582 : vector<12x128xi32>
    %jit3A_1584 = arith.constant 0 : i32
    %jit3A_1585 = arith.constant 1906623 : i32
    %max3A_1586 = vector.broadcast %jit3A_1584 : i32 to vector<12x128xi32>
    %max3A_1587 = arith.maxsi %max3A_1586, %add3A_1583 : vector<12x128xi32>
    %min3A_1588 = vector.broadcast %jit3A_1585 : i32 to vector<12x128xi32>
    %min3A_1589 = arith.minsi %min3A_1588, %max3A_1587 : vector<12x128xi32>
    %swap3A_1590 = arith.constant 27 : index
    %swap3A_1591 = arith.constant 0 : index
    %swap3A_1592 = arith.constant 0 : index
    %swap3A_1593 = vector.load %arg7[%swap3A_1590, %swap3A_1591, %swap3A_1592] : memref<64x12x128xi32, #tpu.memory_space<vmem>>, vector<1x12x128xi32>
    %swap3A_1594 = vector.shape_cast %swap3A_1593 : vector<1x12x128xi32> to vector<12x128xi32>
    %swap3A_1595 = vector.shape_cast %min3A_1589 : vector<12x128xi32> to vector<1x12x128xi32>
    tpu.vector_store %arg7[%swap3A_1590, %swap3A_1591, %swap3A_1592], %swap3A_1595 {strides = array<i32>} : memref<64x12x128xi32, #tpu.memory_space<vmem>>, vector<1x12x128xi32>,
    %add3A_1596 = arith.constant -2 : i32
    %add3A_1597 = vector.broadcast %add3A_1596 : i32 to vector<12x128xi32>
    %add3A_1598 = arith.addi %get3A_3, %add3A_1597 : vector<12x128xi32>
    %mul3A_1599 = arith.constant 124 : i32
    %mul3A_1600 = vector.broadcast %mul3A_1599 : i32 to vector<12x128xi32>
    %mul3A_1601 = arith.muli %add3A_1598, %mul3A_1600 : vector<12x128xi32>
    %add3A_1602 = arith.constant 0 : i32
    %add3A_1603 = vector.broadcast %add3A_1602 : i32 to vector<12x128xi32>
    %add3A_1604 = arith.addi %get3A_8, %add3A_1603 : vector<12x128xi32>
    %add3A_1605 = arith.addi %mul3A_1601, %add3A_1604 : vector<12x128xi32>
    %mul3A_1606 = arith.constant 124 : i32
    %mul3A_1607 = vector.broadcast %mul3A_1606 : i32 to vector<12x128xi32>
    %mul3A_1608 = arith.muli %add3A_1605, %mul3A_1607 : vector<12x128xi32>
    %add3A_1609 = arith.constant -3 : i32
    %add3A_1610 = vector.broadcast %add3A_1609 : i32 to vector<12x128xi32>
    %add3A_1611 = arith.addi %get3A_13, %add3A_1610 : vector<12x128xi32>
    %add3A_1612 = arith.addi %mul3A_1608, %add3A_1611 : vector<12x128xi32>
    %jit3A_1613 = arith.constant 0 : i32
    %jit3A_1614 = arith.constant 1906623 : i32
    %max3A_1615 = vector.broadcast %jit3A_1613 : i32 to vector<12x128xi32>
    %max3A_1616 = arith.maxsi %max3A_1615, %add3A_1612 : vector<12x128xi32>
    %min3A_1617 = vector.broadcast %jit3A_1614 : i32 to vector<12x128xi32>
    %min3A_1618 = arith.minsi %min3A_1617, %max3A_1616 : vector<12x128xi32>
    %swap3A_1619 = arith.constant 28 : index
    %swap3A_1620 = arith.constant 0 : index
    %swap3A_1621 = arith.constant 0 : index
    %swap3A_1622 = vector.load %arg7[%swap3A_1619, %swap3A_1620, %swap3A_1621] : memref<64x12x128xi32, #tpu.memory_space<vmem>>, vector<1x12x128xi32>
    %swap3A_1623 = vector.shape_cast %swap3A_1622 : vector<1x12x128xi32> to vector<12x128xi32>
    %swap3A_1624 = vector.shape_cast %min3A_1618 : vector<12x128xi32> to vector<1x12x128xi32>
    tpu.vector_store %arg7[%swap3A_1619, %swap3A_1620, %swap3A_1621], %swap3A_1624 {strides = array<i32>} : memref<64x12x128xi32, #tpu.memory_space<vmem>>, vector<1x12x128xi32>,
    %add3A_1625 = arith.constant -2 : i32
    %add3A_1626 = vector.broadcast %add3A_1625 : i32 to vector<12x128xi32>
    %add3A_1627 = arith.addi %get3A_3, %add3A_1626 : vector<12x128xi32>
    %mul3A_1628 = arith.constant 124 : i32
    %mul3A_1629 = vector.broadcast %mul3A_1628 : i32 to vector<12x128xi32>
    %mul3A_1630 = arith.muli %add3A_1627, %mul3A_1629 : vector<12x128xi32>
    %add3A_1631 = arith.constant 0 : i32
    %add3A_1632 = vector.broadcast %add3A_1631 : i32 to vector<12x128xi32>
    %add3A_1633 = arith.addi %get3A_8, %add3A_1632 : vector<12x128xi32>
    %add3A_1634 = arith.addi %mul3A_1630, %add3A_1633 : vector<12x128xi32>
    %mul3A_1635 = arith.constant 124 : i32
    %mul3A_1636 = vector.broadcast %mul3A_1635 : i32 to vector<12x128xi32>
    %mul3A_1637 = arith.muli %add3A_1634, %mul3A_1636 : vector<12x128xi32>
    %add3A_1638 = arith.constant -2 : i32
    %add3A_1639 = vector.broadcast %add3A_1638 : i32 to vector<12x128xi32>
    %add3A_1640 = arith.addi %get3A_13, %add3A_1639 : vector<12x128xi32>
    %add3A_1641 = arith.addi %mul3A_1637, %add3A_1640 : vector<12x128xi32>
    %jit3A_1642 = arith.constant 0 : i32
    %jit3A_1643 = arith.constant 1906623 : i32
    %max3A_1644 = vector.broadcast %jit3A_1642 : i32 to vector<12x128xi32>
    %max3A_1645 = arith.maxsi %max3A_1644, %add3A_1641 : vector<12x128xi32>
    %min3A_1646 = vector.broadcast %jit3A_1643 : i32 to vector<12x128xi32>
    %min3A_1647 = arith.minsi %min3A_1646, %max3A_1645 : vector<12x128xi32>
    %swap3A_1648 = arith.constant 29 : index
    %swap3A_1649 = arith.constant 0 : index
    %swap3A_1650 = arith.constant 0 : index
    %swap3A_1651 = vector.load %arg7[%swap3A_1648, %swap3A_1649, %swap3A_1650] : memref<64x12x128xi32, #tpu.memory_space<vmem>>, vector<1x12x128xi32>
    %swap3A_1652 = vector.shape_cast %swap3A_1651 : vector<1x12x128xi32> to vector<12x128xi32>
    %swap3A_1653 = vector.shape_cast %min3A_1647 : vector<12x128xi32> to vector<1x12x128xi32>
    tpu.vector_store %arg7[%swap3A_1648, %swap3A_1649, %swap3A_1650], %swap3A_1653 {strides = array<i32>} : memref<64x12x128xi32, #tpu.memory_space<vmem>>, vector<1x12x128xi32>,
    %add3A_1654 = arith.constant -2 : i32
    %add3A_1655 = vector.broadcast %add3A_1654 : i32 to vector<12x128xi32>
    %add3A_1656 = arith.addi %get3A_3, %add3A_1655 : vector<12x128xi32>
    %mul3A_1657 = arith.constant 124 : i32
    %mul3A_1658 = vector.broadcast %mul3A_1657 : i32 to vector<12x128xi32>
    %mul3A_1659 = arith.muli %add3A_1656, %mul3A_1658 : vector<12x128xi32>
    %add3A_1660 = arith.constant 0 : i32
    %add3A_1661 = vector.broadcast %add3A_1660 : i32 to vector<12x128xi32>
    %add3A_1662 = arith.addi %get3A_8, %add3A_1661 : vector<12x128xi32>
    %add3A_1663 = arith.addi %mul3A_1659, %add3A_1662 : vector<12x128xi32>
    %mul3A_1664 = arith.constant 124 : i32
    %mul3A_1665 = vector.broadcast %mul3A_1664 : i32 to vector<12x128xi32>
    %mul3A_1666 = arith.muli %add3A_1663, %mul3A_1665 : vector<12x128xi32>
    %add3A_1667 = arith.constant -1 : i32
    %add3A_1668 = vector.broadcast %add3A_1667 : i32 to vector<12x128xi32>
    %add3A_1669 = arith.addi %get3A_13, %add3A_1668 : vector<12x128xi32>
    %add3A_1670 = arith.addi %mul3A_1666, %add3A_1669 : vector<12x128xi32>
    %jit3A_1671 = arith.constant 0 : i32
    %jit3A_1672 = arith.constant 1906623 : i32
    %max3A_1673 = vector.broadcast %jit3A_1671 : i32 to vector<12x128xi32>
    %max3A_1674 = arith.maxsi %max3A_1673, %add3A_1670 : vector<12x128xi32>
    %min3A_1675 = vector.broadcast %jit3A_1672 : i32 to vector<12x128xi32>
    %min3A_1676 = arith.minsi %min3A_1675, %max3A_1674 : vector<12x128xi32>
    %swap3A_1677 = arith.constant 30 : index
    %swap3A_1678 = arith.constant 0 : index
    %swap3A_1679 = arith.constant 0 : index
    %swap3A_1680 = vector.load %arg7[%swap3A_1677, %swap3A_1678, %swap3A_1679] : memref<64x12x128xi32, #tpu.memory_space<vmem>>, vector<1x12x128xi32>
    %swap3A_1681 = vector.shape_cast %swap3A_1680 : vector<1x12x128xi32> to vector<12x128xi32>
    %swap3A_1682 = vector.shape_cast %min3A_1676 : vector<12x128xi32> to vector<1x12x128xi32>
    tpu.vector_store %arg7[%swap3A_1677, %swap3A_1678, %swap3A_1679], %swap3A_1682 {strides = array<i32>} : memref<64x12x128xi32, #tpu.memory_space<vmem>>, vector<1x12x128xi32>,
    %add3A_1683 = arith.constant -2 : i32
    %add3A_1684 = vector.broadcast %add3A_1683 : i32 to vector<12x128xi32>
    %add3A_1685 = arith.addi %get3A_3, %add3A_1684 : vector<12x128xi32>
    %mul3A_1686 = arith.constant 124 : i32
    %mul3A_1687 = vector.broadcast %mul3A_1686 : i32 to vector<12x128xi32>
    %mul3A_1688 = arith.muli %add3A_1685, %mul3A_1687 : vector<12x128xi32>
    %add3A_1689 = arith.constant 0 : i32
    %add3A_1690 = vector.broadcast %add3A_1689 : i32 to vector<12x128xi32>
    %add3A_1691 = arith.addi %get3A_8, %add3A_1690 : vector<12x128xi32>
    %add3A_1692 = arith.addi %mul3A_1688, %add3A_1691 : vector<12x128xi32>
    %mul3A_1693 = arith.constant 124 : i32
    %mul3A_1694 = vector.broadcast %mul3A_1693 : i32 to vector<12x128xi32>
    %mul3A_1695 = arith.muli %add3A_1692, %mul3A_1694 : vector<12x128xi32>
    %add3A_1696 = arith.constant 0 : i32
    %add3A_1697 = vector.broadcast %add3A_1696 : i32 to vector<12x128xi32>
    %add3A_1698 = arith.addi %get3A_13, %add3A_1697 : vector<12x128xi32>
    %add3A_1699 = arith.addi %mul3A_1695, %add3A_1698 : vector<12x128xi32>
    %jit3A_1700 = arith.constant 0 : i32
    %jit3A_1701 = arith.constant 1906623 : i32
    %max3A_1702 = vector.broadcast %jit3A_1700 : i32 to vector<12x128xi32>
    %max3A_1703 = arith.maxsi %max3A_1702, %add3A_1699 : vector<12x128xi32>
    %min3A_1704 = vector.broadcast %jit3A_1701 : i32 to vector<12x128xi32>
    %min3A_1705 = arith.minsi %min3A_1704, %max3A_1703 : vector<12x128xi32>
    %swap3A_1706 = arith.constant 31 : index
    %swap3A_1707 = arith.constant 0 : index
    %swap3A_1708 = arith.constant 0 : index
    %swap3A_1709 = vector.load %arg7[%swap3A_1706, %swap3A_1707, %swap3A_1708] : memref<64x12x128xi32, #tpu.memory_space<vmem>>, vector<1x12x128xi32>
    %swap3A_1710 = vector.shape_cast %swap3A_1709 : vector<1x12x128xi32> to vector<12x128xi32>
    %swap3A_1711 = vector.shape_cast %min3A_1705 : vector<12x128xi32> to vector<1x12x128xi32>
    tpu.vector_store %arg7[%swap3A_1706, %swap3A_1707, %swap3A_1708], %swap3A_1711 {strides = array<i32>} : memref<64x12x128xi32, #tpu.memory_space<vmem>>, vector<1x12x128xi32>,
    %add3A_1712 = arith.constant -1 : i32
    %add3A_1713 = vector.broadcast %add3A_1712 : i32 to vector<12x128xi32>
    %add3A_1714 = arith.addi %get3A_3, %add3A_1713 : vector<12x128xi32>
    %mul3A_1715 = arith.constant 124 : i32
    %mul3A_1716 = vector.broadcast %mul3A_1715 : i32 to vector<12x128xi32>
    %mul3A_1717 = arith.muli %add3A_1714, %mul3A_1716 : vector<12x128xi32>
    %add3A_1718 = arith.constant -3 : i32
    %add3A_1719 = vector.broadcast %add3A_1718 : i32 to vector<12x128xi32>
    %add3A_1720 = arith.addi %get3A_8, %add3A_1719 : vector<12x128xi32>
    %add3A_1721 = arith.addi %mul3A_1717, %add3A_1720 : vector<12x128xi32>
    %mul3A_1722 = arith.constant 124 : i32
    %mul3A_1723 = vector.broadcast %mul3A_1722 : i32 to vector<12x128xi32>
    %mul3A_1724 = arith.muli %add3A_1721, %mul3A_1723 : vector<12x128xi32>
    %add3A_1725 = arith.constant -3 : i32
    %add3A_1726 = vector.broadcast %add3A_1725 : i32 to vector<12x128xi32>
    %add3A_1727 = arith.addi %get3A_13, %add3A_1726 : vector<12x128xi32>
    %add3A_1728 = arith.addi %mul3A_1724, %add3A_1727 : vector<12x128xi32>
    %jit3A_1729 = arith.constant 0 : i32
    %jit3A_1730 = arith.constant 1906623 : i32
    %max3A_1731 = vector.broadcast %jit3A_1729 : i32 to vector<12x128xi32>
    %max3A_1732 = arith.maxsi %max3A_1731, %add3A_1728 : vector<12x128xi32>
    %min3A_1733 = vector.broadcast %jit3A_1730 : i32 to vector<12x128xi32>
    %min3A_1734 = arith.minsi %min3A_1733, %max3A_1732 : vector<12x128xi32>
    %swap3A_1735 = arith.constant 32 : index
    %swap3A_1736 = arith.constant 0 : index
    %swap3A_1737 = arith.constant 0 : index
    %swap3A_1738 = vector.load %arg7[%swap3A_1735, %swap3A_1736, %swap3A_1737] : memref<64x12x128xi32, #tpu.memory_space<vmem>>, vector<1x12x128xi32>
    %swap3A_1739 = vector.shape_cast %swap3A_1738 : vector<1x12x128xi32> to vector<12x128xi32>
    %swap3A_1740 = vector.shape_cast %min3A_1734 : vector<12x128xi32> to vector<1x12x128xi32>
    tpu.vector_store %arg7[%swap3A_1735, %swap3A_1736, %swap3A_1737], %swap3A_1740 {strides = array<i32>} : memref<64x12x128xi32, #tpu.memory_space<vmem>>, vector<1x12x128xi32>,
    %add3A_1741 = arith.constant -1 : i32
    %add3A_1742 = vector.broadcast %add3A_1741 : i32 to vector<12x128xi32>
    %add3A_1743 = arith.addi %get3A_3, %add3A_1742 : vector<12x128xi32>
    %mul3A_1744 = arith.constant 124 : i32
    %mul3A_1745 = vector.broadcast %mul3A_1744 : i32 to vector<12x128xi32>
    %mul3A_1746 = arith.muli %add3A_1743, %mul3A_1745 : vector<12x128xi32>
    %add3A_1747 = arith.constant -3 : i32
    %add3A_1748 = vector.broadcast %add3A_1747 : i32 to vector<12x128xi32>
    %add3A_1749 = arith.addi %get3A_8, %add3A_1748 : vector<12x128xi32>
    %add3A_1750 = arith.addi %mul3A_1746, %add3A_1749 : vector<12x128xi32>
    %mul3A_1751 = arith.constant 124 : i32
    %mul3A_1752 = vector.broadcast %mul3A_1751 : i32 to vector<12x128xi32>
    %mul3A_1753 = arith.muli %add3A_1750, %mul3A_1752 : vector<12x128xi32>
    %add3A_1754 = arith.constant -2 : i32
    %add3A_1755 = vector.broadcast %add3A_1754 : i32 to vector<12x128xi32>
    %add3A_1756 = arith.addi %get3A_13, %add3A_1755 : vector<12x128xi32>
    %add3A_1757 = arith.addi %mul3A_1753, %add3A_1756 : vector<12x128xi32>
    %jit3A_1758 = arith.constant 0 : i32
    %jit3A_1759 = arith.constant 1906623 : i32
    %max3A_1760 = vector.broadcast %jit3A_1758 : i32 to vector<12x128xi32>
    %max3A_1761 = arith.maxsi %max3A_1760, %add3A_1757 : vector<12x128xi32>
    %min3A_1762 = vector.broadcast %jit3A_1759 : i32 to vector<12x128xi32>
    %min3A_1763 = arith.minsi %min3A_1762, %max3A_1761 : vector<12x128xi32>
    %swap3A_1764 = arith.constant 33 : index
    %swap3A_1765 = arith.constant 0 : index
    %swap3A_1766 = arith.constant 0 : index
    %swap3A_1767 = vector.load %arg7[%swap3A_1764, %swap3A_1765, %swap3A_1766] : memref<64x12x128xi32, #tpu.memory_space<vmem>>, vector<1x12x128xi32>
    %swap3A_1768 = vector.shape_cast %swap3A_1767 : vector<1x12x128xi32> to vector<12x128xi32>
    %swap3A_1769 = vector.shape_cast %min3A_1763 : vector<12x128xi32> to vector<1x12x128xi32>
    tpu.vector_store %arg7[%swap3A_1764, %swap3A_1765, %swap3A_1766], %swap3A_1769 {strides = array<i32>} : memref<64x12x128xi32, #tpu.memory_space<vmem>>, vector<1x12x128xi32>,
    %add3A_1770 = arith.constant -1 : i32
    %add3A_1771 = vector.broadcast %add3A_1770 : i32 to vector<12x128xi32>
    %add3A_1772 = arith.addi %get3A_3, %add3A_1771 : vector<12x128xi32>
    %mul3A_1773 = arith.constant 124 : i32
    %mul3A_1774 = vector.broadcast %mul3A_1773 : i32 to vector<12x128xi32>
    %mul3A_1775 = arith.muli %add3A_1772, %mul3A_1774 : vector<12x128xi32>
    %add3A_1776 = arith.constant -3 : i32
    %add3A_1777 = vector.broadcast %add3A_1776 : i32 to vector<12x128xi32>
    %add3A_1778 = arith.addi %get3A_8, %add3A_1777 : vector<12x128xi32>
    %add3A_1779 = arith.addi %mul3A_1775, %add3A_1778 : vector<12x128xi32>
    %mul3A_1780 = arith.constant 124 : i32
    %mul3A_1781 = vector.broadcast %mul3A_1780 : i32 to vector<12x128xi32>
    %mul3A_1782 = arith.muli %add3A_1779, %mul3A_1781 : vector<12x128xi32>
    %add3A_1783 = arith.constant -1 : i32
    %add3A_1784 = vector.broadcast %add3A_1783 : i32 to vector<12x128xi32>
    %add3A_1785 = arith.addi %get3A_13, %add3A_1784 : vector<12x128xi32>
    %add3A_1786 = arith.addi %mul3A_1782, %add3A_1785 : vector<12x128xi32>
    %jit3A_1787 = arith.constant 0 : i32
    %jit3A_1788 = arith.constant 1906623 : i32
    %max3A_1789 = vector.broadcast %jit3A_1787 : i32 to vector<12x128xi32>
    %max3A_1790 = arith.maxsi %max3A_1789, %add3A_1786 : vector<12x128xi32>
    %min3A_1791 = vector.broadcast %jit3A_1788 : i32 to vector<12x128xi32>
    %min3A_1792 = arith.minsi %min3A_1791, %max3A_1790 : vector<12x128xi32>
    %swap3A_1793 = arith.constant 34 : index
    %swap3A_1794 = arith.constant 0 : index
    %swap3A_1795 = arith.constant 0 : index
    %swap3A_1796 = vector.load %arg7[%swap3A_1793, %swap3A_1794, %swap3A_1795] : memref<64x12x128xi32, #tpu.memory_space<vmem>>, vector<1x12x128xi32>
    %swap3A_1797 = vector.shape_cast %swap3A_1796 : vector<1x12x128xi32> to vector<12x128xi32>
    %swap3A_1798 = vector.shape_cast %min3A_1792 : vector<12x128xi32> to vector<1x12x128xi32>
    tpu.vector_store %arg7[%swap3A_1793, %swap3A_1794, %swap3A_1795], %swap3A_1798 {strides = array<i32>} : memref<64x12x128xi32, #tpu.memory_space<vmem>>, vector<1x12x128xi32>,
    %add3A_1799 = arith.constant -1 : i32
    %add3A_1800 = vector.broadcast %add3A_1799 : i32 to vector<12x128xi32>
    %add3A_1801 = arith.addi %get3A_3, %add3A_1800 : vector<12x128xi32>
    %mul3A_1802 = arith.constant 124 : i32
    %mul3A_1803 = vector.broadcast %mul3A_1802 : i32 to vector<12x128xi32>
    %mul3A_1804 = arith.muli %add3A_1801, %mul3A_1803 : vector<12x128xi32>
    %add3A_1805 = arith.constant -3 : i32
    %add3A_1806 = vector.broadcast %add3A_1805 : i32 to vector<12x128xi32>
    %add3A_1807 = arith.addi %get3A_8, %add3A_1806 : vector<12x128xi32>
    %add3A_1808 = arith.addi %mul3A_1804, %add3A_1807 : vector<12x128xi32>
    %mul3A_1809 = arith.constant 124 : i32
    %mul3A_1810 = vector.broadcast %mul3A_1809 : i32 to vector<12x128xi32>
    %mul3A_1811 = arith.muli %add3A_1808, %mul3A_1810 : vector<12x128xi32>
    %add3A_1812 = arith.constant 0 : i32
    %add3A_1813 = vector.broadcast %add3A_1812 : i32 to vector<12x128xi32>
    %add3A_1814 = arith.addi %get3A_13, %add3A_1813 : vector<12x128xi32>
    %add3A_1815 = arith.addi %mul3A_1811, %add3A_1814 : vector<12x128xi32>
    %jit3A_1816 = arith.constant 0 : i32
    %jit3A_1817 = arith.constant 1906623 : i32
    %max3A_1818 = vector.broadcast %jit3A_1816 : i32 to vector<12x128xi32>
    %max3A_1819 = arith.maxsi %max3A_1818, %add3A_1815 : vector<12x128xi32>
    %min3A_1820 = vector.broadcast %jit3A_1817 : i32 to vector<12x128xi32>
    %min3A_1821 = arith.minsi %min3A_1820, %max3A_1819 : vector<12x128xi32>
    %swap3A_1822 = arith.constant 35 : index
    %swap3A_1823 = arith.constant 0 : index
    %swap3A_1824 = arith.constant 0 : index
    %swap3A_1825 = vector.load %arg7[%swap3A_1822, %swap3A_1823, %swap3A_1824] : memref<64x12x128xi32, #tpu.memory_space<vmem>>, vector<1x12x128xi32>
    %swap3A_1826 = vector.shape_cast %swap3A_1825 : vector<1x12x128xi32> to vector<12x128xi32>
    %swap3A_1827 = vector.shape_cast %min3A_1821 : vector<12x128xi32> to vector<1x12x128xi32>
    tpu.vector_store %arg7[%swap3A_1822, %swap3A_1823, %swap3A_1824], %swap3A_1827 {strides = array<i32>} : memref<64x12x128xi32, #tpu.memory_space<vmem>>, vector<1x12x128xi32>,
    %add3A_1828 = arith.constant -1 : i32
    %add3A_1829 = vector.broadcast %add3A_1828 : i32 to vector<12x128xi32>
    %add3A_1830 = arith.addi %get3A_3, %add3A_1829 : vector<12x128xi32>
    %mul3A_1831 = arith.constant 124 : i32
    %mul3A_1832 = vector.broadcast %mul3A_1831 : i32 to vector<12x128xi32>
    %mul3A_1833 = arith.muli %add3A_1830, %mul3A_1832 : vector<12x128xi32>
    %add3A_1834 = arith.constant -2 : i32
    %add3A_1835 = vector.broadcast %add3A_1834 : i32 to vector<12x128xi32>
    %add3A_1836 = arith.addi %get3A_8, %add3A_1835 : vector<12x128xi32>
    %add3A_1837 = arith.addi %mul3A_1833, %add3A_1836 : vector<12x128xi32>
    %mul3A_1838 = arith.constant 124 : i32
    %mul3A_1839 = vector.broadcast %mul3A_1838 : i32 to vector<12x128xi32>
    %mul3A_1840 = arith.muli %add3A_1837, %mul3A_1839 : vector<12x128xi32>
    %add3A_1841 = arith.constant -3 : i32
    %add3A_1842 = vector.broadcast %add3A_1841 : i32 to vector<12x128xi32>
    %add3A_1843 = arith.addi %get3A_13, %add3A_1842 : vector<12x128xi32>
    %add3A_1844 = arith.addi %mul3A_1840, %add3A_1843 : vector<12x128xi32>
    %jit3A_1845 = arith.constant 0 : i32
    %jit3A_1846 = arith.constant 1906623 : i32
    %max3A_1847 = vector.broadcast %jit3A_1845 : i32 to vector<12x128xi32>
    %max3A_1848 = arith.maxsi %max3A_1847, %add3A_1844 : vector<12x128xi32>
    %min3A_1849 = vector.broadcast %jit3A_1846 : i32 to vector<12x128xi32>
    %min3A_1850 = arith.minsi %min3A_1849, %max3A_1848 : vector<12x128xi32>
    %swap3A_1851 = arith.constant 36 : index
    %swap3A_1852 = arith.constant 0 : index
    %swap3A_1853 = arith.constant 0 : index
    %swap3A_1854 = vector.load %arg7[%swap3A_1851, %swap3A_1852, %swap3A_1853] : memref<64x12x128xi32, #tpu.memory_space<vmem>>, vector<1x12x128xi32>
    %swap3A_1855 = vector.shape_cast %swap3A_1854 : vector<1x12x128xi32> to vector<12x128xi32>
    %swap3A_1856 = vector.shape_cast %min3A_1850 : vector<12x128xi32> to vector<1x12x128xi32>
    tpu.vector_store %arg7[%swap3A_1851, %swap3A_1852, %swap3A_1853], %swap3A_1856 {strides = array<i32>} : memref<64x12x128xi32, #tpu.memory_space<vmem>>, vector<1x12x128xi32>,
    %add3A_1857 = arith.constant -1 : i32
    %add3A_1858 = vector.broadcast %add3A_1857 : i32 to vector<12x128xi32>
    %add3A_1859 = arith.addi %get3A_3, %add3A_1858 : vector<12x128xi32>
    %mul3A_1860 = arith.constant 124 : i32
    %mul3A_1861 = vector.broadcast %mul3A_1860 : i32 to vector<12x128xi32>
    %mul3A_1862 = arith.muli %add3A_1859, %mul3A_1861 : vector<12x128xi32>
    %add3A_1863 = arith.constant -2 : i32
    %add3A_1864 = vector.broadcast %add3A_1863 : i32 to vector<12x128xi32>
    %add3A_1865 = arith.addi %get3A_8, %add3A_1864 : vector<12x128xi32>
    %add3A_1866 = arith.addi %mul3A_1862, %add3A_1865 : vector<12x128xi32>
    %mul3A_1867 = arith.constant 124 : i32
    %mul3A_1868 = vector.broadcast %mul3A_1867 : i32 to vector<12x128xi32>
    %mul3A_1869 = arith.muli %add3A_1866, %mul3A_1868 : vector<12x128xi32>
    %add3A_1870 = arith.constant -2 : i32
    %add3A_1871 = vector.broadcast %add3A_1870 : i32 to vector<12x128xi32>
    %add3A_1872 = arith.addi %get3A_13, %add3A_1871 : vector<12x128xi32>
    %add3A_1873 = arith.addi %mul3A_1869, %add3A_1872 : vector<12x128xi32>
    %jit3A_1874 = arith.constant 0 : i32
    %jit3A_1875 = arith.constant 1906623 : i32
    %max3A_1876 = vector.broadcast %jit3A_1874 : i32 to vector<12x128xi32>
    %max3A_1877 = arith.maxsi %max3A_1876, %add3A_1873 : vector<12x128xi32>
    %min3A_1878 = vector.broadcast %jit3A_1875 : i32 to vector<12x128xi32>
    %min3A_1879 = arith.minsi %min3A_1878, %max3A_1877 : vector<12x128xi32>
    %swap3A_1880 = arith.constant 37 : index
    %swap3A_1881 = arith.constant 0 : index
    %swap3A_1882 = arith.constant 0 : index
    %swap3A_1883 = vector.load %arg7[%swap3A_1880, %swap3A_1881, %swap3A_1882] : memref<64x12x128xi32, #tpu.memory_space<vmem>>, vector<1x12x128xi32>
    %swap3A_1884 = vector.shape_cast %swap3A_1883 : vector<1x12x128xi32> to vector<12x128xi32>
    %swap3A_1885 = vector.shape_cast %min3A_1879 : vector<12x128xi32> to vector<1x12x128xi32>
    tpu.vector_store %arg7[%swap3A_1880, %swap3A_1881, %swap3A_1882], %swap3A_1885 {strides = array<i32>} : memref<64x12x128xi32, #tpu.memory_space<vmem>>, vector<1x12x128xi32>,
    %add3A_1886 = arith.constant -1 : i32
    %add3A_1887 = vector.broadcast %add3A_1886 : i32 to vector<12x128xi32>
    %add3A_1888 = arith.addi %get3A_3, %add3A_1887 : vector<12x128xi32>
    %mul3A_1889 = arith.constant 124 : i32
    %mul3A_1890 = vector.broadcast %mul3A_1889 : i32 to vector<12x128xi32>
    %mul3A_1891 = arith.muli %add3A_1888, %mul3A_1890 : vector<12x128xi32>
    %add3A_1892 = arith.constant -2 : i32
    %add3A_1893 = vector.broadcast %add3A_1892 : i32 to vector<12x128xi32>
    %add3A_1894 = arith.addi %get3A_8, %add3A_1893 : vector<12x128xi32>
    %add3A_1895 = arith.addi %mul3A_1891, %add3A_1894 : vector<12x128xi32>
    %mul3A_1896 = arith.constant 124 : i32
    %mul3A_1897 = vector.broadcast %mul3A_1896 : i32 to vector<12x128xi32>
    %mul3A_1898 = arith.muli %add3A_1895, %mul3A_1897 : vector<12x128xi32>
    %add3A_1899 = arith.constant -1 : i32
    %add3A_1900 = vector.broadcast %add3A_1899 : i32 to vector<12x128xi32>
    %add3A_1901 = arith.addi %get3A_13, %add3A_1900 : vector<12x128xi32>
    %add3A_1902 = arith.addi %mul3A_1898, %add3A_1901 : vector<12x128xi32>
    %jit3A_1903 = arith.constant 0 : i32
    %jit3A_1904 = arith.constant 1906623 : i32
    %max3A_1905 = vector.broadcast %jit3A_1903 : i32 to vector<12x128xi32>
    %max3A_1906 = arith.maxsi %max3A_1905, %add3A_1902 : vector<12x128xi32>
    %min3A_1907 = vector.broadcast %jit3A_1904 : i32 to vector<12x128xi32>
    %min3A_1908 = arith.minsi %min3A_1907, %max3A_1906 : vector<12x128xi32>
    %swap3A_1909 = arith.constant 38 : index
    %swap3A_1910 = arith.constant 0 : index
    %swap3A_1911 = arith.constant 0 : index
    %swap3A_1912 = vector.load %arg7[%swap3A_1909, %swap3A_1910, %swap3A_1911] : memref<64x12x128xi32, #tpu.memory_space<vmem>>, vector<1x12x128xi32>
    %swap3A_1913 = vector.shape_cast %swap3A_1912 : vector<1x12x128xi32> to vector<12x128xi32>
    %swap3A_1914 = vector.shape_cast %min3A_1908 : vector<12x128xi32> to vector<1x12x128xi32>
    tpu.vector_store %arg7[%swap3A_1909, %swap3A_1910, %swap3A_1911], %swap3A_1914 {strides = array<i32>} : memref<64x12x128xi32, #tpu.memory_space<vmem>>, vector<1x12x128xi32>,
    %add3A_1915 = arith.constant -1 : i32
    %add3A_1916 = vector.broadcast %add3A_1915 : i32 to vector<12x128xi32>
    %add3A_1917 = arith.addi %get3A_3, %add3A_1916 : vector<12x128xi32>
    %mul3A_1918 = arith.constant 124 : i32
    %mul3A_1919 = vector.broadcast %mul3A_1918 : i32 to vector<12x128xi32>
    %mul3A_1920 = arith.muli %add3A_1917, %mul3A_1919 : vector<12x128xi32>
    %add3A_1921 = arith.constant -2 : i32
    %add3A_1922 = vector.broadcast %add3A_1921 : i32 to vector<12x128xi32>
    %add3A_1923 = arith.addi %get3A_8, %add3A_1922 : vector<12x128xi32>
    %add3A_1924 = arith.addi %mul3A_1920, %add3A_1923 : vector<12x128xi32>
    %mul3A_1925 = arith.constant 124 : i32
    %mul3A_1926 = vector.broadcast %mul3A_1925 : i32 to vector<12x128xi32>
    %mul3A_1927 = arith.muli %add3A_1924, %mul3A_1926 : vector<12x128xi32>
    %add3A_1928 = arith.constant 0 : i32
    %add3A_1929 = vector.broadcast %add3A_1928 : i32 to vector<12x128xi32>
    %add3A_1930 = arith.addi %get3A_13, %add3A_1929 : vector<12x128xi32>
    %add3A_1931 = arith.addi %mul3A_1927, %add3A_1930 : vector<12x128xi32>
    %jit3A_1932 = arith.constant 0 : i32
    %jit3A_1933 = arith.constant 1906623 : i32
    %max3A_1934 = vector.broadcast %jit3A_1932 : i32 to vector<12x128xi32>
    %max3A_1935 = arith.maxsi %max3A_1934, %add3A_1931 : vector<12x128xi32>
    %min3A_1936 = vector.broadcast %jit3A_1933 : i32 to vector<12x128xi32>
    %min3A_1937 = arith.minsi %min3A_1936, %max3A_1935 : vector<12x128xi32>
    %swap3A_1938 = arith.constant 39 : index
    %swap3A_1939 = arith.constant 0 : index
    %swap3A_1940 = arith.constant 0 : index
    %swap3A_1941 = vector.load %arg7[%swap3A_1938, %swap3A_1939, %swap3A_1940] : memref<64x12x128xi32, #tpu.memory_space<vmem>>, vector<1x12x128xi32>
    %swap3A_1942 = vector.shape_cast %swap3A_1941 : vector<1x12x128xi32> to vector<12x128xi32>
    %swap3A_1943 = vector.shape_cast %min3A_1937 : vector<12x128xi32> to vector<1x12x128xi32>
    tpu.vector_store %arg7[%swap3A_1938, %swap3A_1939, %swap3A_1940], %swap3A_1943 {strides = array<i32>} : memref<64x12x128xi32, #tpu.memory_space<vmem>>, vector<1x12x128xi32>,
    %add3A_1944 = arith.constant -1 : i32
    %add3A_1945 = vector.broadcast %add3A_1944 : i32 to vector<12x128xi32>
    %add3A_1946 = arith.addi %get3A_3, %add3A_1945 : vector<12x128xi32>
    %mul3A_1947 = arith.constant 124 : i32
    %mul3A_1948 = vector.broadcast %mul3A_1947 : i32 to vector<12x128xi32>
    %mul3A_1949 = arith.muli %add3A_1946, %mul3A_1948 : vector<12x128xi32>
    %add3A_1950 = arith.constant -1 : i32
    %add3A_1951 = vector.broadcast %add3A_1950 : i32 to vector<12x128xi32>
    %add3A_1952 = arith.addi %get3A_8, %add3A_1951 : vector<12x128xi32>
    %add3A_1953 = arith.addi %mul3A_1949, %add3A_1952 : vector<12x128xi32>
    %mul3A_1954 = arith.constant 124 : i32
    %mul3A_1955 = vector.broadcast %mul3A_1954 : i32 to vector<12x128xi32>
    %mul3A_1956 = arith.muli %add3A_1953, %mul3A_1955 : vector<12x128xi32>
    %add3A_1957 = arith.constant -3 : i32
    %add3A_1958 = vector.broadcast %add3A_1957 : i32 to vector<12x128xi32>
    %add3A_1959 = arith.addi %get3A_13, %add3A_1958 : vector<12x128xi32>
    %add3A_1960 = arith.addi %mul3A_1956, %add3A_1959 : vector<12x128xi32>
    %jit3A_1961 = arith.constant 0 : i32
    %jit3A_1962 = arith.constant 1906623 : i32
    %max3A_1963 = vector.broadcast %jit3A_1961 : i32 to vector<12x128xi32>
    %max3A_1964 = arith.maxsi %max3A_1963, %add3A_1960 : vector<12x128xi32>
    %min3A_1965 = vector.broadcast %jit3A_1962 : i32 to vector<12x128xi32>
    %min3A_1966 = arith.minsi %min3A_1965, %max3A_1964 : vector<12x128xi32>
    %swap3A_1967 = arith.constant 40 : index
    %swap3A_1968 = arith.constant 0 : index
    %swap3A_1969 = arith.constant 0 : index
    %swap3A_1970 = vector.load %arg7[%swap3A_1967, %swap3A_1968, %swap3A_1969] : memref<64x12x128xi32, #tpu.memory_space<vmem>>, vector<1x12x128xi32>
    %swap3A_1971 = vector.shape_cast %swap3A_1970 : vector<1x12x128xi32> to vector<12x128xi32>
    %swap3A_1972 = vector.shape_cast %min3A_1966 : vector<12x128xi32> to vector<1x12x128xi32>
    tpu.vector_store %arg7[%swap3A_1967, %swap3A_1968, %swap3A_1969], %swap3A_1972 {strides = array<i32>} : memref<64x12x128xi32, #tpu.memory_space<vmem>>, vector<1x12x128xi32>,
    %add3A_1973 = arith.constant -1 : i32
    %add3A_1974 = vector.broadcast %add3A_1973 : i32 to vector<12x128xi32>
    %add3A_1975 = arith.addi %get3A_3, %add3A_1974 : vector<12x128xi32>
    %mul3A_1976 = arith.constant 124 : i32
    %mul3A_1977 = vector.broadcast %mul3A_1976 : i32 to vector<12x128xi32>
    %mul3A_1978 = arith.muli %add3A_1975, %mul3A_1977 : vector<12x128xi32>
    %add3A_1979 = arith.constant -1 : i32
    %add3A_1980 = vector.broadcast %add3A_1979 : i32 to vector<12x128xi32>
    %add3A_1981 = arith.addi %get3A_8, %add3A_1980 : vector<12x128xi32>
    %add3A_1982 = arith.addi %mul3A_1978, %add3A_1981 : vector<12x128xi32>
    %mul3A_1983 = arith.constant 124 : i32
    %mul3A_1984 = vector.broadcast %mul3A_1983 : i32 to vector<12x128xi32>
    %mul3A_1985 = arith.muli %add3A_1982, %mul3A_1984 : vector<12x128xi32>
    %add3A_1986 = arith.constant -2 : i32
    %add3A_1987 = vector.broadcast %add3A_1986 : i32 to vector<12x128xi32>
    %add3A_1988 = arith.addi %get3A_13, %add3A_1987 : vector<12x128xi32>
    %add3A_1989 = arith.addi %mul3A_1985, %add3A_1988 : vector<12x128xi32>
    %jit3A_1990 = arith.constant 0 : i32
    %jit3A_1991 = arith.constant 1906623 : i32
    %max3A_1992 = vector.broadcast %jit3A_1990 : i32 to vector<12x128xi32>
    %max3A_1993 = arith.maxsi %max3A_1992, %add3A_1989 : vector<12x128xi32>
    %min3A_1994 = vector.broadcast %jit3A_1991 : i32 to vector<12x128xi32>
    %min3A_1995 = arith.minsi %min3A_1994, %max3A_1993 : vector<12x128xi32>
    %swap3A_1996 = arith.constant 41 : index
    %swap3A_1997 = arith.constant 0 : index
    %swap3A_1998 = arith.constant 0 : index
    %swap3A_1999 = vector.load %arg7[%swap3A_1996, %swap3A_1997, %swap3A_1998] : memref<64x12x128xi32, #tpu.memory_space<vmem>>, vector<1x12x128xi32>
    %swap3A_2000 = vector.shape_cast %swap3A_1999 : vector<1x12x128xi32> to vector<12x128xi32>
    %swap3A_2001 = vector.shape_cast %min3A_1995 : vector<12x128xi32> to vector<1x12x128xi32>
    tpu.vector_store %arg7[%swap3A_1996, %swap3A_1997, %swap3A_1998], %swap3A_2001 {strides = array<i32>} : memref<64x12x128xi32, #tpu.memory_space<vmem>>, vector<1x12x128xi32>,
    %add3A_2002 = arith.constant -1 : i32
    %add3A_2003 = vector.broadcast %add3A_2002 : i32 to vector<12x128xi32>
    %add3A_2004 = arith.addi %get3A_3, %add3A_2003 : vector<12x128xi32>
    %mul3A_2005 = arith.constant 124 : i32
    %mul3A_2006 = vector.broadcast %mul3A_2005 : i32 to vector<12x128xi32>
    %mul3A_2007 = arith.muli %add3A_2004, %mul3A_2006 : vector<12x128xi32>
    %add3A_2008 = arith.constant -1 : i32
    %add3A_2009 = vector.broadcast %add3A_2008 : i32 to vector<12x128xi32>
    %add3A_2010 = arith.addi %get3A_8, %add3A_2009 : vector<12x128xi32>
    %add3A_2011 = arith.addi %mul3A_2007, %add3A_2010 : vector<12x128xi32>
    %mul3A_2012 = arith.constant 124 : i32
    %mul3A_2013 = vector.broadcast %mul3A_2012 : i32 to vector<12x128xi32>
    %mul3A_2014 = arith.muli %add3A_2011, %mul3A_2013 : vector<12x128xi32>
    %add3A_2015 = arith.constant -1 : i32
    %add3A_2016 = vector.broadcast %add3A_2015 : i32 to vector<12x128xi32>
    %add3A_2017 = arith.addi %get3A_13, %add3A_2016 : vector<12x128xi32>
    %add3A_2018 = arith.addi %mul3A_2014, %add3A_2017 : vector<12x128xi32>
    %jit3A_2019 = arith.constant 0 : i32
    %jit3A_2020 = arith.constant 1906623 : i32
    %max3A_2021 = vector.broadcast %jit3A_2019 : i32 to vector<12x128xi32>
    %max3A_2022 = arith.maxsi %max3A_2021, %add3A_2018 : vector<12x128xi32>
    %min3A_2023 = vector.broadcast %jit3A_2020 : i32 to vector<12x128xi32>
    %min3A_2024 = arith.minsi %min3A_2023, %max3A_2022 : vector<12x128xi32>
    %swap3A_2025 = arith.constant 42 : index
    %swap3A_2026 = arith.constant 0 : index
    %swap3A_2027 = arith.constant 0 : index
    %swap3A_2028 = vector.load %arg7[%swap3A_2025, %swap3A_2026, %swap3A_2027] : memref<64x12x128xi32, #tpu.memory_space<vmem>>, vector<1x12x128xi32>
    %swap3A_2029 = vector.shape_cast %swap3A_2028 : vector<1x12x128xi32> to vector<12x128xi32>
    %swap3A_2030 = vector.shape_cast %min3A_2024 : vector<12x128xi32> to vector<1x12x128xi32>
    tpu.vector_store %arg7[%swap3A_2025, %swap3A_2026, %swap3A_2027], %swap3A_2030 {strides = array<i32>} : memref<64x12x128xi32, #tpu.memory_space<vmem>>, vector<1x12x128xi32>,
    %add3A_2031 = arith.constant -1 : i32
    %add3A_2032 = vector.broadcast %add3A_2031 : i32 to vector<12x128xi32>
    %add3A_2033 = arith.addi %get3A_3, %add3A_2032 : vector<12x128xi32>
    %mul3A_2034 = arith.constant 124 : i32
    %mul3A_2035 = vector.broadcast %mul3A_2034 : i32 to vector<12x128xi32>
    %mul3A_2036 = arith.muli %add3A_2033, %mul3A_2035 : vector<12x128xi32>
    %add3A_2037 = arith.constant -1 : i32
    %add3A_2038 = vector.broadcast %add3A_2037 : i32 to vector<12x128xi32>
    %add3A_2039 = arith.addi %get3A_8, %add3A_2038 : vector<12x128xi32>
    %add3A_2040 = arith.addi %mul3A_2036, %add3A_2039 : vector<12x128xi32>
    %mul3A_2041 = arith.constant 124 : i32
    %mul3A_2042 = vector.broadcast %mul3A_2041 : i32 to vector<12x128xi32>
    %mul3A_2043 = arith.muli %add3A_2040, %mul3A_2042 : vector<12x128xi32>
    %add3A_2044 = arith.constant 0 : i32
    %add3A_2045 = vector.broadcast %add3A_2044 : i32 to vector<12x128xi32>
    %add3A_2046 = arith.addi %get3A_13, %add3A_2045 : vector<12x128xi32>
    %add3A_2047 = arith.addi %mul3A_2043, %add3A_2046 : vector<12x128xi32>
    %jit3A_2048 = arith.constant 0 : i32
    %jit3A_2049 = arith.constant 1906623 : i32
    %max3A_2050 = vector.broadcast %jit3A_2048 : i32 to vector<12x128xi32>
    %max3A_2051 = arith.maxsi %max3A_2050, %add3A_2047 : vector<12x128xi32>
    %min3A_2052 = vector.broadcast %jit3A_2049 : i32 to vector<12x128xi32>
    %min3A_2053 = arith.minsi %min3A_2052, %max3A_2051 : vector<12x128xi32>
    %swap3A_2054 = arith.constant 43 : index
    %swap3A_2055 = arith.constant 0 : index
    %swap3A_2056 = arith.constant 0 : index
    %swap3A_2057 = vector.load %arg7[%swap3A_2054, %swap3A_2055, %swap3A_2056] : memref<64x12x128xi32, #tpu.memory_space<vmem>>, vector<1x12x128xi32>
    %swap3A_2058 = vector.shape_cast %swap3A_2057 : vector<1x12x128xi32> to vector<12x128xi32>
    %swap3A_2059 = vector.shape_cast %min3A_2053 : vector<12x128xi32> to vector<1x12x128xi32>
    tpu.vector_store %arg7[%swap3A_2054, %swap3A_2055, %swap3A_2056], %swap3A_2059 {strides = array<i32>} : memref<64x12x128xi32, #tpu.memory_space<vmem>>, vector<1x12x128xi32>,
    %add3A_2060 = arith.constant -1 : i32
    %add3A_2061 = vector.broadcast %add3A_2060 : i32 to vector<12x128xi32>
    %add3A_2062 = arith.addi %get3A_3, %add3A_2061 : vector<12x128xi32>
    %mul3A_2063 = arith.constant 124 : i32
    %mul3A_2064 = vector.broadcast %mul3A_2063 : i32 to vector<12x128xi32>
    %mul3A_2065 = arith.muli %add3A_2062, %mul3A_2064 : vector<12x128xi32>
    %add3A_2066 = arith.constant 0 : i32
    %add3A_2067 = vector.broadcast %add3A_2066 : i32 to vector<12x128xi32>
    %add3A_2068 = arith.addi %get3A_8, %add3A_2067 : vector<12x128xi32>
    %add3A_2069 = arith.addi %mul3A_2065, %add3A_2068 : vector<12x128xi32>
    %mul3A_2070 = arith.constant 124 : i32
    %mul3A_2071 = vector.broadcast %mul3A_2070 : i32 to vector<12x128xi32>
    %mul3A_2072 = arith.muli %add3A_2069, %mul3A_2071 : vector<12x128xi32>
    %add3A_2073 = arith.constant -3 : i32
    %add3A_2074 = vector.broadcast %add3A_2073 : i32 to vector<12x128xi32>
    %add3A_2075 = arith.addi %get3A_13, %add3A_2074 : vector<12x128xi32>
    %add3A_2076 = arith.addi %mul3A_2072, %add3A_2075 : vector<12x128xi32>
    %jit3A_2077 = arith.constant 0 : i32
    %jit3A_2078 = arith.constant 1906623 : i32
    %max3A_2079 = vector.broadcast %jit3A_2077 : i32 to vector<12x128xi32>
    %max3A_2080 = arith.maxsi %max3A_2079, %add3A_2076 : vector<12x128xi32>
    %min3A_2081 = vector.broadcast %jit3A_2078 : i32 to vector<12x128xi32>
    %min3A_2082 = arith.minsi %min3A_2081, %max3A_2080 : vector<12x128xi32>
    %swap3A_2083 = arith.constant 44 : index
    %swap3A_2084 = arith.constant 0 : index
    %swap3A_2085 = arith.constant 0 : index
    %swap3A_2086 = vector.load %arg7[%swap3A_2083, %swap3A_2084, %swap3A_2085] : memref<64x12x128xi32, #tpu.memory_space<vmem>>, vector<1x12x128xi32>
    %swap3A_2087 = vector.shape_cast %swap3A_2086 : vector<1x12x128xi32> to vector<12x128xi32>
    %swap3A_2088 = vector.shape_cast %min3A_2082 : vector<12x128xi32> to vector<1x12x128xi32>
    tpu.vector_store %arg7[%swap3A_2083, %swap3A_2084, %swap3A_2085], %swap3A_2088 {strides = array<i32>} : memref<64x12x128xi32, #tpu.memory_space<vmem>>, vector<1x12x128xi32>,
    %add3A_2089 = arith.constant -1 : i32
    %add3A_2090 = vector.broadcast %add3A_2089 : i32 to vector<12x128xi32>
    %add3A_2091 = arith.addi %get3A_3, %add3A_2090 : vector<12x128xi32>
    %mul3A_2092 = arith.constant 124 : i32
    %mul3A_2093 = vector.broadcast %mul3A_2092 : i32 to vector<12x128xi32>
    %mul3A_2094 = arith.muli %add3A_2091, %mul3A_2093 : vector<12x128xi32>
    %add3A_2095 = arith.constant 0 : i32
    %add3A_2096 = vector.broadcast %add3A_2095 : i32 to vector<12x128xi32>
    %add3A_2097 = arith.addi %get3A_8, %add3A_2096 : vector<12x128xi32>
    %add3A_2098 = arith.addi %mul3A_2094, %add3A_2097 : vector<12x128xi32>
    %mul3A_2099 = arith.constant 124 : i32
    %mul3A_2100 = vector.broadcast %mul3A_2099 : i32 to vector<12x128xi32>
    %mul3A_2101 = arith.muli %add3A_2098, %mul3A_2100 : vector<12x128xi32>
    %add3A_2102 = arith.constant -2 : i32
    %add3A_2103 = vector.broadcast %add3A_2102 : i32 to vector<12x128xi32>
    %add3A_2104 = arith.addi %get3A_13, %add3A_2103 : vector<12x128xi32>
    %add3A_2105 = arith.addi %mul3A_2101, %add3A_2104 : vector<12x128xi32>
    %jit3A_2106 = arith.constant 0 : i32
    %jit3A_2107 = arith.constant 1906623 : i32
    %max3A_2108 = vector.broadcast %jit3A_2106 : i32 to vector<12x128xi32>
    %max3A_2109 = arith.maxsi %max3A_2108, %add3A_2105 : vector<12x128xi32>
    %min3A_2110 = vector.broadcast %jit3A_2107 : i32 to vector<12x128xi32>
    %min3A_2111 = arith.minsi %min3A_2110, %max3A_2109 : vector<12x128xi32>
    %swap3A_2112 = arith.constant 45 : index
    %swap3A_2113 = arith.constant 0 : index
    %swap3A_2114 = arith.constant 0 : index
    %swap3A_2115 = vector.load %arg7[%swap3A_2112, %swap3A_2113, %swap3A_2114] : memref<64x12x128xi32, #tpu.memory_space<vmem>>, vector<1x12x128xi32>
    %swap3A_2116 = vector.shape_cast %swap3A_2115 : vector<1x12x128xi32> to vector<12x128xi32>
    %swap3A_2117 = vector.shape_cast %min3A_2111 : vector<12x128xi32> to vector<1x12x128xi32>
    tpu.vector_store %arg7[%swap3A_2112, %swap3A_2113, %swap3A_2114], %swap3A_2117 {strides = array<i32>} : memref<64x12x128xi32, #tpu.memory_space<vmem>>, vector<1x12x128xi32>,
    %add3A_2118 = arith.constant -1 : i32
    %add3A_2119 = vector.broadcast %add3A_2118 : i32 to vector<12x128xi32>
    %add3A_2120 = arith.addi %get3A_3, %add3A_2119 : vector<12x128xi32>
    %mul3A_2121 = arith.constant 124 : i32
    %mul3A_2122 = vector.broadcast %mul3A_2121 : i32 to vector<12x128xi32>
    %mul3A_2123 = arith.muli %add3A_2120, %mul3A_2122 : vector<12x128xi32>
    %add3A_2124 = arith.constant 0 : i32
    %add3A_2125 = vector.broadcast %add3A_2124 : i32 to vector<12x128xi32>
    %add3A_2126 = arith.addi %get3A_8, %add3A_2125 : vector<12x128xi32>
    %add3A_2127 = arith.addi %mul3A_2123, %add3A_2126 : vector<12x128xi32>
    %mul3A_2128 = arith.constant 124 : i32
    %mul3A_2129 = vector.broadcast %mul3A_2128 : i32 to vector<12x128xi32>
    %mul3A_2130 = arith.muli %add3A_2127, %mul3A_2129 : vector<12x128xi32>
    %add3A_2131 = arith.constant -1 : i32
    %add3A_2132 = vector.broadcast %add3A_2131 : i32 to vector<12x128xi32>
    %add3A_2133 = arith.addi %get3A_13, %add3A_2132 : vector<12x128xi32>
    %add3A_2134 = arith.addi %mul3A_2130, %add3A_2133 : vector<12x128xi32>
    %jit3A_2135 = arith.constant 0 : i32
    %jit3A_2136 = arith.constant 1906623 : i32
    %max3A_2137 = vector.broadcast %jit3A_2135 : i32 to vector<12x128xi32>
    %max3A_2138 = arith.maxsi %max3A_2137, %add3A_2134 : vector<12x128xi32>
    %min3A_2139 = vector.broadcast %jit3A_2136 : i32 to vector<12x128xi32>
    %min3A_2140 = arith.minsi %min3A_2139, %max3A_2138 : vector<12x128xi32>
    %swap3A_2141 = arith.constant 46 : index
    %swap3A_2142 = arith.constant 0 : index
    %swap3A_2143 = arith.constant 0 : index
    %swap3A_2144 = vector.load %arg7[%swap3A_2141, %swap3A_2142, %swap3A_2143] : memref<64x12x128xi32, #tpu.memory_space<vmem>>, vector<1x12x128xi32>
    %swap3A_2145 = vector.shape_cast %swap3A_2144 : vector<1x12x128xi32> to vector<12x128xi32>
    %swap3A_2146 = vector.shape_cast %min3A_2140 : vector<12x128xi32> to vector<1x12x128xi32>
    tpu.vector_store %arg7[%swap3A_2141, %swap3A_2142, %swap3A_2143], %swap3A_2146 {strides = array<i32>} : memref<64x12x128xi32, #tpu.memory_space<vmem>>, vector<1x12x128xi32>,
    %add3A_2147 = arith.constant -1 : i32
    %add3A_2148 = vector.broadcast %add3A_2147 : i32 to vector<12x128xi32>
    %add3A_2149 = arith.addi %get3A_3, %add3A_2148 : vector<12x128xi32>
    %mul3A_2150 = arith.constant 124 : i32
    %mul3A_2151 = vector.broadcast %mul3A_2150 : i32 to vector<12x128xi32>
    %mul3A_2152 = arith.muli %add3A_2149, %mul3A_2151 : vector<12x128xi32>
    %add3A_2153 = arith.constant 0 : i32
    %add3A_2154 = vector.broadcast %add3A_2153 : i32 to vector<12x128xi32>
    %add3A_2155 = arith.addi %get3A_8, %add3A_2154 : vector<12x128xi32>
    %add3A_2156 = arith.addi %mul3A_2152, %add3A_2155 : vector<12x128xi32>
    %mul3A_2157 = arith.constant 124 : i32
    %mul3A_2158 = vector.broadcast %mul3A_2157 : i32 to vector<12x128xi32>
    %mul3A_2159 = arith.muli %add3A_2156, %mul3A_2158 : vector<12x128xi32>
    %add3A_2160 = arith.constant 0 : i32
    %add3A_2161 = vector.broadcast %add3A_2160 : i32 to vector<12x128xi32>
    %add3A_2162 = arith.addi %get3A_13, %add3A_2161 : vector<12x128xi32>
    %add3A_2163 = arith.addi %mul3A_2159, %add3A_2162 : vector<12x128xi32>
    %jit3A_2164 = arith.constant 0 : i32
    %jit3A_2165 = arith.constant 1906623 : i32
    %max3A_2166 = vector.broadcast %jit3A_2164 : i32 to vector<12x128xi32>
    %max3A_2167 = arith.maxsi %max3A_2166, %add3A_2163 : vector<12x128xi32>
    %min3A_2168 = vector.broadcast %jit3A_2165 : i32 to vector<12x128xi32>
    %min3A_2169 = arith.minsi %min3A_2168, %max3A_2167 : vector<12x128xi32>
    %swap3A_2170 = arith.constant 47 : index
    %swap3A_2171 = arith.constant 0 : index
    %swap3A_2172 = arith.constant 0 : index
    %swap3A_2173 = vector.load %arg7[%swap3A_2170, %swap3A_2171, %swap3A_2172] : memref<64x12x128xi32, #tpu.memory_space<vmem>>, vector<1x12x128xi32>
    %swap3A_2174 = vector.shape_cast %swap3A_2173 : vector<1x12x128xi32> to vector<12x128xi32>
    %swap3A_2175 = vector.shape_cast %min3A_2169 : vector<12x128xi32> to vector<1x12x128xi32>
    tpu.vector_store %arg7[%swap3A_2170, %swap3A_2171, %swap3A_2172], %swap3A_2175 {strides = array<i32>} : memref<64x12x128xi32, #tpu.memory_space<vmem>>, vector<1x12x128xi32>,
    %add3A_2176 = arith.constant 0 : i32
    %add3A_2177 = vector.broadcast %add3A_2176 : i32 to vector<12x128xi32>
    %add3A_2178 = arith.addi %get3A_3, %add3A_2177 : vector<12x128xi32>
    %mul3A_2179 = arith.constant 124 : i32
    %mul3A_2180 = vector.broadcast %mul3A_2179 : i32 to vector<12x128xi32>
    %mul3A_2181 = arith.muli %add3A_2178, %mul3A_2180 : vector<12x128xi32>
    %add3A_2182 = arith.constant -3 : i32
    %add3A_2183 = vector.broadcast %add3A_2182 : i32 to vector<12x128xi32>
    %add3A_2184 = arith.addi %get3A_8, %add3A_2183 : vector<12x128xi32>
    %add3A_2185 = arith.addi %mul3A_2181, %add3A_2184 : vector<12x128xi32>
    %mul3A_2186 = arith.constant 124 : i32
    %mul3A_2187 = vector.broadcast %mul3A_2186 : i32 to vector<12x128xi32>
    %mul3A_2188 = arith.muli %add3A_2185, %mul3A_2187 : vector<12x128xi32>
    %add3A_2189 = arith.constant -3 : i32
    %add3A_2190 = vector.broadcast %add3A_2189 : i32 to vector<12x128xi32>
    %add3A_2191 = arith.addi %get3A_13, %add3A_2190 : vector<12x128xi32>
    %add3A_2192 = arith.addi %mul3A_2188, %add3A_2191 : vector<12x128xi32>
    %jit3A_2193 = arith.constant 0 : i32
    %jit3A_2194 = arith.constant 1906623 : i32
    %max3A_2195 = vector.broadcast %jit3A_2193 : i32 to vector<12x128xi32>
    %max3A_2196 = arith.maxsi %max3A_2195, %add3A_2192 : vector<12x128xi32>
    %min3A_2197 = vector.broadcast %jit3A_2194 : i32 to vector<12x128xi32>
    %min3A_2198 = arith.minsi %min3A_2197, %max3A_2196 : vector<12x128xi32>
    %swap3A_2199 = arith.constant 48 : index
    %swap3A_2200 = arith.constant 0 : index
    %swap3A_2201 = arith.constant 0 : index
    %swap3A_2202 = vector.load %arg7[%swap3A_2199, %swap3A_2200, %swap3A_2201] : memref<64x12x128xi32, #tpu.memory_space<vmem>>, vector<1x12x128xi32>
    %swap3A_2203 = vector.shape_cast %swap3A_2202 : vector<1x12x128xi32> to vector<12x128xi32>
    %swap3A_2204 = vector.shape_cast %min3A_2198 : vector<12x128xi32> to vector<1x12x128xi32>
    tpu.vector_store %arg7[%swap3A_2199, %swap3A_2200, %swap3A_2201], %swap3A_2204 {strides = array<i32>} : memref<64x12x128xi32, #tpu.memory_space<vmem>>, vector<1x12x128xi32>,
    %add3A_2205 = arith.constant 0 : i32
    %add3A_2206 = vector.broadcast %add3A_2205 : i32 to vector<12x128xi32>
    %add3A_2207 = arith.addi %get3A_3, %add3A_2206 : vector<12x128xi32>
    %mul3A_2208 = arith.constant 124 : i32
    %mul3A_2209 = vector.broadcast %mul3A_2208 : i32 to vector<12x128xi32>
    %mul3A_2210 = arith.muli %add3A_2207, %mul3A_2209 : vector<12x128xi32>
    %add3A_2211 = arith.constant -3 : i32
    %add3A_2212 = vector.broadcast %add3A_2211 : i32 to vector<12x128xi32>
    %add3A_2213 = arith.addi %get3A_8, %add3A_2212 : vector<12x128xi32>
    %add3A_2214 = arith.addi %mul3A_2210, %add3A_2213 : vector<12x128xi32>
    %mul3A_2215 = arith.constant 124 : i32
    %mul3A_2216 = vector.broadcast %mul3A_2215 : i32 to vector<12x128xi32>
    %mul3A_2217 = arith.muli %add3A_2214, %mul3A_2216 : vector<12x128xi32>
    %add3A_2218 = arith.constant -2 : i32
    %add3A_2219 = vector.broadcast %add3A_2218 : i32 to vector<12x128xi32>
    %add3A_2220 = arith.addi %get3A_13, %add3A_2219 : vector<12x128xi32>
    %add3A_2221 = arith.addi %mul3A_2217, %add3A_2220 : vector<12x128xi32>
    %jit3A_2222 = arith.constant 0 : i32
    %jit3A_2223 = arith.constant 1906623 : i32
    %max3A_2224 = vector.broadcast %jit3A_2222 : i32 to vector<12x128xi32>
    %max3A_2225 = arith.maxsi %max3A_2224, %add3A_2221 : vector<12x128xi32>
    %min3A_2226 = vector.broadcast %jit3A_2223 : i32 to vector<12x128xi32>
    %min3A_2227 = arith.minsi %min3A_2226, %max3A_2225 : vector<12x128xi32>
    %swap3A_2228 = arith.constant 49 : index
    %swap3A_2229 = arith.constant 0 : index
    %swap3A_2230 = arith.constant 0 : index
    %swap3A_2231 = vector.load %arg7[%swap3A_2228, %swap3A_2229, %swap3A_2230] : memref<64x12x128xi32, #tpu.memory_space<vmem>>, vector<1x12x128xi32>
    %swap3A_2232 = vector.shape_cast %swap3A_2231 : vector<1x12x128xi32> to vector<12x128xi32>
    %swap3A_2233 = vector.shape_cast %min3A_2227 : vector<12x128xi32> to vector<1x12x128xi32>
    tpu.vector_store %arg7[%swap3A_2228, %swap3A_2229, %swap3A_2230], %swap3A_2233 {strides = array<i32>} : memref<64x12x128xi32, #tpu.memory_space<vmem>>, vector<1x12x128xi32>,
    %add3A_2234 = arith.constant 0 : i32
    %add3A_2235 = vector.broadcast %add3A_2234 : i32 to vector<12x128xi32>
    %add3A_2236 = arith.addi %get3A_3, %add3A_2235 : vector<12x128xi32>
    %mul3A_2237 = arith.constant 124 : i32
    %mul3A_2238 = vector.broadcast %mul3A_2237 : i32 to vector<12x128xi32>
    %mul3A_2239 = arith.muli %add3A_2236, %mul3A_2238 : vector<12x128xi32>
    %add3A_2240 = arith.constant -3 : i32
    %add3A_2241 = vector.broadcast %add3A_2240 : i32 to vector<12x128xi32>
    %add3A_2242 = arith.addi %get3A_8, %add3A_2241 : vector<12x128xi32>
    %add3A_2243 = arith.addi %mul3A_2239, %add3A_2242 : vector<12x128xi32>
    %mul3A_2244 = arith.constant 124 : i32
    %mul3A_2245 = vector.broadcast %mul3A_2244 : i32 to vector<12x128xi32>
    %mul3A_2246 = arith.muli %add3A_2243, %mul3A_2245 : vector<12x128xi32>
    %add3A_2247 = arith.constant -1 : i32
    %add3A_2248 = vector.broadcast %add3A_2247 : i32 to vector<12x128xi32>
    %add3A_2249 = arith.addi %get3A_13, %add3A_2248 : vector<12x128xi32>
    %add3A_2250 = arith.addi %mul3A_2246, %add3A_2249 : vector<12x128xi32>
    %jit3A_2251 = arith.constant 0 : i32
    %jit3A_2252 = arith.constant 1906623 : i32
    %max3A_2253 = vector.broadcast %jit3A_2251 : i32 to vector<12x128xi32>
    %max3A_2254 = arith.maxsi %max3A_2253, %add3A_2250 : vector<12x128xi32>
    %min3A_2255 = vector.broadcast %jit3A_2252 : i32 to vector<12x128xi32>
    %min3A_2256 = arith.minsi %min3A_2255, %max3A_2254 : vector<12x128xi32>
    %swap3A_2257 = arith.constant 50 : index
    %swap3A_2258 = arith.constant 0 : index
    %swap3A_2259 = arith.constant 0 : index
    %swap3A_2260 = vector.load %arg7[%swap3A_2257, %swap3A_2258, %swap3A_2259] : memref<64x12x128xi32, #tpu.memory_space<vmem>>, vector<1x12x128xi32>
    %swap3A_2261 = vector.shape_cast %swap3A_2260 : vector<1x12x128xi32> to vector<12x128xi32>
    %swap3A_2262 = vector.shape_cast %min3A_2256 : vector<12x128xi32> to vector<1x12x128xi32>
    tpu.vector_store %arg7[%swap3A_2257, %swap3A_2258, %swap3A_2259], %swap3A_2262 {strides = array<i32>} : memref<64x12x128xi32, #tpu.memory_space<vmem>>, vector<1x12x128xi32>,
    %add3A_2263 = arith.constant 0 : i32
    %add3A_2264 = vector.broadcast %add3A_2263 : i32 to vector<12x128xi32>
    %add3A_2265 = arith.addi %get3A_3, %add3A_2264 : vector<12x128xi32>
    %mul3A_2266 = arith.constant 124 : i32
    %mul3A_2267 = vector.broadcast %mul3A_2266 : i32 to vector<12x128xi32>
    %mul3A_2268 = arith.muli %add3A_2265, %mul3A_2267 : vector<12x128xi32>
    %add3A_2269 = arith.constant -3 : i32
    %add3A_2270 = vector.broadcast %add3A_2269 : i32 to vector<12x128xi32>
    %add3A_2271 = arith.addi %get3A_8, %add3A_2270 : vector<12x128xi32>
    %add3A_2272 = arith.addi %mul3A_2268, %add3A_2271 : vector<12x128xi32>
    %mul3A_2273 = arith.constant 124 : i32
    %mul3A_2274 = vector.broadcast %mul3A_2273 : i32 to vector<12x128xi32>
    %mul3A_2275 = arith.muli %add3A_2272, %mul3A_2274 : vector<12x128xi32>
    %add3A_2276 = arith.constant 0 : i32
    %add3A_2277 = vector.broadcast %add3A_2276 : i32 to vector<12x128xi32>
    %add3A_2278 = arith.addi %get3A_13, %add3A_2277 : vector<12x128xi32>
    %add3A_2279 = arith.addi %mul3A_2275, %add3A_2278 : vector<12x128xi32>
    %jit3A_2280 = arith.constant 0 : i32
    %jit3A_2281 = arith.constant 1906623 : i32
    %max3A_2282 = vector.broadcast %jit3A_2280 : i32 to vector<12x128xi32>
    %max3A_2283 = arith.maxsi %max3A_2282, %add3A_2279 : vector<12x128xi32>
    %min3A_2284 = vector.broadcast %jit3A_2281 : i32 to vector<12x128xi32>
    %min3A_2285 = arith.minsi %min3A_2284, %max3A_2283 : vector<12x128xi32>
    %swap3A_2286 = arith.constant 51 : index
    %swap3A_2287 = arith.constant 0 : index
    %swap3A_2288 = arith.constant 0 : index
    %swap3A_2289 = vector.load %arg7[%swap3A_2286, %swap3A_2287, %swap3A_2288] : memref<64x12x128xi32, #tpu.memory_space<vmem>>, vector<1x12x128xi32>
    %swap3A_2290 = vector.shape_cast %swap3A_2289 : vector<1x12x128xi32> to vector<12x128xi32>
    %swap3A_2291 = vector.shape_cast %min3A_2285 : vector<12x128xi32> to vector<1x12x128xi32>
    tpu.vector_store %arg7[%swap3A_2286, %swap3A_2287, %swap3A_2288], %swap3A_2291 {strides = array<i32>} : memref<64x12x128xi32, #tpu.memory_space<vmem>>, vector<1x12x128xi32>,
    %add3A_2292 = arith.constant 0 : i32
    %add3A_2293 = vector.broadcast %add3A_2292 : i32 to vector<12x128xi32>
    %add3A_2294 = arith.addi %get3A_3, %add3A_2293 : vector<12x128xi32>
    %mul3A_2295 = arith.constant 124 : i32
    %mul3A_2296 = vector.broadcast %mul3A_2295 : i32 to vector<12x128xi32>
    %mul3A_2297 = arith.muli %add3A_2294, %mul3A_2296 : vector<12x128xi32>
    %add3A_2298 = arith.constant -2 : i32
    %add3A_2299 = vector.broadcast %add3A_2298 : i32 to vector<12x128xi32>
    %add3A_2300 = arith.addi %get3A_8, %add3A_2299 : vector<12x128xi32>
    %add3A_2301 = arith.addi %mul3A_2297, %add3A_2300 : vector<12x128xi32>
    %mul3A_2302 = arith.constant 124 : i32
    %mul3A_2303 = vector.broadcast %mul3A_2302 : i32 to vector<12x128xi32>
    %mul3A_2304 = arith.muli %add3A_2301, %mul3A_2303 : vector<12x128xi32>
    %add3A_2305 = arith.constant -3 : i32
    %add3A_2306 = vector.broadcast %add3A_2305 : i32 to vector<12x128xi32>
    %add3A_2307 = arith.addi %get3A_13, %add3A_2306 : vector<12x128xi32>
    %add3A_2308 = arith.addi %mul3A_2304, %add3A_2307 : vector<12x128xi32>
    %jit3A_2309 = arith.constant 0 : i32
    %jit3A_2310 = arith.constant 1906623 : i32
    %max3A_2311 = vector.broadcast %jit3A_2309 : i32 to vector<12x128xi32>
    %max3A_2312 = arith.maxsi %max3A_2311, %add3A_2308 : vector<12x128xi32>
    %min3A_2313 = vector.broadcast %jit3A_2310 : i32 to vector<12x128xi32>
    %min3A_2314 = arith.minsi %min3A_2313, %max3A_2312 : vector<12x128xi32>
    %swap3A_2315 = arith.constant 52 : index
    %swap3A_2316 = arith.constant 0 : index
    %swap3A_2317 = arith.constant 0 : index
    %swap3A_2318 = vector.load %arg7[%swap3A_2315, %swap3A_2316, %swap3A_2317] : memref<64x12x128xi32, #tpu.memory_space<vmem>>, vector<1x12x128xi32>
    %swap3A_2319 = vector.shape_cast %swap3A_2318 : vector<1x12x128xi32> to vector<12x128xi32>
    %swap3A_2320 = vector.shape_cast %min3A_2314 : vector<12x128xi32> to vector<1x12x128xi32>
    tpu.vector_store %arg7[%swap3A_2315, %swap3A_2316, %swap3A_2317], %swap3A_2320 {strides = array<i32>} : memref<64x12x128xi32, #tpu.memory_space<vmem>>, vector<1x12x128xi32>,
    %add3A_2321 = arith.constant 0 : i32
    %add3A_2322 = vector.broadcast %add3A_2321 : i32 to vector<12x128xi32>
    %add3A_2323 = arith.addi %get3A_3, %add3A_2322 : vector<12x128xi32>
    %mul3A_2324 = arith.constant 124 : i32
    %mul3A_2325 = vector.broadcast %mul3A_2324 : i32 to vector<12x128xi32>
    %mul3A_2326 = arith.muli %add3A_2323, %mul3A_2325 : vector<12x128xi32>
    %add3A_2327 = arith.constant -2 : i32
    %add3A_2328 = vector.broadcast %add3A_2327 : i32 to vector<12x128xi32>
    %add3A_2329 = arith.addi %get3A_8, %add3A_2328 : vector<12x128xi32>
    %add3A_2330 = arith.addi %mul3A_2326, %add3A_2329 : vector<12x128xi32>
    %mul3A_2331 = arith.constant 124 : i32
    %mul3A_2332 = vector.broadcast %mul3A_2331 : i32 to vector<12x128xi32>
    %mul3A_2333 = arith.muli %add3A_2330, %mul3A_2332 : vector<12x128xi32>
    %add3A_2334 = arith.constant -2 : i32
    %add3A_2335 = vector.broadcast %add3A_2334 : i32 to vector<12x128xi32>
    %add3A_2336 = arith.addi %get3A_13, %add3A_2335 : vector<12x128xi32>
    %add3A_2337 = arith.addi %mul3A_2333, %add3A_2336 : vector<12x128xi32>
    %jit3A_2338 = arith.constant 0 : i32
    %jit3A_2339 = arith.constant 1906623 : i32
    %max3A_2340 = vector.broadcast %jit3A_2338 : i32 to vector<12x128xi32>
    %max3A_2341 = arith.maxsi %max3A_2340, %add3A_2337 : vector<12x128xi32>
    %min3A_2342 = vector.broadcast %jit3A_2339 : i32 to vector<12x128xi32>
    %min3A_2343 = arith.minsi %min3A_2342, %max3A_2341 : vector<12x128xi32>
    %swap3A_2344 = arith.constant 53 : index
    %swap3A_2345 = arith.constant 0 : index
    %swap3A_2346 = arith.constant 0 : index
    %swap3A_2347 = vector.load %arg7[%swap3A_2344, %swap3A_2345, %swap3A_2346] : memref<64x12x128xi32, #tpu.memory_space<vmem>>, vector<1x12x128xi32>
    %swap3A_2348 = vector.shape_cast %swap3A_2347 : vector<1x12x128xi32> to vector<12x128xi32>
    %swap3A_2349 = vector.shape_cast %min3A_2343 : vector<12x128xi32> to vector<1x12x128xi32>
    tpu.vector_store %arg7[%swap3A_2344, %swap3A_2345, %swap3A_2346], %swap3A_2349 {strides = array<i32>} : memref<64x12x128xi32, #tpu.memory_space<vmem>>, vector<1x12x128xi32>,
    %add3A_2350 = arith.constant 0 : i32
    %add3A_2351 = vector.broadcast %add3A_2350 : i32 to vector<12x128xi32>
    %add3A_2352 = arith.addi %get3A_3, %add3A_2351 : vector<12x128xi32>
    %mul3A_2353 = arith.constant 124 : i32
    %mul3A_2354 = vector.broadcast %mul3A_2353 : i32 to vector<12x128xi32>
    %mul3A_2355 = arith.muli %add3A_2352, %mul3A_2354 : vector<12x128xi32>
    %add3A_2356 = arith.constant -2 : i32
    %add3A_2357 = vector.broadcast %add3A_2356 : i32 to vector<12x128xi32>
    %add3A_2358 = arith.addi %get3A_8, %add3A_2357 : vector<12x128xi32>
    %add3A_2359 = arith.addi %mul3A_2355, %add3A_2358 : vector<12x128xi32>
    %mul3A_2360 = arith.constant 124 : i32
    %mul3A_2361 = vector.broadcast %mul3A_2360 : i32 to vector<12x128xi32>
    %mul3A_2362 = arith.muli %add3A_2359, %mul3A_2361 : vector<12x128xi32>
    %add3A_2363 = arith.constant -1 : i32
    %add3A_2364 = vector.broadcast %add3A_2363 : i32 to vector<12x128xi32>
    %add3A_2365 = arith.addi %get3A_13, %add3A_2364 : vector<12x128xi32>
    %add3A_2366 = arith.addi %mul3A_2362, %add3A_2365 : vector<12x128xi32>
    %jit3A_2367 = arith.constant 0 : i32
    %jit3A_2368 = arith.constant 1906623 : i32
    %max3A_2369 = vector.broadcast %jit3A_2367 : i32 to vector<12x128xi32>
    %max3A_2370 = arith.maxsi %max3A_2369, %add3A_2366 : vector<12x128xi32>
    %min3A_2371 = vector.broadcast %jit3A_2368 : i32 to vector<12x128xi32>
    %min3A_2372 = arith.minsi %min3A_2371, %max3A_2370 : vector<12x128xi32>
    %swap3A_2373 = arith.constant 54 : index
    %swap3A_2374 = arith.constant 0 : index
    %swap3A_2375 = arith.constant 0 : index
    %swap3A_2376 = vector.load %arg7[%swap3A_2373, %swap3A_2374, %swap3A_2375] : memref<64x12x128xi32, #tpu.memory_space<vmem>>, vector<1x12x128xi32>
    %swap3A_2377 = vector.shape_cast %swap3A_2376 : vector<1x12x128xi32> to vector<12x128xi32>
    %swap3A_2378 = vector.shape_cast %min3A_2372 : vector<12x128xi32> to vector<1x12x128xi32>
    tpu.vector_store %arg7[%swap3A_2373, %swap3A_2374, %swap3A_2375], %swap3A_2378 {strides = array<i32>} : memref<64x12x128xi32, #tpu.memory_space<vmem>>, vector<1x12x128xi32>,
    %add3A_2379 = arith.constant 0 : i32
    %add3A_2380 = vector.broadcast %add3A_2379 : i32 to vector<12x128xi32>
    %add3A_2381 = arith.addi %get3A_3, %add3A_2380 : vector<12x128xi32>
    %mul3A_2382 = arith.constant 124 : i32
    %mul3A_2383 = vector.broadcast %mul3A_2382 : i32 to vector<12x128xi32>
    %mul3A_2384 = arith.muli %add3A_2381, %mul3A_2383 : vector<12x128xi32>
    %add3A_2385 = arith.constant -2 : i32
    %add3A_2386 = vector.broadcast %add3A_2385 : i32 to vector<12x128xi32>
    %add3A_2387 = arith.addi %get3A_8, %add3A_2386 : vector<12x128xi32>
    %add3A_2388 = arith.addi %mul3A_2384, %add3A_2387 : vector<12x128xi32>
    %mul3A_2389 = arith.constant 124 : i32
    %mul3A_2390 = vector.broadcast %mul3A_2389 : i32 to vector<12x128xi32>
    %mul3A_2391 = arith.muli %add3A_2388, %mul3A_2390 : vector<12x128xi32>
    %add3A_2392 = arith.constant 0 : i32
    %add3A_2393 = vector.broadcast %add3A_2392 : i32 to vector<12x128xi32>
    %add3A_2394 = arith.addi %get3A_13, %add3A_2393 : vector<12x128xi32>
    %add3A_2395 = arith.addi %mul3A_2391, %add3A_2394 : vector<12x128xi32>
    %jit3A_2396 = arith.constant 0 : i32
    %jit3A_2397 = arith.constant 1906623 : i32
    %max3A_2398 = vector.broadcast %jit3A_2396 : i32 to vector<12x128xi32>
    %max3A_2399 = arith.maxsi %max3A_2398, %add3A_2395 : vector<12x128xi32>
    %min3A_2400 = vector.broadcast %jit3A_2397 : i32 to vector<12x128xi32>
    %min3A_2401 = arith.minsi %min3A_2400, %max3A_2399 : vector<12x128xi32>
    %swap3A_2402 = arith.constant 55 : index
    %swap3A_2403 = arith.constant 0 : index
    %swap3A_2404 = arith.constant 0 : index
    %swap3A_2405 = vector.load %arg7[%swap3A_2402, %swap3A_2403, %swap3A_2404] : memref<64x12x128xi32, #tpu.memory_space<vmem>>, vector<1x12x128xi32>
    %swap3A_2406 = vector.shape_cast %swap3A_2405 : vector<1x12x128xi32> to vector<12x128xi32>
    %swap3A_2407 = vector.shape_cast %min3A_2401 : vector<12x128xi32> to vector<1x12x128xi32>
    tpu.vector_store %arg7[%swap3A_2402, %swap3A_2403, %swap3A_2404], %swap3A_2407 {strides = array<i32>} : memref<64x12x128xi32, #tpu.memory_space<vmem>>, vector<1x12x128xi32>,
    %add3A_2408 = arith.constant 0 : i32
    %add3A_2409 = vector.broadcast %add3A_2408 : i32 to vector<12x128xi32>
    %add3A_2410 = arith.addi %get3A_3, %add3A_2409 : vector<12x128xi32>
    %mul3A_2411 = arith.constant 124 : i32
    %mul3A_2412 = vector.broadcast %mul3A_2411 : i32 to vector<12x128xi32>
    %mul3A_2413 = arith.muli %add3A_2410, %mul3A_2412 : vector<12x128xi32>
    %add3A_2414 = arith.constant -1 : i32
    %add3A_2415 = vector.broadcast %add3A_2414 : i32 to vector<12x128xi32>
    %add3A_2416 = arith.addi %get3A_8, %add3A_2415 : vector<12x128xi32>
    %add3A_2417 = arith.addi %mul3A_2413, %add3A_2416 : vector<12x128xi32>
    %mul3A_2418 = arith.constant 124 : i32
    %mul3A_2419 = vector.broadcast %mul3A_2418 : i32 to vector<12x128xi32>
    %mul3A_2420 = arith.muli %add3A_2417, %mul3A_2419 : vector<12x128xi32>
    %add3A_2421 = arith.constant -3 : i32
    %add3A_2422 = vector.broadcast %add3A_2421 : i32 to vector<12x128xi32>
    %add3A_2423 = arith.addi %get3A_13, %add3A_2422 : vector<12x128xi32>
    %add3A_2424 = arith.addi %mul3A_2420, %add3A_2423 : vector<12x128xi32>
    %jit3A_2425 = arith.constant 0 : i32
    %jit3A_2426 = arith.constant 1906623 : i32
    %max3A_2427 = vector.broadcast %jit3A_2425 : i32 to vector<12x128xi32>
    %max3A_2428 = arith.maxsi %max3A_2427, %add3A_2424 : vector<12x128xi32>
    %min3A_2429 = vector.broadcast %jit3A_2426 : i32 to vector<12x128xi32>
    %min3A_2430 = arith.minsi %min3A_2429, %max3A_2428 : vector<12x128xi32>
    %swap3A_2431 = arith.constant 56 : index
    %swap3A_2432 = arith.constant 0 : index
    %swap3A_2433 = arith.constant 0 : index
    %swap3A_2434 = vector.load %arg7[%swap3A_2431, %swap3A_2432, %swap3A_2433] : memref<64x12x128xi32, #tpu.memory_space<vmem>>, vector<1x12x128xi32>
    %swap3A_2435 = vector.shape_cast %swap3A_2434 : vector<1x12x128xi32> to vector<12x128xi32>
    %swap3A_2436 = vector.shape_cast %min3A_2430 : vector<12x128xi32> to vector<1x12x128xi32>
    tpu.vector_store %arg7[%swap3A_2431, %swap3A_2432, %swap3A_2433], %swap3A_2436 {strides = array<i32>} : memref<64x12x128xi32, #tpu.memory_space<vmem>>, vector<1x12x128xi32>,
    %add3A_2437 = arith.constant 0 : i32
    %add3A_2438 = vector.broadcast %add3A_2437 : i32 to vector<12x128xi32>
    %add3A_2439 = arith.addi %get3A_3, %add3A_2438 : vector<12x128xi32>
    %mul3A_2440 = arith.constant 124 : i32
    %mul3A_2441 = vector.broadcast %mul3A_2440 : i32 to vector<12x128xi32>
    %mul3A_2442 = arith.muli %add3A_2439, %mul3A_2441 : vector<12x128xi32>
    %add3A_2443 = arith.constant -1 : i32
    %add3A_2444 = vector.broadcast %add3A_2443 : i32 to vector<12x128xi32>
    %add3A_2445 = arith.addi %get3A_8, %add3A_2444 : vector<12x128xi32>
    %add3A_2446 = arith.addi %mul3A_2442, %add3A_2445 : vector<12x128xi32>
    %mul3A_2447 = arith.constant 124 : i32
    %mul3A_2448 = vector.broadcast %mul3A_2447 : i32 to vector<12x128xi32>
    %mul3A_2449 = arith.muli %add3A_2446, %mul3A_2448 : vector<12x128xi32>
    %add3A_2450 = arith.constant -2 : i32
    %add3A_2451 = vector.broadcast %add3A_2450 : i32 to vector<12x128xi32>
    %add3A_2452 = arith.addi %get3A_13, %add3A_2451 : vector<12x128xi32>
    %add3A_2453 = arith.addi %mul3A_2449, %add3A_2452 : vector<12x128xi32>
    %jit3A_2454 = arith.constant 0 : i32
    %jit3A_2455 = arith.constant 1906623 : i32
    %max3A_2456 = vector.broadcast %jit3A_2454 : i32 to vector<12x128xi32>
    %max3A_2457 = arith.maxsi %max3A_2456, %add3A_2453 : vector<12x128xi32>
    %min3A_2458 = vector.broadcast %jit3A_2455 : i32 to vector<12x128xi32>
    %min3A_2459 = arith.minsi %min3A_2458, %max3A_2457 : vector<12x128xi32>
    %swap3A_2460 = arith.constant 57 : index
    %swap3A_2461 = arith.constant 0 : index
    %swap3A_2462 = arith.constant 0 : index
    %swap3A_2463 = vector.load %arg7[%swap3A_2460, %swap3A_2461, %swap3A_2462] : memref<64x12x128xi32, #tpu.memory_space<vmem>>, vector<1x12x128xi32>
    %swap3A_2464 = vector.shape_cast %swap3A_2463 : vector<1x12x128xi32> to vector<12x128xi32>
    %swap3A_2465 = vector.shape_cast %min3A_2459 : vector<12x128xi32> to vector<1x12x128xi32>
    tpu.vector_store %arg7[%swap3A_2460, %swap3A_2461, %swap3A_2462], %swap3A_2465 {strides = array<i32>} : memref<64x12x128xi32, #tpu.memory_space<vmem>>, vector<1x12x128xi32>,
    %add3A_2466 = arith.constant 0 : i32
    %add3A_2467 = vector.broadcast %add3A_2466 : i32 to vector<12x128xi32>
    %add3A_2468 = arith.addi %get3A_3, %add3A_2467 : vector<12x128xi32>
    %mul3A_2469 = arith.constant 124 : i32
    %mul3A_2470 = vector.broadcast %mul3A_2469 : i32 to vector<12x128xi32>
    %mul3A_2471 = arith.muli %add3A_2468, %mul3A_2470 : vector<12x128xi32>
    %add3A_2472 = arith.constant -1 : i32
    %add3A_2473 = vector.broadcast %add3A_2472 : i32 to vector<12x128xi32>
    %add3A_2474 = arith.addi %get3A_8, %add3A_2473 : vector<12x128xi32>
    %add3A_2475 = arith.addi %mul3A_2471, %add3A_2474 : vector<12x128xi32>
    %mul3A_2476 = arith.constant 124 : i32
    %mul3A_2477 = vector.broadcast %mul3A_2476 : i32 to vector<12x128xi32>
    %mul3A_2478 = arith.muli %add3A_2475, %mul3A_2477 : vector<12x128xi32>
    %add3A_2479 = arith.constant -1 : i32
    %add3A_2480 = vector.broadcast %add3A_2479 : i32 to vector<12x128xi32>
    %add3A_2481 = arith.addi %get3A_13, %add3A_2480 : vector<12x128xi32>
    %add3A_2482 = arith.addi %mul3A_2478, %add3A_2481 : vector<12x128xi32>
    %jit3A_2483 = arith.constant 0 : i32
    %jit3A_2484 = arith.constant 1906623 : i32
    %max3A_2485 = vector.broadcast %jit3A_2483 : i32 to vector<12x128xi32>
    %max3A_2486 = arith.maxsi %max3A_2485, %add3A_2482 : vector<12x128xi32>
    %min3A_2487 = vector.broadcast %jit3A_2484 : i32 to vector<12x128xi32>
    %min3A_2488 = arith.minsi %min3A_2487, %max3A_2486 : vector<12x128xi32>
    %swap3A_2489 = arith.constant 58 : index
    %swap3A_2490 = arith.constant 0 : index
    %swap3A_2491 = arith.constant 0 : index
    %swap3A_2492 = vector.load %arg7[%swap3A_2489, %swap3A_2490, %swap3A_2491] : memref<64x12x128xi32, #tpu.memory_space<vmem>>, vector<1x12x128xi32>
    %swap3A_2493 = vector.shape_cast %swap3A_2492 : vector<1x12x128xi32> to vector<12x128xi32>
    %swap3A_2494 = vector.shape_cast %min3A_2488 : vector<12x128xi32> to vector<1x12x128xi32>
    tpu.vector_store %arg7[%swap3A_2489, %swap3A_2490, %swap3A_2491], %swap3A_2494 {strides = array<i32>} : memref<64x12x128xi32, #tpu.memory_space<vmem>>, vector<1x12x128xi32>,
    %add3A_2495 = arith.constant 0 : i32
    %add3A_2496 = vector.broadcast %add3A_2495 : i32 to vector<12x128xi32>
    %add3A_2497 = arith.addi %get3A_3, %add3A_2496 : vector<12x128xi32>
    %mul3A_2498 = arith.constant 124 : i32
    %mul3A_2499 = vector.broadcast %mul3A_2498 : i32 to vector<12x128xi32>
    %mul3A_2500 = arith.muli %add3A_2497, %mul3A_2499 : vector<12x128xi32>
    %add3A_2501 = arith.constant -1 : i32
    %add3A_2502 = vector.broadcast %add3A_2501 : i32 to vector<12x128xi32>
    %add3A_2503 = arith.addi %get3A_8, %add3A_2502 : vector<12x128xi32>
    %add3A_2504 = arith.addi %mul3A_2500, %add3A_2503 : vector<12x128xi32>
    %mul3A_2505 = arith.constant 124 : i32
    %mul3A_2506 = vector.broadcast %mul3A_2505 : i32 to vector<12x128xi32>
    %mul3A_2507 = arith.muli %add3A_2504, %mul3A_2506 : vector<12x128xi32>
    %add3A_2508 = arith.constant 0 : i32
    %add3A_2509 = vector.broadcast %add3A_2508 : i32 to vector<12x128xi32>
    %add3A_2510 = arith.addi %get3A_13, %add3A_2509 : vector<12x128xi32>
    %add3A_2511 = arith.addi %mul3A_2507, %add3A_2510 : vector<12x128xi32>
    %jit3A_2512 = arith.constant 0 : i32
    %jit3A_2513 = arith.constant 1906623 : i32
    %max3A_2514 = vector.broadcast %jit3A_2512 : i32 to vector<12x128xi32>
    %max3A_2515 = arith.maxsi %max3A_2514, %add3A_2511 : vector<12x128xi32>
    %min3A_2516 = vector.broadcast %jit3A_2513 : i32 to vector<12x128xi32>
    %min3A_2517 = arith.minsi %min3A_2516, %max3A_2515 : vector<12x128xi32>
    %swap3A_2518 = arith.constant 59 : index
    %swap3A_2519 = arith.constant 0 : index
    %swap3A_2520 = arith.constant 0 : index
    %swap3A_2521 = vector.load %arg7[%swap3A_2518, %swap3A_2519, %swap3A_2520] : memref<64x12x128xi32, #tpu.memory_space<vmem>>, vector<1x12x128xi32>
    %swap3A_2522 = vector.shape_cast %swap3A_2521 : vector<1x12x128xi32> to vector<12x128xi32>
    %swap3A_2523 = vector.shape_cast %min3A_2517 : vector<12x128xi32> to vector<1x12x128xi32>
    tpu.vector_store %arg7[%swap3A_2518, %swap3A_2519, %swap3A_2520], %swap3A_2523 {strides = array<i32>} : memref<64x12x128xi32, #tpu.memory_space<vmem>>, vector<1x12x128xi32>,
    %add3A_2524 = arith.constant 0 : i32
    %add3A_2525 = vector.broadcast %add3A_2524 : i32 to vector<12x128xi32>
    %add3A_2526 = arith.addi %get3A_3, %add3A_2525 : vector<12x128xi32>
    %mul3A_2527 = arith.constant 124 : i32
    %mul3A_2528 = vector.broadcast %mul3A_2527 : i32 to vector<12x128xi32>
    %mul3A_2529 = arith.muli %add3A_2526, %mul3A_2528 : vector<12x128xi32>
    %add3A_2530 = arith.constant 0 : i32
    %add3A_2531 = vector.broadcast %add3A_2530 : i32 to vector<12x128xi32>
    %add3A_2532 = arith.addi %get3A_8, %add3A_2531 : vector<12x128xi32>
    %add3A_2533 = arith.addi %mul3A_2529, %add3A_2532 : vector<12x128xi32>
    %mul3A_2534 = arith.constant 124 : i32
    %mul3A_2535 = vector.broadcast %mul3A_2534 : i32 to vector<12x128xi32>
    %mul3A_2536 = arith.muli %add3A_2533, %mul3A_2535 : vector<12x128xi32>
    %add3A_2537 = arith.constant -3 : i32
    %add3A_2538 = vector.broadcast %add3A_2537 : i32 to vector<12x128xi32>
    %add3A_2539 = arith.addi %get3A_13, %add3A_2538 : vector<12x128xi32>
    %add3A_2540 = arith.addi %mul3A_2536, %add3A_2539 : vector<12x128xi32>
    %jit3A_2541 = arith.constant 0 : i32
    %jit3A_2542 = arith.constant 1906623 : i32
    %max3A_2543 = vector.broadcast %jit3A_2541 : i32 to vector<12x128xi32>
    %max3A_2544 = arith.maxsi %max3A_2543, %add3A_2540 : vector<12x128xi32>
    %min3A_2545 = vector.broadcast %jit3A_2542 : i32 to vector<12x128xi32>
    %min3A_2546 = arith.minsi %min3A_2545, %max3A_2544 : vector<12x128xi32>
    %swap3A_2547 = arith.constant 60 : index
    %swap3A_2548 = arith.constant 0 : index
    %swap3A_2549 = arith.constant 0 : index
    %swap3A_2550 = vector.load %arg7[%swap3A_2547, %swap3A_2548, %swap3A_2549] : memref<64x12x128xi32, #tpu.memory_space<vmem>>, vector<1x12x128xi32>
    %swap3A_2551 = vector.shape_cast %swap3A_2550 : vector<1x12x128xi32> to vector<12x128xi32>
    %swap3A_2552 = vector.shape_cast %min3A_2546 : vector<12x128xi32> to vector<1x12x128xi32>
    tpu.vector_store %arg7[%swap3A_2547, %swap3A_2548, %swap3A_2549], %swap3A_2552 {strides = array<i32>} : memref<64x12x128xi32, #tpu.memory_space<vmem>>, vector<1x12x128xi32>,
    %add3A_2553 = arith.constant 0 : i32
    %add3A_2554 = vector.broadcast %add3A_2553 : i32 to vector<12x128xi32>
    %add3A_2555 = arith.addi %get3A_3, %add3A_2554 : vector<12x128xi32>
    %mul3A_2556 = arith.constant 124 : i32
    %mul3A_2557 = vector.broadcast %mul3A_2556 : i32 to vector<12x128xi32>
    %mul3A_2558 = arith.muli %add3A_2555, %mul3A_2557 : vector<12x128xi32>
    %add3A_2559 = arith.constant 0 : i32
    %add3A_2560 = vector.broadcast %add3A_2559 : i32 to vector<12x128xi32>
    %add3A_2561 = arith.addi %get3A_8, %add3A_2560 : vector<12x128xi32>
    %add3A_2562 = arith.addi %mul3A_2558, %add3A_2561 : vector<12x128xi32>
    %mul3A_2563 = arith.constant 124 : i32
    %mul3A_2564 = vector.broadcast %mul3A_2563 : i32 to vector<12x128xi32>
    %mul3A_2565 = arith.muli %add3A_2562, %mul3A_2564 : vector<12x128xi32>
    %add3A_2566 = arith.constant -2 : i32
    %add3A_2567 = vector.broadcast %add3A_2566 : i32 to vector<12x128xi32>
    %add3A_2568 = arith.addi %get3A_13, %add3A_2567 : vector<12x128xi32>
    %add3A_2569 = arith.addi %mul3A_2565, %add3A_2568 : vector<12x128xi32>
    %jit3A_2570 = arith.constant 0 : i32
    %jit3A_2571 = arith.constant 1906623 : i32
    %max3A_2572 = vector.broadcast %jit3A_2570 : i32 to vector<12x128xi32>
    %max3A_2573 = arith.maxsi %max3A_2572, %add3A_2569 : vector<12x128xi32>
    %min3A_2574 = vector.broadcast %jit3A_2571 : i32 to vector<12x128xi32>
    %min3A_2575 = arith.minsi %min3A_2574, %max3A_2573 : vector<12x128xi32>
    %swap3A_2576 = arith.constant 61 : index
    %swap3A_2577 = arith.constant 0 : index
    %swap3A_2578 = arith.constant 0 : index
    %swap3A_2579 = vector.load %arg7[%swap3A_2576, %swap3A_2577, %swap3A_2578] : memref<64x12x128xi32, #tpu.memory_space<vmem>>, vector<1x12x128xi32>
    %swap3A_2580 = vector.shape_cast %swap3A_2579 : vector<1x12x128xi32> to vector<12x128xi32>
    %swap3A_2581 = vector.shape_cast %min3A_2575 : vector<12x128xi32> to vector<1x12x128xi32>
    tpu.vector_store %arg7[%swap3A_2576, %swap3A_2577, %swap3A_2578], %swap3A_2581 {strides = array<i32>} : memref<64x12x128xi32, #tpu.memory_space<vmem>>, vector<1x12x128xi32>,
    %add3A_2582 = arith.constant 0 : i32
    %add3A_2583 = vector.broadcast %add3A_2582 : i32 to vector<12x128xi32>
    %add3A_2584 = arith.addi %get3A_3, %add3A_2583 : vector<12x128xi32>
    %mul3A_2585 = arith.constant 124 : i32
    %mul3A_2586 = vector.broadcast %mul3A_2585 : i32 to vector<12x128xi32>
    %mul3A_2587 = arith.muli %add3A_2584, %mul3A_2586 : vector<12x128xi32>
    %add3A_2588 = arith.constant 0 : i32
    %add3A_2589 = vector.broadcast %add3A_2588 : i32 to vector<12x128xi32>
    %add3A_2590 = arith.addi %get3A_8, %add3A_2589 : vector<12x128xi32>
    %add3A_2591 = arith.addi %mul3A_2587, %add3A_2590 : vector<12x128xi32>
    %mul3A_2592 = arith.constant 124 : i32
    %mul3A_2593 = vector.broadcast %mul3A_2592 : i32 to vector<12x128xi32>
    %mul3A_2594 = arith.muli %add3A_2591, %mul3A_2593 : vector<12x128xi32>
    %add3A_2595 = arith.constant -1 : i32
    %add3A_2596 = vector.broadcast %add3A_2595 : i32 to vector<12x128xi32>
    %add3A_2597 = arith.addi %get3A_13, %add3A_2596 : vector<12x128xi32>
    %add3A_2598 = arith.addi %mul3A_2594, %add3A_2597 : vector<12x128xi32>
    %jit3A_2599 = arith.constant 0 : i32
    %jit3A_2600 = arith.constant 1906623 : i32
    %max3A_2601 = vector.broadcast %jit3A_2599 : i32 to vector<12x128xi32>
    %max3A_2602 = arith.maxsi %max3A_2601, %add3A_2598 : vector<12x128xi32>
    %min3A_2603 = vector.broadcast %jit3A_2600 : i32 to vector<12x128xi32>
    %min3A_2604 = arith.minsi %min3A_2603, %max3A_2602 : vector<12x128xi32>
    %swap3A_2605 = arith.constant 62 : index
    %swap3A_2606 = arith.constant 0 : index
    %swap3A_2607 = arith.constant 0 : index
    %swap3A_2608 = vector.load %arg7[%swap3A_2605, %swap3A_2606, %swap3A_2607] : memref<64x12x128xi32, #tpu.memory_space<vmem>>, vector<1x12x128xi32>
    %swap3A_2609 = vector.shape_cast %swap3A_2608 : vector<1x12x128xi32> to vector<12x128xi32>
    %swap3A_2610 = vector.shape_cast %min3A_2604 : vector<12x128xi32> to vector<1x12x128xi32>
    tpu.vector_store %arg7[%swap3A_2605, %swap3A_2606, %swap3A_2607], %swap3A_2610 {strides = array<i32>} : memref<64x12x128xi32, #tpu.memory_space<vmem>>, vector<1x12x128xi32>,
    %add3A_2611 = arith.constant 0 : i32
    %add3A_2612 = vector.broadcast %add3A_2611 : i32 to vector<12x128xi32>
    %add3A_2613 = arith.addi %get3A_3, %add3A_2612 : vector<12x128xi32>
    %mul3A_2614 = arith.constant 124 : i32
    %mul3A_2615 = vector.broadcast %mul3A_2614 : i32 to vector<12x128xi32>
    %mul3A_2616 = arith.muli %add3A_2613, %mul3A_2615 : vector<12x128xi32>
    %add3A_2617 = arith.constant 0 : i32
    %add3A_2618 = vector.broadcast %add3A_2617 : i32 to vector<12x128xi32>
    %add3A_2619 = arith.addi %get3A_8, %add3A_2618 : vector<12x128xi32>
    %add3A_2620 = arith.addi %mul3A_2616, %add3A_2619 : vector<12x128xi32>
    %mul3A_2621 = arith.constant 124 : i32
    %mul3A_2622 = vector.broadcast %mul3A_2621 : i32 to vector<12x128xi32>
    %mul3A_2623 = arith.muli %add3A_2620, %mul3A_2622 : vector<12x128xi32>
    %add3A_2624 = arith.constant 0 : i32
    %add3A_2625 = vector.broadcast %add3A_2624 : i32 to vector<12x128xi32>
    %add3A_2626 = arith.addi %get3A_13, %add3A_2625 : vector<12x128xi32>
    %add3A_2627 = arith.addi %mul3A_2623, %add3A_2626 : vector<12x128xi32>
    %jit3A_2628 = arith.constant 0 : i32
    %jit3A_2629 = arith.constant 1906623 : i32
    %max3A_2630 = vector.broadcast %jit3A_2628 : i32 to vector<12x128xi32>
    %max3A_2631 = arith.maxsi %max3A_2630, %add3A_2627 : vector<12x128xi32>
    %min3A_2632 = vector.broadcast %jit3A_2629 : i32 to vector<12x128xi32>
    %min3A_2633 = arith.minsi %min3A_2632, %max3A_2631 : vector<12x128xi32>
    %swap3A_2634 = arith.constant 63 : index
    %swap3A_2635 = arith.constant 0 : index
    %swap3A_2636 = arith.constant 0 : index
    %swap3A_2637 = vector.load %arg7[%swap3A_2634, %swap3A_2635, %swap3A_2636] : memref<64x12x128xi32, #tpu.memory_space<vmem>>, vector<1x12x128xi32>
    %swap3A_2638 = vector.shape_cast %swap3A_2637 : vector<1x12x128xi32> to vector<12x128xi32>
    %swap3A_2639 = vector.shape_cast %min3A_2633 : vector<12x128xi32> to vector<1x12x128xi32>
    tpu.vector_store %arg7[%swap3A_2634, %swap3A_2635, %swap3A_2636], %swap3A_2639 {strides = array<i32>} : memref<64x12x128xi32, #tpu.memory_space<vmem>>, vector<1x12x128xi32>,
    return
  }
}

module attributes {stable_mosaic.version = 14 : i64} {
  func.func @_final_body(%arg0: memref<256x1536xf32, #tpu.memory_space<vmem>>, %arg1: memref<256x32xf32, #tpu.memory_space<vmem>>, %arg2: memref<8x1536xf32, #tpu.memory_space<vmem>>, %arg3: memref<32x1xf32, #tpu.memory_space<vmem>>, %arg4: memref<4x1536xf32, #tpu.memory_space<vmem>>) attributes {dimension_semantics = [], scalar_prefetch = 0 : i64, scratch_operands = 0 : i64, tpu.core_type = #tpu.core_type<tc>} {
    %get3A = arith.constant 0 : index
    %get3A_0 = arith.constant 0 : index
    %get3A_1 = vector.load %arg1[%get3A, %get3A_0] : memref<256x32xf32, #tpu.memory_space<vmem>>, vector<256x32xf32>
    %get3A_2 = arith.constant 0 : index
    %get3A_3 = arith.constant 0 : index
    %get3A_4 = vector.load %arg0[%get3A_2, %get3A_3] : memref<256x1536xf32, #tpu.memory_space<vmem>>, vector<256x1536xf32>
    %dot_general3A = arith.constant dense<0.000000e+00> : vector<32x1536xf32>
    %dot_general3A_5 = tpu.matmul %get3A_1, %get3A_4, %dot_general3A {dimension_numbers = #tpu.dot_dimension_numbers<[0], [0], [1], [1], [0, 1, 1, 1], [], []>, transpose_lhs_hint = false} : vector<256x32xf32>, vector<256x1536xf32>, vector<32x1536xf32> -> vector<32x1536xf32>
    %get3A_6 = arith.constant 0 : index
    %get3A_7 = arith.constant 0 : index
    %get3A_8 = vector.load %arg3[%get3A_6, %get3A_7] : memref<32x1xf32, #tpu.memory_space<vmem>>, vector<32x1xf32>
    %add3A = vector.broadcast %get3A_8 : vector<32x1xf32> to vector<32x1536xf32>
    %add3A_9 = arith.addf %dot_general3A_5, %add3A : vector<32x1536xf32>
    %get3A_10 = arith.constant 0 : index
    %get3A_11 = arith.constant 0 : index
    %get3A_12 = vector.load %arg2[%get3A_10, %get3A_11] : memref<8x1536xf32, #tpu.memory_space<vmem>>, vector<8x1536xf32>
    %slice3A = vector.extract_strided_slice %add3A_9 {offsets = [0, 0], sizes = [8, 1536], strides = [1, 1]} : vector<32x1536xf32> to vector<8x1536xf32>
    %mul3A = arith.mulf %slice3A, %get3A_12 : vector<8x1536xf32>
    %reduce_sum3A = arith.constant dense<0.000000e+00> : vector<1536xf32>
    %reduce_sum3A_13 = vector.multi_reduction <add>, %mul3A, %reduce_sum3A [0] : vector<8x1536xf32> to vector<1536xf32>
    %broadcast_in_dim3A = vector.shape_cast %reduce_sum3A_13 : vector<1536xf32> to vector<1x1536xf32>
    %slice3A_14 = vector.extract_strided_slice %add3A_9 {offsets = [8, 0], sizes = [8, 1536], strides = [1, 1]} : vector<32x1536xf32> to vector<8x1536xf32>
    %mul3A_15 = arith.mulf %slice3A_14, %get3A_12 : vector<8x1536xf32>
    %reduce_sum3A_16 = arith.constant dense<0.000000e+00> : vector<1536xf32>
    %reduce_sum3A_17 = vector.multi_reduction <add>, %mul3A_15, %reduce_sum3A_16 [0] : vector<8x1536xf32> to vector<1536xf32>
    %broadcast_in_dim3A_18 = vector.shape_cast %reduce_sum3A_17 : vector<1536xf32> to vector<1x1536xf32>
    %slice3A_19 = vector.extract_strided_slice %add3A_9 {offsets = [16, 0], sizes = [8, 1536], strides = [1, 1]} : vector<32x1536xf32> to vector<8x1536xf32>
    %mul3A_20 = arith.mulf %slice3A_19, %get3A_12 : vector<8x1536xf32>
    %reduce_sum3A_21 = arith.constant dense<0.000000e+00> : vector<1536xf32>
    %reduce_sum3A_22 = vector.multi_reduction <add>, %mul3A_20, %reduce_sum3A_21 [0] : vector<8x1536xf32> to vector<1536xf32>
    %broadcast_in_dim3A_23 = vector.shape_cast %reduce_sum3A_22 : vector<1536xf32> to vector<1x1536xf32>
    %slice3A_24 = vector.extract_strided_slice %add3A_9 {offsets = [24, 0], sizes = [8, 1536], strides = [1, 1]} : vector<32x1536xf32> to vector<8x1536xf32>
    %mul3A_25 = arith.mulf %slice3A_24, %get3A_12 : vector<8x1536xf32>
    %reduce_sum3A_26 = arith.constant dense<0.000000e+00> : vector<1536xf32>
    %reduce_sum3A_27 = vector.multi_reduction <add>, %mul3A_25, %reduce_sum3A_26 [0] : vector<8x1536xf32> to vector<1536xf32>
    %broadcast_in_dim3A_28 = vector.shape_cast %reduce_sum3A_27 : vector<1536xf32> to vector<1x1536xf32>
    %concatenate3A = tpu.concatenate %broadcast_in_dim3A, %broadcast_in_dim3A_18, %broadcast_in_dim3A_23, %broadcast_in_dim3A_28 in 0 : vector<1x1536xf32>, vector<1x1536xf32>, vector<1x1536xf32>, vector<1x1536xf32> -> vector<4x1536xf32>
    %mul3A_29 = arith.constant 1.250000e-01 : f32
    %mul3A_30 = vector.broadcast %mul3A_29 : f32 to vector<4x1536xf32>
    %mul3A_31 = arith.mulf %concatenate3A, %mul3A_30 : vector<4x1536xf32>
    %swap3A = arith.constant 0 : index
    %swap3A_32 = arith.constant 0 : index
    %swap3A_33 = vector.load %arg4[%swap3A, %swap3A_32] : memref<4x1536xf32, #tpu.memory_space<vmem>>, vector<4x1536xf32>
    tpu.vector_store %arg4[%swap3A, %swap3A_32], %mul3A_31 {strides = array<i32>} : memref<4x1536xf32, #tpu.memory_space<vmem>>, vector<4x1536xf32>,
    return
  }
}

</mosaic_0001>

<sc_bundles>
// kernel: kernel.5.cloned.1.call-start
scs
__scs_entry_jumppad:
0x0: {  	(pc) =	sbr.rel $0x88, $3  }
0x1: {  	(tag) =	ssettag $0x0;
	lr =	simm.s32 $0x1  }
0x2: {  	[smem:$0x3F9D] =	sst lr;
	_ =	strace $0xD0000000  }
0x3: {  	_ = 	snop  }
0x4: {  	_ = 	snop  }
0x5: {  	_ = 	snop  }
0x6: {  	_ = 	snop  }
0x7: {  	_ = 	snop  }
__scs_overlays_trampoline_lowered:
0x8: {  	[smem:$0x3FAC] =	sst s0  }
0x9: {  	[smem:$0x3FAD] =	sst s1  }
0xa: {  	[smem:$0x3FAE] =	sst s2  }
0xb: {  	[smem:$0x3FAF] =	sst s3  }
0xc: {  	[smem:$0x3FB0] =	sst s4  }
0xd: {  	[smem:$0x3FB1] =	sst s5  }
0xe: {  	[smem:$0x3FB2] =	sst s6  }
0xf: {  	[smem:$0x3FB3] =	sst s7  }
0x10: {  	[smem:$0x3FB4] =	sst s8  }
0x11: {  	[smem:$0x3FB5] =	sst s9;
	s0 =	simm.s32 @!p0 $0x0  }
0x12: {  	s1 =	sld [smem:$0x3F9B];
	s0 =	simm.s32 @p0 $0x1  }
0x13: {  	[smem:$0x3FB6] =	sst s0;
	s0 =	simm.s32 @!p1 $0x0  }
0x14: {  	s2 =	sld [smem:$0x3F9A];
	s0 =	simm.s32 @p1 $0x1  }
0x15: {  	[smem:$0x3FB7] =	sst s0;
	s0 =	simm.s32 @!p2 $0x0  }
0x16: {  	s3 =	sld [smem:$0x3FDB];
	s0 =	simm.s32 @p2 $0x1  }
0x17: {  	s4 =	simm.s32 $0x1BF5;
	[smem:$0x3FB9] =	sst s0  }
0x18: {  	s0 =	sld [smem:$0x3F9C];
	_ =	swait.ge [sflag:s4], $0x0  }
0x19: {  	s7 =	sld [smem:$0x3F9D]  }
0x1a: {  	s8 =	sadd.s32 $0xFFFFE003, lr  }
0x1b: {  	s9 =	sadd.s32 $0xFFFFFEF7, lr;
	s5 =	simm.s32 $0xFFFFFFFF;
	p2 =	slt.u32 s8, $0xFFFFF086  }
0x1c: {  	p1 =	slt.u32 s9, $0xF7A;
	s5 =	simm.s32 @!p2 $0x0  }
0x1d: {  	s5 =	simm.s32 @p1 $0x1;
	p0 =	seq.s32 s7, s2  }
0x1e: {  	s7 =	smul.u32 @!p0 $0xF7A, s2;
	p2 =	seq.s32 @!p0 s5, $0x0  }
0x1f: {  	s9 =	smul.u32 $0xF7A, s1;
	s8 =	simm.s32 @!p0 $0x1BF5;
	p2 =	por !p2, p0  }
0x20: {  	[sflag:s8] =	ssyncset.s32 @!p0 $0xFFFFF086;
	s6 =	sadd.s32 @!p0 s3, s7;
	s7 =	simm.s32 @!p0 $0x108  }
0x21: {  	s3 =	sadd.s32 s3, s9;
	s6 =	sadd.s32 @!p0 $0x88, s6;
	s7 =	simm.s32 @p2 $0x1082  }
0x22: {  	[simem:s7], [sflag:s8] =	dma.local @!p0 [hbm:s6], $0xF7A  }
0x23: {  	s9 =	sor.u32 $0xD0000000, s2;
	s6 =	simm.s32 $0x108;
	_ =	swait.ge @!p0 [sflag:s8], $0x0  }
0x24: {  	s3 =	sadd.s32 $0x88, s3;
	s6 =	simm.s32 @!p1 $0x1082;
	[sflag:s4] =	ssyncset.s32 $0xFFFFF086  }
0x25: {  	[simem:s6], [sflag:s4] =	dma.local [hbm:s3], $0xF7A  }
0x26: {  	[smem:$0x3F9D] =	sst s1;
	(tag) =	ssettag s2;
	_ =	strace s9  }
0x27: {  	s1 =	sld [smem:$0x3FAD]  }
0x28: {  	s2 =	sld [smem:$0x3FAE]  }
0x29: {  	s4 =	sld [smem:$0x3FB0]  }
0x2a: {  	p0 =	seq.s32 s5, $0x0;
	s5 =	sld [smem:$0x3FB1]  }
0x2b: {  	s6 =	sld [smem:$0x3FB2]  }
0x2c: {  	s7 =	sld [smem:$0x3FB3]  }
0x2d: {  	s3 =	simm.s32 $0x108;
	s8 =	sld [smem:$0x3FB4]  }
0x2e: {  	s3 =	simm.s32 @!p0 $0x1082;
	s9 =	sld [smem:$0x3FB5]  }
0x2f: {  	lr =	sadd.s32 s0, s3;
	s0 =	sld [smem:$0x3FAC]  }
0x30: {  	s3 =	sld [smem:$0x3FAF]  }
0x31: {  	[smem:$0x3FB8] =	sst s10  }
0x32: {  	s10 =	sld [smem:$0x3FB6];
	_ =	sdelay $0x3  }
0x33: {  	p0 =	seq.s32 s10, $0x1;
	s10 =	sld [smem:$0x3FB8];
	_ =	sdelay $0x3  }
0x34: {  	[smem:$0x3FB8] =	sst s10  }
0x35: {  	s10 =	sld [smem:$0x3FB7];
	_ =	sdelay $0x3  }
0x36: {  	p1 =	seq.s32 s10, $0x1;
	s10 =	sld [smem:$0x3FB8];
	_ =	sdelay $0x3  }
0x37: {  	[smem:$0x3FB8] =	sst s10  }
0x38: {  	s10 =	sld [smem:$0x3FB9]  }
0x39: {  	_ = 	snop;
	(pc) =	sbr.ind lr, $3  }
0x3a: {  	_ = 	snop  }
0x3b: {  	_ = 	snop  }
0x3c: {  	p2 =	seq.s32 s10, $0x1;
	s10 =	sld [smem:$0x3FB8]  }
0x3d: {  	_ =	shalt  }
0x3e: {  	_ =	shalt  }
0x3f: {  	_ =	shalt  }
0x40: {  	_ =	shalt  }
0x41: {  	_ =	shalt  }
0x42: {  	_ =	shalt  }
0x43: {  	_ =	shalt  }
0x44: {  	_ =	shalt  }
0x45: {  	_ =	shalt  }
0x46: {  	_ =	shalt  }
0x47: {  	_ =	shalt  }
0x48: {  	_ =	shalt  }
0x49: {  	_ =	shalt  }
0x4a: {  	_ =	shalt  }
0x4b: {  	_ =	shalt  }
0x4c: {  	_ =	shalt  }
0x4d: {  	_ =	shalt  }
0x4e: {  	_ =	shalt  }
0x4f: {  	_ =	shalt  }
0x50: {  	_ =	shalt  }
0x51: {  	_ =	shalt  }
0x52: {  	_ =	shalt  }
0x53: {  	_ =	shalt  }
0x54: {  	_ =	shalt  }
0x55: {  	_ =	shalt  }
0x56: {  	_ =	shalt  }
0x57: {  	_ =	shalt  }
0x58: {  	_ =	shalt  }
0x59: {  	_ =	shalt  }
0x5a: {  	_ =	shalt  }
0x5b: {  	_ =	shalt  }
0x5c: {  	_ =	shalt  }
0x5d: {  	_ =	shalt  }
0x5e: {  	_ =	shalt  }
0x5f: {  	_ =	shalt  }
0x60: {  	_ =	shalt  }
0x61: {  	_ =	shalt  }
0x62: {  	_ =	shalt  }
0x63: {  	_ =	shalt  }
0x64: {  	_ =	shalt  }
0x65: {  	_ =	shalt  }
0x66: {  	_ =	shalt  }
0x67: {  	_ =	shalt  }
0x68: {  	_ =	shalt  }
0x69: {  	_ =	shalt  }
0x6a: {  	_ =	shalt  }
0x6b: {  	_ =	shalt  }
0x6c: {  	_ =	shalt  }
0x6d: {  	_ =	shalt  }
0x6e: {  	_ =	shalt  }
0x6f: {  	_ =	shalt  }
0x70: {  	_ =	shalt  }
0x71: {  	_ =	shalt  }
0x72: {  	_ =	shalt  }
0x73: {  	_ =	shalt  }
0x74: {  	_ =	shalt  }
0x75: {  	_ =	shalt  }
0x76: {  	_ =	shalt  }
0x77: {  	_ =	shalt  }
0x78: {  	_ =	shalt  }
0x79: {  	_ =	shalt  }
0x7a: {  	_ =	shalt  }
0x7b: {  	_ =	shalt  }
0x7c: {  	_ =	shalt  }
0x7d: {  	_ =	shalt  }
0x7e: {  	_ =	shalt  }
0x7f: {  	_ =	shalt  }
0x80: {  	_ =	shalt  }
0x81: {  	_ =	shalt  }
0x82: {  	_ =	shalt  }
0x83: {  	_ =	shalt  }
0x84: {  	_ =	shalt  }
0x85: {  	_ =	shalt  }
0x86: {  	_ =	shalt  }
0x87: {  	_ =	shalt  }
.Lfunc_end0:
.L_simem_size_0:
called_computation_lowered:
.L_overlay_start_0:
0x88: {  	s2 =	sld [smem:$0x3FD9]  }
0x89: {  	s3 =	sld [smem:$0x3FFE];
	_ =	sdelay $0x1  }
0x8a: {  	s1 =	srdreg.scid  }
0x8b: {  	s0 =	sand.u32 $0x1, s1  }
0x8c: {  	s16 =	sshll.u32 s0, $0xA;
	s2 =	sadd.s32 s3, s2  }
0x8d: {  	s2 =	sadd.s32 s2, s16  }
0x8e: {  	[smem:$0x3FC4] =	sst s2  }
0x8f: {  	_ = 	snop  }
0x90: {  	(tm) =	ssettm $0x1  }
0x91: {  	s17 =	sld [smem:$0x3FFB];
	_ =	sdelay $0x3  }
0x92: {  	_ =	strace s17  }
0x93: {  	s2 =	sld [smem:$0x3FFC];
	_ =	sdelay $0x3  }
0x94: {  	_ =	strace s2  }
0x95: {  	s2 =	sld [smem:$0x3FFD];
	_ =	sdelay $0x3  }
0x96: {  	_ =	strace s2  }
0x97: {  	_ =	strace $0x8FFFFFFF  }
0x98: {  	s18 =	sld [smem:$0x3FDB];
	_ =	sdelay $0x1  }
0x99: {  	s19 =	simm.s32 $_scs_section_size  }
0x9a: {  	s4 =	simm.s32 $_size__tile_overlayer_lowered;
	s5 =	simm.s32 $_tile_overlayer_lowered  }
0x9b: {  	s22 =	simm.s32 $0x1BFF;
	s21 =	sshll.u32 s5, $0x1;
	s2 =	sadd.s32 s19, s18  }
0x9c: {  	s6 =	simm.s32 $0x0;
	s20 =	sshll.u32 s4, $0x1;
	s4 =	sadd.s32 s21, s2  }
0x9d: {  	[timem:s6], [sflag:s22] =	dma.local [hbm:s4], s20  }
0x9e: {  	_ =	swait.ge [sflag:s22], s20  }
0x9f: {  	s3 =	ssub.s32 $0x0, s20;
	[sflag:s22] =	ssyncset.done $0x0  }
0xa0: {  	[sflag:s22] =	ssyncadd.s32 s3;
	_ =	sdelay $0x1  }
0xa1: {  	s23 =	simm.s32 $0x1B8B  }
0xa2: {  	_ =	swait.ge [sflag:s23], $0x1  }
0xa3: {  	[sflag:s23] =	ssyncset.done $0x0  }
0xa4: {  	s25 =	simm.s32 $0x1B8E;
	s24 =	sld [smem:$0x3FFE];
	[sflag:s23] =	ssyncadd.s32 $0xFFFFFFFF  }
0xa5: {  	s26 =	simm.s32 $execute0_lowered;
	[smem:$0x3FD2] =	sst s25  }
0xa6: {  	s4 =	sshll.u32 s26, $0x1;
	_ =	strace $0x80000046;
	[dreg:$0x1] =	wrdreg $0xFFFFFFFF  }
0xa7: {  	s28 =	simm.s32 $_size_execute0_lowered;
	s2 =	sadd.s32 s2, s4;
	[dreg:$0x0] =	wrdreg $0x0  }
0xa8: {  	s4 =	sshll.u32 s28, $0x1;
	[dreg:$0x2] =	wrdreg s2  }
0xa9: {  	[dreg:$0x3] =	wrdreg s4  }
0xaa: {  	[dreg:$0x4] =	wrdreg $0xC0  }
0xab: {  	_ =	task [dreg:s6], $0x5FFFF  }
0xac: {  	[dreg:$0x1] =	wrdreg $0xFFFFFFFF  }
0xad: {  	[dreg:$0x0] =	wrdreg $0x60  }
0xae: {  	[dreg:$0x2] =	wrdreg s24  }
0xaf: {  	[dreg:$0x3] =	wrdreg $0x0  }
0xb0: {  	[dreg:$0x4] =	wrdreg $0x9  }
0xb1: {  	_ =	task.clear_ibuf [dreg:s6], $0x5FFFF;
	_ =	strace $0x90000046  }
0xb2: {  	s29 =	simm.s32 $0x9;
	_ =	strace $0x80000048  }
0xb3: {  	_ =	swait.ge [sflag:s29], $0x1  }
0xb4: {  	[sflag:s29] =	ssyncadd.s32 $0xFFFFFFFF  }
0xb5: {  	_ =	strace $0x90000048  }
0xb6: {  	_ =	sfence  }
0xb7: {  	s30 =	sld [smem:$0x0];
	_ =	sdelay $0x2  }
0xb8: {  	s31 =	sshll.u32 s1, $0xD;
	s1 =	sshrl.u32 s1, $0x2  }
0xb9: {  	s3 =	sand.u32 $0x4000, s31;
	s1 =	sadd.s32 s1, s30  }
0xba: {  	s0 =	sor.u32 s3, s0;
	s1 =	sshll.u32 s1, $0x11  }
0xbb: {  	s0 =	sor.u32 s1, s0  }
0xbc: {  	s0 =	sadd.s32 $0x8F2B, s0  }
0xbd: {  	[sflag:s0] =	ssyncadd.remote.s32 $0x1  }
0xbe: {  	_ =	sfence.sel $0xFFFF  }
0xbf: {  	[dreg:$0x0] =	wrdreg $0xFFFFFFFF;
	(pc) =	sbr.abs _section_cstart, $3  }
0xc0: {  	[dreg:$0x1] =	wrdreg $0xFFFFFFFF  }
0xc1: {  	_ =	task.clear_ibuf [dreg:s6], $0x2FFFF;
	_ =	strace $0x9FFFFFFF  }
0xc2: {  	(tm) =	ssettm $0x7FFFFFFF  }
0xc3: {  	_ =	shalt  }
tec
execute0_lowered:
.L_overlay_start_1:
0x0: {  	(tag) =	ssettag $0x1  }
0x1: {  	s6 =	rddreg [dreg:$0x0]  }
0x2: {  	s3 =	rddreg [dreg:$0x1]  }
0x3: {  	s4 =	simm.s32 $0x0;
	s12 =	stileid.u32;
	s1 =	srdreg.scid  }
0x4: {  	s17 =	simm.s32 $0x2;
	s19 =	simm.s32 $0x1;
	s20 =	simm.s32 $0x80  }
0x5: {  	[smem:$0x7FF] =	sst s4;
	s0 =	sshll.u32 s12, $0x7;
	s2 =	sadd.s32 $0x3000, s6  }
0x6: {  	s1 =	sand.u32 $0x1, s1;
	s5 =	smul.u32 $0x74600, s12;
	s7 =	sadd.s32 $0x5800, s6  }
0x7: {  	s9 =	sshll.u32 s12, $0x6;
	s23 =	sshll.u32 s12, $0xA;
	_ =	strace $0x80000047  }
0x8: {  	s0 =	sadd.s32 s0, s6;
	[dreg:$0x3] =	wrdreg s7;
	s21 =	ssub.s32 $0x2, s1  }
0x9: {  	s22 =	sor.u32 $0x1C01, s9;
	s24 =	sshll.u32 s1, $0xF;
	s10 =	sshllo.u32 s1, $0x1  }
0xa: {  	s26 =	smul.u32 $0x30000, s1;
	s8 =	sshrl.u32 s21, $0x1;
	s5 =	sshrl.u32 s5, $0x2  }
0xb: {  	[dreg:$0x4] =	wrdreg s22;
	s0 =	sadd.s32 $0x5000, s0;
	s25 =	sor.u32 s23, s24  }
0xc: {  	s11 =	sshll.u32 s10, $0xE;
	s29 =	smul.u32 $0x18000, s10;
	[dreg:$0x5] =	wrdreg s0  }
0xd: {  	s7 =	ssub.s32 s21, s8;
	s0 =	sshrl.u32 s25, $0x3;
	[dreg:$0x7] =	wrdreg s26  }
0xe: {  	s5 =	sadd.s32 s5, s3;
	s0 =	sadd.s32 s2, s0;
	[dreg:$0x9] =	wrdreg s29  }
0xf: {  	s8 =	sor.u32 s23, s11;
	s30 =	smax.u32 s7, $0x1;
	[dreg:$0x6] =	wrdreg s0  }
0x10: {  	s28 =	sshrl.u32 s8, $0x3;
	s31 =	sshrl.u32 s5, $0x3;
	[dreg:$0xa] =	wrdreg s30  }
0x11: {  	s12 =	smul.u32 $0x30, s12;
	s0 =	sadd.s32 s2, s28;
	[dreg:$0xb] =	wrdreg s31  }
0x12: {  	s6 =	sadd.s32 $0x9400, s6;
	[dreg:$0x8] =	wrdreg s0;
	s0 =	simm.s32 $0x0  }
.LBB2_1:
0x13: {  	[dreg:$0xc] =	wrdreg s0  }
0x14: {  	s24 =	rddreg [dreg:$0x3]  }
0x15: {  	s25 =	rddreg [dreg:$0x4]  }
0x16: {  	s26 =	rddreg [dreg:$0xb]  }
0x17: {  	[spmem:s26], [sflag:s25] =	dma.local [hbm:s24], $0x3A30  }
0x18: {  	s9 =	simm.s32 $0x1D180;
	s24 =	rddreg [dreg:$0x5]  }
0x19: {  	[tilespmem:s9], [sflag:$0x2] =	stream.linear.gather [hbm4b:s24+s4], $0x400, $0x38;
	[tilespmem:$0x1F180] =	vst v63  }
0x1a: {  	_ =	swait.ge [sflag:s17], $0x400  }
0x1b: {  	[sflag:s17] =	ssyncset.done $0x0  }
0x1c: {  	s11 =	simm.s32 $0x1D580;
	s10 =	rddreg [dreg:$0x6];
	[sflag:s17] =	ssyncadd.s32 $0xFFFFFC00  }
0x1d: {  	[tilespmem:s11], [sflag:$0x2] =	stream.linear.gather [hbm4b:s10+s4], $0x400, $0x38;
	[tilespmem:$0x1F180] =	vst v63  }
0x1e: {  	_ =	swait.ge [sflag:s17], $0x400  }
0x1f: {  	[sflag:s17] =	ssyncset.done $0x0  }
0x20: {  	[sflag:s17] =	ssyncadd.s32 $0xFFFFFC00  }
0x21: {  	_ =	swait.ge [sflag:s19], $0x3A30  }
0x22: {  	[sflag:s19] =	ssyncset.done $0x0  }
0x23: {  	[sflag:s19] =	ssyncadd.s32 $0xFFFFC5D0  }
0x24: {  	[bflag:$0x0] =	sbarrier.arrive $0xFFFF  }
0x25: {  	[spmem:s3] =	stream.indirect.scatter.add.f32 [tilespmem:s11], [sflag:$0x2], $0x1, s9, s20, $0xb8;
	[tilespmem:$0x1F180] =	vst v63  }
0x26: {  	_ =	swait.ge [sflag:s17], $0x80  }
0x27: {  	[sflag:s17] =	ssyncset.done $0x0  }
0x28: {  	s13 =	simm.s32 $0x1D200;
	s14 =	simm.s32 $0x1D600;
	[sflag:s17] =	ssyncadd.s32 $0xFFFFFF80  }
0x29: {  	[spmem:s3] =	stream.indirect.scatter.add.f32 [tilespmem:s14], [sflag:$0x2], $0x1, s13, s20, $0xb8;
	[tilespmem:$0x1F180] =	vst v63  }
0x2a: {  	_ =	swait.ge [sflag:s17], $0x80  }
0x2b: {  	[sflag:s17] =	ssyncset.done $0x0  }
0x2c: {  	s15 =	simm.s32 $0x1D280;
	s16 =	simm.s32 $0x1D680;
	[sflag:s17] =	ssyncadd.s32 $0xFFFFFF80  }
0x2d: {  	[spmem:s3] =	stream.indirect.scatter.add.f32 [tilespmem:s16], [sflag:$0x2], $0x1, s15, s20, $0xb8;
	[tilespmem:$0x1F180] =	vst v63  }
0x2e: {  	_ =	swait.ge [sflag:s17], $0x80  }
0x2f: {  	[sflag:s17] =	ssyncset.done $0x0  }
0x30: {  	s18 =	simm.s32 $0x1D300;
	s21 =	simm.s32 $0x1D700;
	[sflag:s17] =	ssyncadd.s32 $0xFFFFFF80  }
0x31: {  	[spmem:s3] =	stream.indirect.scatter.add.f32 [tilespmem:s21], [sflag:$0x2], $0x1, s18, s20, $0xb8;
	[tilespmem:$0x1F180] =	vst v63  }
0x32: {  	_ =	swait.ge [sflag:s17], $0x80  }
0x33: {  	[sflag:s17] =	ssyncset.done $0x0  }
0x34: {  	s22 =	simm.s32 $0x1D380;
	s23 =	simm.s32 $0x1D780;
	[sflag:s17] =	ssyncadd.s32 $0xFFFFFF80  }
0x35: {  	[spmem:s3] =	stream.indirect.scatter.add.f32 [tilespmem:s23], [sflag:$0x2], $0x1, s22, s20, $0xb8;
	[tilespmem:$0x1F180] =	vst v63  }
0x36: {  	_ =	swait.ge [sflag:s17], $0x80  }
0x37: {  	[sflag:s17] =	ssyncset.done $0x0  }
0x38: {  	s25 =	simm.s32 $0x1D400;
	s26 =	simm.s32 $0x1D800;
	[sflag:s17] =	ssyncadd.s32 $0xFFFFFF80  }
0x39: {  	[spmem:s3] =	stream.indirect.scatter.add.f32 [tilespmem:s26], [sflag:$0x2], $0x1, s25, s20, $0xb8;
	[tilespmem:$0x1F180] =	vst v63  }
0x3a: {  	_ =	swait.ge [sflag:s17], $0x80  }
0x3b: {  	[sflag:s17] =	ssyncset.done $0x0  }
0x3c: {  	s28 =	simm.s32 $0x1D480;
	s29 =	simm.s32 $0x1D880;
	[sflag:s17] =	ssyncadd.s32 $0xFFFFFF80  }
0x3d: {  	[spmem:s3] =	stream.indirect.scatter.add.f32 [tilespmem:s29], [sflag:$0x2], $0x1, s28, s20, $0xb8;
	[tilespmem:$0x1F180] =	vst v63  }
0x3e: {  	_ =	swait.ge [sflag:s17], $0x80  }
0x3f: {  	[sflag:s17] =	ssyncset.done $0x0  }
0x40: {  	s30 =	simm.s32 $0x1D500;
	s31 =	simm.s32 $0x1D900;
	[sflag:s17] =	ssyncadd.s32 $0xFFFFFF80  }
0x41: {  	[spmem:s3] =	stream.indirect.scatter.add.f32 [tilespmem:s31], [sflag:$0x2], $0x1, s30, s20, $0xb8;
	[tilespmem:$0x1F180] =	vst v63  }
0x42: {  	_ =	swait.ge [sflag:s17], $0x80  }
0x43: {  	[sflag:s17] =	ssyncset.done $0x0  }
0x44: {  	[sflag:s17] =	ssyncadd.s32 $0xFFFFFF80  }
0x45: {  	p0 =	por $0x1, $0x1;
	s24 =	simm.s32 $0x0;
	[bflag:$0x0] =	sbarrier.arrive $0xFFFF  }
.LBB2_2:
0x46: {  	s24 =	sadd.s32 s12, s24  }
0x47: {  	s9 =	smov.u32 s6;
	s7 =	rddreg [dreg:$0x0];
	s25 =	sshll.u32 s24, $0x4  }
0x48: {  	s6 =	simm.s32 $0x0;
	s21 =	simm.s32 $0x1D980;
	s25 =	sadd.s32 s7, s25  }
0x49: {  	[tilespmem:s21], [sflag:$0x2] =	stream.linear.gather [hbm4b:s25+s6], $0xC00, $0x38;
	[tilespmem:$0x1F180] =	vst v63  }
0x4a: {  	_ =	swait.ge [sflag:s17], $0xC00  }
0x4b: {  	[sflag:s17] =	ssyncset.done $0x0  }
0x4c: {  	s28 =	simm.s32 $0x1E580;
	[sflag:s17] =	ssyncadd.s32 $0xFFFFF400  }
0x4d: {  	[tilespmem:s28], [sflag:$0x1] =	stream.indirect.gather [spmem:s3], $0x1, s21, s20, $0xb8;
	[tilespmem:$0x1F180] =	vst v63  }
0x4e: {  	s8 =	simm.s32 $0x1E600;
	s7 =	simm.s32 $0x1DA00  }
0x4f: {  	[tilespmem:s8], [sflag:$0x1] =	stream.indirect.gather [spmem:s3], $0x1, s7, s20, $0xb8;
	[tilespmem:$0x1F180] =	vst v63  }
0x50: {  	s16 =	simm.s32 $0x1E680;
	s8 =	simm.s32 $0x1DA80  }
0x51: {  	[tilespmem:s16], [sflag:$0x1] =	stream.indirect.gather [spmem:s3], $0x1, s8, s20, $0xb8;
	[tilespmem:$0x1F180] =	vst v63  }
0x52: {  	s18 =	simm.s32 $0x1E700;
	s25 =	simm.s32 $0x1DB00  }
0x53: {  	[tilespmem:s18], [sflag:$0x1] =	stream.indirect.gather [spmem:s3], $0x1, s25, s20, $0xb8;
	[tilespmem:$0x1F180] =	vst v63  }
0x54: {  	s15 =	simm.s32 $0x1E780;
	s28 =	simm.s32 $0x1DB80  }
0x55: {  	[tilespmem:s15], [sflag:$0x1] =	stream.indirect.gather [spmem:s3], $0x1, s28, s20, $0xb8;
	[tilespmem:$0x1F180] =	vst v63  }
0x56: {  	s2 =	simm.s32 $0x1E800;
	s8 =	simm.s32 $0x1DC00  }
0x57: {  	[tilespmem:s2], [sflag:$0x1] =	stream.indirect.gather [spmem:s3], $0x1, s8, s20, $0xb8;
	[tilespmem:$0x1F180] =	vst v63  }
0x58: {  	s11 =	simm.s32 $0x1E880;
	s15 =	simm.s32 $0x1DC80  }
0x59: {  	[tilespmem:s11], [sflag:$0x1] =	stream.indirect.gather [spmem:s3], $0x1, s15, s20, $0xb8;
	[tilespmem:$0x1F180] =	vst v63  }
0x5a: {  	s13 =	simm.s32 $0x1E900;
	s16 =	simm.s32 $0x1DD00  }
0x5b: {  	[tilespmem:s13], [sflag:$0x1] =	stream.indirect.gather [spmem:s3], $0x1, s16, s20, $0xb8;
	[tilespmem:$0x1F180] =	vst v63  }
0x5c: {  	s22 =	simm.s32 $0x1E980;
	s18 =	simm.s32 $0x1DD80  }
0x5d: {  	[tilespmem:s22], [sflag:$0x1] =	stream.indirect.gather [spmem:s3], $0x1, s18, s20, $0xb8;
	[tilespmem:$0x1F180] =	vst v63  }
0x5e: {  	s23 =	simm.s32 $0x1EA00;
	s22 =	simm.s32 $0x1DE00  }
0x5f: {  	[tilespmem:s23], [sflag:$0x1] =	stream.indirect.gather [spmem:s3], $0x1, s22, s20, $0xb8;
	[tilespmem:$0x1F180] =	vst v63  }
0x60: {  	s29 =	simm.s32 $0x1EA80;
	s25 =	simm.s32 $0x1DE80  }
0x61: {  	[tilespmem:s29], [sflag:$0x1] =	stream.indirect.gather [spmem:s3], $0x1, s25, s20, $0xb8;
	[tilespmem:$0x1F180] =	vst v63  }
0x62: {  	s30 =	simm.s32 $0x1EB00;
	s28 =	simm.s32 $0x1DF00  }
0x63: {  	[tilespmem:s30], [sflag:$0x1] =	stream.indirect.gather [spmem:s3], $0x1, s28, s20, $0xb8;
	[tilespmem:$0x1F180] =	vst v63  }
0x64: {  	s31 =	simm.s32 $0x1EB80;
	s29 =	simm.s32 $0x1DF80  }
0x65: {  	[tilespmem:s31], [sflag:$0x1] =	stream.indirect.gather [spmem:s3], $0x1, s29, s20, $0xb8;
	[tilespmem:$0x1F180] =	vst v63  }
0x66: {  	s0 =	simm.s32 $0x1EC00;
	s30 =	simm.s32 $0x1E000  }
0x67: {  	[tilespmem:s0], [sflag:$0x1] =	stream.indirect.gather [spmem:s3], $0x1, s30, s20, $0xb8;
	[tilespmem:$0x1F180] =	vst v63  }
0x68: {  	s1 =	simm.s32 $0x1EC80;
	s7 =	simm.s32 $0x1E080  }
0x69: {  	[tilespmem:s1], [sflag:$0x1] =	stream.indirect.gather [spmem:s3], $0x1, s7, s20, $0xb8;
	[tilespmem:$0x1F180] =	vst v63  }
0x6a: {  	s10 =	simm.s32 $0x1ED00;
	s8 =	simm.s32 $0x1E100  }
0x6b: {  	[tilespmem:s10], [sflag:$0x1] =	stream.indirect.gather [spmem:s3], $0x1, s8, s20, $0xb8;
	[tilespmem:$0x1F180] =	vst v63  }
0x6c: {  	s14 =	smov.u32 s12;
	s12 =	simm.s32 $0x1ED80;
	s11 =	simm.s32 $0x1E180  }
0x6d: {  	[tilespmem:s12], [sflag:$0x1] =	stream.indirect.gather [spmem:s3], $0x1, s11, s20, $0xb8;
	[tilespmem:$0x1F180] =	vst v63  }
0x6e: {  	s26 =	simm.s32 $0x1EE00;
	s13 =	simm.s32 $0x1E200  }
0x6f: {  	[tilespmem:s26], [sflag:$0x1] =	stream.indirect.gather [spmem:s3], $0x1, s13, s20, $0xb8;
	[tilespmem:$0x1F180] =	vst v63  }
0x70: {  	s5 =	simm.s32 $0x1EE80;
	s15 =	simm.s32 $0x1E280  }
0x71: {  	[tilespmem:s5], [sflag:$0x1] =	stream.indirect.gather [spmem:s3], $0x1, s15, s20, $0xb8;
	[tilespmem:$0x1F180] =	vst v63  }
0x72: {  	s4 =	simm.s32 $0x1EF00;
	s16 =	simm.s32 $0x1E300  }
0x73: {  	[tilespmem:s4], [sflag:$0x1] =	stream.indirect.gather [spmem:s3], $0x1, s16, s20, $0xb8;
	[tilespmem:$0x1F180] =	vst v63  }
0x74: {  	s22 =	simm.s32 $0x1EF80;
	s31 =	simm.s32 $0x1E380  }
0x75: {  	[tilespmem:s22], [sflag:$0x1] =	stream.indirect.gather [spmem:s3], $0x1, s31, s20, $0xb8;
	[tilespmem:$0x1F180] =	vst v63  }
0x76: {  	s23 =	simm.s32 $0x1F000;
	s25 =	simm.s32 $0x1E400  }
0x77: {  	[tilespmem:s23], [sflag:$0x1] =	stream.indirect.gather [spmem:s3], $0x1, s25, s20, $0xb8;
	[tilespmem:$0x1F180] =	vst v63  }
0x78: {  	s28 =	simm.s32 $0x1E480;
	s26 =	simm.s32 $0x1F080  }
0x79: {  	[tilespmem:s26], [sflag:$0x1] =	stream.indirect.gather [spmem:s3], $0x1, s28, s20, $0xb8;
	[tilespmem:$0x1F180] =	vst v63  }
0x7a: {  	s29 =	simm.s32 $0x1F100;
	s30 =	simm.s32 $0x1E500  }
0x7b: {  	[tilespmem:s29], [sflag:$0x1] =	stream.indirect.gather [spmem:s3], $0x1, s30, s20, $0xb8;
	[tilespmem:$0x1F180] =	vst v63  }
0x7c: {  	_ =	swait.ge [sflag:s19], $0x80  }
0x7d: {  	[sflag:s19] =	ssyncset.done $0x0  }
0x7e: {  	[sflag:s19] =	ssyncadd.s32 $0xFFFFFF80  }
0x7f: {  	_ =	swait.ge [sflag:s19], $0x80  }
0x80: {  	[sflag:s19] =	ssyncset.done $0x0  }
0x81: {  	[sflag:s19] =	ssyncadd.s32 $0xFFFFFF80  }
0x82: {  	_ =	swait.ge [sflag:s19], $0x80  }
0x83: {  	[sflag:s19] =	ssyncset.done $0x0  }
0x84: {  	[sflag:s19] =	ssyncadd.s32 $0xFFFFFF80  }
0x85: {  	_ =	swait.ge [sflag:s19], $0x80  }
0x86: {  	[sflag:s19] =	ssyncset.done $0x0  }
0x87: {  	[sflag:s19] =	ssyncadd.s32 $0xFFFFFF80  }
0x88: {  	_ =	swait.ge [sflag:s19], $0x80  }
0x89: {  	[sflag:s19] =	ssyncset.done $0x0  }
0x8a: {  	[sflag:s19] =	ssyncadd.s32 $0xFFFFFF80  }
0x8b: {  	_ =	swait.ge [sflag:s19], $0x80  }
0x8c: {  	[sflag:s19] =	ssyncset.done $0x0  }
0x8d: {  	[sflag:s19] =	ssyncadd.s32 $0xFFFFFF80  }
0x8e: {  	_ =	swait.ge [sflag:s19], $0x80  }
0x8f: {  	[sflag:s19] =	ssyncset.done $0x0  }
0x90: {  	[sflag:s19] =	ssyncadd.s32 $0xFFFFFF80  }
0x91: {  	_ =	swait.ge [sflag:s19], $0x80  }
0x92: {  	[sflag:s19] =	ssyncset.done $0x0  }
0x93: {  	[sflag:s19] =	ssyncadd.s32 $0xFFFFFF80  }
0x94: {  	_ =	swait.ge [sflag:s19], $0x80  }
0x95: {  	[sflag:s19] =	ssyncset.done $0x0  }
0x96: {  	[sflag:s19] =	ssyncadd.s32 $0xFFFFFF80  }
0x97: {  	_ =	swait.ge [sflag:s19], $0x80  }
0x98: {  	[sflag:s19] =	ssyncset.done $0x0  }
0x99: {  	[sflag:s19] =	ssyncadd.s32 $0xFFFFFF80  }
0x9a: {  	_ =	swait.ge [sflag:s19], $0x80  }
0x9b: {  	[sflag:s19] =	ssyncset.done $0x0  }
0x9c: {  	[sflag:s19] =	ssyncadd.s32 $0xFFFFFF80  }
0x9d: {  	_ =	swait.ge [sflag:s19], $0x80  }
0x9e: {  	[sflag:s19] =	ssyncset.done $0x0  }
0x9f: {  	[sflag:s19] =	ssyncadd.s32 $0xFFFFFF80  }
0xa0: {  	_ =	swait.ge [sflag:s19], $0x80  }
0xa1: {  	[sflag:s19] =	ssyncset.done $0x0  }
0xa2: {  	[sflag:s19] =	ssyncadd.s32 $0xFFFFFF80  }
0xa3: {  	_ =	swait.ge [sflag:s19], $0x80  }
0xa4: {  	[sflag:s19] =	ssyncset.done $0x0  }
0xa5: {  	[sflag:s19] =	ssyncadd.s32 $0xFFFFFF80  }
0xa6: {  	_ =	swait.ge [sflag:s19], $0x80  }
0xa7: {  	[sflag:s19] =	ssyncset.done $0x0  }
0xa8: {  	[sflag:s19] =	ssyncadd.s32 $0xFFFFFF80  }
0xa9: {  	_ =	swait.ge [sflag:s19], $0x80  }
0xaa: {  	[sflag:s19] =	ssyncset.done $0x0  }
0xab: {  	[sflag:s19] =	ssyncadd.s32 $0xFFFFFF80  }
0xac: {  	_ =	swait.ge [sflag:s19], $0x80  }
0xad: {  	[sflag:s19] =	ssyncset.done $0x0  }
0xae: {  	[sflag:s19] =	ssyncadd.s32 $0xFFFFFF80  }
0xaf: {  	_ =	swait.ge [sflag:s19], $0x80  }
0xb0: {  	[sflag:s19] =	ssyncset.done $0x0  }
0xb1: {  	[sflag:s19] =	ssyncadd.s32 $0xFFFFFF80  }
0xb2: {  	_ =	swait.ge [sflag:s19], $0x80  }
0xb3: {  	[sflag:s19] =	ssyncset.done $0x0  }
0xb4: {  	[sflag:s19] =	ssyncadd.s32 $0xFFFFFF80  }
0xb5: {  	_ =	swait.ge [sflag:s19], $0x80  }
0xb6: {  	[sflag:s19] =	ssyncset.done $0x0  }
0xb7: {  	[sflag:s19] =	ssyncadd.s32 $0xFFFFFF80  }
0xb8: {  	_ =	swait.ge [sflag:s19], $0x80  }
0xb9: {  	[sflag:s19] =	ssyncset.done $0x0  }
0xba: {  	[sflag:s19] =	ssyncadd.s32 $0xFFFFFF80  }
0xbb: {  	_ =	swait.ge [sflag:s19], $0x80  }
0xbc: {  	[sflag:s19] =	ssyncset.done $0x0  }
0xbd: {  	[sflag:s19] =	ssyncadd.s32 $0xFFFFFF80  }
0xbe: {  	_ =	swait.ge [sflag:s19], $0x80  }
0xbf: {  	[sflag:s19] =	ssyncset.done $0x0  }
0xc0: {  	[sflag:s19] =	ssyncadd.s32 $0xFFFFFF80  }
0xc1: {  	_ =	swait.ge [sflag:s19], $0x80  }
0xc2: {  	s24 =	sshll.u32 s24, $0x7;
	s31 =	rddreg [dreg:$0x7]  }
0xc3: {  	p1 =	por p0, p0;
	s21 =	simm.s32 $0x1E580;
	s24 =	sadd.s32 s31, s24  }
0xc4: {  	s18 =	simm.s32 $0x0;
	[sflag:s19] =	ssyncset.done $0x0;
	s24 =	sshrl.u32 s24, $0x3  }
.Ltmp0:
0xc5: {  	[sflag:s19] =	ssyncadd.s32 $0xFFFFFF80;
	s24 =	sadd.s32 s9, s24;
	(pc) =	sbr.rel @p1 .LBB2_2-.Ltmp0, $4  }
0xc6: {  	[hbm4b:s24+s18] =	stream.linear.scatter [tilespmem:s21], [sflag:$0x2], $0xC00, $0x38;
	[tilespmem:$0x1F180] =	vst v63  }
0xc7: {  	_ =	swait.ge [sflag:s17], $0xC00  }
0xc8: {  	p0 =	por $0x0, $0x0;
	s6 =	smov.u32 s9;
	[sflag:s17] =	ssyncset.done $0x0  }
0xc9: {  	s12 =	smov.u32 s14;
	s24 =	simm.s32 $0x18;
	[sflag:s17] =	ssyncadd.s32 $0xFFFFF400  }
0xca: {  	[bflag:$0x0] =	sbarrier.arrive $0xFFFF  }
0xcb: {  	s24 =	rddreg [dreg:$0x3]  }
0xcc: {  	s25 =	rddreg [dreg:$0x4]  }
0xcd: {  	s28 =	rddreg [dreg:$0xb]  }
0xce: {  	[spmem:s28], [sflag:s25] =	dma.local [hbm:s24], $0x3A30  }
0xcf: {  	s0 =	simm.s32 $0x1D180;
	s24 =	simm.s32 $0x0;
	s25 =	rddreg [dreg:$0x5]  }
0xd0: {  	[tilespmem:s0], [sflag:$0x2] =	stream.linear.gather [hbm4b:s25+s24], $0x400, $0x38;
	[tilespmem:$0x1F180] =	vst v63  }
0xd1: {  	_ =	swait.ge [sflag:s17], $0x400  }
0xd2: {  	[sflag:s17] =	ssyncset.done $0x0  }
0xd3: {  	s7 =	simm.s32 $0x1D580;
	s6 =	rddreg [dreg:$0x8];
	[sflag:s17] =	ssyncadd.s32 $0xFFFFFC00  }
0xd4: {  	[tilespmem:s7], [sflag:$0x2] =	stream.linear.gather [hbm4b:s6+s24], $0x400, $0x38;
	[tilespmem:$0x1F180] =	vst v63  }
0xd5: {  	_ =	swait.ge [sflag:s17], $0x400  }
0xd6: {  	[sflag:s17] =	ssyncset.done $0x0  }
0xd7: {  	[sflag:s17] =	ssyncadd.s32 $0xFFFFFC00  }
0xd8: {  	_ =	swait.ge [sflag:s19], $0x3A30  }
0xd9: {  	[sflag:s19] =	ssyncset.done $0x0  }
0xda: {  	[sflag:s19] =	ssyncadd.s32 $0xFFFFC5D0  }
0xdb: {  	[bflag:$0x0] =	sbarrier.arrive $0xFFFF  }
0xdc: {  	[spmem:s3] =	stream.indirect.scatter.add.f32 [tilespmem:s7], [sflag:$0x2], $0x1, s0, s20, $0xb8;
	[tilespmem:$0x1F180] =	vst v63  }
0xdd: {  	_ =	swait.ge [sflag:s17], $0x80  }
0xde: {  	[sflag:s17] =	ssyncset.done $0x0  }
0xdf: {  	s8 =	simm.s32 $0x1D200;
	s10 =	simm.s32 $0x1D600;
	[sflag:s17] =	ssyncadd.s32 $0xFFFFFF80  }
0xe0: {  	[spmem:s3] =	stream.indirect.scatter.add.f32 [tilespmem:s10], [sflag:$0x2], $0x1, s8, s20, $0xb8;
	[tilespmem:$0x1F180] =	vst v63  }
0xe1: {  	_ =	swait.ge [sflag:s17], $0x80  }
0xe2: {  	[sflag:s17] =	ssyncset.done $0x0  }
0xe3: {  	s11 =	simm.s32 $0x1D280;
	s13 =	simm.s32 $0x1D680;
	[sflag:s17] =	ssyncadd.s32 $0xFFFFFF80  }
0xe4: {  	[spmem:s3] =	stream.indirect.scatter.add.f32 [tilespmem:s13], [sflag:$0x2], $0x1, s11, s20, $0xb8;
	[tilespmem:$0x1F180] =	vst v63  }
0xe5: {  	_ =	swait.ge [sflag:s17], $0x80  }
0xe6: {  	[sflag:s17] =	ssyncset.done $0x0  }
0xe7: {  	s15 =	simm.s32 $0x1D300;
	s16 =	simm.s32 $0x1D700;
	[sflag:s17] =	ssyncadd.s32 $0xFFFFFF80  }
0xe8: {  	[spmem:s3] =	stream.indirect.scatter.add.f32 [tilespmem:s16], [sflag:$0x2], $0x1, s15, s20, $0xb8;
	[tilespmem:$0x1F180] =	vst v63  }
0xe9: {  	_ =	swait.ge [sflag:s17], $0x80  }
0xea: {  	[sflag:s17] =	ssyncset.done $0x0  }
0xeb: {  	s18 =	simm.s32 $0x1D380;
	s21 =	simm.s32 $0x1D780;
	[sflag:s17] =	ssyncadd.s32 $0xFFFFFF80  }
0xec: {  	[spmem:s3] =	stream.indirect.scatter.add.f32 [tilespmem:s21], [sflag:$0x2], $0x1, s18, s20, $0xb8;
	[tilespmem:$0x1F180] =	vst v63  }
0xed: {  	_ =	swait.ge [sflag:s17], $0x80  }
0xee: {  	[sflag:s17] =	ssyncset.done $0x0  }
0xef: {  	s22 =	simm.s32 $0x1D400;
	s23 =	simm.s32 $0x1D800;
	[sflag:s17] =	ssyncadd.s32 $0xFFFFFF80  }
0xf0: {  	[spmem:s3] =	stream.indirect.scatter.add.f32 [tilespmem:s23], [sflag:$0x2], $0x1, s22, s20, $0xb8;
	[tilespmem:$0x1F180] =	vst v63  }
0xf1: {  	_ =	swait.ge [sflag:s17], $0x80  }
0xf2: {  	[sflag:s17] =	ssyncset.done $0x0  }
0xf3: {  	s26 =	simm.s32 $0x1D480;
	s29 =	simm.s32 $0x1D880;
	[sflag:s17] =	ssyncadd.s32 $0xFFFFFF80  }
0xf4: {  	[spmem:s3] =	stream.indirect.scatter.add.f32 [tilespmem:s29], [sflag:$0x2], $0x1, s26, s20, $0xb8;
	[tilespmem:$0x1F180] =	vst v63  }
0xf5: {  	_ =	swait.ge [sflag:s17], $0x80  }
0xf6: {  	[sflag:s17] =	ssyncset.done $0x0  }
0xf7: {  	s30 =	simm.s32 $0x1D500;
	s31 =	simm.s32 $0x1D900;
	[sflag:s17] =	ssyncadd.s32 $0xFFFFFF80  }
0xf8: {  	[spmem:s3] =	stream.indirect.scatter.add.f32 [tilespmem:s31], [sflag:$0x2], $0x1, s30, s20, $0xb8;
	[tilespmem:$0x1F180] =	vst v63  }
0xf9: {  	_ =	swait.ge [sflag:s17], $0x80  }
0xfa: {  	[sflag:s17] =	ssyncset.done $0x0  }
0xfb: {  	[sflag:s17] =	ssyncadd.s32 $0xFFFFFF80  }
0xfc: {  	[bflag:$0x0] =	sbarrier.arrive $0xFFFF  }
0xfd: {  	p0 =	por $0x1, $0x1;
	s1 =	rddreg [dreg:$0x9]  }
.LBB2_4:
0xfe: {  	s24 =	sadd.s32 s12, s24  }
0xff: {  	s7 =	rddreg [dreg:$0x0];
	s25 =	sshll.u32 s24, $0x4  }
0x100: {  	s6 =	simm.s32 $0x0;
	s21 =	simm.s32 $0x1D980;
	s25 =	sadd.s32 s7, s25  }
0x101: {  	[tilespmem:s21], [sflag:$0x2] =	stream.linear.gather [hbm4b:s25+s6], $0xC00, $0x38;
	[tilespmem:$0x1F180] =	vst v63  }
0x102: {  	_ =	swait.ge [sflag:s17], $0xC00  }
0x103: {  	[sflag:s17] =	ssyncset.done $0x0  }
0x104: {  	s28 =	simm.s32 $0x1E580;
	[sflag:s17] =	ssyncadd.s32 $0xFFFFF400  }
0x105: {  	[tilespmem:s28], [sflag:$0x1] =	stream.indirect.gather [spmem:s3], $0x1, s21, s20, $0xb8;
	[tilespmem:$0x1F180] =	vst v63  }
0x106: {  	s8 =	simm.s32 $0x1E600;
	s7 =	simm.s32 $0x1DA00  }
0x107: {  	[tilespmem:s8], [sflag:$0x1] =	stream.indirect.gather [spmem:s3], $0x1, s7, s20, $0xb8;
	[tilespmem:$0x1F180] =	vst v63  }
0x108: {  	s16 =	simm.s32 $0x1E680;
	s25 =	simm.s32 $0x1DA80  }
0x109: {  	[tilespmem:s16], [sflag:$0x1] =	stream.indirect.gather [spmem:s3], $0x1, s25, s20, $0xb8;
	[tilespmem:$0x1F180] =	vst v63  }
0x10a: {  	s18 =	simm.s32 $0x1E700;
	s28 =	simm.s32 $0x1DB00  }
0x10b: {  	[tilespmem:s18], [sflag:$0x1] =	stream.indirect.gather [spmem:s3], $0x1, s28, s20, $0xb8;
	[tilespmem:$0x1F180] =	vst v63  }
0x10c: {  	s15 =	simm.s32 $0x1E780;
	s6 =	simm.s32 $0x1DB80  }
0x10d: {  	[tilespmem:s15], [sflag:$0x1] =	stream.indirect.gather [spmem:s3], $0x1, s6, s20, $0xb8;
	[tilespmem:$0x1F180] =	vst v63  }
0x10e: {  	s2 =	simm.s32 $0x1E800;
	s8 =	simm.s32 $0x1DC00  }
0x10f: {  	[tilespmem:s2], [sflag:$0x1] =	stream.indirect.gather [spmem:s3], $0x1, s8, s20, $0xb8;
	[tilespmem:$0x1F180] =	vst v63  }
0x110: {  	s11 =	simm.s32 $0x1E880;
	s15 =	simm.s32 $0x1DC80  }
0x111: {  	[tilespmem:s11], [sflag:$0x1] =	stream.indirect.gather [spmem:s3], $0x1, s15, s20, $0xb8;
	[tilespmem:$0x1F180] =	vst v63  }
0x112: {  	s13 =	simm.s32 $0x1E900;
	s16 =	simm.s32 $0x1DD00  }
0x113: {  	[tilespmem:s13], [sflag:$0x1] =	stream.indirect.gather [spmem:s3], $0x1, s16, s20, $0xb8;
	[tilespmem:$0x1F180] =	vst v63  }
0x114: {  	s22 =	simm.s32 $0x1E980;
	s18 =	simm.s32 $0x1DD80  }
0x115: {  	[tilespmem:s22], [sflag:$0x1] =	stream.indirect.gather [spmem:s3], $0x1, s18, s20, $0xb8;
	[tilespmem:$0x1F180] =	vst v63  }
0x116: {  	s23 =	simm.s32 $0x1EA00;
	s25 =	simm.s32 $0x1DE00  }
0x117: {  	[tilespmem:s23], [sflag:$0x1] =	stream.indirect.gather [spmem:s3], $0x1, s25, s20, $0xb8;
	[tilespmem:$0x1F180] =	vst v63  }
0x118: {  	s29 =	simm.s32 $0x1EA80;
	s28 =	simm.s32 $0x1DE80  }
0x119: {  	[tilespmem:s29], [sflag:$0x1] =	stream.indirect.gather [spmem:s3], $0x1, s28, s20, $0xb8;
	[tilespmem:$0x1F180] =	vst v63  }
0x11a: {  	s30 =	simm.s32 $0x1EB00;
	s29 =	simm.s32 $0x1DF00  }
0x11b: {  	[tilespmem:s30], [sflag:$0x1] =	stream.indirect.gather [spmem:s3], $0x1, s29, s20, $0xb8;
	[tilespmem:$0x1F180] =	vst v63  }
0x11c: {  	s31 =	simm.s32 $0x1EB80;
	s30 =	simm.s32 $0x1DF80  }
0x11d: {  	[tilespmem:s31], [sflag:$0x1] =	stream.indirect.gather [spmem:s3], $0x1, s30, s20, $0xb8;
	[tilespmem:$0x1F180] =	vst v63  }
0x11e: {  	s0 =	simm.s32 $0x1EC00;
	s6 =	simm.s32 $0x1E000  }
0x11f: {  	[tilespmem:s0], [sflag:$0x1] =	stream.indirect.gather [spmem:s3], $0x1, s6, s20, $0xb8;
	[tilespmem:$0x1F180] =	vst v63  }
0x120: {  	s4 =	simm.s32 $0x1EC80;
	s7 =	simm.s32 $0x1E080  }
0x121: {  	[tilespmem:s4], [sflag:$0x1] =	stream.indirect.gather [spmem:s3], $0x1, s7, s20, $0xb8;
	[tilespmem:$0x1F180] =	vst v63  }
0x122: {  	s10 =	simm.s32 $0x1ED00;
	s8 =	simm.s32 $0x1E100  }
0x123: {  	[tilespmem:s10], [sflag:$0x1] =	stream.indirect.gather [spmem:s3], $0x1, s8, s20, $0xb8;
	[tilespmem:$0x1F180] =	vst v63  }
0x124: {  	s12 =	simm.s32 $0x1ED80;
	s11 =	simm.s32 $0x1E180  }
0x125: {  	[tilespmem:s12], [sflag:$0x1] =	stream.indirect.gather [spmem:s3], $0x1, s11, s20, $0xb8;
	[tilespmem:$0x1F180] =	vst v63  }
0x126: {  	s26 =	simm.s32 $0x1EE00;
	s13 =	simm.s32 $0x1E200  }
0x127: {  	[tilespmem:s26], [sflag:$0x1] =	stream.indirect.gather [spmem:s3], $0x1, s13, s20, $0xb8;
	[tilespmem:$0x1F180] =	vst v63  }
0x128: {  	s5 =	simm.s32 $0x1EE80;
	s15 =	simm.s32 $0x1E280  }
0x129: {  	[tilespmem:s5], [sflag:$0x1] =	stream.indirect.gather [spmem:s3], $0x1, s15, s20, $0xb8;
	[tilespmem:$0x1F180] =	vst v63  }
0x12a: {  	s16 =	simm.s32 $0x1E300;
	s18 =	simm.s32 $0x1EF00  }
0x12b: {  	[tilespmem:s18], [sflag:$0x1] =	stream.indirect.gather [spmem:s3], $0x1, s16, s20, $0xb8;
	[tilespmem:$0x1F180] =	vst v63  }
0x12c: {  	s22 =	simm.s32 $0x1EF80;
	s23 =	simm.s32 $0x1E380  }
0x12d: {  	[tilespmem:s22], [sflag:$0x1] =	stream.indirect.gather [spmem:s3], $0x1, s23, s20, $0xb8;
	[tilespmem:$0x1F180] =	vst v63  }
0x12e: {  	s25 =	simm.s32 $0x1F000;
	s26 =	simm.s32 $0x1E400  }
0x12f: {  	[tilespmem:s25], [sflag:$0x1] =	stream.indirect.gather [spmem:s3], $0x1, s26, s20, $0xb8;
	[tilespmem:$0x1F180] =	vst v63  }
0x130: {  	s28 =	simm.s32 $0x1F080;
	s29 =	simm.s32 $0x1E480  }
0x131: {  	[tilespmem:s28], [sflag:$0x1] =	stream.indirect.gather [spmem:s3], $0x1, s29, s20, $0xb8;
	[tilespmem:$0x1F180] =	vst v63  }
0x132: {  	s30 =	simm.s32 $0x1F100;
	s31 =	simm.s32 $0x1E500  }
0x133: {  	[tilespmem:s30], [sflag:$0x1] =	stream.indirect.gather [spmem:s3], $0x1, s31, s20, $0xb8;
	[tilespmem:$0x1F180] =	vst v63  }
0x134: {  	_ =	swait.ge [sflag:s19], $0x80  }
0x135: {  	[sflag:s19] =	ssyncset.done $0x0  }
0x136: {  	[sflag:s19] =	ssyncadd.s32 $0xFFFFFF80  }
0x137: {  	_ =	swait.ge [sflag:s19], $0x80  }
0x138: {  	[sflag:s19] =	ssyncset.done $0x0  }
0x139: {  	[sflag:s19] =	ssyncadd.s32 $0xFFFFFF80  }
0x13a: {  	_ =	swait.ge [sflag:s19], $0x80  }
0x13b: {  	[sflag:s19] =	ssyncset.done $0x0  }
0x13c: {  	[sflag:s19] =	ssyncadd.s32 $0xFFFFFF80  }
0x13d: {  	_ =	swait.ge [sflag:s19], $0x80  }
0x13e: {  	[sflag:s19] =	ssyncset.done $0x0  }
0x13f: {  	[sflag:s19] =	ssyncadd.s32 $0xFFFFFF80  }
0x140: {  	_ =	swait.ge [sflag:s19], $0x80  }
0x141: {  	[sflag:s19] =	ssyncset.done $0x0  }
0x142: {  	[sflag:s19] =	ssyncadd.s32 $0xFFFFFF80  }
0x143: {  	_ =	swait.ge [sflag:s19], $0x80  }
0x144: {  	[sflag:s19] =	ssyncset.done $0x0  }
0x145: {  	[sflag:s19] =	ssyncadd.s32 $0xFFFFFF80  }
0x146: {  	_ =	swait.ge [sflag:s19], $0x80  }
0x147: {  	[sflag:s19] =	ssyncset.done $0x0  }
0x148: {  	[sflag:s19] =	ssyncadd.s32 $0xFFFFFF80  }
0x149: {  	_ =	swait.ge [sflag:s19], $0x80  }
0x14a: {  	[sflag:s19] =	ssyncset.done $0x0  }
0x14b: {  	[sflag:s19] =	ssyncadd.s32 $0xFFFFFF80  }
0x14c: {  	_ =	swait.ge [sflag:s19], $0x80  }
0x14d: {  	[sflag:s19] =	ssyncset.done $0x0  }
0x14e: {  	[sflag:s19] =	ssyncadd.s32 $0xFFFFFF80  }
0x14f: {  	_ =	swait.ge [sflag:s19], $0x80  }
0x150: {  	[sflag:s19] =	ssyncset.done $0x0  }
0x151: {  	[sflag:s19] =	ssyncadd.s32 $0xFFFFFF80  }
0x152: {  	_ =	swait.ge [sflag:s19], $0x80  }
0x153: {  	[sflag:s19] =	ssyncset.done $0x0  }
0x154: {  	[sflag:s19] =	ssyncadd.s32 $0xFFFFFF80  }
0x155: {  	_ =	swait.ge [sflag:s19], $0x80  }
0x156: {  	[sflag:s19] =	ssyncset.done $0x0  }
0x157: {  	[sflag:s19] =	ssyncadd.s32 $0xFFFFFF80  }
0x158: {  	_ =	swait.ge [sflag:s19], $0x80  }
0x159: {  	[sflag:s19] =	ssyncset.done $0x0  }
0x15a: {  	[sflag:s19] =	ssyncadd.s32 $0xFFFFFF80  }
0x15b: {  	_ =	swait.ge [sflag:s19], $0x80  }
0x15c: {  	[sflag:s19] =	ssyncset.done $0x0  }
0x15d: {  	[sflag:s19] =	ssyncadd.s32 $0xFFFFFF80  }
0x15e: {  	_ =	swait.ge [sflag:s19], $0x80  }
0x15f: {  	[sflag:s19] =	ssyncset.done $0x0  }
0x160: {  	[sflag:s19] =	ssyncadd.s32 $0xFFFFFF80  }
0x161: {  	_ =	swait.ge [sflag:s19], $0x80  }
0x162: {  	[sflag:s19] =	ssyncset.done $0x0  }
0x163: {  	[sflag:s19] =	ssyncadd.s32 $0xFFFFFF80  }
0x164: {  	_ =	swait.ge [sflag:s19], $0x80  }
0x165: {  	[sflag:s19] =	ssyncset.done $0x0  }
0x166: {  	[sflag:s19] =	ssyncadd.s32 $0xFFFFFF80  }
0x167: {  	_ =	swait.ge [sflag:s19], $0x80  }
0x168: {  	[sflag:s19] =	ssyncset.done $0x0  }
0x169: {  	[sflag:s19] =	ssyncadd.s32 $0xFFFFFF80  }
0x16a: {  	_ =	swait.ge [sflag:s19], $0x80  }
0x16b: {  	[sflag:s19] =	ssyncset.done $0x0  }
0x16c: {  	[sflag:s19] =	ssyncadd.s32 $0xFFFFFF80  }
0x16d: {  	_ =	swait.ge [sflag:s19], $0x80  }
0x16e: {  	[sflag:s19] =	ssyncset.done $0x0  }
0x16f: {  	[sflag:s19] =	ssyncadd.s32 $0xFFFFFF80  }
0x170: {  	_ =	swait.ge [sflag:s19], $0x80  }
0x171: {  	[sflag:s19] =	ssyncset.done $0x0  }
0x172: {  	[sflag:s19] =	ssyncadd.s32 $0xFFFFFF80  }
0x173: {  	_ =	swait.ge [sflag:s19], $0x80  }
0x174: {  	[sflag:s19] =	ssyncset.done $0x0  }
0x175: {  	[sflag:s19] =	ssyncadd.s32 $0xFFFFFF80  }
0x176: {  	_ =	swait.ge [sflag:s19], $0x80  }
0x177: {  	s24 =	sshll.u32 s24, $0x7;
	[sflag:s19] =	ssyncset.done $0x0  }
0x178: {  	s24 =	sadd.s32 s1, s24;
	[sflag:s19] =	ssyncadd.s32 $0xFFFFFF80  }
0x179: {  	p1 =	por p0, p0;
	s24 =	sshrl.u32 s24, $0x3;
	_ =	swait.ge [sflag:s19], $0x80  }
0x17a: {  	s24 =	sadd.s32 s9, s24;
	s21 =	simm.s32 $0x1E580;
	[sflag:s19] =	ssyncset.done $0x0  }
.Ltmp1:
0x17b: {  	s4 =	simm.s32 $0x0;
	[sflag:s19] =	ssyncadd.s32 $0xFFFFFF80;
	(pc) =	sbr.rel @p1 .LBB2_4-.Ltmp1, $4  }
0x17c: {  	[hbm4b:s24+s4] =	stream.linear.scatter [tilespmem:s21], [sflag:$0x2], $0xC00, $0x38;
	[tilespmem:$0x1F180] =	vst v63  }
0x17d: {  	_ =	swait.ge [sflag:s17], $0xC00  }
0x17e: {  	p0 =	por $0x0, $0x0;
	[sflag:s17] =	ssyncset.done $0x0  }
0x17f: {  	s12 =	smov.u32 s14;
	s24 =	simm.s32 $0x18;
	[sflag:s17] =	ssyncadd.s32 $0xFFFFF400  }
0x180: {  	s0 =	rddreg [dreg:$0xc]  }
0x181: {  	s24 =	rddreg [dreg:$0xa];
	s0 =	sadd.s32 $0x1, s0  }
0x182: {  	p0 =	sne.s32 s0, s24  }
.Ltmp2:
0x183: {  	_ = 	snop;
	(pc) =	sbr.rel @p0 .LBB2_1-.Ltmp2, $3  }
0x184: {  	_ =	sdelay $0x1  }
0x185: {  	[bflag:$0x0] =	sbarrier.arrive $0xFFFF  }
0x186: {  	s6 =	smov.u32 s9  }
0x187: {  	_ =	sfence.sel $0x180000  }
0x188: {  	[bflag:$0x0] =	sbarrier.arrive $0xFFFF  }
0x189: {  	_ =	strace $0x90000047  }
0x18a: {  	s0 =	stileid.u32;
	[bflag:$0x2] =	sbarrier.arrive $0xFFFF  }
0x18b: {  	p0 =	sne.s32 s0, $0x0;
	s0 =	rddreg [dreg:$0x2]  }
0x18c: {  	s0 =	sadd.s32 @!p0 $0x100000, s0  }
0x18d: {  	[sflag:s0] =	ssyncadd.tile.s32 @!p0 $0x1;
	_ =	shalt  }
.Lfunc_end2:
_tile_overlayer_lowered:
.L_overlay_start_2:
0x18e: {  	(tag) =	ssettag $0x2  }
0x18f: {  	s0 =	rddreg [dreg:$0x0];
	s2 =	stileid.u32  }
0x190: {  	s1 =	rddreg [dreg:$0x1];
	p0 =	sne.s32 s2, $0x0  }
0x191: {  	s3 =	rddreg [dreg:$0x2];
	[bflag:$0x3] =	sbarrier.arrive $0xFFFF;
	s2 =	simm.s32 @!p0 $0x1C02  }
0x192: {  	[timem:s3], [sflag:s2] =	dma.local @!p0 [hbm:s0], s1  }
0x193: {  	s0 =	simm.s32 @!p0 $0x2  }
0x194: {  	_ =	swait.ge @!p0 [sflag:s0], s1  }
0x195: {  	s1 =	ssub.s32 @!p0 $0x0, s1;
	[sflag:s0] =	ssyncset.done @!p0 $0x0  }
0x196: {  	[sflag:s0] =	ssyncadd.s32 @!p0 s1  }
0x197: {  	[bflag:$0x3] =	sbarrier.arrive $0xFFFF  }
0x198: {  	_ =	shalt  }

</sc_bundles>
